<compile_context>
chip_gen: v7x
topology: tpu7x:2x2x1
jax: 0.10.2.dev20260603
libtpu: 0.0.44.dev20260713+nightly
codegen_flags: <defaults>
</compile_context>

<pallas_src>
import functools

import jax
import jax.numpy as jnp
from jax import lax
from jax.experimental import pallas as pl
from jax.experimental.pallas import tpu as pltpu
from jax.experimental.pallas import tpu_sc as plsc

_LANES = 16
_TL = 128
_TS = 8


def _weights_body(p_ref, m_ref, w_ref, tpe_ref):
    m = m_ref[...]
    w = jnp.sum(p_ref[...] * m, axis=1, keepdims=True)
    w_ref[...] = jnp.broadcast_to(w, w_ref.shape)
    tpe_ref[...] = jnp.sum(m, axis=0, keepdims=True)


def _make_sc_scale(T, H, NC, NS):
    NW = NC * NS
    RW = T // NW
    CH = 64
    NCH = RW // CH
    HT = H // _TL
    mesh = plsc.VectorSubcoreMesh(core_axis_name="c", subcore_axis_name="s")

    @functools.partial(
        pl.kernel,
        mesh=mesh,
        out_type=jax.ShapeDtypeStruct((T, H), jnp.float32),
        scratch_types=[
            pltpu.VMEM((CH, H), jnp.float32),
            pltpu.VMEM((CH, _TL), jnp.float32),
        ],
        compiler_params=pltpu.CompilerParams(use_tc_tiling_on_sc=True),
    )
    def _sc_scale(hs_hbm, wexp_hbm, out_hbm, buf, wv):
        c = lax.axis_index("c")
        s = lax.axis_index("s")
        wid = s * NC + c
        base = wid * RW
        for k in range(NCH):
            row0 = base + k * CH
            pltpu.sync_copy(hs_hbm.at[pl.ds(row0, CH)], buf)
            pltpu.sync_copy(wexp_hbm.at[pl.ds(row0, CH)], wv)

            def row_body(r, carry):
                w16 = wv[r, pl.ds(0, _LANES)]
                for j in range(H // _LANES):
                    sl = pl.ds(j * _LANES, _LANES)
                    buf[r, sl] = buf[r, sl] * w16
                return carry

            lax.fori_loop(0, CH, row_body, 0)
            pltpu.sync_copy(buf, out_hbm.at[pl.ds(row0, CH)])

    return _sc_scale


def kernel(hidden_states, probs, routing_map):
    hidden_shape = hidden_states.shape
    H = hidden_shape[-1]
    T, E = probs.shape
    hs = hidden_states.reshape(T, H)
    mask = routing_map.astype(jnp.float32)

    wexp, tpe = pl.pallas_call(
        _weights_body,
        out_shape=[
            jax.ShapeDtypeStruct((T, _TL), jnp.float32),
            jax.ShapeDtypeStruct((1, E), jnp.float32),
        ],
    )(probs, mask)

    info = plsc.get_sparse_core_info()
    out = _make_sc_scale(T, H, info.num_cores, info.num_subcores)(hs, wexp)

    tokens_per_expert = tpe.reshape(E).astype(jnp.int32)
    return out.reshape(hidden_shape), tokens_per_expert

# --- scband reference (transcript-rebuilt; emitter-appended) ---
"""Pipeline reference for scband-mo-eall-gather-token-dispatcher-22162031247684 (READ-ONLY COPY).

The authoritative reference and input builder live on the scoring server;
editing this copy changes nothing except your own understanding.
"""

import jax, jax.numpy as jnp
import numpy as np

S, B, H = 8192, 2, 768
E = 8
T = S * B


def setup_inputs(seed: int = 0) -> dict:
    key = jax.random.key(seed)
    k1, k2, k3 = jax.random.split(key, 3)
    hidden_states = jax.random.normal(k1, (S, B, H), dtype=jnp.float32)
    probs = jax.random.uniform(k2, (T, E), dtype=jnp.float32)
    routing_map = jax.random.randint(k3, (T, E), 0, 2).astype(jnp.bool_)
    return {"hidden_states": hidden_states, "probs": probs, "routing_map": routing_map}


def _permute_indices(routing_map):
    # routing_map: [T, E] bool. Expert-major token ids, matching Megatron's
    # permute(): rows grouped by expert. Fixed-shape [E*T] variant: every
    # token id appears once per expert; masked-out rows are neutralized
    # downstream by zero weights from the routing mask.
    rm_t = routing_map.T  # [E, T]
    token_idx = jnp.broadcast_to(jnp.arange(rm_t.shape[1]), rm_t.shape)
    sorted_indices = token_idx.reshape(-1)  # static shape [E*T]
    return sorted_indices


def reference(hidden_states, probs, routing_map):
    hidden_shape = hidden_states.shape
    hs = hidden_states.reshape(-1, hidden_shape[-1])  # [T, H]
    # ep_size == 1, etp_size == 1 -> no all-gather; all experts are local,
    # so local_map / local_probs are the full routing_map / probs.
    local_map = routing_map
    local_probs = probs
    tokens_per_expert = local_map.sum(axis=0).astype(jnp.int32)
    # --- token_permutation: gather tokens into expert-major order ---
    sorted_indices = _permute_indices(local_map)
    permuted_local_hidden_states = hs[sorted_indices]  # [E*T, H]
    # --- (identity expert compute) ---
    # --- token_unpermutation: weight by probs and scatter-add back ---
    permuted_probs = (local_probs.T * local_map.T).reshape(-1)  # expert-major, masked
    weighted = permuted_local_hidden_states * permuted_probs[:, None]
    unpermuted = jnp.zeros(hs.shape, hs.dtype).at[sorted_indices].add(weighted)
    output_total = unpermuted.reshape(hidden_shape)
    return output_total, tokens_per_expert

if __name__ == "__main__":
    import jax
    _d = setup_inputs()
    print(jax.jit(kernel)(*tuple(_d.values())))

</pallas_src>

<mosaic_0001>
#map = affine_map<(d0, d1) -> (0, 0)>
module attributes {stable_mosaic.version = 14 : i64} {
  func.func @_sc_scale(%arg0: i32, %arg1: i32, %arg2: memref<16384x768xf32, #tpu.memory_space<hbm>>, %arg3: memref<16384x128xf32, #tpu.memory_space<hbm>>, %arg4: memref<16384x768xf32, #tpu.memory_space<hbm>>, %arg5: memref<64x768xf32, #tpu.memory_space<vmem>>, %arg6: memref<64x128xf32, #tpu.memory_space<vmem>>) attributes {dimension_semantics = [#tpu.dimension_semantics<core_parallel>, #tpu.dimension_semantics<subcore_parallel>], iteration_bounds = array<i64: 2, 16>, scalar_prefetch = 0 : i64, scratch_operands = 2 : i64, tpu.core_type = #tpu.core_type<sc_vector_subcore>, window_params = [{transform_indices = #map}, {transform_indices = #map}, {transform_indices = #map}]} {
    %mul3A = arith.constant 2 : i32
    %mul3A_0 = arith.muli %arg1, %mul3A : i32
    %add3A = arith.addi %mul3A_0, %arg0 : i32
    %mul3A_1 = arith.constant 512 : i32
    %mul3A_2 = arith.muli %add3A, %mul3A_1 : i32
    %add3A_3 = arith.constant 0 : i32
    %add3A_4 = arith.addi %mul3A_2, %add3A_3 : i32
    "tpu.region"() ({
      %run_scoped3A = tpu.sem_alloc : memref<!tpu.dma_semaphore, #tpu.memory_space<semaphore_mem>>
      %dma_start3A = arith.constant 0 : i32
      %dma_start3A_66 = tpu.memref_slice %arg2[%add3A_4, %dma_start3A] : memref<16384x768xf32, #tpu.memory_space<hbm>> -> memref<64x768xf32, #tpu.memory_space<hbm>>
      %dma_start3A_67 = arith.constant 0 : i32
      %dma_start3A_68 = tpu.memref_slice %arg2[%add3A_4, %dma_start3A_67] : memref<16384x768xf32, #tpu.memory_space<hbm>> -> memref<64x768xf32, #tpu.memory_space<hbm>>
      tpu.enqueue_dma source(%dma_start3A_68 : memref<64x768xf32, #tpu.memory_space<hbm>>) target(%arg5 : memref<64x768xf32, #tpu.memory_space<vmem>>) target_semaphore(%run_scoped3A : memref<!tpu.dma_semaphore, #tpu.memory_space<semaphore_mem>>)
      %dma_wait3A = arith.constant 0 : i32
      %dma_wait3A_69 = tpu.memref_slice %arg2[%add3A_4, %dma_wait3A] : memref<16384x768xf32, #tpu.memory_space<hbm>> -> memref<64x768xf32, #tpu.memory_space<hbm>>
      %dma_wait3A_70 = arith.constant 0 : i32
      %dma_wait3A_71 = tpu.memref_slice %arg2[%add3A_4, %dma_wait3A_70] : memref<16384x768xf32, #tpu.memory_space<hbm>> -> memref<64x768xf32, #tpu.memory_space<hbm>>
      tpu.wait_dma2 semaphore(%run_scoped3A : memref<!tpu.dma_semaphore, #tpu.memory_space<semaphore_mem>>) src(%dma_wait3A_71 : memref<64x768xf32, #tpu.memory_space<hbm>>) dst(%arg5 : memref<64x768xf32, #tpu.memory_space<vmem>>)
      tpu.yield
    }) : () -> ()
    "tpu.region"() ({
      %run_scoped3A = tpu.sem_alloc : memref<!tpu.dma_semaphore, #tpu.memory_space<semaphore_mem>>
      %dma_start3A = arith.constant 0 : i32
      %dma_start3A_66 = tpu.memref_slice %arg3[%add3A_4, %dma_start3A] : memref<16384x128xf32, #tpu.memory_space<hbm>> -> memref<64x128xf32, #tpu.memory_space<hbm>>
      %dma_start3A_67 = arith.constant 0 : i32
      %dma_start3A_68 = tpu.memref_slice %arg3[%add3A_4, %dma_start3A_67] : memref<16384x128xf32, #tpu.memory_space<hbm>> -> memref<64x128xf32, #tpu.memory_space<hbm>>
      tpu.enqueue_dma source(%dma_start3A_68 : memref<64x128xf32, #tpu.memory_space<hbm>>) target(%arg6 : memref<64x128xf32, #tpu.memory_space<vmem>>) target_semaphore(%run_scoped3A : memref<!tpu.dma_semaphore, #tpu.memory_space<semaphore_mem>>)
      %dma_wait3A = arith.constant 0 : i32
      %dma_wait3A_69 = tpu.memref_slice %arg3[%add3A_4, %dma_wait3A] : memref<16384x128xf32, #tpu.memory_space<hbm>> -> memref<64x128xf32, #tpu.memory_space<hbm>>
      %dma_wait3A_70 = arith.constant 0 : i32
      %dma_wait3A_71 = tpu.memref_slice %arg3[%add3A_4, %dma_wait3A_70] : memref<16384x128xf32, #tpu.memory_space<hbm>> -> memref<64x128xf32, #tpu.memory_space<hbm>>
      tpu.wait_dma2 semaphore(%run_scoped3A : memref<!tpu.dma_semaphore, #tpu.memory_space<semaphore_mem>>) src(%dma_wait3A_71 : memref<64x128xf32, #tpu.memory_space<hbm>>) dst(%arg6 : memref<64x128xf32, #tpu.memory_space<vmem>>)
      tpu.yield
    }) : () -> ()
    %scan3A = arith.constant 0 : i32
    %scan3A_5 = arith.constant 0 : i32
    %scan3A_6 = arith.constant 64 : i32
    %scan3A_7 = arith.addi %scan3A_5, %scan3A_6 : i32
    %scan3A_8 = arith.constant 1 : i32
    scf.for %scan3A_66 = %scan3A_5 to %scan3A_7 step %scan3A_8  : i32 {
      %get3A = arith.index_cast %scan3A_66 : i32 to index
      %get3A_67 = arith.constant 0 : index
      %get3A_68 = tpu.vector_load %arg6[%get3A, %get3A_67] {strides = array<i32>} : memref<64x128xf32, #tpu.memory_space<vmem>>, vector<1x16xf32>,
      %get3A_69 = vector.shape_cast %get3A_68 : vector<1x16xf32> to vector<16xf32>
      %get3A_70 = arith.index_cast %scan3A_66 : i32 to index
      %get3A_71 = arith.constant 0 : index
      %get3A_72 = tpu.vector_load %arg5[%get3A_70, %get3A_71] {strides = array<i32>} : memref<64x768xf32, #tpu.memory_space<vmem>>, vector<1x16xf32>,
      %get3A_73 = vector.shape_cast %get3A_72 : vector<1x16xf32> to vector<16xf32>
      %mul3A_74 = arith.mulf %get3A_73, %get3A_69 : vector<16xf32>
      %swap3A = arith.index_cast %scan3A_66 : i32 to index
      %swap3A_75 = arith.constant 0 : index
      %swap3A_76 = tpu.vector_load %arg5[%swap3A, %swap3A_75] {strides = array<i32>} : memref<64x768xf32, #tpu.memory_space<vmem>>, vector<1x16xf32>,
      %swap3A_77 = vector.shape_cast %swap3A_76 : vector<1x16xf32> to vector<16xf32>
      %swap3A_78 = vector.shape_cast %mul3A_74 : vector<16xf32> to vector<1x16xf32>
      tpu.vector_store %arg5[%swap3A, %swap3A_75], %swap3A_78 {strides = array<i32>} : memref<64x768xf32, #tpu.memory_space<vmem>>, vector<1x16xf32>,
      %get3A_79 = arith.index_cast %scan3A_66 : i32 to index
      %get3A_80 = arith.constant 16 : index
      %get3A_81 = tpu.vector_load %arg5[%get3A_79, %get3A_80] {strides = array<i32>} : memref<64x768xf32, #tpu.memory_space<vmem>>, vector<1x16xf32>,
      %get3A_82 = vector.shape_cast %get3A_81 : vector<1x16xf32> to vector<16xf32>
      %mul3A_83 = arith.mulf %get3A_82, %get3A_69 : vector<16xf32>
      %swap3A_84 = arith.index_cast %scan3A_66 : i32 to index
      %swap3A_85 = arith.constant 16 : index
      %swap3A_86 = tpu.vector_load %arg5[%swap3A_84, %swap3A_85] {strides = array<i32>} : memref<64x768xf32, #tpu.memory_space<vmem>>, vector<1x16xf32>,
      %swap3A_87 = vector.shape_cast %swap3A_86 : vector<1x16xf32> to vector<16xf32>
      %swap3A_88 = vector.shape_cast %mul3A_83 : vector<16xf32> to vector<1x16xf32>
      tpu.vector_store %arg5[%swap3A_84, %swap3A_85], %swap3A_88 {strides = array<i32>} : memref<64x768xf32, #tpu.memory_space<vmem>>, vector<1x16xf32>,
      %get3A_89 = arith.index_cast %scan3A_66 : i32 to index
      %get3A_90 = arith.constant 32 : index
      %get3A_91 = tpu.vector_load %arg5[%get3A_89, %get3A_90] {strides = array<i32>} : memref<64x768xf32, #tpu.memory_space<vmem>>, vector<1x16xf32>,
      %get3A_92 = vector.shape_cast %get3A_91 : vector<1x16xf32> to vector<16xf32>
      %mul3A_93 = arith.mulf %get3A_92, %get3A_69 : vector<16xf32>
      %swap3A_94 = arith.index_cast %scan3A_66 : i32 to index
      %swap3A_95 = arith.constant 32 : index
      %swap3A_96 = tpu.vector_load %arg5[%swap3A_94, %swap3A_95] {strides = array<i32>} : memref<64x768xf32, #tpu.memory_space<vmem>>, vector<1x16xf32>,
      %swap3A_97 = vector.shape_cast %swap3A_96 : vector<1x16xf32> to vector<16xf32>
      %swap3A_98 = vector.shape_cast %mul3A_93 : vector<16xf32> to vector<1x16xf32>
      tpu.vector_store %arg5[%swap3A_94, %swap3A_95], %swap3A_98 {strides = array<i32>} : memref<64x768xf32, #tpu.memory_space<vmem>>, vector<1x16xf32>,
      %get3A_99 = arith.index_cast %scan3A_66 : i32 to index
      %get3A_100 = arith.constant 48 : index
      %get3A_101 = tpu.vector_load %arg5[%get3A_99, %get3A_100] {strides = array<i32>} : memref<64x768xf32, #tpu.memory_space<vmem>>, vector<1x16xf32>,
      %get3A_102 = vector.shape_cast %get3A_101 : vector<1x16xf32> to vector<16xf32>
      %mul3A_103 = arith.mulf %get3A_102, %get3A_69 : vector<16xf32>
      %swap3A_104 = arith.index_cast %scan3A_66 : i32 to index
      %swap3A_105 = arith.constant 48 : index
      %swap3A_106 = tpu.vector_load %arg5[%swap3A_104, %swap3A_105] {strides = array<i32>} : memref<64x768xf32, #tpu.memory_space<vmem>>, vector<1x16xf32>,
      %swap3A_107 = vector.shape_cast %swap3A_106 : vector<1x16xf32> to vector<16xf32>
      %swap3A_108 = vector.shape_cast %mul3A_103 : vector<16xf32> to vector<1x16xf32>
      tpu.vector_store %arg5[%swap3A_104, %swap3A_105], %swap3A_108 {strides = array<i32>} : memref<64x768xf32, #tpu.memory_space<vmem>>, vector<1x16xf32>,
      %get3A_109 = arith.index_cast %scan3A_66 : i32 to index
      %get3A_110 = arith.constant 64 : index
      %get3A_111 = tpu.vector_load %arg5[%get3A_109, %get3A_110] {strides = array<i32>} : memref<64x768xf32, #tpu.memory_space<vmem>>, vector<1x16xf32>,
      %get3A_112 = vector.shape_cast %get3A_111 : vector<1x16xf32> to vector<16xf32>
      %mul3A_113 = arith.mulf %get3A_112, %get3A_69 : vector<16xf32>
      %swap3A_114 = arith.index_cast %scan3A_66 : i32 to index
      %swap3A_115 = arith.constant 64 : index
      %swap3A_116 = tpu.vector_load %arg5[%swap3A_114, %swap3A_115] {strides = array<i32>} : memref<64x768xf32, #tpu.memory_space<vmem>>, vector<1x16xf32>,
      %swap3A_117 = vector.shape_cast %swap3A_116 : vector<1x16xf32> to vector<16xf32>
      %swap3A_118 = vector.shape_cast %mul3A_113 : vector<16xf32> to vector<1x16xf32>
      tpu.vector_store %arg5[%swap3A_114, %swap3A_115], %swap3A_118 {strides = array<i32>} : memref<64x768xf32, #tpu.memory_space<vmem>>, vector<1x16xf32>,
      %get3A_119 = arith.index_cast %scan3A_66 : i32 to index
      %get3A_120 = arith.constant 80 : index
      %get3A_121 = tpu.vector_load %arg5[%get3A_119, %get3A_120] {strides = array<i32>} : memref<64x768xf32, #tpu.memory_space<vmem>>, vector<1x16xf32>,
      %get3A_122 = vector.shape_cast %get3A_121 : vector<1x16xf32> to vector<16xf32>
      %mul3A_123 = arith.mulf %get3A_122, %get3A_69 : vector<16xf32>
      %swap3A_124 = arith.index_cast %scan3A_66 : i32 to index
      %swap3A_125 = arith.constant 80 : index
      %swap3A_126 = tpu.vector_load %arg5[%swap3A_124, %swap3A_125] {strides = array<i32>} : memref<64x768xf32, #tpu.memory_space<vmem>>, vector<1x16xf32>,
      %swap3A_127 = vector.shape_cast %swap3A_126 : vector<1x16xf32> to vector<16xf32>
      %swap3A_128 = vector.shape_cast %mul3A_123 : vector<16xf32> to vector<1x16xf32>
      tpu.vector_store %arg5[%swap3A_124, %swap3A_125], %swap3A_128 {strides = array<i32>} : memref<64x768xf32, #tpu.memory_space<vmem>>, vector<1x16xf32>,
      %get3A_129 = arith.index_cast %scan3A_66 : i32 to index
      %get3A_130 = arith.constant 96 : index
      %get3A_131 = tpu.vector_load %arg5[%get3A_129, %get3A_130] {strides = array<i32>} : memref<64x768xf32, #tpu.memory_space<vmem>>, vector<1x16xf32>,
      %get3A_132 = vector.shape_cast %get3A_131 : vector<1x16xf32> to vector<16xf32>
      %mul3A_133 = arith.mulf %get3A_132, %get3A_69 : vector<16xf32>
      %swap3A_134 = arith.index_cast %scan3A_66 : i32 to index
      %swap3A_135 = arith.constant 96 : index
      %swap3A_136 = tpu.vector_load %arg5[%swap3A_134, %swap3A_135] {strides = array<i32>} : memref<64x768xf32, #tpu.memory_space<vmem>>, vector<1x16xf32>,
      %swap3A_137 = vector.shape_cast %swap3A_136 : vector<1x16xf32> to vector<16xf32>
      %swap3A_138 = vector.shape_cast %mul3A_133 : vector<16xf32> to vector<1x16xf32>
      tpu.vector_store %arg5[%swap3A_134, %swap3A_135], %swap3A_138 {strides = array<i32>} : memref<64x768xf32, #tpu.memory_space<vmem>>, vector<1x16xf32>,
      %get3A_139 = arith.index_cast %scan3A_66 : i32 to index
      %get3A_140 = arith.constant 112 : index
      %get3A_141 = tpu.vector_load %arg5[%get3A_139, %get3A_140] {strides = array<i32>} : memref<64x768xf32, #tpu.memory_space<vmem>>, vector<1x16xf32>,
      %get3A_142 = vector.shape_cast %get3A_141 : vector<1x16xf32> to vector<16xf32>
      %mul3A_143 = arith.mulf %get3A_142, %get3A_69 : vector<16xf32>
      %swap3A_144 = arith.index_cast %scan3A_66 : i32 to index
      %swap3A_145 = arith.constant 112 : index
      %swap3A_146 = tpu.vector_load %arg5[%swap3A_144, %swap3A_145] {strides = array<i32>} : memref<64x768xf32, #tpu.memory_space<vmem>>, vector<1x16xf32>,
      %swap3A_147 = vector.shape_cast %swap3A_146 : vector<1x16xf32> to vector<16xf32>
      %swap3A_148 = vector.shape_cast %mul3A_143 : vector<16xf32> to vector<1x16xf32>
      tpu.vector_store %arg5[%swap3A_144, %swap3A_145], %swap3A_148 {strides = array<i32>} : memref<64x768xf32, #tpu.memory_space<vmem>>, vector<1x16xf32>,
      %get3A_149 = arith.index_cast %scan3A_66 : i32 to index
      %get3A_150 = arith.constant 128 : index
      %get3A_151 = tpu.vector_load %arg5[%get3A_149, %get3A_150] {strides = array<i32>} : memref<64x768xf32, #tpu.memory_space<vmem>>, vector<1x16xf32>,
      %get3A_152 = vector.shape_cast %get3A_151 : vector<1x16xf32> to vector<16xf32>
      %mul3A_153 = arith.mulf %get3A_152, %get3A_69 : vector<16xf32>
      %swap3A_154 = arith.index_cast %scan3A_66 : i32 to index
      %swap3A_155 = arith.constant 128 : index
      %swap3A_156 = tpu.vector_load %arg5[%swap3A_154, %swap3A_155] {strides = array<i32>} : memref<64x768xf32, #tpu.memory_space<vmem>>, vector<1x16xf32>,
      %swap3A_157 = vector.shape_cast %swap3A_156 : vector<1x16xf32> to vector<16xf32>
      %swap3A_158 = vector.shape_cast %mul3A_153 : vector<16xf32> to vector<1x16xf32>
      tpu.vector_store %arg5[%swap3A_154, %swap3A_155], %swap3A_158 {strides = array<i32>} : memref<64x768xf32, #tpu.memory_space<vmem>>, vector<1x16xf32>,
      %get3A_159 = arith.index_cast %scan3A_66 : i32 to index
      %get3A_160 = arith.constant 144 : index
      %get3A_161 = tpu.vector_load %arg5[%get3A_159, %get3A_160] {strides = array<i32>} : memref<64x768xf32, #tpu.memory_space<vmem>>, vector<1x16xf32>,
      %get3A_162 = vector.shape_cast %get3A_161 : vector<1x16xf32> to vector<16xf32>
      %mul3A_163 = arith.mulf %get3A_162, %get3A_69 : vector<16xf32>
      %swap3A_164 = arith.index_cast %scan3A_66 : i32 to index
      %swap3A_165 = arith.constant 144 : index
      %swap3A_166 = tpu.vector_load %arg5[%swap3A_164, %swap3A_165] {strides = array<i32>} : memref<64x768xf32, #tpu.memory_space<vmem>>, vector<1x16xf32>,
      %swap3A_167 = vector.shape_cast %swap3A_166 : vector<1x16xf32> to vector<16xf32>
      %swap3A_168 = vector.shape_cast %mul3A_163 : vector<16xf32> to vector<1x16xf32>
      tpu.vector_store %arg5[%swap3A_164, %swap3A_165], %swap3A_168 {strides = array<i32>} : memref<64x768xf32, #tpu.memory_space<vmem>>, vector<1x16xf32>,
      %get3A_169 = arith.index_cast %scan3A_66 : i32 to index
      %get3A_170 = arith.constant 160 : index
      %get3A_171 = tpu.vector_load %arg5[%get3A_169, %get3A_170] {strides = array<i32>} : memref<64x768xf32, #tpu.memory_space<vmem>>, vector<1x16xf32>,
      %get3A_172 = vector.shape_cast %get3A_171 : vector<1x16xf32> to vector<16xf32>
      %mul3A_173 = arith.mulf %get3A_172, %get3A_69 : vector<16xf32>
      %swap3A_174 = arith.index_cast %scan3A_66 : i32 to index
      %swap3A_175 = arith.constant 160 : index
      %swap3A_176 = tpu.vector_load %arg5[%swap3A_174, %swap3A_175] {strides = array<i32>} : memref<64x768xf32, #tpu.memory_space<vmem>>, vector<1x16xf32>,
      %swap3A_177 = vector.shape_cast %swap3A_176 : vector<1x16xf32> to vector<16xf32>
      %swap3A_178 = vector.shape_cast %mul3A_173 : vector<16xf32> to vector<1x16xf32>
      tpu.vector_store %arg5[%swap3A_174, %swap3A_175], %swap3A_178 {strides = array<i32>} : memref<64x768xf32, #tpu.memory_space<vmem>>, vector<1x16xf32>,
      %get3A_179 = arith.index_cast %scan3A_66 : i32 to index
      %get3A_180 = arith.constant 176 : index
      %get3A_181 = tpu.vector_load %arg5[%get3A_179, %get3A_180] {strides = array<i32>} : memref<64x768xf32, #tpu.memory_space<vmem>>, vector<1x16xf32>,
      %get3A_182 = vector.shape_cast %get3A_181 : vector<1x16xf32> to vector<16xf32>
      %mul3A_183 = arith.mulf %get3A_182, %get3A_69 : vector<16xf32>
      %swap3A_184 = arith.index_cast %scan3A_66 : i32 to index
      %swap3A_185 = arith.constant 176 : index
      %swap3A_186 = tpu.vector_load %arg5[%swap3A_184, %swap3A_185] {strides = array<i32>} : memref<64x768xf32, #tpu.memory_space<vmem>>, vector<1x16xf32>,
      %swap3A_187 = vector.shape_cast %swap3A_186 : vector<1x16xf32> to vector<16xf32>
      %swap3A_188 = vector.shape_cast %mul3A_183 : vector<16xf32> to vector<1x16xf32>
      tpu.vector_store %arg5[%swap3A_184, %swap3A_185], %swap3A_188 {strides = array<i32>} : memref<64x768xf32, #tpu.memory_space<vmem>>, vector<1x16xf32>,
      %get3A_189 = arith.index_cast %scan3A_66 : i32 to index
      %get3A_190 = arith.constant 192 : index
      %get3A_191 = tpu.vector_load %arg5[%get3A_189, %get3A_190] {strides = array<i32>} : memref<64x768xf32, #tpu.memory_space<vmem>>, vector<1x16xf32>,
      %get3A_192 = vector.shape_cast %get3A_191 : vector<1x16xf32> to vector<16xf32>
      %mul3A_193 = arith.mulf %get3A_192, %get3A_69 : vector<16xf32>
      %swap3A_194 = arith.index_cast %scan3A_66 : i32 to index
      %swap3A_195 = arith.constant 192 : index
      %swap3A_196 = tpu.vector_load %arg5[%swap3A_194, %swap3A_195] {strides = array<i32>} : memref<64x768xf32, #tpu.memory_space<vmem>>, vector<1x16xf32>,
      %swap3A_197 = vector.shape_cast %swap3A_196 : vector<1x16xf32> to vector<16xf32>
      %swap3A_198 = vector.shape_cast %mul3A_193 : vector<16xf32> to vector<1x16xf32>
      tpu.vector_store %arg5[%swap3A_194, %swap3A_195], %swap3A_198 {strides = array<i32>} : memref<64x768xf32, #tpu.memory_space<vmem>>, vector<1x16xf32>,
      %get3A_199 = arith.index_cast %scan3A_66 : i32 to index
      %get3A_200 = arith.constant 208 : index
      %get3A_201 = tpu.vector_load %arg5[%get3A_199, %get3A_200] {strides = array<i32>} : memref<64x768xf32, #tpu.memory_space<vmem>>, vector<1x16xf32>,
      %get3A_202 = vector.shape_cast %get3A_201 : vector<1x16xf32> to vector<16xf32>
      %mul3A_203 = arith.mulf %get3A_202, %get3A_69 : vector<16xf32>
      %swap3A_204 = arith.index_cast %scan3A_66 : i32 to index
      %swap3A_205 = arith.constant 208 : index
      %swap3A_206 = tpu.vector_load %arg5[%swap3A_204, %swap3A_205] {strides = array<i32>} : memref<64x768xf32, #tpu.memory_space<vmem>>, vector<1x16xf32>,
      %swap3A_207 = vector.shape_cast %swap3A_206 : vector<1x16xf32> to vector<16xf32>
      %swap3A_208 = vector.shape_cast %mul3A_203 : vector<16xf32> to vector<1x16xf32>
      tpu.vector_store %arg5[%swap3A_204, %swap3A_205], %swap3A_208 {strides = array<i32>} : memref<64x768xf32, #tpu.memory_space<vmem>>, vector<1x16xf32>,
      %get3A_209 = arith.index_cast %scan3A_66 : i32 to index
      %get3A_210 = arith.constant 224 : index
      %get3A_211 = tpu.vector_load %arg5[%get3A_209, %get3A_210] {strides = array<i32>} : memref<64x768xf32, #tpu.memory_space<vmem>>, vector<1x16xf32>,
      %get3A_212 = vector.shape_cast %get3A_211 : vector<1x16xf32> to vector<16xf32>
      %mul3A_213 = arith.mulf %get3A_212, %get3A_69 : vector<16xf32>
      %swap3A_214 = arith.index_cast %scan3A_66 : i32 to index
      %swap3A_215 = arith.constant 224 : index
      %swap3A_216 = tpu.vector_load %arg5[%swap3A_214, %swap3A_215] {strides = array<i32>} : memref<64x768xf32, #tpu.memory_space<vmem>>, vector<1x16xf32>,
      %swap3A_217 = vector.shape_cast %swap3A_216 : vector<1x16xf32> to vector<16xf32>
      %swap3A_218 = vector.shape_cast %mul3A_213 : vector<16xf32> to vector<1x16xf32>
      tpu.vector_store %arg5[%swap3A_214, %swap3A_215], %swap3A_218 {strides = array<i32>} : memref<64x768xf32, #tpu.memory_space<vmem>>, vector<1x16xf32>,
      %get3A_219 = arith.index_cast %scan3A_66 : i32 to index
      %get3A_220 = arith.constant 240 : index
      %get3A_221 = tpu.vector_load %arg5[%get3A_219, %get3A_220] {strides = array<i32>} : memref<64x768xf32, #tpu.memory_space<vmem>>, vector<1x16xf32>,
      %get3A_222 = vector.shape_cast %get3A_221 : vector<1x16xf32> to vector<16xf32>
      %mul3A_223 = arith.mulf %get3A_222, %get3A_69 : vector<16xf32>
      %swap3A_224 = arith.index_cast %scan3A_66 : i32 to index
      %swap3A_225 = arith.constant 240 : index
      %swap3A_226 = tpu.vector_load %arg5[%swap3A_224, %swap3A_225] {strides = array<i32>} : memref<64x768xf32, #tpu.memory_space<vmem>>, vector<1x16xf32>,
      %swap3A_227 = vector.shape_cast %swap3A_226 : vector<1x16xf32> to vector<16xf32>
      %swap3A_228 = vector.shape_cast %mul3A_223 : vector<16xf32> to vector<1x16xf32>
      tpu.vector_store %arg5[%swap3A_224, %swap3A_225], %swap3A_228 {strides = array<i32>} : memref<64x768xf32, #tpu.memory_space<vmem>>, vector<1x16xf32>,
      %get3A_229 = arith.index_cast %scan3A_66 : i32 to index
      %get3A_230 = arith.constant 256 : index
      %get3A_231 = tpu.vector_load %arg5[%get3A_229, %get3A_230] {strides = array<i32>} : memref<64x768xf32, #tpu.memory_space<vmem>>, vector<1x16xf32>,
      %get3A_232 = vector.shape_cast %get3A_231 : vector<1x16xf32> to vector<16xf32>
      %mul3A_233 = arith.mulf %get3A_232, %get3A_69 : vector<16xf32>
      %swap3A_234 = arith.index_cast %scan3A_66 : i32 to index
      %swap3A_235 = arith.constant 256 : index
      %swap3A_236 = tpu.vector_load %arg5[%swap3A_234, %swap3A_235] {strides = array<i32>} : memref<64x768xf32, #tpu.memory_space<vmem>>, vector<1x16xf32>,
      %swap3A_237 = vector.shape_cast %swap3A_236 : vector<1x16xf32> to vector<16xf32>
      %swap3A_238 = vector.shape_cast %mul3A_233 : vector<16xf32> to vector<1x16xf32>
      tpu.vector_store %arg5[%swap3A_234, %swap3A_235], %swap3A_238 {strides = array<i32>} : memref<64x768xf32, #tpu.memory_space<vmem>>, vector<1x16xf32>,
      %get3A_239 = arith.index_cast %scan3A_66 : i32 to index
      %get3A_240 = arith.constant 272 : index
      %get3A_241 = tpu.vector_load %arg5[%get3A_239, %get3A_240] {strides = array<i32>} : memref<64x768xf32, #tpu.memory_space<vmem>>, vector<1x16xf32>,
      %get3A_242 = vector.shape_cast %get3A_241 : vector<1x16xf32> to vector<16xf32>
      %mul3A_243 = arith.mulf %get3A_242, %get3A_69 : vector<16xf32>
      %swap3A_244 = arith.index_cast %scan3A_66 : i32 to index
      %swap3A_245 = arith.constant 272 : index
      %swap3A_246 = tpu.vector_load %arg5[%swap3A_244, %swap3A_245] {strides = array<i32>} : memref<64x768xf32, #tpu.memory_space<vmem>>, vector<1x16xf32>,
      %swap3A_247 = vector.shape_cast %swap3A_246 : vector<1x16xf32> to vector<16xf32>
      %swap3A_248 = vector.shape_cast %mul3A_243 : vector<16xf32> to vector<1x16xf32>
      tpu.vector_store %arg5[%swap3A_244, %swap3A_245], %swap3A_248 {strides = array<i32>} : memref<64x768xf32, #tpu.memory_space<vmem>>, vector<1x16xf32>,
      %get3A_249 = arith.index_cast %scan3A_66 : i32 to index
      %get3A_250 = arith.constant 288 : index
      %get3A_251 = tpu.vector_load %arg5[%get3A_249, %get3A_250] {strides = array<i32>} : memref<64x768xf32, #tpu.memory_space<vmem>>, vector<1x16xf32>,
      %get3A_252 = vector.shape_cast %get3A_251 : vector<1x16xf32> to vector<16xf32>
      %mul3A_253 = arith.mulf %get3A_252, %get3A_69 : vector<16xf32>
      %swap3A_254 = arith.index_cast %scan3A_66 : i32 to index
      %swap3A_255 = arith.constant 288 : index
      %swap3A_256 = tpu.vector_load %arg5[%swap3A_254, %swap3A_255] {strides = array<i32>} : memref<64x768xf32, #tpu.memory_space<vmem>>, vector<1x16xf32>,
      %swap3A_257 = vector.shape_cast %swap3A_256 : vector<1x16xf32> to vector<16xf32>
      %swap3A_258 = vector.shape_cast %mul3A_253 : vector<16xf32> to vector<1x16xf32>
      tpu.vector_store %arg5[%swap3A_254, %swap3A_255], %swap3A_258 {strides = array<i32>} : memref<64x768xf32, #tpu.memory_space<vmem>>, vector<1x16xf32>,
      %get3A_259 = arith.index_cast %scan3A_66 : i32 to index
      %get3A_260 = arith.constant 304 : index
      %get3A_261 = tpu.vector_load %arg5[%get3A_259, %get3A_260] {strides = array<i32>} : memref<64x768xf32, #tpu.memory_space<vmem>>, vector<1x16xf32>,
      %get3A_262 = vector.shape_cast %get3A_261 : vector<1x16xf32> to vector<16xf32>
      %mul3A_263 = arith.mulf %get3A_262, %get3A_69 : vector<16xf32>
      %swap3A_264 = arith.index_cast %scan3A_66 : i32 to index
      %swap3A_265 = arith.constant 304 : index
      %swap3A_266 = tpu.vector_load %arg5[%swap3A_264, %swap3A_265] {strides = array<i32>} : memref<64x768xf32, #tpu.memory_space<vmem>>, vector<1x16xf32>,
      %swap3A_267 = vector.shape_cast %swap3A_266 : vector<1x16xf32> to vector<16xf32>
      %swap3A_268 = vector.shape_cast %mul3A_263 : vector<16xf32> to vector<1x16xf32>
      tpu.vector_store %arg5[%swap3A_264, %swap3A_265], %swap3A_268 {strides = array<i32>} : memref<64x768xf32, #tpu.memory_space<vmem>>, vector<1x16xf32>,
      %get3A_269 = arith.index_cast %scan3A_66 : i32 to index
      %get3A_270 = arith.constant 320 : index
      %get3A_271 = tpu.vector_load %arg5[%get3A_269, %get3A_270] {strides = array<i32>} : memref<64x768xf32, #tpu.memory_space<vmem>>, vector<1x16xf32>,
      %get3A_272 = vector.shape_cast %get3A_271 : vector<1x16xf32> to vector<16xf32>
      %mul3A_273 = arith.mulf %get3A_272, %get3A_69 : vector<16xf32>
      %swap3A_274 = arith.index_cast %scan3A_66 : i32 to index
      %swap3A_275 = arith.constant 320 : index
      %swap3A_276 = tpu.vector_load %arg5[%swap3A_274, %swap3A_275] {strides = array<i32>} : memref<64x768xf32, #tpu.memory_space<vmem>>, vector<1x16xf32>,
      %swap3A_277 = vector.shape_cast %swap3A_276 : vector<1x16xf32> to vector<16xf32>
      %swap3A_278 = vector.shape_cast %mul3A_273 : vector<16xf32> to vector<1x16xf32>
      tpu.vector_store %arg5[%swap3A_274, %swap3A_275], %swap3A_278 {strides = array<i32>} : memref<64x768xf32, #tpu.memory_space<vmem>>, vector<1x16xf32>,
      %get3A_279 = arith.index_cast %scan3A_66 : i32 to index
      %get3A_280 = arith.constant 336 : index
      %get3A_281 = tpu.vector_load %arg5[%get3A_279, %get3A_280] {strides = array<i32>} : memref<64x768xf32, #tpu.memory_space<vmem>>, vector<1x16xf32>,
      %get3A_282 = vector.shape_cast %get3A_281 : vector<1x16xf32> to vector<16xf32>
      %mul3A_283 = arith.mulf %get3A_282, %get3A_69 : vector<16xf32>
      %swap3A_284 = arith.index_cast %scan3A_66 : i32 to index
      %swap3A_285 = arith.constant 336 : index
      %swap3A_286 = tpu.vector_load %arg5[%swap3A_284, %swap3A_285] {strides = array<i32>} : memref<64x768xf32, #tpu.memory_space<vmem>>, vector<1x16xf32>,
      %swap3A_287 = vector.shape_cast %swap3A_286 : vector<1x16xf32> to vector<16xf32>
      %swap3A_288 = vector.shape_cast %mul3A_283 : vector<16xf32> to vector<1x16xf32>
      tpu.vector_store %arg5[%swap3A_284, %swap3A_285], %swap3A_288 {strides = array<i32>} : memref<64x768xf32, #tpu.memory_space<vmem>>, vector<1x16xf32>,
      %get3A_289 = arith.index_cast %scan3A_66 : i32 to index
      %get3A_290 = arith.constant 352 : index
      %get3A_291 = tpu.vector_load %arg5[%get3A_289, %get3A_290] {strides = array<i32>} : memref<64x768xf32, #tpu.memory_space<vmem>>, vector<1x16xf32>,
      %get3A_292 = vector.shape_cast %get3A_291 : vector<1x16xf32> to vector<16xf32>
      %mul3A_293 = arith.mulf %get3A_292, %get3A_69 : vector<16xf32>
      %swap3A_294 = arith.index_cast %scan3A_66 : i32 to index
      %swap3A_295 = arith.constant 352 : index
      %swap3A_296 = tpu.vector_load %arg5[%swap3A_294, %swap3A_295] {strides = array<i32>} : memref<64x768xf32, #tpu.memory_space<vmem>>, vector<1x16xf32>,
      %swap3A_297 = vector.shape_cast %swap3A_296 : vector<1x16xf32> to vector<16xf32>
      %swap3A_298 = vector.shape_cast %mul3A_293 : vector<16xf32> to vector<1x16xf32>
      tpu.vector_store %arg5[%swap3A_294, %swap3A_295], %swap3A_298 {strides = array<i32>} : memref<64x768xf32, #tpu.memory_space<vmem>>, vector<1x16xf32>,
      %get3A_299 = arith.index_cast %scan3A_66 : i32 to index
      %get3A_300 = arith.constant 368 : index
      %get3A_301 = tpu.vector_load %arg5[%get3A_299, %get3A_300] {strides = array<i32>} : memref<64x768xf32, #tpu.memory_space<vmem>>, vector<1x16xf32>,
      %get3A_302 = vector.shape_cast %get3A_301 : vector<1x16xf32> to vector<16xf32>
      %mul3A_303 = arith.mulf %get3A_302, %get3A_69 : vector<16xf32>
      %swap3A_304 = arith.index_cast %scan3A_66 : i32 to index
      %swap3A_305 = arith.constant 368 : index
      %swap3A_306 = tpu.vector_load %arg5[%swap3A_304, %swap3A_305] {strides = array<i32>} : memref<64x768xf32, #tpu.memory_space<vmem>>, vector<1x16xf32>,
      %swap3A_307 = vector.shape_cast %swap3A_306 : vector<1x16xf32> to vector<16xf32>
      %swap3A_308 = vector.shape_cast %mul3A_303 : vector<16xf32> to vector<1x16xf32>
      tpu.vector_store %arg5[%swap3A_304, %swap3A_305], %swap3A_308 {strides = array<i32>} : memref<64x768xf32, #tpu.memory_space<vmem>>, vector<1x16xf32>,
      %get3A_309 = arith.index_cast %scan3A_66 : i32 to index
      %get3A_310 = arith.constant 384 : index
      %get3A_311 = tpu.vector_load %arg5[%get3A_309, %get3A_310] {strides = array<i32>} : memref<64x768xf32, #tpu.memory_space<vmem>>, vector<1x16xf32>,
      %get3A_312 = vector.shape_cast %get3A_311 : vector<1x16xf32> to vector<16xf32>
      %mul3A_313 = arith.mulf %get3A_312, %get3A_69 : vector<16xf32>
      %swap3A_314 = arith.index_cast %scan3A_66 : i32 to index
      %swap3A_315 = arith.constant 384 : index
      %swap3A_316 = tpu.vector_load %arg5[%swap3A_314, %swap3A_315] {strides = array<i32>} : memref<64x768xf32, #tpu.memory_space<vmem>>, vector<1x16xf32>,
      %swap3A_317 = vector.shape_cast %swap3A_316 : vector<1x16xf32> to vector<16xf32>
      %swap3A_318 = vector.shape_cast %mul3A_313 : vector<16xf32> to vector<1x16xf32>
      tpu.vector_store %arg5[%swap3A_314, %swap3A_315], %swap3A_318 {strides = array<i32>} : memref<64x768xf32, #tpu.memory_space<vmem>>, vector<1x16xf32>,
      %get3A_319 = arith.index_cast %scan3A_66 : i32 to index
      %get3A_320 = arith.constant 400 : index
      %get3A_321 = tpu.vector_load %arg5[%get3A_319, %get3A_320] {strides = array<i32>} : memref<64x768xf32, #tpu.memory_space<vmem>>, vector<1x16xf32>,
      %get3A_322 = vector.shape_cast %get3A_321 : vector<1x16xf32> to vector<16xf32>
      %mul3A_323 = arith.mulf %get3A_322, %get3A_69 : vector<16xf32>
      %swap3A_324 = arith.index_cast %scan3A_66 : i32 to index
      %swap3A_325 = arith.constant 400 : index
      %swap3A_326 = tpu.vector_load %arg5[%swap3A_324, %swap3A_325] {strides = array<i32>} : memref<64x768xf32, #tpu.memory_space<vmem>>, vector<1x16xf32>,
      %swap3A_327 = vector.shape_cast %swap3A_326 : vector<1x16xf32> to vector<16xf32>
      %swap3A_328 = vector.shape_cast %mul3A_323 : vector<16xf32> to vector<1x16xf32>
      tpu.vector_store %arg5[%swap3A_324, %swap3A_325], %swap3A_328 {strides = array<i32>} : memref<64x768xf32, #tpu.memory_space<vmem>>, vector<1x16xf32>,
      %get3A_329 = arith.index_cast %scan3A_66 : i32 to index
      %get3A_330 = arith.constant 416 : index
      %get3A_331 = tpu.vector_load %arg5[%get3A_329, %get3A_330] {strides = array<i32>} : memref<64x768xf32, #tpu.memory_space<vmem>>, vector<1x16xf32>,
      %get3A_332 = vector.shape_cast %get3A_331 : vector<1x16xf32> to vector<16xf32>
      %mul3A_333 = arith.mulf %get3A_332, %get3A_69 : vector<16xf32>
      %swap3A_334 = arith.index_cast %scan3A_66 : i32 to index
      %swap3A_335 = arith.constant 416 : index
      %swap3A_336 = tpu.vector_load %arg5[%swap3A_334, %swap3A_335] {strides = array<i32>} : memref<64x768xf32, #tpu.memory_space<vmem>>, vector<1x16xf32>,
      %swap3A_337 = vector.shape_cast %swap3A_336 : vector<1x16xf32> to vector<16xf32>
      %swap3A_338 = vector.shape_cast %mul3A_333 : vector<16xf32> to vector<1x16xf32>
      tpu.vector_store %arg5[%swap3A_334, %swap3A_335], %swap3A_338 {strides = array<i32>} : memref<64x768xf32, #tpu.memory_space<vmem>>, vector<1x16xf32>,
      %get3A_339 = arith.index_cast %scan3A_66 : i32 to index
      %get3A_340 = arith.constant 432 : index
      %get3A_341 = tpu.vector_load %arg5[%get3A_339, %get3A_340] {strides = array<i32>} : memref<64x768xf32, #tpu.memory_space<vmem>>, vector<1x16xf32>,
      %get3A_342 = vector.shape_cast %get3A_341 : vector<1x16xf32> to vector<16xf32>
      %mul3A_343 = arith.mulf %get3A_342, %get3A_69 : vector<16xf32>
      %swap3A_344 = arith.index_cast %scan3A_66 : i32 to index
      %swap3A_345 = arith.constant 432 : index
      %swap3A_346 = tpu.vector_load %arg5[%swap3A_344, %swap3A_345] {strides = array<i32>} : memref<64x768xf32, #tpu.memory_space<vmem>>, vector<1x16xf32>,
      %swap3A_347 = vector.shape_cast %swap3A_346 : vector<1x16xf32> to vector<16xf32>
      %swap3A_348 = vector.shape_cast %mul3A_343 : vector<16xf32> to vector<1x16xf32>
      tpu.vector_store %arg5[%swap3A_344, %swap3A_345], %swap3A_348 {strides = array<i32>} : memref<64x768xf32, #tpu.memory_space<vmem>>, vector<1x16xf32>,
      %get3A_349 = arith.index_cast %scan3A_66 : i32 to index
      %get3A_350 = arith.constant 448 : index
      %get3A_351 = tpu.vector_load %arg5[%get3A_349, %get3A_350] {strides = array<i32>} : memref<64x768xf32, #tpu.memory_space<vmem>>, vector<1x16xf32>,
      %get3A_352 = vector.shape_cast %get3A_351 : vector<1x16xf32> to vector<16xf32>
      %mul3A_353 = arith.mulf %get3A_352, %get3A_69 : vector<16xf32>
      %swap3A_354 = arith.index_cast %scan3A_66 : i32 to index
      %swap3A_355 = arith.constant 448 : index
      %swap3A_356 = tpu.vector_load %arg5[%swap3A_354, %swap3A_355] {strides = array<i32>} : memref<64x768xf32, #tpu.memory_space<vmem>>, vector<1x16xf32>,
      %swap3A_357 = vector.shape_cast %swap3A_356 : vector<1x16xf32> to vector<16xf32>
      %swap3A_358 = vector.shape_cast %mul3A_353 : vector<16xf32> to vector<1x16xf32>
      tpu.vector_store %arg5[%swap3A_354, %swap3A_355], %swap3A_358 {strides = array<i32>} : memref<64x768xf32, #tpu.memory_space<vmem>>, vector<1x16xf32>,
      %get3A_359 = arith.index_cast %scan3A_66 : i32 to index
      %get3A_360 = arith.constant 464 : index
      %get3A_361 = tpu.vector_load %arg5[%get3A_359, %get3A_360] {strides = array<i32>} : memref<64x768xf32, #tpu.memory_space<vmem>>, vector<1x16xf32>,
      %get3A_362 = vector.shape_cast %get3A_361 : vector<1x16xf32> to vector<16xf32>
      %mul3A_363 = arith.mulf %get3A_362, %get3A_69 : vector<16xf32>
      %swap3A_364 = arith.index_cast %scan3A_66 : i32 to index
      %swap3A_365 = arith.constant 464 : index
      %swap3A_366 = tpu.vector_load %arg5[%swap3A_364, %swap3A_365] {strides = array<i32>} : memref<64x768xf32, #tpu.memory_space<vmem>>, vector<1x16xf32>,
      %swap3A_367 = vector.shape_cast %swap3A_366 : vector<1x16xf32> to vector<16xf32>
      %swap3A_368 = vector.shape_cast %mul3A_363 : vector<16xf32> to vector<1x16xf32>
      tpu.vector_store %arg5[%swap3A_364, %swap3A_365], %swap3A_368 {strides = array<i32>} : memref<64x768xf32, #tpu.memory_space<vmem>>, vector<1x16xf32>,
      %get3A_369 = arith.index_cast %scan3A_66 : i32 to index
      %get3A_370 = arith.constant 480 : index
      %get3A_371 = tpu.vector_load %arg5[%get3A_369, %get3A_370] {strides = array<i32>} : memref<64x768xf32, #tpu.memory_space<vmem>>, vector<1x16xf32>,
      %get3A_372 = vector.shape_cast %get3A_371 : vector<1x16xf32> to vector<16xf32>
      %mul3A_373 = arith.mulf %get3A_372, %get3A_69 : vector<16xf32>
      %swap3A_374 = arith.index_cast %scan3A_66 : i32 to index
      %swap3A_375 = arith.constant 480 : index
      %swap3A_376 = tpu.vector_load %arg5[%swap3A_374, %swap3A_375] {strides = array<i32>} : memref<64x768xf32, #tpu.memory_space<vmem>>, vector<1x16xf32>,
      %swap3A_377 = vector.shape_cast %swap3A_376 : vector<1x16xf32> to vector<16xf32>
      %swap3A_378 = vector.shape_cast %mul3A_373 : vector<16xf32> to vector<1x16xf32>
      tpu.vector_store %arg5[%swap3A_374, %swap3A_375], %swap3A_378 {strides = array<i32>} : memref<64x768xf32, #tpu.memory_space<vmem>>, vector<1x16xf32>,
      %get3A_379 = arith.index_cast %scan3A_66 : i32 to index
      %get3A_380 = arith.constant 496 : index
      %get3A_381 = tpu.vector_load %arg5[%get3A_379, %get3A_380] {strides = array<i32>} : memref<64x768xf32, #tpu.memory_space<vmem>>, vector<1x16xf32>,
      %get3A_382 = vector.shape_cast %get3A_381 : vector<1x16xf32> to vector<16xf32>
      %mul3A_383 = arith.mulf %get3A_382, %get3A_69 : vector<16xf32>
      %swap3A_384 = arith.index_cast %scan3A_66 : i32 to index
      %swap3A_385 = arith.constant 496 : index
      %swap3A_386 = tpu.vector_load %arg5[%swap3A_384, %swap3A_385] {strides = array<i32>} : memref<64x768xf32, #tpu.memory_space<vmem>>, vector<1x16xf32>,
      %swap3A_387 = vector.shape_cast %swap3A_386 : vector<1x16xf32> to vector<16xf32>
      %swap3A_388 = vector.shape_cast %mul3A_383 : vector<16xf32> to vector<1x16xf32>
      tpu.vector_store %arg5[%swap3A_384, %swap3A_385], %swap3A_388 {strides = array<i32>} : memref<64x768xf32, #tpu.memory_space<vmem>>, vector<1x16xf32>,
      %get3A_389 = arith.index_cast %scan3A_66 : i32 to index
      %get3A_390 = arith.constant 512 : index
      %get3A_391 = tpu.vector_load %arg5[%get3A_389, %get3A_390] {strides = array<i32>} : memref<64x768xf32, #tpu.memory_space<vmem>>, vector<1x16xf32>,
      %get3A_392 = vector.shape_cast %get3A_391 : vector<1x16xf32> to vector<16xf32>
      %mul3A_393 = arith.mulf %get3A_392, %get3A_69 : vector<16xf32>
      %swap3A_394 = arith.index_cast %scan3A_66 : i32 to index
      %swap3A_395 = arith.constant 512 : index
      %swap3A_396 = tpu.vector_load %arg5[%swap3A_394, %swap3A_395] {strides = array<i32>} : memref<64x768xf32, #tpu.memory_space<vmem>>, vector<1x16xf32>,
      %swap3A_397 = vector.shape_cast %swap3A_396 : vector<1x16xf32> to vector<16xf32>
      %swap3A_398 = vector.shape_cast %mul3A_393 : vector<16xf32> to vector<1x16xf32>
      tpu.vector_store %arg5[%swap3A_394, %swap3A_395], %swap3A_398 {strides = array<i32>} : memref<64x768xf32, #tpu.memory_space<vmem>>, vector<1x16xf32>,
      %get3A_399 = arith.index_cast %scan3A_66 : i32 to index
      %get3A_400 = arith.constant 528 : index
      %get3A_401 = tpu.vector_load %arg5[%get3A_399, %get3A_400] {strides = array<i32>} : memref<64x768xf32, #tpu.memory_space<vmem>>, vector<1x16xf32>,
      %get3A_402 = vector.shape_cast %get3A_401 : vector<1x16xf32> to vector<16xf32>
      %mul3A_403 = arith.mulf %get3A_402, %get3A_69 : vector<16xf32>
      %swap3A_404 = arith.index_cast %scan3A_66 : i32 to index
      %swap3A_405 = arith.constant 528 : index
      %swap3A_406 = tpu.vector_load %arg5[%swap3A_404, %swap3A_405] {strides = array<i32>} : memref<64x768xf32, #tpu.memory_space<vmem>>, vector<1x16xf32>,
      %swap3A_407 = vector.shape_cast %swap3A_406 : vector<1x16xf32> to vector<16xf32>
      %swap3A_408 = vector.shape_cast %mul3A_403 : vector<16xf32> to vector<1x16xf32>
      tpu.vector_store %arg5[%swap3A_404, %swap3A_405], %swap3A_408 {strides = array<i32>} : memref<64x768xf32, #tpu.memory_space<vmem>>, vector<1x16xf32>,
      %get3A_409 = arith.index_cast %scan3A_66 : i32 to index
      %get3A_410 = arith.constant 544 : index
      %get3A_411 = tpu.vector_load %arg5[%get3A_409, %get3A_410] {strides = array<i32>} : memref<64x768xf32, #tpu.memory_space<vmem>>, vector<1x16xf32>,
      %get3A_412 = vector.shape_cast %get3A_411 : vector<1x16xf32> to vector<16xf32>
      %mul3A_413 = arith.mulf %get3A_412, %get3A_69 : vector<16xf32>
      %swap3A_414 = arith.index_cast %scan3A_66 : i32 to index
      %swap3A_415 = arith.constant 544 : index
      %swap3A_416 = tpu.vector_load %arg5[%swap3A_414, %swap3A_415] {strides = array<i32>} : memref<64x768xf32, #tpu.memory_space<vmem>>, vector<1x16xf32>,
      %swap3A_417 = vector.shape_cast %swap3A_416 : vector<1x16xf32> to vector<16xf32>
      %swap3A_418 = vector.shape_cast %mul3A_413 : vector<16xf32> to vector<1x16xf32>
      tpu.vector_store %arg5[%swap3A_414, %swap3A_415], %swap3A_418 {strides = array<i32>} : memref<64x768xf32, #tpu.memory_space<vmem>>, vector<1x16xf32>,
      %get3A_419 = arith.index_cast %scan3A_66 : i32 to index
      %get3A_420 = arith.constant 560 : index
      %get3A_421 = tpu.vector_load %arg5[%get3A_419, %get3A_420] {strides = array<i32>} : memref<64x768xf32, #tpu.memory_space<vmem>>, vector<1x16xf32>,
      %get3A_422 = vector.shape_cast %get3A_421 : vector<1x16xf32> to vector<16xf32>
      %mul3A_423 = arith.mulf %get3A_422, %get3A_69 : vector<16xf32>
      %swap3A_424 = arith.index_cast %scan3A_66 : i32 to index
      %swap3A_425 = arith.constant 560 : index
      %swap3A_426 = tpu.vector_load %arg5[%swap3A_424, %swap3A_425] {strides = array<i32>} : memref<64x768xf32, #tpu.memory_space<vmem>>, vector<1x16xf32>,
      %swap3A_427 = vector.shape_cast %swap3A_426 : vector<1x16xf32> to vector<16xf32>
      %swap3A_428 = vector.shape_cast %mul3A_423 : vector<16xf32> to vector<1x16xf32>
      tpu.vector_store %arg5[%swap3A_424, %swap3A_425], %swap3A_428 {strides = array<i32>} : memref<64x768xf32, #tpu.memory_space<vmem>>, vector<1x16xf32>,
      %get3A_429 = arith.index_cast %scan3A_66 : i32 to index
      %get3A_430 = arith.constant 576 : index
      %get3A_431 = tpu.vector_load %arg5[%get3A_429, %get3A_430] {strides = array<i32>} : memref<64x768xf32, #tpu.memory_space<vmem>>, vector<1x16xf32>,
      %get3A_432 = vector.shape_cast %get3A_431 : vector<1x16xf32> to vector<16xf32>
      %mul3A_433 = arith.mulf %get3A_432, %get3A_69 : vector<16xf32>
      %swap3A_434 = arith.index_cast %scan3A_66 : i32 to index
      %swap3A_435 = arith.constant 576 : index
      %swap3A_436 = tpu.vector_load %arg5[%swap3A_434, %swap3A_435] {strides = array<i32>} : memref<64x768xf32, #tpu.memory_space<vmem>>, vector<1x16xf32>,
      %swap3A_437 = vector.shape_cast %swap3A_436 : vector<1x16xf32> to vector<16xf32>
      %swap3A_438 = vector.shape_cast %mul3A_433 : vector<16xf32> to vector<1x16xf32>
      tpu.vector_store %arg5[%swap3A_434, %swap3A_435], %swap3A_438 {strides = array<i32>} : memref<64x768xf32, #tpu.memory_space<vmem>>, vector<1x16xf32>,
      %get3A_439 = arith.index_cast %scan3A_66 : i32 to index
      %get3A_440 = arith.constant 592 : index
      %get3A_441 = tpu.vector_load %arg5[%get3A_439, %get3A_440] {strides = array<i32>} : memref<64x768xf32, #tpu.memory_space<vmem>>, vector<1x16xf32>,
      %get3A_442 = vector.shape_cast %get3A_441 : vector<1x16xf32> to vector<16xf32>
      %mul3A_443 = arith.mulf %get3A_442, %get3A_69 : vector<16xf32>
      %swap3A_444 = arith.index_cast %scan3A_66 : i32 to index
      %swap3A_445 = arith.constant 592 : index
      %swap3A_446 = tpu.vector_load %arg5[%swap3A_444, %swap3A_445] {strides = array<i32>} : memref<64x768xf32, #tpu.memory_space<vmem>>, vector<1x16xf32>,
      %swap3A_447 = vector.shape_cast %swap3A_446 : vector<1x16xf32> to vector<16xf32>
      %swap3A_448 = vector.shape_cast %mul3A_443 : vector<16xf32> to vector<1x16xf32>
      tpu.vector_store %arg5[%swap3A_444, %swap3A_445], %swap3A_448 {strides = array<i32>} : memref<64x768xf32, #tpu.memory_space<vmem>>, vector<1x16xf32>,
      %get3A_449 = arith.index_cast %scan3A_66 : i32 to index
      %get3A_450 = arith.constant 608 : index
      %get3A_451 = tpu.vector_load %arg5[%get3A_449, %get3A_450] {strides = array<i32>} : memref<64x768xf32, #tpu.memory_space<vmem>>, vector<1x16xf32>,
      %get3A_452 = vector.shape_cast %get3A_451 : vector<1x16xf32> to vector<16xf32>
      %mul3A_453 = arith.mulf %get3A_452, %get3A_69 : vector<16xf32>
      %swap3A_454 = arith.index_cast %scan3A_66 : i32 to index
      %swap3A_455 = arith.constant 608 : index
      %swap3A_456 = tpu.vector_load %arg5[%swap3A_454, %swap3A_455] {strides = array<i32>} : memref<64x768xf32, #tpu.memory_space<vmem>>, vector<1x16xf32>,
      %swap3A_457 = vector.shape_cast %swap3A_456 : vector<1x16xf32> to vector<16xf32>
      %swap3A_458 = vector.shape_cast %mul3A_453 : vector<16xf32> to vector<1x16xf32>
      tpu.vector_store %arg5[%swap3A_454, %swap3A_455], %swap3A_458 {strides = array<i32>} : memref<64x768xf32, #tpu.memory_space<vmem>>, vector<1x16xf32>,
      %get3A_459 = arith.index_cast %scan3A_66 : i32 to index
      %get3A_460 = arith.constant 624 : index
      %get3A_461 = tpu.vector_load %arg5[%get3A_459, %get3A_460] {strides = array<i32>} : memref<64x768xf32, #tpu.memory_space<vmem>>, vector<1x16xf32>,
      %get3A_462 = vector.shape_cast %get3A_461 : vector<1x16xf32> to vector<16xf32>
      %mul3A_463 = arith.mulf %get3A_462, %get3A_69 : vector<16xf32>
      %swap3A_464 = arith.index_cast %scan3A_66 : i32 to index
      %swap3A_465 = arith.constant 624 : index
      %swap3A_466 = tpu.vector_load %arg5[%swap3A_464, %swap3A_465] {strides = array<i32>} : memref<64x768xf32, #tpu.memory_space<vmem>>, vector<1x16xf32>,
      %swap3A_467 = vector.shape_cast %swap3A_466 : vector<1x16xf32> to vector<16xf32>
      %swap3A_468 = vector.shape_cast %mul3A_463 : vector<16xf32> to vector<1x16xf32>
      tpu.vector_store %arg5[%swap3A_464, %swap3A_465], %swap3A_468 {strides = array<i32>} : memref<64x768xf32, #tpu.memory_space<vmem>>, vector<1x16xf32>,
      %get3A_469 = arith.index_cast %scan3A_66 : i32 to index
      %get3A_470 = arith.constant 640 : index
      %get3A_471 = tpu.vector_load %arg5[%get3A_469, %get3A_470] {strides = array<i32>} : memref<64x768xf32, #tpu.memory_space<vmem>>, vector<1x16xf32>,
      %get3A_472 = vector.shape_cast %get3A_471 : vector<1x16xf32> to vector<16xf32>
      %mul3A_473 = arith.mulf %get3A_472, %get3A_69 : vector<16xf32>
      %swap3A_474 = arith.index_cast %scan3A_66 : i32 to index
      %swap3A_475 = arith.constant 640 : index
      %swap3A_476 = tpu.vector_load %arg5[%swap3A_474, %swap3A_475] {strides = array<i32>} : memref<64x768xf32, #tpu.memory_space<vmem>>, vector<1x16xf32>,
      %swap3A_477 = vector.shape_cast %swap3A_476 : vector<1x16xf32> to vector<16xf32>
      %swap3A_478 = vector.shape_cast %mul3A_473 : vector<16xf32> to vector<1x16xf32>
      tpu.vector_store %arg5[%swap3A_474, %swap3A_475], %swap3A_478 {strides = array<i32>} : memref<64x768xf32, #tpu.memory_space<vmem>>, vector<1x16xf32>,
      %get3A_479 = arith.index_cast %scan3A_66 : i32 to index
      %get3A_480 = arith.constant 656 : index
      %get3A_481 = tpu.vector_load %arg5[%get3A_479, %get3A_480] {strides = array<i32>} : memref<64x768xf32, #tpu.memory_space<vmem>>, vector<1x16xf32>,
      %get3A_482 = vector.shape_cast %get3A_481 : vector<1x16xf32> to vector<16xf32>
      %mul3A_483 = arith.mulf %get3A_482, %get3A_69 : vector<16xf32>
      %swap3A_484 = arith.index_cast %scan3A_66 : i32 to index
      %swap3A_485 = arith.constant 656 : index
      %swap3A_486 = tpu.vector_load %arg5[%swap3A_484, %swap3A_485] {strides = array<i32>} : memref<64x768xf32, #tpu.memory_space<vmem>>, vector<1x16xf32>,
      %swap3A_487 = vector.shape_cast %swap3A_486 : vector<1x16xf32> to vector<16xf32>
      %swap3A_488 = vector.shape_cast %mul3A_483 : vector<16xf32> to vector<1x16xf32>
      tpu.vector_store %arg5[%swap3A_484, %swap3A_485], %swap3A_488 {strides = array<i32>} : memref<64x768xf32, #tpu.memory_space<vmem>>, vector<1x16xf32>,
      %get3A_489 = arith.index_cast %scan3A_66 : i32 to index
      %get3A_490 = arith.constant 672 : index
      %get3A_491 = tpu.vector_load %arg5[%get3A_489, %get3A_490] {strides = array<i32>} : memref<64x768xf32, #tpu.memory_space<vmem>>, vector<1x16xf32>,
      %get3A_492 = vector.shape_cast %get3A_491 : vector<1x16xf32> to vector<16xf32>
      %mul3A_493 = arith.mulf %get3A_492, %get3A_69 : vector<16xf32>
      %swap3A_494 = arith.index_cast %scan3A_66 : i32 to index
      %swap3A_495 = arith.constant 672 : index
      %swap3A_496 = tpu.vector_load %arg5[%swap3A_494, %swap3A_495] {strides = array<i32>} : memref<64x768xf32, #tpu.memory_space<vmem>>, vector<1x16xf32>,
      %swap3A_497 = vector.shape_cast %swap3A_496 : vector<1x16xf32> to vector<16xf32>
      %swap3A_498 = vector.shape_cast %mul3A_493 : vector<16xf32> to vector<1x16xf32>
      tpu.vector_store %arg5[%swap3A_494, %swap3A_495], %swap3A_498 {strides = array<i32>} : memref<64x768xf32, #tpu.memory_space<vmem>>, vector<1x16xf32>,
      %get3A_499 = arith.index_cast %scan3A_66 : i32 to index
      %get3A_500 = arith.constant 688 : index
      %get3A_501 = tpu.vector_load %arg5[%get3A_499, %get3A_500] {strides = array<i32>} : memref<64x768xf32, #tpu.memory_space<vmem>>, vector<1x16xf32>,
      %get3A_502 = vector.shape_cast %get3A_501 : vector<1x16xf32> to vector<16xf32>
      %mul3A_503 = arith.mulf %get3A_502, %get3A_69 : vector<16xf32>
      %swap3A_504 = arith.index_cast %scan3A_66 : i32 to index
      %swap3A_505 = arith.constant 688 : index
      %swap3A_506 = tpu.vector_load %arg5[%swap3A_504, %swap3A_505] {strides = array<i32>} : memref<64x768xf32, #tpu.memory_space<vmem>>, vector<1x16xf32>,
      %swap3A_507 = vector.shape_cast %swap3A_506 : vector<1x16xf32> to vector<16xf32>
      %swap3A_508 = vector.shape_cast %mul3A_503 : vector<16xf32> to vector<1x16xf32>
      tpu.vector_store %arg5[%swap3A_504, %swap3A_505], %swap3A_508 {strides = array<i32>} : memref<64x768xf32, #tpu.memory_space<vmem>>, vector<1x16xf32>,
      %get3A_509 = arith.index_cast %scan3A_66 : i32 to index
      %get3A_510 = arith.constant 704 : index
      %get3A_511 = tpu.vector_load %arg5[%get3A_509, %get3A_510] {strides = array<i32>} : memref<64x768xf32, #tpu.memory_space<vmem>>, vector<1x16xf32>,
      %get3A_512 = vector.shape_cast %get3A_511 : vector<1x16xf32> to vector<16xf32>
      %mul3A_513 = arith.mulf %get3A_512, %get3A_69 : vector<16xf32>
      %swap3A_514 = arith.index_cast %scan3A_66 : i32 to index
      %swap3A_515 = arith.constant 704 : index
      %swap3A_516 = tpu.vector_load %arg5[%swap3A_514, %swap3A_515] {strides = array<i32>} : memref<64x768xf32, #tpu.memory_space<vmem>>, vector<1x16xf32>,
      %swap3A_517 = vector.shape_cast %swap3A_516 : vector<1x16xf32> to vector<16xf32>
      %swap3A_518 = vector.shape_cast %mul3A_513 : vector<16xf32> to vector<1x16xf32>
      tpu.vector_store %arg5[%swap3A_514, %swap3A_515], %swap3A_518 {strides = array<i32>} : memref<64x768xf32, #tpu.memory_space<vmem>>, vector<1x16xf32>,
      %get3A_519 = arith.index_cast %scan3A_66 : i32 to index
      %get3A_520 = arith.constant 720 : index
      %get3A_521 = tpu.vector_load %arg5[%get3A_519, %get3A_520] {strides = array<i32>} : memref<64x768xf32, #tpu.memory_space<vmem>>, vector<1x16xf32>,
      %get3A_522 = vector.shape_cast %get3A_521 : vector<1x16xf32> to vector<16xf32>
      %mul3A_523 = arith.mulf %get3A_522, %get3A_69 : vector<16xf32>
      %swap3A_524 = arith.index_cast %scan3A_66 : i32 to index
      %swap3A_525 = arith.constant 720 : index
      %swap3A_526 = tpu.vector_load %arg5[%swap3A_524, %swap3A_525] {strides = array<i32>} : memref<64x768xf32, #tpu.memory_space<vmem>>, vector<1x16xf32>,
      %swap3A_527 = vector.shape_cast %swap3A_526 : vector<1x16xf32> to vector<16xf32>
      %swap3A_528 = vector.shape_cast %mul3A_523 : vector<16xf32> to vector<1x16xf32>
      tpu.vector_store %arg5[%swap3A_524, %swap3A_525], %swap3A_528 {strides = array<i32>} : memref<64x768xf32, #tpu.memory_space<vmem>>, vector<1x16xf32>,
      %get3A_529 = arith.index_cast %scan3A_66 : i32 to index
      %get3A_530 = arith.constant 736 : index
      %get3A_531 = tpu.vector_load %arg5[%get3A_529, %get3A_530] {strides = array<i32>} : memref<64x768xf32, #tpu.memory_space<vmem>>, vector<1x16xf32>,
      %get3A_532 = vector.shape_cast %get3A_531 : vector<1x16xf32> to vector<16xf32>
      %mul3A_533 = arith.mulf %get3A_532, %get3A_69 : vector<16xf32>
      %swap3A_534 = arith.index_cast %scan3A_66 : i32 to index
      %swap3A_535 = arith.constant 736 : index
      %swap3A_536 = tpu.vector_load %arg5[%swap3A_534, %swap3A_535] {strides = array<i32>} : memref<64x768xf32, #tpu.memory_space<vmem>>, vector<1x16xf32>,
      %swap3A_537 = vector.shape_cast %swap3A_536 : vector<1x16xf32> to vector<16xf32>
      %swap3A_538 = vector.shape_cast %mul3A_533 : vector<16xf32> to vector<1x16xf32>
      tpu.vector_store %arg5[%swap3A_534, %swap3A_535], %swap3A_538 {strides = array<i32>} : memref<64x768xf32, #tpu.memory_space<vmem>>, vector<1x16xf32>,
      %get3A_539 = arith.index_cast %scan3A_66 : i32 to index
      %get3A_540 = arith.constant 752 : index
      %get3A_541 = tpu.vector_load %arg5[%get3A_539, %get3A_540] {strides = array<i32>} : memref<64x768xf32, #tpu.memory_space<vmem>>, vector<1x16xf32>,
      %get3A_542 = vector.shape_cast %get3A_541 : vector<1x16xf32> to vector<16xf32>
      %mul3A_543 = arith.mulf %get3A_542, %get3A_69 : vector<16xf32>
      %swap3A_544 = arith.index_cast %scan3A_66 : i32 to index
      %swap3A_545 = arith.constant 752 : index
      %swap3A_546 = tpu.vector_load %arg5[%swap3A_544, %swap3A_545] {strides = array<i32>} : memref<64x768xf32, #tpu.memory_space<vmem>>, vector<1x16xf32>,
      %swap3A_547 = vector.shape_cast %swap3A_546 : vector<1x16xf32> to vector<16xf32>
      %swap3A_548 = vector.shape_cast %mul3A_543 : vector<16xf32> to vector<1x16xf32>
      tpu.vector_store %arg5[%swap3A_544, %swap3A_545], %swap3A_548 {strides = array<i32>} : memref<64x768xf32, #tpu.memory_space<vmem>>, vector<1x16xf32>,
    }
    %scan3A_9 = arith.constant 64 : i32
    "tpu.region"() ({
      %run_scoped3A = tpu.sem_alloc : memref<!tpu.dma_semaphore, #tpu.memory_space<semaphore_mem>>
      %dma_start3A = arith.constant 0 : i32
      %dma_start3A_66 = tpu.memref_slice %arg4[%add3A_4, %dma_start3A] : memref<16384x768xf32, #tpu.memory_space<hbm>> -> memref<64x768xf32, #tpu.memory_space<hbm>>
      %dma_start3A_67 = arith.constant 0 : i32
      %dma_start3A_68 = tpu.memref_slice %arg4[%add3A_4, %dma_start3A_67] : memref<16384x768xf32, #tpu.memory_space<hbm>> -> memref<64x768xf32, #tpu.memory_space<hbm>>
      tpu.enqueue_dma source(%arg5 : memref<64x768xf32, #tpu.memory_space<vmem>>) target(%dma_start3A_68 : memref<64x768xf32, #tpu.memory_space<hbm>>) target_semaphore(%run_scoped3A : memref<!tpu.dma_semaphore, #tpu.memory_space<semaphore_mem>>)
      %dma_wait3A = arith.constant 0 : i32
      %dma_wait3A_69 = tpu.memref_slice %arg4[%add3A_4, %dma_wait3A] : memref<16384x768xf32, #tpu.memory_space<hbm>> -> memref<64x768xf32, #tpu.memory_space<hbm>>
      %dma_wait3A_70 = arith.constant 0 : i32
      %dma_wait3A_71 = tpu.memref_slice %arg4[%add3A_4, %dma_wait3A_70] : memref<16384x768xf32, #tpu.memory_space<hbm>> -> memref<64x768xf32, #tpu.memory_space<hbm>>
      tpu.wait_dma2 semaphore(%run_scoped3A : memref<!tpu.dma_semaphore, #tpu.memory_space<semaphore_mem>>) src(%arg5 : memref<64x768xf32, #tpu.memory_space<vmem>>) dst(%dma_wait3A_71 : memref<64x768xf32, #tpu.memory_space<hbm>>)
      tpu.yield
    }) : () -> ()
    %add3A_10 = arith.constant 64 : i32
    %add3A_11 = arith.addi %mul3A_2, %add3A_10 : i32
    "tpu.region"() ({
      %run_scoped3A = tpu.sem_alloc : memref<!tpu.dma_semaphore, #tpu.memory_space<semaphore_mem>>
      %dma_start3A = arith.constant 0 : i32
      %dma_start3A_66 = tpu.memref_slice %arg2[%add3A_11, %dma_start3A] : memref<16384x768xf32, #tpu.memory_space<hbm>> -> memref<64x768xf32, #tpu.memory_space<hbm>>
      %dma_start3A_67 = arith.constant 0 : i32
      %dma_start3A_68 = tpu.memref_slice %arg2[%add3A_11, %dma_start3A_67] : memref<16384x768xf32, #tpu.memory_space<hbm>> -> memref<64x768xf32, #tpu.memory_space<hbm>>
      tpu.enqueue_dma source(%dma_start3A_68 : memref<64x768xf32, #tpu.memory_space<hbm>>) target(%arg5 : memref<64x768xf32, #tpu.memory_space<vmem>>) target_semaphore(%run_scoped3A : memref<!tpu.dma_semaphore, #tpu.memory_space<semaphore_mem>>)
      %dma_wait3A = arith.constant 0 : i32
      %dma_wait3A_69 = tpu.memref_slice %arg2[%add3A_11, %dma_wait3A] : memref<16384x768xf32, #tpu.memory_space<hbm>> -> memref<64x768xf32, #tpu.memory_space<hbm>>
      %dma_wait3A_70 = arith.constant 0 : i32
      %dma_wait3A_71 = tpu.memref_slice %arg2[%add3A_11, %dma_wait3A_70] : memref<16384x768xf32, #tpu.memory_space<hbm>> -> memref<64x768xf32, #tpu.memory_space<hbm>>
      tpu.wait_dma2 semaphore(%run_scoped3A : memref<!tpu.dma_semaphore, #tpu.memory_space<semaphore_mem>>) src(%dma_wait3A_71 : memref<64x768xf32, #tpu.memory_space<hbm>>) dst(%arg5 : memref<64x768xf32, #tpu.memory_space<vmem>>)
      tpu.yield
    }) : () -> ()
    "tpu.region"() ({
      %run_scoped3A = tpu.sem_alloc : memref<!tpu.dma_semaphore, #tpu.memory_space<semaphore_mem>>
      %dma_start3A = arith.constant 0 : i32
      %dma_start3A_66 = tpu.memref_slice %arg3[%add3A_11, %dma_start3A] : memref<16384x128xf32, #tpu.memory_space<hbm>> -> memref<64x128xf32, #tpu.memory_space<hbm>>
      %dma_start3A_67 = arith.constant 0 : i32
      %dma_start3A_68 = tpu.memref_slice %arg3[%add3A_11, %dma_start3A_67] : memref<16384x128xf32, #tpu.memory_space<hbm>> -> memref<64x128xf32, #tpu.memory_space<hbm>>
      tpu.enqueue_dma source(%dma_start3A_68 : memref<64x128xf32, #tpu.memory_space<hbm>>) target(%arg6 : memref<64x128xf32, #tpu.memory_space<vmem>>) target_semaphore(%run_scoped3A : memref<!tpu.dma_semaphore, #tpu.memory_space<semaphore_mem>>)
      %dma_wait3A = arith.constant 0 : i32
      %dma_wait3A_69 = tpu.memref_slice %arg3[%add3A_11, %dma_wait3A] : memref<16384x128xf32, #tpu.memory_space<hbm>> -> memref<64x128xf32, #tpu.memory_space<hbm>>
      %dma_wait3A_70 = arith.constant 0 : i32
      %dma_wait3A_71 = tpu.memref_slice %arg3[%add3A_11, %dma_wait3A_70] : memref<16384x128xf32, #tpu.memory_space<hbm>> -> memref<64x128xf32, #tpu.memory_space<hbm>>
      tpu.wait_dma2 semaphore(%run_scoped3A : memref<!tpu.dma_semaphore, #tpu.memory_space<semaphore_mem>>) src(%dma_wait3A_71 : memref<64x128xf32, #tpu.memory_space<hbm>>) dst(%arg6 : memref<64x128xf32, #tpu.memory_space<vmem>>)
      tpu.yield
    }) : () -> ()
    %scan3A_12 = arith.constant 0 : i32
    %scan3A_13 = arith.constant 0 : i32
    %scan3A_14 = arith.constant 64 : i32
    %scan3A_15 = arith.addi %scan3A_13, %scan3A_14 : i32
    %scan3A_16 = arith.constant 1 : i32
    scf.for %scan3A_66 = %scan3A_13 to %scan3A_15 step %scan3A_16  : i32 {
      %get3A = arith.index_cast %scan3A_66 : i32 to index
      %get3A_67 = arith.constant 0 : index
      %get3A_68 = tpu.vector_load %arg6[%get3A, %get3A_67] {strides = array<i32>} : memref<64x128xf32, #tpu.memory_space<vmem>>, vector<1x16xf32>,
      %get3A_69 = vector.shape_cast %get3A_68 : vector<1x16xf32> to vector<16xf32>
      %get3A_70 = arith.index_cast %scan3A_66 : i32 to index
      %get3A_71 = arith.constant 0 : index
      %get3A_72 = tpu.vector_load %arg5[%get3A_70, %get3A_71] {strides = array<i32>} : memref<64x768xf32, #tpu.memory_space<vmem>>, vector<1x16xf32>,
      %get3A_73 = vector.shape_cast %get3A_72 : vector<1x16xf32> to vector<16xf32>
      %mul3A_74 = arith.mulf %get3A_73, %get3A_69 : vector<16xf32>
      %swap3A = arith.index_cast %scan3A_66 : i32 to index
      %swap3A_75 = arith.constant 0 : index
      %swap3A_76 = tpu.vector_load %arg5[%swap3A, %swap3A_75] {strides = array<i32>} : memref<64x768xf32, #tpu.memory_space<vmem>>, vector<1x16xf32>,
      %swap3A_77 = vector.shape_cast %swap3A_76 : vector<1x16xf32> to vector<16xf32>
      %swap3A_78 = vector.shape_cast %mul3A_74 : vector<16xf32> to vector<1x16xf32>
      tpu.vector_store %arg5[%swap3A, %swap3A_75], %swap3A_78 {strides = array<i32>} : memref<64x768xf32, #tpu.memory_space<vmem>>, vector<1x16xf32>,
      %get3A_79 = arith.index_cast %scan3A_66 : i32 to index
      %get3A_80 = arith.constant 16 : index
      %get3A_81 = tpu.vector_load %arg5[%get3A_79, %get3A_80] {strides = array<i32>} : memref<64x768xf32, #tpu.memory_space<vmem>>, vector<1x16xf32>,
      %get3A_82 = vector.shape_cast %get3A_81 : vector<1x16xf32> to vector<16xf32>
      %mul3A_83 = arith.mulf %get3A_82, %get3A_69 : vector<16xf32>
      %swap3A_84 = arith.index_cast %scan3A_66 : i32 to index
      %swap3A_85 = arith.constant 16 : index
      %swap3A_86 = tpu.vector_load %arg5[%swap3A_84, %swap3A_85] {strides = array<i32>} : memref<64x768xf32, #tpu.memory_space<vmem>>, vector<1x16xf32>,
      %swap3A_87 = vector.shape_cast %swap3A_86 : vector<1x16xf32> to vector<16xf32>
      %swap3A_88 = vector.shape_cast %mul3A_83 : vector<16xf32> to vector<1x16xf32>
      tpu.vector_store %arg5[%swap3A_84, %swap3A_85], %swap3A_88 {strides = array<i32>} : memref<64x768xf32, #tpu.memory_space<vmem>>, vector<1x16xf32>,
      %get3A_89 = arith.index_cast %scan3A_66 : i32 to index
      %get3A_90 = arith.constant 32 : index
      %get3A_91 = tpu.vector_load %arg5[%get3A_89, %get3A_90] {strides = array<i32>} : memref<64x768xf32, #tpu.memory_space<vmem>>, vector<1x16xf32>,
      %get3A_92 = vector.shape_cast %get3A_91 : vector<1x16xf32> to vector<16xf32>
      %mul3A_93 = arith.mulf %get3A_92, %get3A_69 : vector<16xf32>
      %swap3A_94 = arith.index_cast %scan3A_66 : i32 to index
      %swap3A_95 = arith.constant 32 : index
      %swap3A_96 = tpu.vector_load %arg5[%swap3A_94, %swap3A_95] {strides = array<i32>} : memref<64x768xf32, #tpu.memory_space<vmem>>, vector<1x16xf32>,
      %swap3A_97 = vector.shape_cast %swap3A_96 : vector<1x16xf32> to vector<16xf32>
      %swap3A_98 = vector.shape_cast %mul3A_93 : vector<16xf32> to vector<1x16xf32>
      tpu.vector_store %arg5[%swap3A_94, %swap3A_95], %swap3A_98 {strides = array<i32>} : memref<64x768xf32, #tpu.memory_space<vmem>>, vector<1x16xf32>,
      %get3A_99 = arith.index_cast %scan3A_66 : i32 to index
      %get3A_100 = arith.constant 48 : index
      %get3A_101 = tpu.vector_load %arg5[%get3A_99, %get3A_100] {strides = array<i32>} : memref<64x768xf32, #tpu.memory_space<vmem>>, vector<1x16xf32>,
      %get3A_102 = vector.shape_cast %get3A_101 : vector<1x16xf32> to vector<16xf32>
      %mul3A_103 = arith.mulf %get3A_102, %get3A_69 : vector<16xf32>
      %swap3A_104 = arith.index_cast %scan3A_66 : i32 to index
      %swap3A_105 = arith.constant 48 : index
      %swap3A_106 = tpu.vector_load %arg5[%swap3A_104, %swap3A_105] {strides = array<i32>} : memref<64x768xf32, #tpu.memory_space<vmem>>, vector<1x16xf32>,
      %swap3A_107 = vector.shape_cast %swap3A_106 : vector<1x16xf32> to vector<16xf32>
      %swap3A_108 = vector.shape_cast %mul3A_103 : vector<16xf32> to vector<1x16xf32>
      tpu.vector_store %arg5[%swap3A_104, %swap3A_105], %swap3A_108 {strides = array<i32>} : memref<64x768xf32, #tpu.memory_space<vmem>>, vector<1x16xf32>,
      %get3A_109 = arith.index_cast %scan3A_66 : i32 to index
      %get3A_110 = arith.constant 64 : index
      %get3A_111 = tpu.vector_load %arg5[%get3A_109, %get3A_110] {strides = array<i32>} : memref<64x768xf32, #tpu.memory_space<vmem>>, vector<1x16xf32>,
      %get3A_112 = vector.shape_cast %get3A_111 : vector<1x16xf32> to vector<16xf32>
      %mul3A_113 = arith.mulf %get3A_112, %get3A_69 : vector<16xf32>
      %swap3A_114 = arith.index_cast %scan3A_66 : i32 to index
      %swap3A_115 = arith.constant 64 : index
      %swap3A_116 = tpu.vector_load %arg5[%swap3A_114, %swap3A_115] {strides = array<i32>} : memref<64x768xf32, #tpu.memory_space<vmem>>, vector<1x16xf32>,
      %swap3A_117 = vector.shape_cast %swap3A_116 : vector<1x16xf32> to vector<16xf32>
      %swap3A_118 = vector.shape_cast %mul3A_113 : vector<16xf32> to vector<1x16xf32>
      tpu.vector_store %arg5[%swap3A_114, %swap3A_115], %swap3A_118 {strides = array<i32>} : memref<64x768xf32, #tpu.memory_space<vmem>>, vector<1x16xf32>,
      %get3A_119 = arith.index_cast %scan3A_66 : i32 to index
      %get3A_120 = arith.constant 80 : index
      %get3A_121 = tpu.vector_load %arg5[%get3A_119, %get3A_120] {strides = array<i32>} : memref<64x768xf32, #tpu.memory_space<vmem>>, vector<1x16xf32>,
      %get3A_122 = vector.shape_cast %get3A_121 : vector<1x16xf32> to vector<16xf32>
      %mul3A_123 = arith.mulf %get3A_122, %get3A_69 : vector<16xf32>
      %swap3A_124 = arith.index_cast %scan3A_66 : i32 to index
      %swap3A_125 = arith.constant 80 : index
      %swap3A_126 = tpu.vector_load %arg5[%swap3A_124, %swap3A_125] {strides = array<i32>} : memref<64x768xf32, #tpu.memory_space<vmem>>, vector<1x16xf32>,
      %swap3A_127 = vector.shape_cast %swap3A_126 : vector<1x16xf32> to vector<16xf32>
      %swap3A_128 = vector.shape_cast %mul3A_123 : vector<16xf32> to vector<1x16xf32>
      tpu.vector_store %arg5[%swap3A_124, %swap3A_125], %swap3A_128 {strides = array<i32>} : memref<64x768xf32, #tpu.memory_space<vmem>>, vector<1x16xf32>,
      %get3A_129 = arith.index_cast %scan3A_66 : i32 to index
      %get3A_130 = arith.constant 96 : index
      %get3A_131 = tpu.vector_load %arg5[%get3A_129, %get3A_130] {strides = array<i32>} : memref<64x768xf32, #tpu.memory_space<vmem>>, vector<1x16xf32>,
      %get3A_132 = vector.shape_cast %get3A_131 : vector<1x16xf32> to vector<16xf32>
      %mul3A_133 = arith.mulf %get3A_132, %get3A_69 : vector<16xf32>
      %swap3A_134 = arith.index_cast %scan3A_66 : i32 to index
      %swap3A_135 = arith.constant 96 : index
      %swap3A_136 = tpu.vector_load %arg5[%swap3A_134, %swap3A_135] {strides = array<i32>} : memref<64x768xf32, #tpu.memory_space<vmem>>, vector<1x16xf32>,
      %swap3A_137 = vector.shape_cast %swap3A_136 : vector<1x16xf32> to vector<16xf32>
      %swap3A_138 = vector.shape_cast %mul3A_133 : vector<16xf32> to vector<1x16xf32>
      tpu.vector_store %arg5[%swap3A_134, %swap3A_135], %swap3A_138 {strides = array<i32>} : memref<64x768xf32, #tpu.memory_space<vmem>>, vector<1x16xf32>,
      %get3A_139 = arith.index_cast %scan3A_66 : i32 to index
      %get3A_140 = arith.constant 112 : index
      %get3A_141 = tpu.vector_load %arg5[%get3A_139, %get3A_140] {strides = array<i32>} : memref<64x768xf32, #tpu.memory_space<vmem>>, vector<1x16xf32>,
      %get3A_142 = vector.shape_cast %get3A_141 : vector<1x16xf32> to vector<16xf32>
      %mul3A_143 = arith.mulf %get3A_142, %get3A_69 : vector<16xf32>
      %swap3A_144 = arith.index_cast %scan3A_66 : i32 to index
      %swap3A_145 = arith.constant 112 : index
      %swap3A_146 = tpu.vector_load %arg5[%swap3A_144, %swap3A_145] {strides = array<i32>} : memref<64x768xf32, #tpu.memory_space<vmem>>, vector<1x16xf32>,
      %swap3A_147 = vector.shape_cast %swap3A_146 : vector<1x16xf32> to vector<16xf32>
      %swap3A_148 = vector.shape_cast %mul3A_143 : vector<16xf32> to vector<1x16xf32>
      tpu.vector_store %arg5[%swap3A_144, %swap3A_145], %swap3A_148 {strides = array<i32>} : memref<64x768xf32, #tpu.memory_space<vmem>>, vector<1x16xf32>,
      %get3A_149 = arith.index_cast %scan3A_66 : i32 to index
      %get3A_150 = arith.constant 128 : index
      %get3A_151 = tpu.vector_load %arg5[%get3A_149, %get3A_150] {strides = array<i32>} : memref<64x768xf32, #tpu.memory_space<vmem>>, vector<1x16xf32>,
      %get3A_152 = vector.shape_cast %get3A_151 : vector<1x16xf32> to vector<16xf32>
      %mul3A_153 = arith.mulf %get3A_152, %get3A_69 : vector<16xf32>
      %swap3A_154 = arith.index_cast %scan3A_66 : i32 to index
      %swap3A_155 = arith.constant 128 : index
      %swap3A_156 = tpu.vector_load %arg5[%swap3A_154, %swap3A_155] {strides = array<i32>} : memref<64x768xf32, #tpu.memory_space<vmem>>, vector<1x16xf32>,
      %swap3A_157 = vector.shape_cast %swap3A_156 : vector<1x16xf32> to vector<16xf32>
      %swap3A_158 = vector.shape_cast %mul3A_153 : vector<16xf32> to vector<1x16xf32>
      tpu.vector_store %arg5[%swap3A_154, %swap3A_155], %swap3A_158 {strides = array<i32>} : memref<64x768xf32, #tpu.memory_space<vmem>>, vector<1x16xf32>,
      %get3A_159 = arith.index_cast %scan3A_66 : i32 to index
      %get3A_160 = arith.constant 144 : index
      %get3A_161 = tpu.vector_load %arg5[%get3A_159, %get3A_160] {strides = array<i32>} : memref<64x768xf32, #tpu.memory_space<vmem>>, vector<1x16xf32>,
      %get3A_162 = vector.shape_cast %get3A_161 : vector<1x16xf32> to vector<16xf32>
      %mul3A_163 = arith.mulf %get3A_162, %get3A_69 : vector<16xf32>
      %swap3A_164 = arith.index_cast %scan3A_66 : i32 to index
      %swap3A_165 = arith.constant 144 : index
      %swap3A_166 = tpu.vector_load %arg5[%swap3A_164, %swap3A_165] {strides = array<i32>} : memref<64x768xf32, #tpu.memory_space<vmem>>, vector<1x16xf32>,
      %swap3A_167 = vector.shape_cast %swap3A_166 : vector<1x16xf32> to vector<16xf32>
      %swap3A_168 = vector.shape_cast %mul3A_163 : vector<16xf32> to vector<1x16xf32>
      tpu.vector_store %arg5[%swap3A_164, %swap3A_165], %swap3A_168 {strides = array<i32>} : memref<64x768xf32, #tpu.memory_space<vmem>>, vector<1x16xf32>,
      %get3A_169 = arith.index_cast %scan3A_66 : i32 to index
      %get3A_170 = arith.constant 160 : index
      %get3A_171 = tpu.vector_load %arg5[%get3A_169, %get3A_170] {strides = array<i32>} : memref<64x768xf32, #tpu.memory_space<vmem>>, vector<1x16xf32>,
      %get3A_172 = vector.shape_cast %get3A_171 : vector<1x16xf32> to vector<16xf32>
      %mul3A_173 = arith.mulf %get3A_172, %get3A_69 : vector<16xf32>
      %swap3A_174 = arith.index_cast %scan3A_66 : i32 to index
      %swap3A_175 = arith.constant 160 : index
      %swap3A_176 = tpu.vector_load %arg5[%swap3A_174, %swap3A_175] {strides = array<i32>} : memref<64x768xf32, #tpu.memory_space<vmem>>, vector<1x16xf32>,
      %swap3A_177 = vector.shape_cast %swap3A_176 : vector<1x16xf32> to vector<16xf32>
      %swap3A_178 = vector.shape_cast %mul3A_173 : vector<16xf32> to vector<1x16xf32>
      tpu.vector_store %arg5[%swap3A_174, %swap3A_175], %swap3A_178 {strides = array<i32>} : memref<64x768xf32, #tpu.memory_space<vmem>>, vector<1x16xf32>,
      %get3A_179 = arith.index_cast %scan3A_66 : i32 to index
      %get3A_180 = arith.constant 176 : index
      %get3A_181 = tpu.vector_load %arg5[%get3A_179, %get3A_180] {strides = array<i32>} : memref<64x768xf32, #tpu.memory_space<vmem>>, vector<1x16xf32>,
      %get3A_182 = vector.shape_cast %get3A_181 : vector<1x16xf32> to vector<16xf32>
      %mul3A_183 = arith.mulf %get3A_182, %get3A_69 : vector<16xf32>
      %swap3A_184 = arith.index_cast %scan3A_66 : i32 to index
      %swap3A_185 = arith.constant 176 : index
      %swap3A_186 = tpu.vector_load %arg5[%swap3A_184, %swap3A_185] {strides = array<i32>} : memref<64x768xf32, #tpu.memory_space<vmem>>, vector<1x16xf32>,
      %swap3A_187 = vector.shape_cast %swap3A_186 : vector<1x16xf32> to vector<16xf32>
      %swap3A_188 = vector.shape_cast %mul3A_183 : vector<16xf32> to vector<1x16xf32>
      tpu.vector_store %arg5[%swap3A_184, %swap3A_185], %swap3A_188 {strides = array<i32>} : memref<64x768xf32, #tpu.memory_space<vmem>>, vector<1x16xf32>,
      %get3A_189 = arith.index_cast %scan3A_66 : i32 to index
      %get3A_190 = arith.constant 192 : index
      %get3A_191 = tpu.vector_load %arg5[%get3A_189, %get3A_190] {strides = array<i32>} : memref<64x768xf32, #tpu.memory_space<vmem>>, vector<1x16xf32>,
      %get3A_192 = vector.shape_cast %get3A_191 : vector<1x16xf32> to vector<16xf32>
      %mul3A_193 = arith.mulf %get3A_192, %get3A_69 : vector<16xf32>
      %swap3A_194 = arith.index_cast %scan3A_66 : i32 to index
      %swap3A_195 = arith.constant 192 : index
      %swap3A_196 = tpu.vector_load %arg5[%swap3A_194, %swap3A_195] {strides = array<i32>} : memref<64x768xf32, #tpu.memory_space<vmem>>, vector<1x16xf32>,
      %swap3A_197 = vector.shape_cast %swap3A_196 : vector<1x16xf32> to vector<16xf32>
      %swap3A_198 = vector.shape_cast %mul3A_193 : vector<16xf32> to vector<1x16xf32>
      tpu.vector_store %arg5[%swap3A_194, %swap3A_195], %swap3A_198 {strides = array<i32>} : memref<64x768xf32, #tpu.memory_space<vmem>>, vector<1x16xf32>,
      %get3A_199 = arith.index_cast %scan3A_66 : i32 to index
      %get3A_200 = arith.constant 208 : index
      %get3A_201 = tpu.vector_load %arg5[%get3A_199, %get3A_200] {strides = array<i32>} : memref<64x768xf32, #tpu.memory_space<vmem>>, vector<1x16xf32>,
      %get3A_202 = vector.shape_cast %get3A_201 : vector<1x16xf32> to vector<16xf32>
      %mul3A_203 = arith.mulf %get3A_202, %get3A_69 : vector<16xf32>
      %swap3A_204 = arith.index_cast %scan3A_66 : i32 to index
      %swap3A_205 = arith.constant 208 : index
      %swap3A_206 = tpu.vector_load %arg5[%swap3A_204, %swap3A_205] {strides = array<i32>} : memref<64x768xf32, #tpu.memory_space<vmem>>, vector<1x16xf32>,
      %swap3A_207 = vector.shape_cast %swap3A_206 : vector<1x16xf32> to vector<16xf32>
      %swap3A_208 = vector.shape_cast %mul3A_203 : vector<16xf32> to vector<1x16xf32>
      tpu.vector_store %arg5[%swap3A_204, %swap3A_205], %swap3A_208 {strides = array<i32>} : memref<64x768xf32, #tpu.memory_space<vmem>>, vector<1x16xf32>,
      %get3A_209 = arith.index_cast %scan3A_66 : i32 to index
      %get3A_210 = arith.constant 224 : index
      %get3A_211 = tpu.vector_load %arg5[%get3A_209, %get3A_210] {strides = array<i32>} : memref<64x768xf32, #tpu.memory_space<vmem>>, vector<1x16xf32>,
      %get3A_212 = vector.shape_cast %get3A_211 : vector<1x16xf32> to vector<16xf32>
      %mul3A_213 = arith.mulf %get3A_212, %get3A_69 : vector<16xf32>
      %swap3A_214 = arith.index_cast %scan3A_66 : i32 to index
      %swap3A_215 = arith.constant 224 : index
      %swap3A_216 = tpu.vector_load %arg5[%swap3A_214, %swap3A_215] {strides = array<i32>} : memref<64x768xf32, #tpu.memory_space<vmem>>, vector<1x16xf32>,
      %swap3A_217 = vector.shape_cast %swap3A_216 : vector<1x16xf32> to vector<16xf32>
      %swap3A_218 = vector.shape_cast %mul3A_213 : vector<16xf32> to vector<1x16xf32>
      tpu.vector_store %arg5[%swap3A_214, %swap3A_215], %swap3A_218 {strides = array<i32>} : memref<64x768xf32, #tpu.memory_space<vmem>>, vector<1x16xf32>,
      %get3A_219 = arith.index_cast %scan3A_66 : i32 to index
      %get3A_220 = arith.constant 240 : index
      %get3A_221 = tpu.vector_load %arg5[%get3A_219, %get3A_220] {strides = array<i32>} : memref<64x768xf32, #tpu.memory_space<vmem>>, vector<1x16xf32>,
      %get3A_222 = vector.shape_cast %get3A_221 : vector<1x16xf32> to vector<16xf32>
      %mul3A_223 = arith.mulf %get3A_222, %get3A_69 : vector<16xf32>
      %swap3A_224 = arith.index_cast %scan3A_66 : i32 to index
      %swap3A_225 = arith.constant 240 : index
      %swap3A_226 = tpu.vector_load %arg5[%swap3A_224, %swap3A_225] {strides = array<i32>} : memref<64x768xf32, #tpu.memory_space<vmem>>, vector<1x16xf32>,
      %swap3A_227 = vector.shape_cast %swap3A_226 : vector<1x16xf32> to vector<16xf32>
      %swap3A_228 = vector.shape_cast %mul3A_223 : vector<16xf32> to vector<1x16xf32>
      tpu.vector_store %arg5[%swap3A_224, %swap3A_225], %swap3A_228 {strides = array<i32>} : memref<64x768xf32, #tpu.memory_space<vmem>>, vector<1x16xf32>,
      %get3A_229 = arith.index_cast %scan3A_66 : i32 to index
      %get3A_230 = arith.constant 256 : index
      %get3A_231 = tpu.vector_load %arg5[%get3A_229, %get3A_230] {strides = array<i32>} : memref<64x768xf32, #tpu.memory_space<vmem>>, vector<1x16xf32>,
      %get3A_232 = vector.shape_cast %get3A_231 : vector<1x16xf32> to vector<16xf32>
      %mul3A_233 = arith.mulf %get3A_232, %get3A_69 : vector<16xf32>
      %swap3A_234 = arith.index_cast %scan3A_66 : i32 to index
      %swap3A_235 = arith.constant 256 : index
      %swap3A_236 = tpu.vector_load %arg5[%swap3A_234, %swap3A_235] {strides = array<i32>} : memref<64x768xf32, #tpu.memory_space<vmem>>, vector<1x16xf32>,
      %swap3A_237 = vector.shape_cast %swap3A_236 : vector<1x16xf32> to vector<16xf32>
      %swap3A_238 = vector.shape_cast %mul3A_233 : vector<16xf32> to vector<1x16xf32>
      tpu.vector_store %arg5[%swap3A_234, %swap3A_235], %swap3A_238 {strides = array<i32>} : memref<64x768xf32, #tpu.memory_space<vmem>>, vector<1x16xf32>,
      %get3A_239 = arith.index_cast %scan3A_66 : i32 to index
      %get3A_240 = arith.constant 272 : index
      %get3A_241 = tpu.vector_load %arg5[%get3A_239, %get3A_240] {strides = array<i32>} : memref<64x768xf32, #tpu.memory_space<vmem>>, vector<1x16xf32>,
      %get3A_242 = vector.shape_cast %get3A_241 : vector<1x16xf32> to vector<16xf32>
      %mul3A_243 = arith.mulf %get3A_242, %get3A_69 : vector<16xf32>
      %swap3A_244 = arith.index_cast %scan3A_66 : i32 to index
      %swap3A_245 = arith.constant 272 : index
      %swap3A_246 = tpu.vector_load %arg5[%swap3A_244, %swap3A_245] {strides = array<i32>} : memref<64x768xf32, #tpu.memory_space<vmem>>, vector<1x16xf32>,
      %swap3A_247 = vector.shape_cast %swap3A_246 : vector<1x16xf32> to vector<16xf32>
      %swap3A_248 = vector.shape_cast %mul3A_243 : vector<16xf32> to vector<1x16xf32>
      tpu.vector_store %arg5[%swap3A_244, %swap3A_245], %swap3A_248 {strides = array<i32>} : memref<64x768xf32, #tpu.memory_space<vmem>>, vector<1x16xf32>,
      %get3A_249 = arith.index_cast %scan3A_66 : i32 to index
      %get3A_250 = arith.constant 288 : index
      %get3A_251 = tpu.vector_load %arg5[%get3A_249, %get3A_250] {strides = array<i32>} : memref<64x768xf32, #tpu.memory_space<vmem>>, vector<1x16xf32>,
      %get3A_252 = vector.shape_cast %get3A_251 : vector<1x16xf32> to vector<16xf32>
      %mul3A_253 = arith.mulf %get3A_252, %get3A_69 : vector<16xf32>
      %swap3A_254 = arith.index_cast %scan3A_66 : i32 to index
      %swap3A_255 = arith.constant 288 : index
      %swap3A_256 = tpu.vector_load %arg5[%swap3A_254, %swap3A_255] {strides = array<i32>} : memref<64x768xf32, #tpu.memory_space<vmem>>, vector<1x16xf32>,
      %swap3A_257 = vector.shape_cast %swap3A_256 : vector<1x16xf32> to vector<16xf32>
      %swap3A_258 = vector.shape_cast %mul3A_253 : vector<16xf32> to vector<1x16xf32>
      tpu.vector_store %arg5[%swap3A_254, %swap3A_255], %swap3A_258 {strides = array<i32>} : memref<64x768xf32, #tpu.memory_space<vmem>>, vector<1x16xf32>,
      %get3A_259 = arith.index_cast %scan3A_66 : i32 to index
      %get3A_260 = arith.constant 304 : index
      %get3A_261 = tpu.vector_load %arg5[%get3A_259, %get3A_260] {strides = array<i32>} : memref<64x768xf32, #tpu.memory_space<vmem>>, vector<1x16xf32>,
      %get3A_262 = vector.shape_cast %get3A_261 : vector<1x16xf32> to vector<16xf32>
      %mul3A_263 = arith.mulf %get3A_262, %get3A_69 : vector<16xf32>
      %swap3A_264 = arith.index_cast %scan3A_66 : i32 to index
      %swap3A_265 = arith.constant 304 : index
      %swap3A_266 = tpu.vector_load %arg5[%swap3A_264, %swap3A_265] {strides = array<i32>} : memref<64x768xf32, #tpu.memory_space<vmem>>, vector<1x16xf32>,
      %swap3A_267 = vector.shape_cast %swap3A_266 : vector<1x16xf32> to vector<16xf32>
      %swap3A_268 = vector.shape_cast %mul3A_263 : vector<16xf32> to vector<1x16xf32>
      tpu.vector_store %arg5[%swap3A_264, %swap3A_265], %swap3A_268 {strides = array<i32>} : memref<64x768xf32, #tpu.memory_space<vmem>>, vector<1x16xf32>,
      %get3A_269 = arith.index_cast %scan3A_66 : i32 to index
      %get3A_270 = arith.constant 320 : index
      %get3A_271 = tpu.vector_load %arg5[%get3A_269, %get3A_270] {strides = array<i32>} : memref<64x768xf32, #tpu.memory_space<vmem>>, vector<1x16xf32>,
      %get3A_272 = vector.shape_cast %get3A_271 : vector<1x16xf32> to vector<16xf32>
      %mul3A_273 = arith.mulf %get3A_272, %get3A_69 : vector<16xf32>
      %swap3A_274 = arith.index_cast %scan3A_66 : i32 to index
      %swap3A_275 = arith.constant 320 : index
      %swap3A_276 = tpu.vector_load %arg5[%swap3A_274, %swap3A_275] {strides = array<i32>} : memref<64x768xf32, #tpu.memory_space<vmem>>, vector<1x16xf32>,
      %swap3A_277 = vector.shape_cast %swap3A_276 : vector<1x16xf32> to vector<16xf32>
      %swap3A_278 = vector.shape_cast %mul3A_273 : vector<16xf32> to vector<1x16xf32>
      tpu.vector_store %arg5[%swap3A_274, %swap3A_275], %swap3A_278 {strides = array<i32>} : memref<64x768xf32, #tpu.memory_space<vmem>>, vector<1x16xf32>,
      %get3A_279 = arith.index_cast %scan3A_66 : i32 to index
      %get3A_280 = arith.constant 336 : index
      %get3A_281 = tpu.vector_load %arg5[%get3A_279, %get3A_280] {strides = array<i32>} : memref<64x768xf32, #tpu.memory_space<vmem>>, vector<1x16xf32>,
      %get3A_282 = vector.shape_cast %get3A_281 : vector<1x16xf32> to vector<16xf32>
      %mul3A_283 = arith.mulf %get3A_282, %get3A_69 : vector<16xf32>
      %swap3A_284 = arith.index_cast %scan3A_66 : i32 to index
      %swap3A_285 = arith.constant 336 : index
      %swap3A_286 = tpu.vector_load %arg5[%swap3A_284, %swap3A_285] {strides = array<i32>} : memref<64x768xf32, #tpu.memory_space<vmem>>, vector<1x16xf32>,
      %swap3A_287 = vector.shape_cast %swap3A_286 : vector<1x16xf32> to vector<16xf32>
      %swap3A_288 = vector.shape_cast %mul3A_283 : vector<16xf32> to vector<1x16xf32>
      tpu.vector_store %arg5[%swap3A_284, %swap3A_285], %swap3A_288 {strides = array<i32>} : memref<64x768xf32, #tpu.memory_space<vmem>>, vector<1x16xf32>,
      %get3A_289 = arith.index_cast %scan3A_66 : i32 to index
      %get3A_290 = arith.constant 352 : index
      %get3A_291 = tpu.vector_load %arg5[%get3A_289, %get3A_290] {strides = array<i32>} : memref<64x768xf32, #tpu.memory_space<vmem>>, vector<1x16xf32>,
      %get3A_292 = vector.shape_cast %get3A_291 : vector<1x16xf32> to vector<16xf32>
      %mul3A_293 = arith.mulf %get3A_292, %get3A_69 : vector<16xf32>
      %swap3A_294 = arith.index_cast %scan3A_66 : i32 to index
      %swap3A_295 = arith.constant 352 : index
      %swap3A_296 = tpu.vector_load %arg5[%swap3A_294, %swap3A_295] {strides = array<i32>} : memref<64x768xf32, #tpu.memory_space<vmem>>, vector<1x16xf32>,
      %swap3A_297 = vector.shape_cast %swap3A_296 : vector<1x16xf32> to vector<16xf32>
      %swap3A_298 = vector.shape_cast %mul3A_293 : vector<16xf32> to vector<1x16xf32>
      tpu.vector_store %arg5[%swap3A_294, %swap3A_295], %swap3A_298 {strides = array<i32>} : memref<64x768xf32, #tpu.memory_space<vmem>>, vector<1x16xf32>,
      %get3A_299 = arith.index_cast %scan3A_66 : i32 to index
      %get3A_300 = arith.constant 368 : index
      %get3A_301 = tpu.vector_load %arg5[%get3A_299, %get3A_300] {strides = array<i32>} : memref<64x768xf32, #tpu.memory_space<vmem>>, vector<1x16xf32>,
      %get3A_302 = vector.shape_cast %get3A_301 : vector<1x16xf32> to vector<16xf32>
      %mul3A_303 = arith.mulf %get3A_302, %get3A_69 : vector<16xf32>
      %swap3A_304 = arith.index_cast %scan3A_66 : i32 to index
      %swap3A_305 = arith.constant 368 : index
      %swap3A_306 = tpu.vector_load %arg5[%swap3A_304, %swap3A_305] {strides = array<i32>} : memref<64x768xf32, #tpu.memory_space<vmem>>, vector<1x16xf32>,
      %swap3A_307 = vector.shape_cast %swap3A_306 : vector<1x16xf32> to vector<16xf32>
      %swap3A_308 = vector.shape_cast %mul3A_303 : vector<16xf32> to vector<1x16xf32>
      tpu.vector_store %arg5[%swap3A_304, %swap3A_305], %swap3A_308 {strides = array<i32>} : memref<64x768xf32, #tpu.memory_space<vmem>>, vector<1x16xf32>,
      %get3A_309 = arith.index_cast %scan3A_66 : i32 to index
      %get3A_310 = arith.constant 384 : index
      %get3A_311 = tpu.vector_load %arg5[%get3A_309, %get3A_310] {strides = array<i32>} : memref<64x768xf32, #tpu.memory_space<vmem>>, vector<1x16xf32>,
      %get3A_312 = vector.shape_cast %get3A_311 : vector<1x16xf32> to vector<16xf32>
      %mul3A_313 = arith.mulf %get3A_312, %get3A_69 : vector<16xf32>
      %swap3A_314 = arith.index_cast %scan3A_66 : i32 to index
      %swap3A_315 = arith.constant 384 : index
      %swap3A_316 = tpu.vector_load %arg5[%swap3A_314, %swap3A_315] {strides = array<i32>} : memref<64x768xf32, #tpu.memory_space<vmem>>, vector<1x16xf32>,
      %swap3A_317 = vector.shape_cast %swap3A_316 : vector<1x16xf32> to vector<16xf32>
      %swap3A_318 = vector.shape_cast %mul3A_313 : vector<16xf32> to vector<1x16xf32>
      tpu.vector_store %arg5[%swap3A_314, %swap3A_315], %swap3A_318 {strides = array<i32>} : memref<64x768xf32, #tpu.memory_space<vmem>>, vector<1x16xf32>,
      %get3A_319 = arith.index_cast %scan3A_66 : i32 to index
      %get3A_320 = arith.constant 400 : index
      %get3A_321 = tpu.vector_load %arg5[%get3A_319, %get3A_320] {strides = array<i32>} : memref<64x768xf32, #tpu.memory_space<vmem>>, vector<1x16xf32>,
      %get3A_322 = vector.shape_cast %get3A_321 : vector<1x16xf32> to vector<16xf32>
      %mul3A_323 = arith.mulf %get3A_322, %get3A_69 : vector<16xf32>
      %swap3A_324 = arith.index_cast %scan3A_66 : i32 to index
      %swap3A_325 = arith.constant 400 : index
      %swap3A_326 = tpu.vector_load %arg5[%swap3A_324, %swap3A_325] {strides = array<i32>} : memref<64x768xf32, #tpu.memory_space<vmem>>, vector<1x16xf32>,
      %swap3A_327 = vector.shape_cast %swap3A_326 : vector<1x16xf32> to vector<16xf32>
      %swap3A_328 = vector.shape_cast %mul3A_323 : vector<16xf32> to vector<1x16xf32>
      tpu.vector_store %arg5[%swap3A_324, %swap3A_325], %swap3A_328 {strides = array<i32>} : memref<64x768xf32, #tpu.memory_space<vmem>>, vector<1x16xf32>,
      %get3A_329 = arith.index_cast %scan3A_66 : i32 to index
      %get3A_330 = arith.constant 416 : index
      %get3A_331 = tpu.vector_load %arg5[%get3A_329, %get3A_330] {strides = array<i32>} : memref<64x768xf32, #tpu.memory_space<vmem>>, vector<1x16xf32>,
      %get3A_332 = vector.shape_cast %get3A_331 : vector<1x16xf32> to vector<16xf32>
      %mul3A_333 = arith.mulf %get3A_332, %get3A_69 : vector<16xf32>
      %swap3A_334 = arith.index_cast %scan3A_66 : i32 to index
      %swap3A_335 = arith.constant 416 : index
      %swap3A_336 = tpu.vector_load %arg5[%swap3A_334, %swap3A_335] {strides = array<i32>} : memref<64x768xf32, #tpu.memory_space<vmem>>, vector<1x16xf32>,
      %swap3A_337 = vector.shape_cast %swap3A_336 : vector<1x16xf32> to vector<16xf32>
      %swap3A_338 = vector.shape_cast %mul3A_333 : vector<16xf32> to vector<1x16xf32>
      tpu.vector_store %arg5[%swap3A_334, %swap3A_335], %swap3A_338 {strides = array<i32>} : memref<64x768xf32, #tpu.memory_space<vmem>>, vector<1x16xf32>,
      %get3A_339 = arith.index_cast %scan3A_66 : i32 to index
      %get3A_340 = arith.constant 432 : index
      %get3A_341 = tpu.vector_load %arg5[%get3A_339, %get3A_340] {strides = array<i32>} : memref<64x768xf32, #tpu.memory_space<vmem>>, vector<1x16xf32>,
      %get3A_342 = vector.shape_cast %get3A_341 : vector<1x16xf32> to vector<16xf32>
      %mul3A_343 = arith.mulf %get3A_342, %get3A_69 : vector<16xf32>
      %swap3A_344 = arith.index_cast %scan3A_66 : i32 to index
      %swap3A_345 = arith.constant 432 : index
      %swap3A_346 = tpu.vector_load %arg5[%swap3A_344, %swap3A_345] {strides = array<i32>} : memref<64x768xf32, #tpu.memory_space<vmem>>, vector<1x16xf32>,
      %swap3A_347 = vector.shape_cast %swap3A_346 : vector<1x16xf32> to vector<16xf32>
      %swap3A_348 = vector.shape_cast %mul3A_343 : vector<16xf32> to vector<1x16xf32>
      tpu.vector_store %arg5[%swap3A_344, %swap3A_345], %swap3A_348 {strides = array<i32>} : memref<64x768xf32, #tpu.memory_space<vmem>>, vector<1x16xf32>,
      %get3A_349 = arith.index_cast %scan3A_66 : i32 to index
      %get3A_350 = arith.constant 448 : index
      %get3A_351 = tpu.vector_load %arg5[%get3A_349, %get3A_350] {strides = array<i32>} : memref<64x768xf32, #tpu.memory_space<vmem>>, vector<1x16xf32>,
      %get3A_352 = vector.shape_cast %get3A_351 : vector<1x16xf32> to vector<16xf32>
      %mul3A_353 = arith.mulf %get3A_352, %get3A_69 : vector<16xf32>
      %swap3A_354 = arith.index_cast %scan3A_66 : i32 to index
      %swap3A_355 = arith.constant 448 : index
      %swap3A_356 = tpu.vector_load %arg5[%swap3A_354, %swap3A_355] {strides = array<i32>} : memref<64x768xf32, #tpu.memory_space<vmem>>, vector<1x16xf32>,
      %swap3A_357 = vector.shape_cast %swap3A_356 : vector<1x16xf32> to vector<16xf32>
      %swap3A_358 = vector.shape_cast %mul3A_353 : vector<16xf32> to vector<1x16xf32>
      tpu.vector_store %arg5[%swap3A_354, %swap3A_355], %swap3A_358 {strides = array<i32>} : memref<64x768xf32, #tpu.memory_space<vmem>>, vector<1x16xf32>,
      %get3A_359 = arith.index_cast %scan3A_66 : i32 to index
      %get3A_360 = arith.constant 464 : index
      %get3A_361 = tpu.vector_load %arg5[%get3A_359, %get3A_360] {strides = array<i32>} : memref<64x768xf32, #tpu.memory_space<vmem>>, vector<1x16xf32>,
      %get3A_362 = vector.shape_cast %get3A_361 : vector<1x16xf32> to vector<16xf32>
      %mul3A_363 = arith.mulf %get3A_362, %get3A_69 : vector<16xf32>
      %swap3A_364 = arith.index_cast %scan3A_66 : i32 to index
      %swap3A_365 = arith.constant 464 : index
      %swap3A_366 = tpu.vector_load %arg5[%swap3A_364, %swap3A_365] {strides = array<i32>} : memref<64x768xf32, #tpu.memory_space<vmem>>, vector<1x16xf32>,
      %swap3A_367 = vector.shape_cast %swap3A_366 : vector<1x16xf32> to vector<16xf32>
      %swap3A_368 = vector.shape_cast %mul3A_363 : vector<16xf32> to vector<1x16xf32>
      tpu.vector_store %arg5[%swap3A_364, %swap3A_365], %swap3A_368 {strides = array<i32>} : memref<64x768xf32, #tpu.memory_space<vmem>>, vector<1x16xf32>,
      %get3A_369 = arith.index_cast %scan3A_66 : i32 to index
      %get3A_370 = arith.constant 480 : index
      %get3A_371 = tpu.vector_load %arg5[%get3A_369, %get3A_370] {strides = array<i32>} : memref<64x768xf32, #tpu.memory_space<vmem>>, vector<1x16xf32>,
      %get3A_372 = vector.shape_cast %get3A_371 : vector<1x16xf32> to vector<16xf32>
      %mul3A_373 = arith.mulf %get3A_372, %get3A_69 : vector<16xf32>
      %swap3A_374 = arith.index_cast %scan3A_66 : i32 to index
      %swap3A_375 = arith.constant 480 : index
      %swap3A_376 = tpu.vector_load %arg5[%swap3A_374, %swap3A_375] {strides = array<i32>} : memref<64x768xf32, #tpu.memory_space<vmem>>, vector<1x16xf32>,
      %swap3A_377 = vector.shape_cast %swap3A_376 : vector<1x16xf32> to vector<16xf32>
      %swap3A_378 = vector.shape_cast %mul3A_373 : vector<16xf32> to vector<1x16xf32>
      tpu.vector_store %arg5[%swap3A_374, %swap3A_375], %swap3A_378 {strides = array<i32>} : memref<64x768xf32, #tpu.memory_space<vmem>>, vector<1x16xf32>,
      %get3A_379 = arith.index_cast %scan3A_66 : i32 to index
      %get3A_380 = arith.constant 496 : index
      %get3A_381 = tpu.vector_load %arg5[%get3A_379, %get3A_380] {strides = array<i32>} : memref<64x768xf32, #tpu.memory_space<vmem>>, vector<1x16xf32>,
      %get3A_382 = vector.shape_cast %get3A_381 : vector<1x16xf32> to vector<16xf32>
      %mul3A_383 = arith.mulf %get3A_382, %get3A_69 : vector<16xf32>
      %swap3A_384 = arith.index_cast %scan3A_66 : i32 to index
      %swap3A_385 = arith.constant 496 : index
      %swap3A_386 = tpu.vector_load %arg5[%swap3A_384, %swap3A_385] {strides = array<i32>} : memref<64x768xf32, #tpu.memory_space<vmem>>, vector<1x16xf32>,
      %swap3A_387 = vector.shape_cast %swap3A_386 : vector<1x16xf32> to vector<16xf32>
      %swap3A_388 = vector.shape_cast %mul3A_383 : vector<16xf32> to vector<1x16xf32>
      tpu.vector_store %arg5[%swap3A_384, %swap3A_385], %swap3A_388 {strides = array<i32>} : memref<64x768xf32, #tpu.memory_space<vmem>>, vector<1x16xf32>,
      %get3A_389 = arith.index_cast %scan3A_66 : i32 to index
      %get3A_390 = arith.constant 512 : index
      %get3A_391 = tpu.vector_load %arg5[%get3A_389, %get3A_390] {strides = array<i32>} : memref<64x768xf32, #tpu.memory_space<vmem>>, vector<1x16xf32>,
      %get3A_392 = vector.shape_cast %get3A_391 : vector<1x16xf32> to vector<16xf32>
      %mul3A_393 = arith.mulf %get3A_392, %get3A_69 : vector<16xf32>
      %swap3A_394 = arith.index_cast %scan3A_66 : i32 to index
      %swap3A_395 = arith.constant 512 : index
      %swap3A_396 = tpu.vector_load %arg5[%swap3A_394, %swap3A_395] {strides = array<i32>} : memref<64x768xf32, #tpu.memory_space<vmem>>, vector<1x16xf32>,
      %swap3A_397 = vector.shape_cast %swap3A_396 : vector<1x16xf32> to vector<16xf32>
      %swap3A_398 = vector.shape_cast %mul3A_393 : vector<16xf32> to vector<1x16xf32>
      tpu.vector_store %arg5[%swap3A_394, %swap3A_395], %swap3A_398 {strides = array<i32>} : memref<64x768xf32, #tpu.memory_space<vmem>>, vector<1x16xf32>,
      %get3A_399 = arith.index_cast %scan3A_66 : i32 to index
      %get3A_400 = arith.constant 528 : index
      %get3A_401 = tpu.vector_load %arg5[%get3A_399, %get3A_400] {strides = array<i32>} : memref<64x768xf32, #tpu.memory_space<vmem>>, vector<1x16xf32>,
      %get3A_402 = vector.shape_cast %get3A_401 : vector<1x16xf32> to vector<16xf32>
      %mul3A_403 = arith.mulf %get3A_402, %get3A_69 : vector<16xf32>
      %swap3A_404 = arith.index_cast %scan3A_66 : i32 to index
      %swap3A_405 = arith.constant 528 : index
      %swap3A_406 = tpu.vector_load %arg5[%swap3A_404, %swap3A_405] {strides = array<i32>} : memref<64x768xf32, #tpu.memory_space<vmem>>, vector<1x16xf32>,
      %swap3A_407 = vector.shape_cast %swap3A_406 : vector<1x16xf32> to vector<16xf32>
      %swap3A_408 = vector.shape_cast %mul3A_403 : vector<16xf32> to vector<1x16xf32>
      tpu.vector_store %arg5[%swap3A_404, %swap3A_405], %swap3A_408 {strides = array<i32>} : memref<64x768xf32, #tpu.memory_space<vmem>>, vector<1x16xf32>,
      %get3A_409 = arith.index_cast %scan3A_66 : i32 to index
      %get3A_410 = arith.constant 544 : index
      %get3A_411 = tpu.vector_load %arg5[%get3A_409, %get3A_410] {strides = array<i32>} : memref<64x768xf32, #tpu.memory_space<vmem>>, vector<1x16xf32>,
      %get3A_412 = vector.shape_cast %get3A_411 : vector<1x16xf32> to vector<16xf32>
      %mul3A_413 = arith.mulf %get3A_412, %get3A_69 : vector<16xf32>
      %swap3A_414 = arith.index_cast %scan3A_66 : i32 to index
      %swap3A_415 = arith.constant 544 : index
      %swap3A_416 = tpu.vector_load %arg5[%swap3A_414, %swap3A_415] {strides = array<i32>} : memref<64x768xf32, #tpu.memory_space<vmem>>, vector<1x16xf32>,
      %swap3A_417 = vector.shape_cast %swap3A_416 : vector<1x16xf32> to vector<16xf32>
      %swap3A_418 = vector.shape_cast %mul3A_413 : vector<16xf32> to vector<1x16xf32>
      tpu.vector_store %arg5[%swap3A_414, %swap3A_415], %swap3A_418 {strides = array<i32>} : memref<64x768xf32, #tpu.memory_space<vmem>>, vector<1x16xf32>,
      %get3A_419 = arith.index_cast %scan3A_66 : i32 to index
      %get3A_420 = arith.constant 560 : index
      %get3A_421 = tpu.vector_load %arg5[%get3A_419, %get3A_420] {strides = array<i32>} : memref<64x768xf32, #tpu.memory_space<vmem>>, vector<1x16xf32>,
      %get3A_422 = vector.shape_cast %get3A_421 : vector<1x16xf32> to vector<16xf32>
      %mul3A_423 = arith.mulf %get3A_422, %get3A_69 : vector<16xf32>
      %swap3A_424 = arith.index_cast %scan3A_66 : i32 to index
      %swap3A_425 = arith.constant 560 : index
      %swap3A_426 = tpu.vector_load %arg5[%swap3A_424, %swap3A_425] {strides = array<i32>} : memref<64x768xf32, #tpu.memory_space<vmem>>, vector<1x16xf32>,
      %swap3A_427 = vector.shape_cast %swap3A_426 : vector<1x16xf32> to vector<16xf32>
      %swap3A_428 = vector.shape_cast %mul3A_423 : vector<16xf32> to vector<1x16xf32>
      tpu.vector_store %arg5[%swap3A_424, %swap3A_425], %swap3A_428 {strides = array<i32>} : memref<64x768xf32, #tpu.memory_space<vmem>>, vector<1x16xf32>,
      %get3A_429 = arith.index_cast %scan3A_66 : i32 to index
      %get3A_430 = arith.constant 576 : index
      %get3A_431 = tpu.vector_load %arg5[%get3A_429, %get3A_430] {strides = array<i32>} : memref<64x768xf32, #tpu.memory_space<vmem>>, vector<1x16xf32>,
      %get3A_432 = vector.shape_cast %get3A_431 : vector<1x16xf32> to vector<16xf32>
      %mul3A_433 = arith.mulf %get3A_432, %get3A_69 : vector<16xf32>
      %swap3A_434 = arith.index_cast %scan3A_66 : i32 to index
      %swap3A_435 = arith.constant 576 : index
      %swap3A_436 = tpu.vector_load %arg5[%swap3A_434, %swap3A_435] {strides = array<i32>} : memref<64x768xf32, #tpu.memory_space<vmem>>, vector<1x16xf32>,
      %swap3A_437 = vector.shape_cast %swap3A_436 : vector<1x16xf32> to vector<16xf32>
      %swap3A_438 = vector.shape_cast %mul3A_433 : vector<16xf32> to vector<1x16xf32>
      tpu.vector_store %arg5[%swap3A_434, %swap3A_435], %swap3A_438 {strides = array<i32>} : memref<64x768xf32, #tpu.memory_space<vmem>>, vector<1x16xf32>,
      %get3A_439 = arith.index_cast %scan3A_66 : i32 to index
      %get3A_440 = arith.constant 592 : index
      %get3A_441 = tpu.vector_load %arg5[%get3A_439, %get3A_440] {strides = array<i32>} : memref<64x768xf32, #tpu.memory_space<vmem>>, vector<1x16xf32>,
      %get3A_442 = vector.shape_cast %get3A_441 : vector<1x16xf32> to vector<16xf32>
      %mul3A_443 = arith.mulf %get3A_442, %get3A_69 : vector<16xf32>
      %swap3A_444 = arith.index_cast %scan3A_66 : i32 to index
      %swap3A_445 = arith.constant 592 : index
      %swap3A_446 = tpu.vector_load %arg5[%swap3A_444, %swap3A_445] {strides = array<i32>} : memref<64x768xf32, #tpu.memory_space<vmem>>, vector<1x16xf32>,
      %swap3A_447 = vector.shape_cast %swap3A_446 : vector<1x16xf32> to vector<16xf32>
      %swap3A_448 = vector.shape_cast %mul3A_443 : vector<16xf32> to vector<1x16xf32>
      tpu.vector_store %arg5[%swap3A_444, %swap3A_445], %swap3A_448 {strides = array<i32>} : memref<64x768xf32, #tpu.memory_space<vmem>>, vector<1x16xf32>,
      %get3A_449 = arith.index_cast %scan3A_66 : i32 to index
      %get3A_450 = arith.constant 608 : index
      %get3A_451 = tpu.vector_load %arg5[%get3A_449, %get3A_450] {strides = array<i32>} : memref<64x768xf32, #tpu.memory_space<vmem>>, vector<1x16xf32>,
      %get3A_452 = vector.shape_cast %get3A_451 : vector<1x16xf32> to vector<16xf32>
      %mul3A_453 = arith.mulf %get3A_452, %get3A_69 : vector<16xf32>
      %swap3A_454 = arith.index_cast %scan3A_66 : i32 to index
      %swap3A_455 = arith.constant 608 : index
      %swap3A_456 = tpu.vector_load %arg5[%swap3A_454, %swap3A_455] {strides = array<i32>} : memref<64x768xf32, #tpu.memory_space<vmem>>, vector<1x16xf32>,
      %swap3A_457 = vector.shape_cast %swap3A_456 : vector<1x16xf32> to vector<16xf32>
      %swap3A_458 = vector.shape_cast %mul3A_453 : vector<16xf32> to vector<1x16xf32>
      tpu.vector_store %arg5[%swap3A_454, %swap3A_455], %swap3A_458 {strides = array<i32>} : memref<64x768xf32, #tpu.memory_space<vmem>>, vector<1x16xf32>,
      %get3A_459 = arith.index_cast %scan3A_66 : i32 to index
      %get3A_460 = arith.constant 624 : index
      %get3A_461 = tpu.vector_load %arg5[%get3A_459, %get3A_460] {strides = array<i32>} : memref<64x768xf32, #tpu.memory_space<vmem>>, vector<1x16xf32>,
      %get3A_462 = vector.shape_cast %get3A_461 : vector<1x16xf32> to vector<16xf32>
      %mul3A_463 = arith.mulf %get3A_462, %get3A_69 : vector<16xf32>
      %swap3A_464 = arith.index_cast %scan3A_66 : i32 to index
      %swap3A_465 = arith.constant 624 : index
      %swap3A_466 = tpu.vector_load %arg5[%swap3A_464, %swap3A_465] {strides = array<i32>} : memref<64x768xf32, #tpu.memory_space<vmem>>, vector<1x16xf32>,
      %swap3A_467 = vector.shape_cast %swap3A_466 : vector<1x16xf32> to vector<16xf32>
      %swap3A_468 = vector.shape_cast %mul3A_463 : vector<16xf32> to vector<1x16xf32>
      tpu.vector_store %arg5[%swap3A_464, %swap3A_465], %swap3A_468 {strides = array<i32>} : memref<64x768xf32, #tpu.memory_space<vmem>>, vector<1x16xf32>,
      %get3A_469 = arith.index_cast %scan3A_66 : i32 to index
      %get3A_470 = arith.constant 640 : index
      %get3A_471 = tpu.vector_load %arg5[%get3A_469, %get3A_470] {strides = array<i32>} : memref<64x768xf32, #tpu.memory_space<vmem>>, vector<1x16xf32>,
      %get3A_472 = vector.shape_cast %get3A_471 : vector<1x16xf32> to vector<16xf32>
      %mul3A_473 = arith.mulf %get3A_472, %get3A_69 : vector<16xf32>
      %swap3A_474 = arith.index_cast %scan3A_66 : i32 to index
      %swap3A_475 = arith.constant 640 : index
      %swap3A_476 = tpu.vector_load %arg5[%swap3A_474, %swap3A_475] {strides = array<i32>} : memref<64x768xf32, #tpu.memory_space<vmem>>, vector<1x16xf32>,
      %swap3A_477 = vector.shape_cast %swap3A_476 : vector<1x16xf32> to vector<16xf32>
      %swap3A_478 = vector.shape_cast %mul3A_473 : vector<16xf32> to vector<1x16xf32>
      tpu.vector_store %arg5[%swap3A_474, %swap3A_475], %swap3A_478 {strides = array<i32>} : memref<64x768xf32, #tpu.memory_space<vmem>>, vector<1x16xf32>,
      %get3A_479 = arith.index_cast %scan3A_66 : i32 to index
      %get3A_480 = arith.constant 656 : index
      %get3A_481 = tpu.vector_load %arg5[%get3A_479, %get3A_480] {strides = array<i32>} : memref<64x768xf32, #tpu.memory_space<vmem>>, vector<1x16xf32>,
      %get3A_482 = vector.shape_cast %get3A_481 : vector<1x16xf32> to vector<16xf32>
      %mul3A_483 = arith.mulf %get3A_482, %get3A_69 : vector<16xf32>
      %swap3A_484 = arith.index_cast %scan3A_66 : i32 to index
      %swap3A_485 = arith.constant 656 : index
      %swap3A_486 = tpu.vector_load %arg5[%swap3A_484, %swap3A_485] {strides = array<i32>} : memref<64x768xf32, #tpu.memory_space<vmem>>, vector<1x16xf32>,
      %swap3A_487 = vector.shape_cast %swap3A_486 : vector<1x16xf32> to vector<16xf32>
      %swap3A_488 = vector.shape_cast %mul3A_483 : vector<16xf32> to vector<1x16xf32>
      tpu.vector_store %arg5[%swap3A_484, %swap3A_485], %swap3A_488 {strides = array<i32>} : memref<64x768xf32, #tpu.memory_space<vmem>>, vector<1x16xf32>,
      %get3A_489 = arith.index_cast %scan3A_66 : i32 to index
      %get3A_490 = arith.constant 672 : index
      %get3A_491 = tpu.vector_load %arg5[%get3A_489, %get3A_490] {strides = array<i32>} : memref<64x768xf32, #tpu.memory_space<vmem>>, vector<1x16xf32>,
      %get3A_492 = vector.shape_cast %get3A_491 : vector<1x16xf32> to vector<16xf32>
      %mul3A_493 = arith.mulf %get3A_492, %get3A_69 : vector<16xf32>
      %swap3A_494 = arith.index_cast %scan3A_66 : i32 to index
      %swap3A_495 = arith.constant 672 : index
      %swap3A_496 = tpu.vector_load %arg5[%swap3A_494, %swap3A_495] {strides = array<i32>} : memref<64x768xf32, #tpu.memory_space<vmem>>, vector<1x16xf32>,
      %swap3A_497 = vector.shape_cast %swap3A_496 : vector<1x16xf32> to vector<16xf32>
      %swap3A_498 = vector.shape_cast %mul3A_493 : vector<16xf32> to vector<1x16xf32>
      tpu.vector_store %arg5[%swap3A_494, %swap3A_495], %swap3A_498 {strides = array<i32>} : memref<64x768xf32, #tpu.memory_space<vmem>>, vector<1x16xf32>,
      %get3A_499 = arith.index_cast %scan3A_66 : i32 to index
      %get3A_500 = arith.constant 688 : index
      %get3A_501 = tpu.vector_load %arg5[%get3A_499, %get3A_500] {strides = array<i32>} : memref<64x768xf32, #tpu.memory_space<vmem>>, vector<1x16xf32>,
      %get3A_502 = vector.shape_cast %get3A_501 : vector<1x16xf32> to vector<16xf32>
      %mul3A_503 = arith.mulf %get3A_502, %get3A_69 : vector<16xf32>
      %swap3A_504 = arith.index_cast %scan3A_66 : i32 to index
      %swap3A_505 = arith.constant 688 : index
      %swap3A_506 = tpu.vector_load %arg5[%swap3A_504, %swap3A_505] {strides = array<i32>} : memref<64x768xf32, #tpu.memory_space<vmem>>, vector<1x16xf32>,
      %swap3A_507 = vector.shape_cast %swap3A_506 : vector<1x16xf32> to vector<16xf32>
      %swap3A_508 = vector.shape_cast %mul3A_503 : vector<16xf32> to vector<1x16xf32>
      tpu.vector_store %arg5[%swap3A_504, %swap3A_505], %swap3A_508 {strides = array<i32>} : memref<64x768xf32, #tpu.memory_space<vmem>>, vector<1x16xf32>,
      %get3A_509 = arith.index_cast %scan3A_66 : i32 to index
      %get3A_510 = arith.constant 704 : index
      %get3A_511 = tpu.vector_load %arg5[%get3A_509, %get3A_510] {strides = array<i32>} : memref<64x768xf32, #tpu.memory_space<vmem>>, vector<1x16xf32>,
      %get3A_512 = vector.shape_cast %get3A_511 : vector<1x16xf32> to vector<16xf32>
      %mul3A_513 = arith.mulf %get3A_512, %get3A_69 : vector<16xf32>
      %swap3A_514 = arith.index_cast %scan3A_66 : i32 to index
      %swap3A_515 = arith.constant 704 : index
      %swap3A_516 = tpu.vector_load %arg5[%swap3A_514, %swap3A_515] {strides = array<i32>} : memref<64x768xf32, #tpu.memory_space<vmem>>, vector<1x16xf32>,
      %swap3A_517 = vector.shape_cast %swap3A_516 : vector<1x16xf32> to vector<16xf32>
      %swap3A_518 = vector.shape_cast %mul3A_513 : vector<16xf32> to vector<1x16xf32>
      tpu.vector_store %arg5[%swap3A_514, %swap3A_515], %swap3A_518 {strides = array<i32>} : memref<64x768xf32, #tpu.memory_space<vmem>>, vector<1x16xf32>,
      %get3A_519 = arith.index_cast %scan3A_66 : i32 to index
      %get3A_520 = arith.constant 720 : index
      %get3A_521 = tpu.vector_load %arg5[%get3A_519, %get3A_520] {strides = array<i32>} : memref<64x768xf32, #tpu.memory_space<vmem>>, vector<1x16xf32>,
      %get3A_522 = vector.shape_cast %get3A_521 : vector<1x16xf32> to vector<16xf32>
      %mul3A_523 = arith.mulf %get3A_522, %get3A_69 : vector<16xf32>
      %swap3A_524 = arith.index_cast %scan3A_66 : i32 to index
      %swap3A_525 = arith.constant 720 : index
      %swap3A_526 = tpu.vector_load %arg5[%swap3A_524, %swap3A_525] {strides = array<i32>} : memref<64x768xf32, #tpu.memory_space<vmem>>, vector<1x16xf32>,
      %swap3A_527 = vector.shape_cast %swap3A_526 : vector<1x16xf32> to vector<16xf32>
      %swap3A_528 = vector.shape_cast %mul3A_523 : vector<16xf32> to vector<1x16xf32>
      tpu.vector_store %arg5[%swap3A_524, %swap3A_525], %swap3A_528 {strides = array<i32>} : memref<64x768xf32, #tpu.memory_space<vmem>>, vector<1x16xf32>,
      %get3A_529 = arith.index_cast %scan3A_66 : i32 to index
      %get3A_530 = arith.constant 736 : index
      %get3A_531 = tpu.vector_load %arg5[%get3A_529, %get3A_530] {strides = array<i32>} : memref<64x768xf32, #tpu.memory_space<vmem>>, vector<1x16xf32>,
      %get3A_532 = vector.shape_cast %get3A_531 : vector<1x16xf32> to vector<16xf32>
      %mul3A_533 = arith.mulf %get3A_532, %get3A_69 : vector<16xf32>
      %swap3A_534 = arith.index_cast %scan3A_66 : i32 to index
      %swap3A_535 = arith.constant 736 : index
      %swap3A_536 = tpu.vector_load %arg5[%swap3A_534, %swap3A_535] {strides = array<i32>} : memref<64x768xf32, #tpu.memory_space<vmem>>, vector<1x16xf32>,
      %swap3A_537 = vector.shape_cast %swap3A_536 : vector<1x16xf32> to vector<16xf32>
      %swap3A_538 = vector.shape_cast %mul3A_533 : vector<16xf32> to vector<1x16xf32>
      tpu.vector_store %arg5[%swap3A_534, %swap3A_535], %swap3A_538 {strides = array<i32>} : memref<64x768xf32, #tpu.memory_space<vmem>>, vector<1x16xf32>,
      %get3A_539 = arith.index_cast %scan3A_66 : i32 to index
      %get3A_540 = arith.constant 752 : index
      %get3A_541 = tpu.vector_load %arg5[%get3A_539, %get3A_540] {strides = array<i32>} : memref<64x768xf32, #tpu.memory_space<vmem>>, vector<1x16xf32>,
      %get3A_542 = vector.shape_cast %get3A_541 : vector<1x16xf32> to vector<16xf32>
      %mul3A_543 = arith.mulf %get3A_542, %get3A_69 : vector<16xf32>
      %swap3A_544 = arith.index_cast %scan3A_66 : i32 to index
      %swap3A_545 = arith.constant 752 : index
      %swap3A_546 = tpu.vector_load %arg5[%swap3A_544, %swap3A_545] {strides = array<i32>} : memref<64x768xf32, #tpu.memory_space<vmem>>, vector<1x16xf32>,
      %swap3A_547 = vector.shape_cast %swap3A_546 : vector<1x16xf32> to vector<16xf32>
      %swap3A_548 = vector.shape_cast %mul3A_543 : vector<16xf32> to vector<1x16xf32>
      tpu.vector_store %arg5[%swap3A_544, %swap3A_545], %swap3A_548 {strides = array<i32>} : memref<64x768xf32, #tpu.memory_space<vmem>>, vector<1x16xf32>,
    }
    %scan3A_17 = arith.constant 64 : i32
    "tpu.region"() ({
      %run_scoped3A = tpu.sem_alloc : memref<!tpu.dma_semaphore, #tpu.memory_space<semaphore_mem>>
      %dma_start3A = arith.constant 0 : i32
      %dma_start3A_66 = tpu.memref_slice %arg4[%add3A_11, %dma_start3A] : memref<16384x768xf32, #tpu.memory_space<hbm>> -> memref<64x768xf32, #tpu.memory_space<hbm>>
      %dma_start3A_67 = arith.constant 0 : i32
      %dma_start3A_68 = tpu.memref_slice %arg4[%add3A_11, %dma_start3A_67] : memref<16384x768xf32, #tpu.memory_space<hbm>> -> memref<64x768xf32, #tpu.memory_space<hbm>>
      tpu.enqueue_dma source(%arg5 : memref<64x768xf32, #tpu.memory_space<vmem>>) target(%dma_start3A_68 : memref<64x768xf32, #tpu.memory_space<hbm>>) target_semaphore(%run_scoped3A : memref<!tpu.dma_semaphore, #tpu.memory_space<semaphore_mem>>)
      %dma_wait3A = arith.constant 0 : i32
      %dma_wait3A_69 = tpu.memref_slice %arg4[%add3A_11, %dma_wait3A] : memref<16384x768xf32, #tpu.memory_space<hbm>> -> memref<64x768xf32, #tpu.memory_space<hbm>>
      %dma_wait3A_70 = arith.constant 0 : i32
      %dma_wait3A_71 = tpu.memref_slice %arg4[%add3A_11, %dma_wait3A_70] : memref<16384x768xf32, #tpu.memory_space<hbm>> -> memref<64x768xf32, #tpu.memory_space<hbm>>
      tpu.wait_dma2 semaphore(%run_scoped3A : memref<!tpu.dma_semaphore, #tpu.memory_space<semaphore_mem>>) src(%arg5 : memref<64x768xf32, #tpu.memory_space<vmem>>) dst(%dma_wait3A_71 : memref<64x768xf32, #tpu.memory_space<hbm>>)
      tpu.yield
    }) : () -> ()
    %add3A_18 = arith.constant 128 : i32
    %add3A_19 = arith.addi %mul3A_2, %add3A_18 : i32
    "tpu.region"() ({
      %run_scoped3A = tpu.sem_alloc : memref<!tpu.dma_semaphore, #tpu.memory_space<semaphore_mem>>
      %dma_start3A = arith.constant 0 : i32
      %dma_start3A_66 = tpu.memref_slice %arg2[%add3A_19, %dma_start3A] : memref<16384x768xf32, #tpu.memory_space<hbm>> -> memref<64x768xf32, #tpu.memory_space<hbm>>
      %dma_start3A_67 = arith.constant 0 : i32
      %dma_start3A_68 = tpu.memref_slice %arg2[%add3A_19, %dma_start3A_67] : memref<16384x768xf32, #tpu.memory_space<hbm>> -> memref<64x768xf32, #tpu.memory_space<hbm>>
      tpu.enqueue_dma source(%dma_start3A_68 : memref<64x768xf32, #tpu.memory_space<hbm>>) target(%arg5 : memref<64x768xf32, #tpu.memory_space<vmem>>) target_semaphore(%run_scoped3A : memref<!tpu.dma_semaphore, #tpu.memory_space<semaphore_mem>>)
      %dma_wait3A = arith.constant 0 : i32
      %dma_wait3A_69 = tpu.memref_slice %arg2[%add3A_19, %dma_wait3A] : memref<16384x768xf32, #tpu.memory_space<hbm>> -> memref<64x768xf32, #tpu.memory_space<hbm>>
      %dma_wait3A_70 = arith.constant 0 : i32
      %dma_wait3A_71 = tpu.memref_slice %arg2[%add3A_19, %dma_wait3A_70] : memref<16384x768xf32, #tpu.memory_space<hbm>> -> memref<64x768xf32, #tpu.memory_space<hbm>>
      tpu.wait_dma2 semaphore(%run_scoped3A : memref<!tpu.dma_semaphore, #tpu.memory_space<semaphore_mem>>) src(%dma_wait3A_71 : memref<64x768xf32, #tpu.memory_space<hbm>>) dst(%arg5 : memref<64x768xf32, #tpu.memory_space<vmem>>)
      tpu.yield
    }) : () -> ()
    "tpu.region"() ({
      %run_scoped3A = tpu.sem_alloc : memref<!tpu.dma_semaphore, #tpu.memory_space<semaphore_mem>>
      %dma_start3A = arith.constant 0 : i32
      %dma_start3A_66 = tpu.memref_slice %arg3[%add3A_19, %dma_start3A] : memref<16384x128xf32, #tpu.memory_space<hbm>> -> memref<64x128xf32, #tpu.memory_space<hbm>>
      %dma_start3A_67 = arith.constant 0 : i32
      %dma_start3A_68 = tpu.memref_slice %arg3[%add3A_19, %dma_start3A_67] : memref<16384x128xf32, #tpu.memory_space<hbm>> -> memref<64x128xf32, #tpu.memory_space<hbm>>
      tpu.enqueue_dma source(%dma_start3A_68 : memref<64x128xf32, #tpu.memory_space<hbm>>) target(%arg6 : memref<64x128xf32, #tpu.memory_space<vmem>>) target_semaphore(%run_scoped3A : memref<!tpu.dma_semaphore, #tpu.memory_space<semaphore_mem>>)
      %dma_wait3A = arith.constant 0 : i32
      %dma_wait3A_69 = tpu.memref_slice %arg3[%add3A_19, %dma_wait3A] : memref<16384x128xf32, #tpu.memory_space<hbm>> -> memref<64x128xf32, #tpu.memory_space<hbm>>
      %dma_wait3A_70 = arith.constant 0 : i32
      %dma_wait3A_71 = tpu.memref_slice %arg3[%add3A_19, %dma_wait3A_70] : memref<16384x128xf32, #tpu.memory_space<hbm>> -> memref<64x128xf32, #tpu.memory_space<hbm>>
      tpu.wait_dma2 semaphore(%run_scoped3A : memref<!tpu.dma_semaphore, #tpu.memory_space<semaphore_mem>>) src(%dma_wait3A_71 : memref<64x128xf32, #tpu.memory_space<hbm>>) dst(%arg6 : memref<64x128xf32, #tpu.memory_space<vmem>>)
      tpu.yield
    }) : () -> ()
    %scan3A_20 = arith.constant 0 : i32
    %scan3A_21 = arith.constant 0 : i32
    %scan3A_22 = arith.constant 64 : i32
    %scan3A_23 = arith.addi %scan3A_21, %scan3A_22 : i32
    %scan3A_24 = arith.constant 1 : i32
    scf.for %scan3A_66 = %scan3A_21 to %scan3A_23 step %scan3A_24  : i32 {
      %get3A = arith.index_cast %scan3A_66 : i32 to index
      %get3A_67 = arith.constant 0 : index
      %get3A_68 = tpu.vector_load %arg6[%get3A, %get3A_67] {strides = array<i32>} : memref<64x128xf32, #tpu.memory_space<vmem>>, vector<1x16xf32>,
      %get3A_69 = vector.shape_cast %get3A_68 : vector<1x16xf32> to vector<16xf32>
      %get3A_70 = arith.index_cast %scan3A_66 : i32 to index
      %get3A_71 = arith.constant 0 : index
      %get3A_72 = tpu.vector_load %arg5[%get3A_70, %get3A_71] {strides = array<i32>} : memref<64x768xf32, #tpu.memory_space<vmem>>, vector<1x16xf32>,
      %get3A_73 = vector.shape_cast %get3A_72 : vector<1x16xf32> to vector<16xf32>
      %mul3A_74 = arith.mulf %get3A_73, %get3A_69 : vector<16xf32>
      %swap3A = arith.index_cast %scan3A_66 : i32 to index
      %swap3A_75 = arith.constant 0 : index
      %swap3A_76 = tpu.vector_load %arg5[%swap3A, %swap3A_75] {strides = array<i32>} : memref<64x768xf32, #tpu.memory_space<vmem>>, vector<1x16xf32>,
      %swap3A_77 = vector.shape_cast %swap3A_76 : vector<1x16xf32> to vector<16xf32>
      %swap3A_78 = vector.shape_cast %mul3A_74 : vector<16xf32> to vector<1x16xf32>
      tpu.vector_store %arg5[%swap3A, %swap3A_75], %swap3A_78 {strides = array<i32>} : memref<64x768xf32, #tpu.memory_space<vmem>>, vector<1x16xf32>,
      %get3A_79 = arith.index_cast %scan3A_66 : i32 to index
      %get3A_80 = arith.constant 16 : index
      %get3A_81 = tpu.vector_load %arg5[%get3A_79, %get3A_80] {strides = array<i32>} : memref<64x768xf32, #tpu.memory_space<vmem>>, vector<1x16xf32>,
      %get3A_82 = vector.shape_cast %get3A_81 : vector<1x16xf32> to vector<16xf32>
      %mul3A_83 = arith.mulf %get3A_82, %get3A_69 : vector<16xf32>
      %swap3A_84 = arith.index_cast %scan3A_66 : i32 to index
      %swap3A_85 = arith.constant 16 : index
      %swap3A_86 = tpu.vector_load %arg5[%swap3A_84, %swap3A_85] {strides = array<i32>} : memref<64x768xf32, #tpu.memory_space<vmem>>, vector<1x16xf32>,
      %swap3A_87 = vector.shape_cast %swap3A_86 : vector<1x16xf32> to vector<16xf32>
      %swap3A_88 = vector.shape_cast %mul3A_83 : vector<16xf32> to vector<1x16xf32>
      tpu.vector_store %arg5[%swap3A_84, %swap3A_85], %swap3A_88 {strides = array<i32>} : memref<64x768xf32, #tpu.memory_space<vmem>>, vector<1x16xf32>,
      %get3A_89 = arith.index_cast %scan3A_66 : i32 to index
      %get3A_90 = arith.constant 32 : index
      %get3A_91 = tpu.vector_load %arg5[%get3A_89, %get3A_90] {strides = array<i32>} : memref<64x768xf32, #tpu.memory_space<vmem>>, vector<1x16xf32>,
      %get3A_92 = vector.shape_cast %get3A_91 : vector<1x16xf32> to vector<16xf32>
      %mul3A_93 = arith.mulf %get3A_92, %get3A_69 : vector<16xf32>
      %swap3A_94 = arith.index_cast %scan3A_66 : i32 to index
      %swap3A_95 = arith.constant 32 : index
      %swap3A_96 = tpu.vector_load %arg5[%swap3A_94, %swap3A_95] {strides = array<i32>} : memref<64x768xf32, #tpu.memory_space<vmem>>, vector<1x16xf32>,
      %swap3A_97 = vector.shape_cast %swap3A_96 : vector<1x16xf32> to vector<16xf32>
      %swap3A_98 = vector.shape_cast %mul3A_93 : vector<16xf32> to vector<1x16xf32>
      tpu.vector_store %arg5[%swap3A_94, %swap3A_95], %swap3A_98 {strides = array<i32>} : memref<64x768xf32, #tpu.memory_space<vmem>>, vector<1x16xf32>,
      %get3A_99 = arith.index_cast %scan3A_66 : i32 to index
      %get3A_100 = arith.constant 48 : index
      %get3A_101 = tpu.vector_load %arg5[%get3A_99, %get3A_100] {strides = array<i32>} : memref<64x768xf32, #tpu.memory_space<vmem>>, vector<1x16xf32>,
      %get3A_102 = vector.shape_cast %get3A_101 : vector<1x16xf32> to vector<16xf32>
      %mul3A_103 = arith.mulf %get3A_102, %get3A_69 : vector<16xf32>
      %swap3A_104 = arith.index_cast %scan3A_66 : i32 to index
      %swap3A_105 = arith.constant 48 : index
      %swap3A_106 = tpu.vector_load %arg5[%swap3A_104, %swap3A_105] {strides = array<i32>} : memref<64x768xf32, #tpu.memory_space<vmem>>, vector<1x16xf32>,
      %swap3A_107 = vector.shape_cast %swap3A_106 : vector<1x16xf32> to vector<16xf32>
      %swap3A_108 = vector.shape_cast %mul3A_103 : vector<16xf32> to vector<1x16xf32>
      tpu.vector_store %arg5[%swap3A_104, %swap3A_105], %swap3A_108 {strides = array<i32>} : memref<64x768xf32, #tpu.memory_space<vmem>>, vector<1x16xf32>,
      %get3A_109 = arith.index_cast %scan3A_66 : i32 to index
      %get3A_110 = arith.constant 64 : index
      %get3A_111 = tpu.vector_load %arg5[%get3A_109, %get3A_110] {strides = array<i32>} : memref<64x768xf32, #tpu.memory_space<vmem>>, vector<1x16xf32>,
      %get3A_112 = vector.shape_cast %get3A_111 : vector<1x16xf32> to vector<16xf32>
      %mul3A_113 = arith.mulf %get3A_112, %get3A_69 : vector<16xf32>
      %swap3A_114 = arith.index_cast %scan3A_66 : i32 to index
      %swap3A_115 = arith.constant 64 : index
      %swap3A_116 = tpu.vector_load %arg5[%swap3A_114, %swap3A_115] {strides = array<i32>} : memref<64x768xf32, #tpu.memory_space<vmem>>, vector<1x16xf32>,
      %swap3A_117 = vector.shape_cast %swap3A_116 : vector<1x16xf32> to vector<16xf32>
      %swap3A_118 = vector.shape_cast %mul3A_113 : vector<16xf32> to vector<1x16xf32>
      tpu.vector_store %arg5[%swap3A_114, %swap3A_115], %swap3A_118 {strides = array<i32>} : memref<64x768xf32, #tpu.memory_space<vmem>>, vector<1x16xf32>,
      %get3A_119 = arith.index_cast %scan3A_66 : i32 to index
      %get3A_120 = arith.constant 80 : index
      %get3A_121 = tpu.vector_load %arg5[%get3A_119, %get3A_120] {strides = array<i32>} : memref<64x768xf32, #tpu.memory_space<vmem>>, vector<1x16xf32>,
      %get3A_122 = vector.shape_cast %get3A_121 : vector<1x16xf32> to vector<16xf32>
      %mul3A_123 = arith.mulf %get3A_122, %get3A_69 : vector<16xf32>
      %swap3A_124 = arith.index_cast %scan3A_66 : i32 to index
      %swap3A_125 = arith.constant 80 : index
      %swap3A_126 = tpu.vector_load %arg5[%swap3A_124, %swap3A_125] {strides = array<i32>} : memref<64x768xf32, #tpu.memory_space<vmem>>, vector<1x16xf32>,
      %swap3A_127 = vector.shape_cast %swap3A_126 : vector<1x16xf32> to vector<16xf32>
      %swap3A_128 = vector.shape_cast %mul3A_123 : vector<16xf32> to vector<1x16xf32>
      tpu.vector_store %arg5[%swap3A_124, %swap3A_125], %swap3A_128 {strides = array<i32>} : memref<64x768xf32, #tpu.memory_space<vmem>>, vector<1x16xf32>,
      %get3A_129 = arith.index_cast %scan3A_66 : i32 to index
      %get3A_130 = arith.constant 96 : index
      %get3A_131 = tpu.vector_load %arg5[%get3A_129, %get3A_130] {strides = array<i32>} : memref<64x768xf32, #tpu.memory_space<vmem>>, vector<1x16xf32>,
      %get3A_132 = vector.shape_cast %get3A_131 : vector<1x16xf32> to vector<16xf32>
      %mul3A_133 = arith.mulf %get3A_132, %get3A_69 : vector<16xf32>
      %swap3A_134 = arith.index_cast %scan3A_66 : i32 to index
      %swap3A_135 = arith.constant 96 : index
      %swap3A_136 = tpu.vector_load %arg5[%swap3A_134, %swap3A_135] {strides = array<i32>} : memref<64x768xf32, #tpu.memory_space<vmem>>, vector<1x16xf32>,
      %swap3A_137 = vector.shape_cast %swap3A_136 : vector<1x16xf32> to vector<16xf32>
      %swap3A_138 = vector.shape_cast %mul3A_133 : vector<16xf32> to vector<1x16xf32>
      tpu.vector_store %arg5[%swap3A_134, %swap3A_135], %swap3A_138 {strides = array<i32>} : memref<64x768xf32, #tpu.memory_space<vmem>>, vector<1x16xf32>,
      %get3A_139 = arith.index_cast %scan3A_66 : i32 to index
      %get3A_140 = arith.constant 112 : index
      %get3A_141 = tpu.vector_load %arg5[%get3A_139, %get3A_140] {strides = array<i32>} : memref<64x768xf32, #tpu.memory_space<vmem>>, vector<1x16xf32>,
      %get3A_142 = vector.shape_cast %get3A_141 : vector<1x16xf32> to vector<16xf32>
      %mul3A_143 = arith.mulf %get3A_142, %get3A_69 : vector<16xf32>
      %swap3A_144 = arith.index_cast %scan3A_66 : i32 to index
      %swap3A_145 = arith.constant 112 : index
      %swap3A_146 = tpu.vector_load %arg5[%swap3A_144, %swap3A_145] {strides = array<i32>} : memref<64x768xf32, #tpu.memory_space<vmem>>, vector<1x16xf32>,
      %swap3A_147 = vector.shape_cast %swap3A_146 : vector<1x16xf32> to vector<16xf32>
      %swap3A_148 = vector.shape_cast %mul3A_143 : vector<16xf32> to vector<1x16xf32>
      tpu.vector_store %arg5[%swap3A_144, %swap3A_145], %swap3A_148 {strides = array<i32>} : memref<64x768xf32, #tpu.memory_space<vmem>>, vector<1x16xf32>,
      %get3A_149 = arith.index_cast %scan3A_66 : i32 to index
      %get3A_150 = arith.constant 128 : index
      %get3A_151 = tpu.vector_load %arg5[%get3A_149, %get3A_150] {strides = array<i32>} : memref<64x768xf32, #tpu.memory_space<vmem>>, vector<1x16xf32>,
      %get3A_152 = vector.shape_cast %get3A_151 : vector<1x16xf32> to vector<16xf32>
      %mul3A_153 = arith.mulf %get3A_152, %get3A_69 : vector<16xf32>
      %swap3A_154 = arith.index_cast %scan3A_66 : i32 to index
      %swap3A_155 = arith.constant 128 : index
      %swap3A_156 = tpu.vector_load %arg5[%swap3A_154, %swap3A_155] {strides = array<i32>} : memref<64x768xf32, #tpu.memory_space<vmem>>, vector<1x16xf32>,
      %swap3A_157 = vector.shape_cast %swap3A_156 : vector<1x16xf32> to vector<16xf32>
      %swap3A_158 = vector.shape_cast %mul3A_153 : vector<16xf32> to vector<1x16xf32>
      tpu.vector_store %arg5[%swap3A_154, %swap3A_155], %swap3A_158 {strides = array<i32>} : memref<64x768xf32, #tpu.memory_space<vmem>>, vector<1x16xf32>,
      %get3A_159 = arith.index_cast %scan3A_66 : i32 to index
      %get3A_160 = arith.constant 144 : index
      %get3A_161 = tpu.vector_load %arg5[%get3A_159, %get3A_160] {strides = array<i32>} : memref<64x768xf32, #tpu.memory_space<vmem>>, vector<1x16xf32>,
      %get3A_162 = vector.shape_cast %get3A_161 : vector<1x16xf32> to vector<16xf32>
      %mul3A_163 = arith.mulf %get3A_162, %get3A_69 : vector<16xf32>
      %swap3A_164 = arith.index_cast %scan3A_66 : i32 to index
      %swap3A_165 = arith.constant 144 : index
      %swap3A_166 = tpu.vector_load %arg5[%swap3A_164, %swap3A_165] {strides = array<i32>} : memref<64x768xf32, #tpu.memory_space<vmem>>, vector<1x16xf32>,
      %swap3A_167 = vector.shape_cast %swap3A_166 : vector<1x16xf32> to vector<16xf32>
      %swap3A_168 = vector.shape_cast %mul3A_163 : vector<16xf32> to vector<1x16xf32>
      tpu.vector_store %arg5[%swap3A_164, %swap3A_165], %swap3A_168 {strides = array<i32>} : memref<64x768xf32, #tpu.memory_space<vmem>>, vector<1x16xf32>,
      %get3A_169 = arith.index_cast %scan3A_66 : i32 to index
      %get3A_170 = arith.constant 160 : index
      %get3A_171 = tpu.vector_load %arg5[%get3A_169, %get3A_170] {strides = array<i32>} : memref<64x768xf32, #tpu.memory_space<vmem>>, vector<1x16xf32>,
      %get3A_172 = vector.shape_cast %get3A_171 : vector<1x16xf32> to vector<16xf32>
      %mul3A_173 = arith.mulf %get3A_172, %get3A_69 : vector<16xf32>
      %swap3A_174 = arith.index_cast %scan3A_66 : i32 to index
      %swap3A_175 = arith.constant 160 : index
      %swap3A_176 = tpu.vector_load %arg5[%swap3A_174, %swap3A_175] {strides = array<i32>} : memref<64x768xf32, #tpu.memory_space<vmem>>, vector<1x16xf32>,
      %swap3A_177 = vector.shape_cast %swap3A_176 : vector<1x16xf32> to vector<16xf32>
      %swap3A_178 = vector.shape_cast %mul3A_173 : vector<16xf32> to vector<1x16xf32>
      tpu.vector_store %arg5[%swap3A_174, %swap3A_175], %swap3A_178 {strides = array<i32>} : memref<64x768xf32, #tpu.memory_space<vmem>>, vector<1x16xf32>,
      %get3A_179 = arith.index_cast %scan3A_66 : i32 to index
      %get3A_180 = arith.constant 176 : index
      %get3A_181 = tpu.vector_load %arg5[%get3A_179, %get3A_180] {strides = array<i32>} : memref<64x768xf32, #tpu.memory_space<vmem>>, vector<1x16xf32>,
      %get3A_182 = vector.shape_cast %get3A_181 : vector<1x16xf32> to vector<16xf32>
      %mul3A_183 = arith.mulf %get3A_182, %get3A_69 : vector<16xf32>
      %swap3A_184 = arith.index_cast %scan3A_66 : i32 to index
      %swap3A_185 = arith.constant 176 : index
      %swap3A_186 = tpu.vector_load %arg5[%swap3A_184, %swap3A_185] {strides = array<i32>} : memref<64x768xf32, #tpu.memory_space<vmem>>, vector<1x16xf32>,
      %swap3A_187 = vector.shape_cast %swap3A_186 : vector<1x16xf32> to vector<16xf32>
      %swap3A_188 = vector.shape_cast %mul3A_183 : vector<16xf32> to vector<1x16xf32>
      tpu.vector_store %arg5[%swap3A_184, %swap3A_185], %swap3A_188 {strides = array<i32>} : memref<64x768xf32, #tpu.memory_space<vmem>>, vector<1x16xf32>,
      %get3A_189 = arith.index_cast %scan3A_66 : i32 to index
      %get3A_190 = arith.constant 192 : index
      %get3A_191 = tpu.vector_load %arg5[%get3A_189, %get3A_190] {strides = array<i32>} : memref<64x768xf32, #tpu.memory_space<vmem>>, vector<1x16xf32>,
      %get3A_192 = vector.shape_cast %get3A_191 : vector<1x16xf32> to vector<16xf32>
      %mul3A_193 = arith.mulf %get3A_192, %get3A_69 : vector<16xf32>
      %swap3A_194 = arith.index_cast %scan3A_66 : i32 to index
      %swap3A_195 = arith.constant 192 : index
      %swap3A_196 = tpu.vector_load %arg5[%swap3A_194, %swap3A_195] {strides = array<i32>} : memref<64x768xf32, #tpu.memory_space<vmem>>, vector<1x16xf32>,
      %swap3A_197 = vector.shape_cast %swap3A_196 : vector<1x16xf32> to vector<16xf32>
      %swap3A_198 = vector.shape_cast %mul3A_193 : vector<16xf32> to vector<1x16xf32>
      tpu.vector_store %arg5[%swap3A_194, %swap3A_195], %swap3A_198 {strides = array<i32>} : memref<64x768xf32, #tpu.memory_space<vmem>>, vector<1x16xf32>,
      %get3A_199 = arith.index_cast %scan3A_66 : i32 to index
      %get3A_200 = arith.constant 208 : index
      %get3A_201 = tpu.vector_load %arg5[%get3A_199, %get3A_200] {strides = array<i32>} : memref<64x768xf32, #tpu.memory_space<vmem>>, vector<1x16xf32>,
      %get3A_202 = vector.shape_cast %get3A_201 : vector<1x16xf32> to vector<16xf32>
      %mul3A_203 = arith.mulf %get3A_202, %get3A_69 : vector<16xf32>
      %swap3A_204 = arith.index_cast %scan3A_66 : i32 to index
      %swap3A_205 = arith.constant 208 : index
      %swap3A_206 = tpu.vector_load %arg5[%swap3A_204, %swap3A_205] {strides = array<i32>} : memref<64x768xf32, #tpu.memory_space<vmem>>, vector<1x16xf32>,
      %swap3A_207 = vector.shape_cast %swap3A_206 : vector<1x16xf32> to vector<16xf32>
      %swap3A_208 = vector.shape_cast %mul3A_203 : vector<16xf32> to vector<1x16xf32>
      tpu.vector_store %arg5[%swap3A_204, %swap3A_205], %swap3A_208 {strides = array<i32>} : memref<64x768xf32, #tpu.memory_space<vmem>>, vector<1x16xf32>,
      %get3A_209 = arith.index_cast %scan3A_66 : i32 to index
      %get3A_210 = arith.constant 224 : index
      %get3A_211 = tpu.vector_load %arg5[%get3A_209, %get3A_210] {strides = array<i32>} : memref<64x768xf32, #tpu.memory_space<vmem>>, vector<1x16xf32>,
      %get3A_212 = vector.shape_cast %get3A_211 : vector<1x16xf32> to vector<16xf32>
      %mul3A_213 = arith.mulf %get3A_212, %get3A_69 : vector<16xf32>
      %swap3A_214 = arith.index_cast %scan3A_66 : i32 to index
      %swap3A_215 = arith.constant 224 : index
      %swap3A_216 = tpu.vector_load %arg5[%swap3A_214, %swap3A_215] {strides = array<i32>} : memref<64x768xf32, #tpu.memory_space<vmem>>, vector<1x16xf32>,
      %swap3A_217 = vector.shape_cast %swap3A_216 : vector<1x16xf32> to vector<16xf32>
      %swap3A_218 = vector.shape_cast %mul3A_213 : vector<16xf32> to vector<1x16xf32>
      tpu.vector_store %arg5[%swap3A_214, %swap3A_215], %swap3A_218 {strides = array<i32>} : memref<64x768xf32, #tpu.memory_space<vmem>>, vector<1x16xf32>,
      %get3A_219 = arith.index_cast %scan3A_66 : i32 to index
      %get3A_220 = arith.constant 240 : index
      %get3A_221 = tpu.vector_load %arg5[%get3A_219, %get3A_220] {strides = array<i32>} : memref<64x768xf32, #tpu.memory_space<vmem>>, vector<1x16xf32>,
      %get3A_222 = vector.shape_cast %get3A_221 : vector<1x16xf32> to vector<16xf32>
      %mul3A_223 = arith.mulf %get3A_222, %get3A_69 : vector<16xf32>
      %swap3A_224 = arith.index_cast %scan3A_66 : i32 to index
      %swap3A_225 = arith.constant 240 : index
      %swap3A_226 = tpu.vector_load %arg5[%swap3A_224, %swap3A_225] {strides = array<i32>} : memref<64x768xf32, #tpu.memory_space<vmem>>, vector<1x16xf32>,
      %swap3A_227 = vector.shape_cast %swap3A_226 : vector<1x16xf32> to vector<16xf32>
      %swap3A_228 = vector.shape_cast %mul3A_223 : vector<16xf32> to vector<1x16xf32>
      tpu.vector_store %arg5[%swap3A_224, %swap3A_225], %swap3A_228 {strides = array<i32>} : memref<64x768xf32, #tpu.memory_space<vmem>>, vector<1x16xf32>,
      %get3A_229 = arith.index_cast %scan3A_66 : i32 to index
      %get3A_230 = arith.constant 256 : index
      %get3A_231 = tpu.vector_load %arg5[%get3A_229, %get3A_230] {strides = array<i32>} : memref<64x768xf32, #tpu.memory_space<vmem>>, vector<1x16xf32>,
      %get3A_232 = vector.shape_cast %get3A_231 : vector<1x16xf32> to vector<16xf32>
      %mul3A_233 = arith.mulf %get3A_232, %get3A_69 : vector<16xf32>
      %swap3A_234 = arith.index_cast %scan3A_66 : i32 to index
      %swap3A_235 = arith.constant 256 : index
      %swap3A_236 = tpu.vector_load %arg5[%swap3A_234, %swap3A_235] {strides = array<i32>} : memref<64x768xf32, #tpu.memory_space<vmem>>, vector<1x16xf32>,
      %swap3A_237 = vector.shape_cast %swap3A_236 : vector<1x16xf32> to vector<16xf32>
      %swap3A_238 = vector.shape_cast %mul3A_233 : vector<16xf32> to vector<1x16xf32>
      tpu.vector_store %arg5[%swap3A_234, %swap3A_235], %swap3A_238 {strides = array<i32>} : memref<64x768xf32, #tpu.memory_space<vmem>>, vector<1x16xf32>,
      %get3A_239 = arith.index_cast %scan3A_66 : i32 to index
      %get3A_240 = arith.constant 272 : index
      %get3A_241 = tpu.vector_load %arg5[%get3A_239, %get3A_240] {strides = array<i32>} : memref<64x768xf32, #tpu.memory_space<vmem>>, vector<1x16xf32>,
      %get3A_242 = vector.shape_cast %get3A_241 : vector<1x16xf32> to vector<16xf32>
      %mul3A_243 = arith.mulf %get3A_242, %get3A_69 : vector<16xf32>
      %swap3A_244 = arith.index_cast %scan3A_66 : i32 to index
      %swap3A_245 = arith.constant 272 : index
      %swap3A_246 = tpu.vector_load %arg5[%swap3A_244, %swap3A_245] {strides = array<i32>} : memref<64x768xf32, #tpu.memory_space<vmem>>, vector<1x16xf32>,
      %swap3A_247 = vector.shape_cast %swap3A_246 : vector<1x16xf32> to vector<16xf32>
      %swap3A_248 = vector.shape_cast %mul3A_243 : vector<16xf32> to vector<1x16xf32>
      tpu.vector_store %arg5[%swap3A_244, %swap3A_245], %swap3A_248 {strides = array<i32>} : memref<64x768xf32, #tpu.memory_space<vmem>>, vector<1x16xf32>,
      %get3A_249 = arith.index_cast %scan3A_66 : i32 to index
      %get3A_250 = arith.constant 288 : index
      %get3A_251 = tpu.vector_load %arg5[%get3A_249, %get3A_250] {strides = array<i32>} : memref<64x768xf32, #tpu.memory_space<vmem>>, vector<1x16xf32>,
      %get3A_252 = vector.shape_cast %get3A_251 : vector<1x16xf32> to vector<16xf32>
      %mul3A_253 = arith.mulf %get3A_252, %get3A_69 : vector<16xf32>
      %swap3A_254 = arith.index_cast %scan3A_66 : i32 to index
      %swap3A_255 = arith.constant 288 : index
      %swap3A_256 = tpu.vector_load %arg5[%swap3A_254, %swap3A_255] {strides = array<i32>} : memref<64x768xf32, #tpu.memory_space<vmem>>, vector<1x16xf32>,
      %swap3A_257 = vector.shape_cast %swap3A_256 : vector<1x16xf32> to vector<16xf32>
      %swap3A_258 = vector.shape_cast %mul3A_253 : vector<16xf32> to vector<1x16xf32>
      tpu.vector_store %arg5[%swap3A_254, %swap3A_255], %swap3A_258 {strides = array<i32>} : memref<64x768xf32, #tpu.memory_space<vmem>>, vector<1x16xf32>,
      %get3A_259 = arith.index_cast %scan3A_66 : i32 to index
      %get3A_260 = arith.constant 304 : index
      %get3A_261 = tpu.vector_load %arg5[%get3A_259, %get3A_260] {strides = array<i32>} : memref<64x768xf32, #tpu.memory_space<vmem>>, vector<1x16xf32>,
      %get3A_262 = vector.shape_cast %get3A_261 : vector<1x16xf32> to vector<16xf32>
      %mul3A_263 = arith.mulf %get3A_262, %get3A_69 : vector<16xf32>
      %swap3A_264 = arith.index_cast %scan3A_66 : i32 to index
      %swap3A_265 = arith.constant 304 : index
      %swap3A_266 = tpu.vector_load %arg5[%swap3A_264, %swap3A_265] {strides = array<i32>} : memref<64x768xf32, #tpu.memory_space<vmem>>, vector<1x16xf32>,
      %swap3A_267 = vector.shape_cast %swap3A_266 : vector<1x16xf32> to vector<16xf32>
      %swap3A_268 = vector.shape_cast %mul3A_263 : vector<16xf32> to vector<1x16xf32>
      tpu.vector_store %arg5[%swap3A_264, %swap3A_265], %swap3A_268 {strides = array<i32>} : memref<64x768xf32, #tpu.memory_space<vmem>>, vector<1x16xf32>,
      %get3A_269 = arith.index_cast %scan3A_66 : i32 to index
      %get3A_270 = arith.constant 320 : index
      %get3A_271 = tpu.vector_load %arg5[%get3A_269, %get3A_270] {strides = array<i32>} : memref<64x768xf32, #tpu.memory_space<vmem>>, vector<1x16xf32>,
      %get3A_272 = vector.shape_cast %get3A_271 : vector<1x16xf32> to vector<16xf32>
      %mul3A_273 = arith.mulf %get3A_272, %get3A_69 : vector<16xf32>
      %swap3A_274 = arith.index_cast %scan3A_66 : i32 to index
      %swap3A_275 = arith.constant 320 : index
      %swap3A_276 = tpu.vector_load %arg5[%swap3A_274, %swap3A_275] {strides = array<i32>} : memref<64x768xf32, #tpu.memory_space<vmem>>, vector<1x16xf32>,
      %swap3A_277 = vector.shape_cast %swap3A_276 : vector<1x16xf32> to vector<16xf32>
      %swap3A_278 = vector.shape_cast %mul3A_273 : vector<16xf32> to vector<1x16xf32>
      tpu.vector_store %arg5[%swap3A_274, %swap3A_275], %swap3A_278 {strides = array<i32>} : memref<64x768xf32, #tpu.memory_space<vmem>>, vector<1x16xf32>,
      %get3A_279 = arith.index_cast %scan3A_66 : i32 to index
      %get3A_280 = arith.constant 336 : index
      %get3A_281 = tpu.vector_load %arg5[%get3A_279, %get3A_280] {strides = array<i32>} : memref<64x768xf32, #tpu.memory_space<vmem>>, vector<1x16xf32>,
      %get3A_282 = vector.shape_cast %get3A_281 : vector<1x16xf32> to vector<16xf32>
      %mul3A_283 = arith.mulf %get3A_282, %get3A_69 : vector<16xf32>
      %swap3A_284 = arith.index_cast %scan3A_66 : i32 to index
      %swap3A_285 = arith.constant 336 : index
      %swap3A_286 = tpu.vector_load %arg5[%swap3A_284, %swap3A_285] {strides = array<i32>} : memref<64x768xf32, #tpu.memory_space<vmem>>, vector<1x16xf32>,
      %swap3A_287 = vector.shape_cast %swap3A_286 : vector<1x16xf32> to vector<16xf32>
      %swap3A_288 = vector.shape_cast %mul3A_283 : vector<16xf32> to vector<1x16xf32>
      tpu.vector_store %arg5[%swap3A_284, %swap3A_285], %swap3A_288 {strides = array<i32>} : memref<64x768xf32, #tpu.memory_space<vmem>>, vector<1x16xf32>,
      %get3A_289 = arith.index_cast %scan3A_66 : i32 to index
      %get3A_290 = arith.constant 352 : index
      %get3A_291 = tpu.vector_load %arg5[%get3A_289, %get3A_290] {strides = array<i32>} : memref<64x768xf32, #tpu.memory_space<vmem>>, vector<1x16xf32>,
      %get3A_292 = vector.shape_cast %get3A_291 : vector<1x16xf32> to vector<16xf32>
      %mul3A_293 = arith.mulf %get3A_292, %get3A_69 : vector<16xf32>
      %swap3A_294 = arith.index_cast %scan3A_66 : i32 to index
      %swap3A_295 = arith.constant 352 : index
      %swap3A_296 = tpu.vector_load %arg5[%swap3A_294, %swap3A_295] {strides = array<i32>} : memref<64x768xf32, #tpu.memory_space<vmem>>, vector<1x16xf32>,
      %swap3A_297 = vector.shape_cast %swap3A_296 : vector<1x16xf32> to vector<16xf32>
      %swap3A_298 = vector.shape_cast %mul3A_293 : vector<16xf32> to vector<1x16xf32>
      tpu.vector_store %arg5[%swap3A_294, %swap3A_295], %swap3A_298 {strides = array<i32>} : memref<64x768xf32, #tpu.memory_space<vmem>>, vector<1x16xf32>,
      %get3A_299 = arith.index_cast %scan3A_66 : i32 to index
      %get3A_300 = arith.constant 368 : index
      %get3A_301 = tpu.vector_load %arg5[%get3A_299, %get3A_300] {strides = array<i32>} : memref<64x768xf32, #tpu.memory_space<vmem>>, vector<1x16xf32>,
      %get3A_302 = vector.shape_cast %get3A_301 : vector<1x16xf32> to vector<16xf32>
      %mul3A_303 = arith.mulf %get3A_302, %get3A_69 : vector<16xf32>
      %swap3A_304 = arith.index_cast %scan3A_66 : i32 to index
      %swap3A_305 = arith.constant 368 : index
      %swap3A_306 = tpu.vector_load %arg5[%swap3A_304, %swap3A_305] {strides = array<i32>} : memref<64x768xf32, #tpu.memory_space<vmem>>, vector<1x16xf32>,
      %swap3A_307 = vector.shape_cast %swap3A_306 : vector<1x16xf32> to vector<16xf32>
      %swap3A_308 = vector.shape_cast %mul3A_303 : vector<16xf32> to vector<1x16xf32>
      tpu.vector_store %arg5[%swap3A_304, %swap3A_305], %swap3A_308 {strides = array<i32>} : memref<64x768xf32, #tpu.memory_space<vmem>>, vector<1x16xf32>,
      %get3A_309 = arith.index_cast %scan3A_66 : i32 to index
      %get3A_310 = arith.constant 384 : index
      %get3A_311 = tpu.vector_load %arg5[%get3A_309, %get3A_310] {strides = array<i32>} : memref<64x768xf32, #tpu.memory_space<vmem>>, vector<1x16xf32>,
      %get3A_312 = vector.shape_cast %get3A_311 : vector<1x16xf32> to vector<16xf32>
      %mul3A_313 = arith.mulf %get3A_312, %get3A_69 : vector<16xf32>
      %swap3A_314 = arith.index_cast %scan3A_66 : i32 to index
      %swap3A_315 = arith.constant 384 : index
      %swap3A_316 = tpu.vector_load %arg5[%swap3A_314, %swap3A_315] {strides = array<i32>} : memref<64x768xf32, #tpu.memory_space<vmem>>, vector<1x16xf32>,
      %swap3A_317 = vector.shape_cast %swap3A_316 : vector<1x16xf32> to vector<16xf32>
      %swap3A_318 = vector.shape_cast %mul3A_313 : vector<16xf32> to vector<1x16xf32>
      tpu.vector_store %arg5[%swap3A_314, %swap3A_315], %swap3A_318 {strides = array<i32>} : memref<64x768xf32, #tpu.memory_space<vmem>>, vector<1x16xf32>,
      %get3A_319 = arith.index_cast %scan3A_66 : i32 to index
      %get3A_320 = arith.constant 400 : index
      %get3A_321 = tpu.vector_load %arg5[%get3A_319, %get3A_320] {strides = array<i32>} : memref<64x768xf32, #tpu.memory_space<vmem>>, vector<1x16xf32>,
      %get3A_322 = vector.shape_cast %get3A_321 : vector<1x16xf32> to vector<16xf32>
      %mul3A_323 = arith.mulf %get3A_322, %get3A_69 : vector<16xf32>
      %swap3A_324 = arith.index_cast %scan3A_66 : i32 to index
      %swap3A_325 = arith.constant 400 : index
      %swap3A_326 = tpu.vector_load %arg5[%swap3A_324, %swap3A_325] {strides = array<i32>} : memref<64x768xf32, #tpu.memory_space<vmem>>, vector<1x16xf32>,
      %swap3A_327 = vector.shape_cast %swap3A_326 : vector<1x16xf32> to vector<16xf32>
      %swap3A_328 = vector.shape_cast %mul3A_323 : vector<16xf32> to vector<1x16xf32>
      tpu.vector_store %arg5[%swap3A_324, %swap3A_325], %swap3A_328 {strides = array<i32>} : memref<64x768xf32, #tpu.memory_space<vmem>>, vector<1x16xf32>,
      %get3A_329 = arith.index_cast %scan3A_66 : i32 to index
      %get3A_330 = arith.constant 416 : index
      %get3A_331 = tpu.vector_load %arg5[%get3A_329, %get3A_330] {strides = array<i32>} : memref<64x768xf32, #tpu.memory_space<vmem>>, vector<1x16xf32>,
      %get3A_332 = vector.shape_cast %get3A_331 : vector<1x16xf32> to vector<16xf32>
      %mul3A_333 = arith.mulf %get3A_332, %get3A_69 : vector<16xf32>
      %swap3A_334 = arith.index_cast %scan3A_66 : i32 to index
      %swap3A_335 = arith.constant 416 : index
      %swap3A_336 = tpu.vector_load %arg5[%swap3A_334, %swap3A_335] {strides = array<i32>} : memref<64x768xf32, #tpu.memory_space<vmem>>, vector<1x16xf32>,
      %swap3A_337 = vector.shape_cast %swap3A_336 : vector<1x16xf32> to vector<16xf32>
      %swap3A_338 = vector.shape_cast %mul3A_333 : vector<16xf32> to vector<1x16xf32>
      tpu.vector_store %arg5[%swap3A_334, %swap3A_335], %swap3A_338 {strides = array<i32>} : memref<64x768xf32, #tpu.memory_space<vmem>>, vector<1x16xf32>,
      %get3A_339 = arith.index_cast %scan3A_66 : i32 to index
      %get3A_340 = arith.constant 432 : index
      %get3A_341 = tpu.vector_load %arg5[%get3A_339, %get3A_340] {strides = array<i32>} : memref<64x768xf32, #tpu.memory_space<vmem>>, vector<1x16xf32>,
      %get3A_342 = vector.shape_cast %get3A_341 : vector<1x16xf32> to vector<16xf32>
      %mul3A_343 = arith.mulf %get3A_342, %get3A_69 : vector<16xf32>
      %swap3A_344 = arith.index_cast %scan3A_66 : i32 to index
      %swap3A_345 = arith.constant 432 : index
      %swap3A_346 = tpu.vector_load %arg5[%swap3A_344, %swap3A_345] {strides = array<i32>} : memref<64x768xf32, #tpu.memory_space<vmem>>, vector<1x16xf32>,
      %swap3A_347 = vector.shape_cast %swap3A_346 : vector<1x16xf32> to vector<16xf32>
      %swap3A_348 = vector.shape_cast %mul3A_343 : vector<16xf32> to vector<1x16xf32>
      tpu.vector_store %arg5[%swap3A_344, %swap3A_345], %swap3A_348 {strides = array<i32>} : memref<64x768xf32, #tpu.memory_space<vmem>>, vector<1x16xf32>,
      %get3A_349 = arith.index_cast %scan3A_66 : i32 to index
      %get3A_350 = arith.constant 448 : index
      %get3A_351 = tpu.vector_load %arg5[%get3A_349, %get3A_350] {strides = array<i32>} : memref<64x768xf32, #tpu.memory_space<vmem>>, vector<1x16xf32>,
      %get3A_352 = vector.shape_cast %get3A_351 : vector<1x16xf32> to vector<16xf32>
      %mul3A_353 = arith.mulf %get3A_352, %get3A_69 : vector<16xf32>
      %swap3A_354 = arith.index_cast %scan3A_66 : i32 to index
      %swap3A_355 = arith.constant 448 : index
      %swap3A_356 = tpu.vector_load %arg5[%swap3A_354, %swap3A_355] {strides = array<i32>} : memref<64x768xf32, #tpu.memory_space<vmem>>, vector<1x16xf32>,
      %swap3A_357 = vector.shape_cast %swap3A_356 : vector<1x16xf32> to vector<16xf32>
      %swap3A_358 = vector.shape_cast %mul3A_353 : vector<16xf32> to vector<1x16xf32>
      tpu.vector_store %arg5[%swap3A_354, %swap3A_355], %swap3A_358 {strides = array<i32>} : memref<64x768xf32, #tpu.memory_space<vmem>>, vector<1x16xf32>,
      %get3A_359 = arith.index_cast %scan3A_66 : i32 to index
      %get3A_360 = arith.constant 464 : index
      %get3A_361 = tpu.vector_load %arg5[%get3A_359, %get3A_360] {strides = array<i32>} : memref<64x768xf32, #tpu.memory_space<vmem>>, vector<1x16xf32>,
      %get3A_362 = vector.shape_cast %get3A_361 : vector<1x16xf32> to vector<16xf32>
      %mul3A_363 = arith.mulf %get3A_362, %get3A_69 : vector<16xf32>
      %swap3A_364 = arith.index_cast %scan3A_66 : i32 to index
      %swap3A_365 = arith.constant 464 : index
      %swap3A_366 = tpu.vector_load %arg5[%swap3A_364, %swap3A_365] {strides = array<i32>} : memref<64x768xf32, #tpu.memory_space<vmem>>, vector<1x16xf32>,
      %swap3A_367 = vector.shape_cast %swap3A_366 : vector<1x16xf32> to vector<16xf32>
      %swap3A_368 = vector.shape_cast %mul3A_363 : vector<16xf32> to vector<1x16xf32>
      tpu.vector_store %arg5[%swap3A_364, %swap3A_365], %swap3A_368 {strides = array<i32>} : memref<64x768xf32, #tpu.memory_space<vmem>>, vector<1x16xf32>,
      %get3A_369 = arith.index_cast %scan3A_66 : i32 to index
      %get3A_370 = arith.constant 480 : index
      %get3A_371 = tpu.vector_load %arg5[%get3A_369, %get3A_370] {strides = array<i32>} : memref<64x768xf32, #tpu.memory_space<vmem>>, vector<1x16xf32>,
      %get3A_372 = vector.shape_cast %get3A_371 : vector<1x16xf32> to vector<16xf32>
      %mul3A_373 = arith.mulf %get3A_372, %get3A_69 : vector<16xf32>
      %swap3A_374 = arith.index_cast %scan3A_66 : i32 to index
      %swap3A_375 = arith.constant 480 : index
      %swap3A_376 = tpu.vector_load %arg5[%swap3A_374, %swap3A_375] {strides = array<i32>} : memref<64x768xf32, #tpu.memory_space<vmem>>, vector<1x16xf32>,
      %swap3A_377 = vector.shape_cast %swap3A_376 : vector<1x16xf32> to vector<16xf32>
      %swap3A_378 = vector.shape_cast %mul3A_373 : vector<16xf32> to vector<1x16xf32>
      tpu.vector_store %arg5[%swap3A_374, %swap3A_375], %swap3A_378 {strides = array<i32>} : memref<64x768xf32, #tpu.memory_space<vmem>>, vector<1x16xf32>,
      %get3A_379 = arith.index_cast %scan3A_66 : i32 to index
      %get3A_380 = arith.constant 496 : index
      %get3A_381 = tpu.vector_load %arg5[%get3A_379, %get3A_380] {strides = array<i32>} : memref<64x768xf32, #tpu.memory_space<vmem>>, vector<1x16xf32>,
      %get3A_382 = vector.shape_cast %get3A_381 : vector<1x16xf32> to vector<16xf32>
      %mul3A_383 = arith.mulf %get3A_382, %get3A_69 : vector<16xf32>
      %swap3A_384 = arith.index_cast %scan3A_66 : i32 to index
      %swap3A_385 = arith.constant 496 : index
      %swap3A_386 = tpu.vector_load %arg5[%swap3A_384, %swap3A_385] {strides = array<i32>} : memref<64x768xf32, #tpu.memory_space<vmem>>, vector<1x16xf32>,
      %swap3A_387 = vector.shape_cast %swap3A_386 : vector<1x16xf32> to vector<16xf32>
      %swap3A_388 = vector.shape_cast %mul3A_383 : vector<16xf32> to vector<1x16xf32>
      tpu.vector_store %arg5[%swap3A_384, %swap3A_385], %swap3A_388 {strides = array<i32>} : memref<64x768xf32, #tpu.memory_space<vmem>>, vector<1x16xf32>,
      %get3A_389 = arith.index_cast %scan3A_66 : i32 to index
      %get3A_390 = arith.constant 512 : index
      %get3A_391 = tpu.vector_load %arg5[%get3A_389, %get3A_390] {strides = array<i32>} : memref<64x768xf32, #tpu.memory_space<vmem>>, vector<1x16xf32>,
      %get3A_392 = vector.shape_cast %get3A_391 : vector<1x16xf32> to vector<16xf32>
      %mul3A_393 = arith.mulf %get3A_392, %get3A_69 : vector<16xf32>
      %swap3A_394 = arith.index_cast %scan3A_66 : i32 to index
      %swap3A_395 = arith.constant 512 : index
      %swap3A_396 = tpu.vector_load %arg5[%swap3A_394, %swap3A_395] {strides = array<i32>} : memref<64x768xf32, #tpu.memory_space<vmem>>, vector<1x16xf32>,
      %swap3A_397 = vector.shape_cast %swap3A_396 : vector<1x16xf32> to vector<16xf32>
      %swap3A_398 = vector.shape_cast %mul3A_393 : vector<16xf32> to vector<1x16xf32>
      tpu.vector_store %arg5[%swap3A_394, %swap3A_395], %swap3A_398 {strides = array<i32>} : memref<64x768xf32, #tpu.memory_space<vmem>>, vector<1x16xf32>,
      %get3A_399 = arith.index_cast %scan3A_66 : i32 to index
      %get3A_400 = arith.constant 528 : index
      %get3A_401 = tpu.vector_load %arg5[%get3A_399, %get3A_400] {strides = array<i32>} : memref<64x768xf32, #tpu.memory_space<vmem>>, vector<1x16xf32>,
      %get3A_402 = vector.shape_cast %get3A_401 : vector<1x16xf32> to vector<16xf32>
      %mul3A_403 = arith.mulf %get3A_402, %get3A_69 : vector<16xf32>
      %swap3A_404 = arith.index_cast %scan3A_66 : i32 to index
      %swap3A_405 = arith.constant 528 : index
      %swap3A_406 = tpu.vector_load %arg5[%swap3A_404, %swap3A_405] {strides = array<i32>} : memref<64x768xf32, #tpu.memory_space<vmem>>, vector<1x16xf32>,
      %swap3A_407 = vector.shape_cast %swap3A_406 : vector<1x16xf32> to vector<16xf32>
      %swap3A_408 = vector.shape_cast %mul3A_403 : vector<16xf32> to vector<1x16xf32>
      tpu.vector_store %arg5[%swap3A_404, %swap3A_405], %swap3A_408 {strides = array<i32>} : memref<64x768xf32, #tpu.memory_space<vmem>>, vector<1x16xf32>,
      %get3A_409 = arith.index_cast %scan3A_66 : i32 to index
      %get3A_410 = arith.constant 544 : index
      %get3A_411 = tpu.vector_load %arg5[%get3A_409, %get3A_410] {strides = array<i32>} : memref<64x768xf32, #tpu.memory_space<vmem>>, vector<1x16xf32>,
      %get3A_412 = vector.shape_cast %get3A_411 : vector<1x16xf32> to vector<16xf32>
      %mul3A_413 = arith.mulf %get3A_412, %get3A_69 : vector<16xf32>
      %swap3A_414 = arith.index_cast %scan3A_66 : i32 to index
      %swap3A_415 = arith.constant 544 : index
      %swap3A_416 = tpu.vector_load %arg5[%swap3A_414, %swap3A_415] {strides = array<i32>} : memref<64x768xf32, #tpu.memory_space<vmem>>, vector<1x16xf32>,
      %swap3A_417 = vector.shape_cast %swap3A_416 : vector<1x16xf32> to vector<16xf32>
      %swap3A_418 = vector.shape_cast %mul3A_413 : vector<16xf32> to vector<1x16xf32>
      tpu.vector_store %arg5[%swap3A_414, %swap3A_415], %swap3A_418 {strides = array<i32>} : memref<64x768xf32, #tpu.memory_space<vmem>>, vector<1x16xf32>,
      %get3A_419 = arith.index_cast %scan3A_66 : i32 to index
      %get3A_420 = arith.constant 560 : index
      %get3A_421 = tpu.vector_load %arg5[%get3A_419, %get3A_420] {strides = array<i32>} : memref<64x768xf32, #tpu.memory_space<vmem>>, vector<1x16xf32>,
      %get3A_422 = vector.shape_cast %get3A_421 : vector<1x16xf32> to vector<16xf32>
      %mul3A_423 = arith.mulf %get3A_422, %get3A_69 : vector<16xf32>
      %swap3A_424 = arith.index_cast %scan3A_66 : i32 to index
      %swap3A_425 = arith.constant 560 : index
      %swap3A_426 = tpu.vector_load %arg5[%swap3A_424, %swap3A_425] {strides = array<i32>} : memref<64x768xf32, #tpu.memory_space<vmem>>, vector<1x16xf32>,
      %swap3A_427 = vector.shape_cast %swap3A_426 : vector<1x16xf32> to vector<16xf32>
      %swap3A_428 = vector.shape_cast %mul3A_423 : vector<16xf32> to vector<1x16xf32>
      tpu.vector_store %arg5[%swap3A_424, %swap3A_425], %swap3A_428 {strides = array<i32>} : memref<64x768xf32, #tpu.memory_space<vmem>>, vector<1x16xf32>,
      %get3A_429 = arith.index_cast %scan3A_66 : i32 to index
      %get3A_430 = arith.constant 576 : index
      %get3A_431 = tpu.vector_load %arg5[%get3A_429, %get3A_430] {strides = array<i32>} : memref<64x768xf32, #tpu.memory_space<vmem>>, vector<1x16xf32>,
      %get3A_432 = vector.shape_cast %get3A_431 : vector<1x16xf32> to vector<16xf32>
      %mul3A_433 = arith.mulf %get3A_432, %get3A_69 : vector<16xf32>
      %swap3A_434 = arith.index_cast %scan3A_66 : i32 to index
      %swap3A_435 = arith.constant 576 : index
      %swap3A_436 = tpu.vector_load %arg5[%swap3A_434, %swap3A_435] {strides = array<i32>} : memref<64x768xf32, #tpu.memory_space<vmem>>, vector<1x16xf32>,
      %swap3A_437 = vector.shape_cast %swap3A_436 : vector<1x16xf32> to vector<16xf32>
      %swap3A_438 = vector.shape_cast %mul3A_433 : vector<16xf32> to vector<1x16xf32>
      tpu.vector_store %arg5[%swap3A_434, %swap3A_435], %swap3A_438 {strides = array<i32>} : memref<64x768xf32, #tpu.memory_space<vmem>>, vector<1x16xf32>,
      %get3A_439 = arith.index_cast %scan3A_66 : i32 to index
      %get3A_440 = arith.constant 592 : index
      %get3A_441 = tpu.vector_load %arg5[%get3A_439, %get3A_440] {strides = array<i32>} : memref<64x768xf32, #tpu.memory_space<vmem>>, vector<1x16xf32>,
      %get3A_442 = vector.shape_cast %get3A_441 : vector<1x16xf32> to vector<16xf32>
      %mul3A_443 = arith.mulf %get3A_442, %get3A_69 : vector<16xf32>
      %swap3A_444 = arith.index_cast %scan3A_66 : i32 to index
      %swap3A_445 = arith.constant 592 : index
      %swap3A_446 = tpu.vector_load %arg5[%swap3A_444, %swap3A_445] {strides = array<i32>} : memref<64x768xf32, #tpu.memory_space<vmem>>, vector<1x16xf32>,
      %swap3A_447 = vector.shape_cast %swap3A_446 : vector<1x16xf32> to vector<16xf32>
      %swap3A_448 = vector.shape_cast %mul3A_443 : vector<16xf32> to vector<1x16xf32>
      tpu.vector_store %arg5[%swap3A_444, %swap3A_445], %swap3A_448 {strides = array<i32>} : memref<64x768xf32, #tpu.memory_space<vmem>>, vector<1x16xf32>,
      %get3A_449 = arith.index_cast %scan3A_66 : i32 to index
      %get3A_450 = arith.constant 608 : index
      %get3A_451 = tpu.vector_load %arg5[%get3A_449, %get3A_450] {strides = array<i32>} : memref<64x768xf32, #tpu.memory_space<vmem>>, vector<1x16xf32>,
      %get3A_452 = vector.shape_cast %get3A_451 : vector<1x16xf32> to vector<16xf32>
      %mul3A_453 = arith.mulf %get3A_452, %get3A_69 : vector<16xf32>
      %swap3A_454 = arith.index_cast %scan3A_66 : i32 to index
      %swap3A_455 = arith.constant 608 : index
      %swap3A_456 = tpu.vector_load %arg5[%swap3A_454, %swap3A_455] {strides = array<i32>} : memref<64x768xf32, #tpu.memory_space<vmem>>, vector<1x16xf32>,
      %swap3A_457 = vector.shape_cast %swap3A_456 : vector<1x16xf32> to vector<16xf32>
      %swap3A_458 = vector.shape_cast %mul3A_453 : vector<16xf32> to vector<1x16xf32>
      tpu.vector_store %arg5[%swap3A_454, %swap3A_455], %swap3A_458 {strides = array<i32>} : memref<64x768xf32, #tpu.memory_space<vmem>>, vector<1x16xf32>,
      %get3A_459 = arith.index_cast %scan3A_66 : i32 to index
      %get3A_460 = arith.constant 624 : index
      %get3A_461 = tpu.vector_load %arg5[%get3A_459, %get3A_460] {strides = array<i32>} : memref<64x768xf32, #tpu.memory_space<vmem>>, vector<1x16xf32>,
      %get3A_462 = vector.shape_cast %get3A_461 : vector<1x16xf32> to vector<16xf32>
      %mul3A_463 = arith.mulf %get3A_462, %get3A_69 : vector<16xf32>
      %swap3A_464 = arith.index_cast %scan3A_66 : i32 to index
      %swap3A_465 = arith.constant 624 : index
      %swap3A_466 = tpu.vector_load %arg5[%swap3A_464, %swap3A_465] {strides = array<i32>} : memref<64x768xf32, #tpu.memory_space<vmem>>, vector<1x16xf32>,
      %swap3A_467 = vector.shape_cast %swap3A_466 : vector<1x16xf32> to vector<16xf32>
      %swap3A_468 = vector.shape_cast %mul3A_463 : vector<16xf32> to vector<1x16xf32>
      tpu.vector_store %arg5[%swap3A_464, %swap3A_465], %swap3A_468 {strides = array<i32>} : memref<64x768xf32, #tpu.memory_space<vmem>>, vector<1x16xf32>,
      %get3A_469 = arith.index_cast %scan3A_66 : i32 to index
      %get3A_470 = arith.constant 640 : index
      %get3A_471 = tpu.vector_load %arg5[%get3A_469, %get3A_470] {strides = array<i32>} : memref<64x768xf32, #tpu.memory_space<vmem>>, vector<1x16xf32>,
      %get3A_472 = vector.shape_cast %get3A_471 : vector<1x16xf32> to vector<16xf32>
      %mul3A_473 = arith.mulf %get3A_472, %get3A_69 : vector<16xf32>
      %swap3A_474 = arith.index_cast %scan3A_66 : i32 to index
      %swap3A_475 = arith.constant 640 : index
      %swap3A_476 = tpu.vector_load %arg5[%swap3A_474, %swap3A_475] {strides = array<i32>} : memref<64x768xf32, #tpu.memory_space<vmem>>, vector<1x16xf32>,
      %swap3A_477 = vector.shape_cast %swap3A_476 : vector<1x16xf32> to vector<16xf32>
      %swap3A_478 = vector.shape_cast %mul3A_473 : vector<16xf32> to vector<1x16xf32>
      tpu.vector_store %arg5[%swap3A_474, %swap3A_475], %swap3A_478 {strides = array<i32>} : memref<64x768xf32, #tpu.memory_space<vmem>>, vector<1x16xf32>,
      %get3A_479 = arith.index_cast %scan3A_66 : i32 to index
      %get3A_480 = arith.constant 656 : index
      %get3A_481 = tpu.vector_load %arg5[%get3A_479, %get3A_480] {strides = array<i32>} : memref<64x768xf32, #tpu.memory_space<vmem>>, vector<1x16xf32>,
      %get3A_482 = vector.shape_cast %get3A_481 : vector<1x16xf32> to vector<16xf32>
      %mul3A_483 = arith.mulf %get3A_482, %get3A_69 : vector<16xf32>
      %swap3A_484 = arith.index_cast %scan3A_66 : i32 to index
      %swap3A_485 = arith.constant 656 : index
      %swap3A_486 = tpu.vector_load %arg5[%swap3A_484, %swap3A_485] {strides = array<i32>} : memref<64x768xf32, #tpu.memory_space<vmem>>, vector<1x16xf32>,
      %swap3A_487 = vector.shape_cast %swap3A_486 : vector<1x16xf32> to vector<16xf32>
      %swap3A_488 = vector.shape_cast %mul3A_483 : vector<16xf32> to vector<1x16xf32>
      tpu.vector_store %arg5[%swap3A_484, %swap3A_485], %swap3A_488 {strides = array<i32>} : memref<64x768xf32, #tpu.memory_space<vmem>>, vector<1x16xf32>,
      %get3A_489 = arith.index_cast %scan3A_66 : i32 to index
      %get3A_490 = arith.constant 672 : index
      %get3A_491 = tpu.vector_load %arg5[%get3A_489, %get3A_490] {strides = array<i32>} : memref<64x768xf32, #tpu.memory_space<vmem>>, vector<1x16xf32>,
      %get3A_492 = vector.shape_cast %get3A_491 : vector<1x16xf32> to vector<16xf32>
      %mul3A_493 = arith.mulf %get3A_492, %get3A_69 : vector<16xf32>
      %swap3A_494 = arith.index_cast %scan3A_66 : i32 to index
      %swap3A_495 = arith.constant 672 : index
      %swap3A_496 = tpu.vector_load %arg5[%swap3A_494, %swap3A_495] {strides = array<i32>} : memref<64x768xf32, #tpu.memory_space<vmem>>, vector<1x16xf32>,
      %swap3A_497 = vector.shape_cast %swap3A_496 : vector<1x16xf32> to vector<16xf32>
      %swap3A_498 = vector.shape_cast %mul3A_493 : vector<16xf32> to vector<1x16xf32>
      tpu.vector_store %arg5[%swap3A_494, %swap3A_495], %swap3A_498 {strides = array<i32>} : memref<64x768xf32, #tpu.memory_space<vmem>>, vector<1x16xf32>,
      %get3A_499 = arith.index_cast %scan3A_66 : i32 to index
      %get3A_500 = arith.constant 688 : index
      %get3A_501 = tpu.vector_load %arg5[%get3A_499, %get3A_500] {strides = array<i32>} : memref<64x768xf32, #tpu.memory_space<vmem>>, vector<1x16xf32>,
      %get3A_502 = vector.shape_cast %get3A_501 : vector<1x16xf32> to vector<16xf32>
      %mul3A_503 = arith.mulf %get3A_502, %get3A_69 : vector<16xf32>
      %swap3A_504 = arith.index_cast %scan3A_66 : i32 to index
      %swap3A_505 = arith.constant 688 : index
      %swap3A_506 = tpu.vector_load %arg5[%swap3A_504, %swap3A_505] {strides = array<i32>} : memref<64x768xf32, #tpu.memory_space<vmem>>, vector<1x16xf32>,
      %swap3A_507 = vector.shape_cast %swap3A_506 : vector<1x16xf32> to vector<16xf32>
      %swap3A_508 = vector.shape_cast %mul3A_503 : vector<16xf32> to vector<1x16xf32>
      tpu.vector_store %arg5[%swap3A_504, %swap3A_505], %swap3A_508 {strides = array<i32>} : memref<64x768xf32, #tpu.memory_space<vmem>>, vector<1x16xf32>,
      %get3A_509 = arith.index_cast %scan3A_66 : i32 to index
      %get3A_510 = arith.constant 704 : index
      %get3A_511 = tpu.vector_load %arg5[%get3A_509, %get3A_510] {strides = array<i32>} : memref<64x768xf32, #tpu.memory_space<vmem>>, vector<1x16xf32>,
      %get3A_512 = vector.shape_cast %get3A_511 : vector<1x16xf32> to vector<16xf32>
      %mul3A_513 = arith.mulf %get3A_512, %get3A_69 : vector<16xf32>
      %swap3A_514 = arith.index_cast %scan3A_66 : i32 to index
      %swap3A_515 = arith.constant 704 : index
      %swap3A_516 = tpu.vector_load %arg5[%swap3A_514, %swap3A_515] {strides = array<i32>} : memref<64x768xf32, #tpu.memory_space<vmem>>, vector<1x16xf32>,
      %swap3A_517 = vector.shape_cast %swap3A_516 : vector<1x16xf32> to vector<16xf32>
      %swap3A_518 = vector.shape_cast %mul3A_513 : vector<16xf32> to vector<1x16xf32>
      tpu.vector_store %arg5[%swap3A_514, %swap3A_515], %swap3A_518 {strides = array<i32>} : memref<64x768xf32, #tpu.memory_space<vmem>>, vector<1x16xf32>,
      %get3A_519 = arith.index_cast %scan3A_66 : i32 to index
      %get3A_520 = arith.constant 720 : index
      %get3A_521 = tpu.vector_load %arg5[%get3A_519, %get3A_520] {strides = array<i32>} : memref<64x768xf32, #tpu.memory_space<vmem>>, vector<1x16xf32>,
      %get3A_522 = vector.shape_cast %get3A_521 : vector<1x16xf32> to vector<16xf32>
      %mul3A_523 = arith.mulf %get3A_522, %get3A_69 : vector<16xf32>
      %swap3A_524 = arith.index_cast %scan3A_66 : i32 to index
      %swap3A_525 = arith.constant 720 : index
      %swap3A_526 = tpu.vector_load %arg5[%swap3A_524, %swap3A_525] {strides = array<i32>} : memref<64x768xf32, #tpu.memory_space<vmem>>, vector<1x16xf32>,
      %swap3A_527 = vector.shape_cast %swap3A_526 : vector<1x16xf32> to vector<16xf32>
      %swap3A_528 = vector.shape_cast %mul3A_523 : vector<16xf32> to vector<1x16xf32>
      tpu.vector_store %arg5[%swap3A_524, %swap3A_525], %swap3A_528 {strides = array<i32>} : memref<64x768xf32, #tpu.memory_space<vmem>>, vector<1x16xf32>,
      %get3A_529 = arith.index_cast %scan3A_66 : i32 to index
      %get3A_530 = arith.constant 736 : index
      %get3A_531 = tpu.vector_load %arg5[%get3A_529, %get3A_530] {strides = array<i32>} : memref<64x768xf32, #tpu.memory_space<vmem>>, vector<1x16xf32>,
      %get3A_532 = vector.shape_cast %get3A_531 : vector<1x16xf32> to vector<16xf32>
      %mul3A_533 = arith.mulf %get3A_532, %get3A_69 : vector<16xf32>
      %swap3A_534 = arith.index_cast %scan3A_66 : i32 to index
      %swap3A_535 = arith.constant 736 : index
      %swap3A_536 = tpu.vector_load %arg5[%swap3A_534, %swap3A_535] {strides = array<i32>} : memref<64x768xf32, #tpu.memory_space<vmem>>, vector<1x16xf32>,
      %swap3A_537 = vector.shape_cast %swap3A_536 : vector<1x16xf32> to vector<16xf32>
      %swap3A_538 = vector.shape_cast %mul3A_533 : vector<16xf32> to vector<1x16xf32>
      tpu.vector_store %arg5[%swap3A_534, %swap3A_535], %swap3A_538 {strides = array<i32>} : memref<64x768xf32, #tpu.memory_space<vmem>>, vector<1x16xf32>,
      %get3A_539 = arith.index_cast %scan3A_66 : i32 to index
      %get3A_540 = arith.constant 752 : index
      %get3A_541 = tpu.vector_load %arg5[%get3A_539, %get3A_540] {strides = array<i32>} : memref<64x768xf32, #tpu.memory_space<vmem>>, vector<1x16xf32>,
      %get3A_542 = vector.shape_cast %get3A_541 : vector<1x16xf32> to vector<16xf32>
      %mul3A_543 = arith.mulf %get3A_542, %get3A_69 : vector<16xf32>
      %swap3A_544 = arith.index_cast %scan3A_66 : i32 to index
      %swap3A_545 = arith.constant 752 : index
      %swap3A_546 = tpu.vector_load %arg5[%swap3A_544, %swap3A_545] {strides = array<i32>} : memref<64x768xf32, #tpu.memory_space<vmem>>, vector<1x16xf32>,
      %swap3A_547 = vector.shape_cast %swap3A_546 : vector<1x16xf32> to vector<16xf32>
      %swap3A_548 = vector.shape_cast %mul3A_543 : vector<16xf32> to vector<1x16xf32>
      tpu.vector_store %arg5[%swap3A_544, %swap3A_545], %swap3A_548 {strides = array<i32>} : memref<64x768xf32, #tpu.memory_space<vmem>>, vector<1x16xf32>,
    }
    %scan3A_25 = arith.constant 64 : i32
    "tpu.region"() ({
      %run_scoped3A = tpu.sem_alloc : memref<!tpu.dma_semaphore, #tpu.memory_space<semaphore_mem>>
      %dma_start3A = arith.constant 0 : i32
      %dma_start3A_66 = tpu.memref_slice %arg4[%add3A_19, %dma_start3A] : memref<16384x768xf32, #tpu.memory_space<hbm>> -> memref<64x768xf32, #tpu.memory_space<hbm>>
      %dma_start3A_67 = arith.constant 0 : i32
      %dma_start3A_68 = tpu.memref_slice %arg4[%add3A_19, %dma_start3A_67] : memref<16384x768xf32, #tpu.memory_space<hbm>> -> memref<64x768xf32, #tpu.memory_space<hbm>>
      tpu.enqueue_dma source(%arg5 : memref<64x768xf32, #tpu.memory_space<vmem>>) target(%dma_start3A_68 : memref<64x768xf32, #tpu.memory_space<hbm>>) target_semaphore(%run_scoped3A : memref<!tpu.dma_semaphore, #tpu.memory_space<semaphore_mem>>)
      %dma_wait3A = arith.constant 0 : i32
      %dma_wait3A_69 = tpu.memref_slice %arg4[%add3A_19, %dma_wait3A] : memref<16384x768xf32, #tpu.memory_space<hbm>> -> memref<64x768xf32, #tpu.memory_space<hbm>>
      %dma_wait3A_70 = arith.constant 0 : i32
      %dma_wait3A_71 = tpu.memref_slice %arg4[%add3A_19, %dma_wait3A_70] : memref<16384x768xf32, #tpu.memory_space<hbm>> -> memref<64x768xf32, #tpu.memory_space<hbm>>
      tpu.wait_dma2 semaphore(%run_scoped3A : memref<!tpu.dma_semaphore, #tpu.memory_space<semaphore_mem>>) src(%arg5 : memref<64x768xf32, #tpu.memory_space<vmem>>) dst(%dma_wait3A_71 : memref<64x768xf32, #tpu.memory_space<hbm>>)
      tpu.yield
    }) : () -> ()
    %add3A_26 = arith.constant 192 : i32
    %add3A_27 = arith.addi %mul3A_2, %add3A_26 : i32
    "tpu.region"() ({
      %run_scoped3A = tpu.sem_alloc : memref<!tpu.dma_semaphore, #tpu.memory_space<semaphore_mem>>
      %dma_start3A = arith.constant 0 : i32
      %dma_start3A_66 = tpu.memref_slice %arg2[%add3A_27, %dma_start3A] : memref<16384x768xf32, #tpu.memory_space<hbm>> -> memref<64x768xf32, #tpu.memory_space<hbm>>
      %dma_start3A_67 = arith.constant 0 : i32
      %dma_start3A_68 = tpu.memref_slice %arg2[%add3A_27, %dma_start3A_67] : memref<16384x768xf32, #tpu.memory_space<hbm>> -> memref<64x768xf32, #tpu.memory_space<hbm>>
      tpu.enqueue_dma source(%dma_start3A_68 : memref<64x768xf32, #tpu.memory_space<hbm>>) target(%arg5 : memref<64x768xf32, #tpu.memory_space<vmem>>) target_semaphore(%run_scoped3A : memref<!tpu.dma_semaphore, #tpu.memory_space<semaphore_mem>>)
      %dma_wait3A = arith.constant 0 : i32
      %dma_wait3A_69 = tpu.memref_slice %arg2[%add3A_27, %dma_wait3A] : memref<16384x768xf32, #tpu.memory_space<hbm>> -> memref<64x768xf32, #tpu.memory_space<hbm>>
      %dma_wait3A_70 = arith.constant 0 : i32
      %dma_wait3A_71 = tpu.memref_slice %arg2[%add3A_27, %dma_wait3A_70] : memref<16384x768xf32, #tpu.memory_space<hbm>> -> memref<64x768xf32, #tpu.memory_space<hbm>>
      tpu.wait_dma2 semaphore(%run_scoped3A : memref<!tpu.dma_semaphore, #tpu.memory_space<semaphore_mem>>) src(%dma_wait3A_71 : memref<64x768xf32, #tpu.memory_space<hbm>>) dst(%arg5 : memref<64x768xf32, #tpu.memory_space<vmem>>)
      tpu.yield
    }) : () -> ()
    "tpu.region"() ({
      %run_scoped3A = tpu.sem_alloc : memref<!tpu.dma_semaphore, #tpu.memory_space<semaphore_mem>>
      %dma_start3A = arith.constant 0 : i32
      %dma_start3A_66 = tpu.memref_slice %arg3[%add3A_27, %dma_start3A] : memref<16384x128xf32, #tpu.memory_space<hbm>> -> memref<64x128xf32, #tpu.memory_space<hbm>>
      %dma_start3A_67 = arith.constant 0 : i32
      %dma_start3A_68 = tpu.memref_slice %arg3[%add3A_27, %dma_start3A_67] : memref<16384x128xf32, #tpu.memory_space<hbm>> -> memref<64x128xf32, #tpu.memory_space<hbm>>
      tpu.enqueue_dma source(%dma_start3A_68 : memref<64x128xf32, #tpu.memory_space<hbm>>) target(%arg6 : memref<64x128xf32, #tpu.memory_space<vmem>>) target_semaphore(%run_scoped3A : memref<!tpu.dma_semaphore, #tpu.memory_space<semaphore_mem>>)
      %dma_wait3A = arith.constant 0 : i32
      %dma_wait3A_69 = tpu.memref_slice %arg3[%add3A_27, %dma_wait3A] : memref<16384x128xf32, #tpu.memory_space<hbm>> -> memref<64x128xf32, #tpu.memory_space<hbm>>
      %dma_wait3A_70 = arith.constant 0 : i32
      %dma_wait3A_71 = tpu.memref_slice %arg3[%add3A_27, %dma_wait3A_70] : memref<16384x128xf32, #tpu.memory_space<hbm>> -> memref<64x128xf32, #tpu.memory_space<hbm>>
      tpu.wait_dma2 semaphore(%run_scoped3A : memref<!tpu.dma_semaphore, #tpu.memory_space<semaphore_mem>>) src(%dma_wait3A_71 : memref<64x128xf32, #tpu.memory_space<hbm>>) dst(%arg6 : memref<64x128xf32, #tpu.memory_space<vmem>>)
      tpu.yield
    }) : () -> ()
    %scan3A_28 = arith.constant 0 : i32
    %scan3A_29 = arith.constant 0 : i32
    %scan3A_30 = arith.constant 64 : i32
    %scan3A_31 = arith.addi %scan3A_29, %scan3A_30 : i32
    %scan3A_32 = arith.constant 1 : i32
    scf.for %scan3A_66 = %scan3A_29 to %scan3A_31 step %scan3A_32  : i32 {
      %get3A = arith.index_cast %scan3A_66 : i32 to index
      %get3A_67 = arith.constant 0 : index
      %get3A_68 = tpu.vector_load %arg6[%get3A, %get3A_67] {strides = array<i32>} : memref<64x128xf32, #tpu.memory_space<vmem>>, vector<1x16xf32>,
      %get3A_69 = vector.shape_cast %get3A_68 : vector<1x16xf32> to vector<16xf32>
      %get3A_70 = arith.index_cast %scan3A_66 : i32 to index
      %get3A_71 = arith.constant 0 : index
      %get3A_72 = tpu.vector_load %arg5[%get3A_70, %get3A_71] {strides = array<i32>} : memref<64x768xf32, #tpu.memory_space<vmem>>, vector<1x16xf32>,
      %get3A_73 = vector.shape_cast %get3A_72 : vector<1x16xf32> to vector<16xf32>
      %mul3A_74 = arith.mulf %get3A_73, %get3A_69 : vector<16xf32>
      %swap3A = arith.index_cast %scan3A_66 : i32 to index
      %swap3A_75 = arith.constant 0 : index
      %swap3A_76 = tpu.vector_load %arg5[%swap3A, %swap3A_75] {strides = array<i32>} : memref<64x768xf32, #tpu.memory_space<vmem>>, vector<1x16xf32>,
      %swap3A_77 = vector.shape_cast %swap3A_76 : vector<1x16xf32> to vector<16xf32>
      %swap3A_78 = vector.shape_cast %mul3A_74 : vector<16xf32> to vector<1x16xf32>
      tpu.vector_store %arg5[%swap3A, %swap3A_75], %swap3A_78 {strides = array<i32>} : memref<64x768xf32, #tpu.memory_space<vmem>>, vector<1x16xf32>,
      %get3A_79 = arith.index_cast %scan3A_66 : i32 to index
      %get3A_80 = arith.constant 16 : index
      %get3A_81 = tpu.vector_load %arg5[%get3A_79, %get3A_80] {strides = array<i32>} : memref<64x768xf32, #tpu.memory_space<vmem>>, vector<1x16xf32>,
      %get3A_82 = vector.shape_cast %get3A_81 : vector<1x16xf32> to vector<16xf32>
      %mul3A_83 = arith.mulf %get3A_82, %get3A_69 : vector<16xf32>
      %swap3A_84 = arith.index_cast %scan3A_66 : i32 to index
      %swap3A_85 = arith.constant 16 : index
      %swap3A_86 = tpu.vector_load %arg5[%swap3A_84, %swap3A_85] {strides = array<i32>} : memref<64x768xf32, #tpu.memory_space<vmem>>, vector<1x16xf32>,
      %swap3A_87 = vector.shape_cast %swap3A_86 : vector<1x16xf32> to vector<16xf32>
      %swap3A_88 = vector.shape_cast %mul3A_83 : vector<16xf32> to vector<1x16xf32>
      tpu.vector_store %arg5[%swap3A_84, %swap3A_85], %swap3A_88 {strides = array<i32>} : memref<64x768xf32, #tpu.memory_space<vmem>>, vector<1x16xf32>,
      %get3A_89 = arith.index_cast %scan3A_66 : i32 to index
      %get3A_90 = arith.constant 32 : index
      %get3A_91 = tpu.vector_load %arg5[%get3A_89, %get3A_90] {strides = array<i32>} : memref<64x768xf32, #tpu.memory_space<vmem>>, vector<1x16xf32>,
      %get3A_92 = vector.shape_cast %get3A_91 : vector<1x16xf32> to vector<16xf32>
      %mul3A_93 = arith.mulf %get3A_92, %get3A_69 : vector<16xf32>
      %swap3A_94 = arith.index_cast %scan3A_66 : i32 to index
      %swap3A_95 = arith.constant 32 : index
      %swap3A_96 = tpu.vector_load %arg5[%swap3A_94, %swap3A_95] {strides = array<i32>} : memref<64x768xf32, #tpu.memory_space<vmem>>, vector<1x16xf32>,
      %swap3A_97 = vector.shape_cast %swap3A_96 : vector<1x16xf32> to vector<16xf32>
      %swap3A_98 = vector.shape_cast %mul3A_93 : vector<16xf32> to vector<1x16xf32>
      tpu.vector_store %arg5[%swap3A_94, %swap3A_95], %swap3A_98 {strides = array<i32>} : memref<64x768xf32, #tpu.memory_space<vmem>>, vector<1x16xf32>,
      %get3A_99 = arith.index_cast %scan3A_66 : i32 to index
      %get3A_100 = arith.constant 48 : index
      %get3A_101 = tpu.vector_load %arg5[%get3A_99, %get3A_100] {strides = array<i32>} : memref<64x768xf32, #tpu.memory_space<vmem>>, vector<1x16xf32>,
      %get3A_102 = vector.shape_cast %get3A_101 : vector<1x16xf32> to vector<16xf32>
      %mul3A_103 = arith.mulf %get3A_102, %get3A_69 : vector<16xf32>
      %swap3A_104 = arith.index_cast %scan3A_66 : i32 to index
      %swap3A_105 = arith.constant 48 : index
      %swap3A_106 = tpu.vector_load %arg5[%swap3A_104, %swap3A_105] {strides = array<i32>} : memref<64x768xf32, #tpu.memory_space<vmem>>, vector<1x16xf32>,
      %swap3A_107 = vector.shape_cast %swap3A_106 : vector<1x16xf32> to vector<16xf32>
      %swap3A_108 = vector.shape_cast %mul3A_103 : vector<16xf32> to vector<1x16xf32>
      tpu.vector_store %arg5[%swap3A_104, %swap3A_105], %swap3A_108 {strides = array<i32>} : memref<64x768xf32, #tpu.memory_space<vmem>>, vector<1x16xf32>,
      %get3A_109 = arith.index_cast %scan3A_66 : i32 to index
      %get3A_110 = arith.constant 64 : index
      %get3A_111 = tpu.vector_load %arg5[%get3A_109, %get3A_110] {strides = array<i32>} : memref<64x768xf32, #tpu.memory_space<vmem>>, vector<1x16xf32>,
      %get3A_112 = vector.shape_cast %get3A_111 : vector<1x16xf32> to vector<16xf32>
      %mul3A_113 = arith.mulf %get3A_112, %get3A_69 : vector<16xf32>
      %swap3A_114 = arith.index_cast %scan3A_66 : i32 to index
      %swap3A_115 = arith.constant 64 : index
      %swap3A_116 = tpu.vector_load %arg5[%swap3A_114, %swap3A_115] {strides = array<i32>} : memref<64x768xf32, #tpu.memory_space<vmem>>, vector<1x16xf32>,
      %swap3A_117 = vector.shape_cast %swap3A_116 : vector<1x16xf32> to vector<16xf32>
      %swap3A_118 = vector.shape_cast %mul3A_113 : vector<16xf32> to vector<1x16xf32>
      tpu.vector_store %arg5[%swap3A_114, %swap3A_115], %swap3A_118 {strides = array<i32>} : memref<64x768xf32, #tpu.memory_space<vmem>>, vector<1x16xf32>,
      %get3A_119 = arith.index_cast %scan3A_66 : i32 to index
      %get3A_120 = arith.constant 80 : index
      %get3A_121 = tpu.vector_load %arg5[%get3A_119, %get3A_120] {strides = array<i32>} : memref<64x768xf32, #tpu.memory_space<vmem>>, vector<1x16xf32>,
      %get3A_122 = vector.shape_cast %get3A_121 : vector<1x16xf32> to vector<16xf32>
      %mul3A_123 = arith.mulf %get3A_122, %get3A_69 : vector<16xf32>
      %swap3A_124 = arith.index_cast %scan3A_66 : i32 to index
      %swap3A_125 = arith.constant 80 : index
      %swap3A_126 = tpu.vector_load %arg5[%swap3A_124, %swap3A_125] {strides = array<i32>} : memref<64x768xf32, #tpu.memory_space<vmem>>, vector<1x16xf32>,
      %swap3A_127 = vector.shape_cast %swap3A_126 : vector<1x16xf32> to vector<16xf32>
      %swap3A_128 = vector.shape_cast %mul3A_123 : vector<16xf32> to vector<1x16xf32>
      tpu.vector_store %arg5[%swap3A_124, %swap3A_125], %swap3A_128 {strides = array<i32>} : memref<64x768xf32, #tpu.memory_space<vmem>>, vector<1x16xf32>,
      %get3A_129 = arith.index_cast %scan3A_66 : i32 to index
      %get3A_130 = arith.constant 96 : index
      %get3A_131 = tpu.vector_load %arg5[%get3A_129, %get3A_130] {strides = array<i32>} : memref<64x768xf32, #tpu.memory_space<vmem>>, vector<1x16xf32>,
      %get3A_132 = vector.shape_cast %get3A_131 : vector<1x16xf32> to vector<16xf32>
      %mul3A_133 = arith.mulf %get3A_132, %get3A_69 : vector<16xf32>
      %swap3A_134 = arith.index_cast %scan3A_66 : i32 to index
      %swap3A_135 = arith.constant 96 : index
      %swap3A_136 = tpu.vector_load %arg5[%swap3A_134, %swap3A_135] {strides = array<i32>} : memref<64x768xf32, #tpu.memory_space<vmem>>, vector<1x16xf32>,
      %swap3A_137 = vector.shape_cast %swap3A_136 : vector<1x16xf32> to vector<16xf32>
      %swap3A_138 = vector.shape_cast %mul3A_133 : vector<16xf32> to vector<1x16xf32>
      tpu.vector_store %arg5[%swap3A_134, %swap3A_135], %swap3A_138 {strides = array<i32>} : memref<64x768xf32, #tpu.memory_space<vmem>>, vector<1x16xf32>,
      %get3A_139 = arith.index_cast %scan3A_66 : i32 to index
      %get3A_140 = arith.constant 112 : index
      %get3A_141 = tpu.vector_load %arg5[%get3A_139, %get3A_140] {strides = array<i32>} : memref<64x768xf32, #tpu.memory_space<vmem>>, vector<1x16xf32>,
      %get3A_142 = vector.shape_cast %get3A_141 : vector<1x16xf32> to vector<16xf32>
      %mul3A_143 = arith.mulf %get3A_142, %get3A_69 : vector<16xf32>
      %swap3A_144 = arith.index_cast %scan3A_66 : i32 to index
      %swap3A_145 = arith.constant 112 : index
      %swap3A_146 = tpu.vector_load %arg5[%swap3A_144, %swap3A_145] {strides = array<i32>} : memref<64x768xf32, #tpu.memory_space<vmem>>, vector<1x16xf32>,
      %swap3A_147 = vector.shape_cast %swap3A_146 : vector<1x16xf32> to vector<16xf32>
      %swap3A_148 = vector.shape_cast %mul3A_143 : vector<16xf32> to vector<1x16xf32>
      tpu.vector_store %arg5[%swap3A_144, %swap3A_145], %swap3A_148 {strides = array<i32>} : memref<64x768xf32, #tpu.memory_space<vmem>>, vector<1x16xf32>,
      %get3A_149 = arith.index_cast %scan3A_66 : i32 to index
      %get3A_150 = arith.constant 128 : index
      %get3A_151 = tpu.vector_load %arg5[%get3A_149, %get3A_150] {strides = array<i32>} : memref<64x768xf32, #tpu.memory_space<vmem>>, vector<1x16xf32>,
      %get3A_152 = vector.shape_cast %get3A_151 : vector<1x16xf32> to vector<16xf32>
      %mul3A_153 = arith.mulf %get3A_152, %get3A_69 : vector<16xf32>
      %swap3A_154 = arith.index_cast %scan3A_66 : i32 to index
      %swap3A_155 = arith.constant 128 : index
      %swap3A_156 = tpu.vector_load %arg5[%swap3A_154, %swap3A_155] {strides = array<i32>} : memref<64x768xf32, #tpu.memory_space<vmem>>, vector<1x16xf32>,
      %swap3A_157 = vector.shape_cast %swap3A_156 : vector<1x16xf32> to vector<16xf32>
      %swap3A_158 = vector.shape_cast %mul3A_153 : vector<16xf32> to vector<1x16xf32>
      tpu.vector_store %arg5[%swap3A_154, %swap3A_155], %swap3A_158 {strides = array<i32>} : memref<64x768xf32, #tpu.memory_space<vmem>>, vector<1x16xf32>,
      %get3A_159 = arith.index_cast %scan3A_66 : i32 to index
      %get3A_160 = arith.constant 144 : index
      %get3A_161 = tpu.vector_load %arg5[%get3A_159, %get3A_160] {strides = array<i32>} : memref<64x768xf32, #tpu.memory_space<vmem>>, vector<1x16xf32>,
      %get3A_162 = vector.shape_cast %get3A_161 : vector<1x16xf32> to vector<16xf32>
      %mul3A_163 = arith.mulf %get3A_162, %get3A_69 : vector<16xf32>
      %swap3A_164 = arith.index_cast %scan3A_66 : i32 to index
      %swap3A_165 = arith.constant 144 : index
      %swap3A_166 = tpu.vector_load %arg5[%swap3A_164, %swap3A_165] {strides = array<i32>} : memref<64x768xf32, #tpu.memory_space<vmem>>, vector<1x16xf32>,
      %swap3A_167 = vector.shape_cast %swap3A_166 : vector<1x16xf32> to vector<16xf32>
      %swap3A_168 = vector.shape_cast %mul3A_163 : vector<16xf32> to vector<1x16xf32>
      tpu.vector_store %arg5[%swap3A_164, %swap3A_165], %swap3A_168 {strides = array<i32>} : memref<64x768xf32, #tpu.memory_space<vmem>>, vector<1x16xf32>,
      %get3A_169 = arith.index_cast %scan3A_66 : i32 to index
      %get3A_170 = arith.constant 160 : index
      %get3A_171 = tpu.vector_load %arg5[%get3A_169, %get3A_170] {strides = array<i32>} : memref<64x768xf32, #tpu.memory_space<vmem>>, vector<1x16xf32>,
      %get3A_172 = vector.shape_cast %get3A_171 : vector<1x16xf32> to vector<16xf32>
      %mul3A_173 = arith.mulf %get3A_172, %get3A_69 : vector<16xf32>
      %swap3A_174 = arith.index_cast %scan3A_66 : i32 to index
      %swap3A_175 = arith.constant 160 : index
      %swap3A_176 = tpu.vector_load %arg5[%swap3A_174, %swap3A_175] {strides = array<i32>} : memref<64x768xf32, #tpu.memory_space<vmem>>, vector<1x16xf32>,
      %swap3A_177 = vector.shape_cast %swap3A_176 : vector<1x16xf32> to vector<16xf32>
      %swap3A_178 = vector.shape_cast %mul3A_173 : vector<16xf32> to vector<1x16xf32>
      tpu.vector_store %arg5[%swap3A_174, %swap3A_175], %swap3A_178 {strides = array<i32>} : memref<64x768xf32, #tpu.memory_space<vmem>>, vector<1x16xf32>,
      %get3A_179 = arith.index_cast %scan3A_66 : i32 to index
      %get3A_180 = arith.constant 176 : index
      %get3A_181 = tpu.vector_load %arg5[%get3A_179, %get3A_180] {strides = array<i32>} : memref<64x768xf32, #tpu.memory_space<vmem>>, vector<1x16xf32>,
      %get3A_182 = vector.shape_cast %get3A_181 : vector<1x16xf32> to vector<16xf32>
      %mul3A_183 = arith.mulf %get3A_182, %get3A_69 : vector<16xf32>
      %swap3A_184 = arith.index_cast %scan3A_66 : i32 to index
      %swap3A_185 = arith.constant 176 : index
      %swap3A_186 = tpu.vector_load %arg5[%swap3A_184, %swap3A_185] {strides = array<i32>} : memref<64x768xf32, #tpu.memory_space<vmem>>, vector<1x16xf32>,
      %swap3A_187 = vector.shape_cast %swap3A_186 : vector<1x16xf32> to vector<16xf32>
      %swap3A_188 = vector.shape_cast %mul3A_183 : vector<16xf32> to vector<1x16xf32>
      tpu.vector_store %arg5[%swap3A_184, %swap3A_185], %swap3A_188 {strides = array<i32>} : memref<64x768xf32, #tpu.memory_space<vmem>>, vector<1x16xf32>,
      %get3A_189 = arith.index_cast %scan3A_66 : i32 to index
      %get3A_190 = arith.constant 192 : index
      %get3A_191 = tpu.vector_load %arg5[%get3A_189, %get3A_190] {strides = array<i32>} : memref<64x768xf32, #tpu.memory_space<vmem>>, vector<1x16xf32>,
      %get3A_192 = vector.shape_cast %get3A_191 : vector<1x16xf32> to vector<16xf32>
      %mul3A_193 = arith.mulf %get3A_192, %get3A_69 : vector<16xf32>
      %swap3A_194 = arith.index_cast %scan3A_66 : i32 to index
      %swap3A_195 = arith.constant 192 : index
      %swap3A_196 = tpu.vector_load %arg5[%swap3A_194, %swap3A_195] {strides = array<i32>} : memref<64x768xf32, #tpu.memory_space<vmem>>, vector<1x16xf32>,
      %swap3A_197 = vector.shape_cast %swap3A_196 : vector<1x16xf32> to vector<16xf32>
      %swap3A_198 = vector.shape_cast %mul3A_193 : vector<16xf32> to vector<1x16xf32>
      tpu.vector_store %arg5[%swap3A_194, %swap3A_195], %swap3A_198 {strides = array<i32>} : memref<64x768xf32, #tpu.memory_space<vmem>>, vector<1x16xf32>,
      %get3A_199 = arith.index_cast %scan3A_66 : i32 to index
      %get3A_200 = arith.constant 208 : index
      %get3A_201 = tpu.vector_load %arg5[%get3A_199, %get3A_200] {strides = array<i32>} : memref<64x768xf32, #tpu.memory_space<vmem>>, vector<1x16xf32>,
      %get3A_202 = vector.shape_cast %get3A_201 : vector<1x16xf32> to vector<16xf32>
      %mul3A_203 = arith.mulf %get3A_202, %get3A_69 : vector<16xf32>
      %swap3A_204 = arith.index_cast %scan3A_66 : i32 to index
      %swap3A_205 = arith.constant 208 : index
      %swap3A_206 = tpu.vector_load %arg5[%swap3A_204, %swap3A_205] {strides = array<i32>} : memref<64x768xf32, #tpu.memory_space<vmem>>, vector<1x16xf32>,
      %swap3A_207 = vector.shape_cast %swap3A_206 : vector<1x16xf32> to vector<16xf32>
      %swap3A_208 = vector.shape_cast %mul3A_203 : vector<16xf32> to vector<1x16xf32>
      tpu.vector_store %arg5[%swap3A_204, %swap3A_205], %swap3A_208 {strides = array<i32>} : memref<64x768xf32, #tpu.memory_space<vmem>>, vector<1x16xf32>,
      %get3A_209 = arith.index_cast %scan3A_66 : i32 to index
      %get3A_210 = arith.constant 224 : index
      %get3A_211 = tpu.vector_load %arg5[%get3A_209, %get3A_210] {strides = array<i32>} : memref<64x768xf32, #tpu.memory_space<vmem>>, vector<1x16xf32>,
      %get3A_212 = vector.shape_cast %get3A_211 : vector<1x16xf32> to vector<16xf32>
      %mul3A_213 = arith.mulf %get3A_212, %get3A_69 : vector<16xf32>
      %swap3A_214 = arith.index_cast %scan3A_66 : i32 to index
      %swap3A_215 = arith.constant 224 : index
      %swap3A_216 = tpu.vector_load %arg5[%swap3A_214, %swap3A_215] {strides = array<i32>} : memref<64x768xf32, #tpu.memory_space<vmem>>, vector<1x16xf32>,
      %swap3A_217 = vector.shape_cast %swap3A_216 : vector<1x16xf32> to vector<16xf32>
      %swap3A_218 = vector.shape_cast %mul3A_213 : vector<16xf32> to vector<1x16xf32>
      tpu.vector_store %arg5[%swap3A_214, %swap3A_215], %swap3A_218 {strides = array<i32>} : memref<64x768xf32, #tpu.memory_space<vmem>>, vector<1x16xf32>,
      %get3A_219 = arith.index_cast %scan3A_66 : i32 to index
      %get3A_220 = arith.constant 240 : index
      %get3A_221 = tpu.vector_load %arg5[%get3A_219, %get3A_220] {strides = array<i32>} : memref<64x768xf32, #tpu.memory_space<vmem>>, vector<1x16xf32>,
      %get3A_222 = vector.shape_cast %get3A_221 : vector<1x16xf32> to vector<16xf32>
      %mul3A_223 = arith.mulf %get3A_222, %get3A_69 : vector<16xf32>
      %swap3A_224 = arith.index_cast %scan3A_66 : i32 to index
      %swap3A_225 = arith.constant 240 : index
      %swap3A_226 = tpu.vector_load %arg5[%swap3A_224, %swap3A_225] {strides = array<i32>} : memref<64x768xf32, #tpu.memory_space<vmem>>, vector<1x16xf32>,
      %swap3A_227 = vector.shape_cast %swap3A_226 : vector<1x16xf32> to vector<16xf32>
      %swap3A_228 = vector.shape_cast %mul3A_223 : vector<16xf32> to vector<1x16xf32>
      tpu.vector_store %arg5[%swap3A_224, %swap3A_225], %swap3A_228 {strides = array<i32>} : memref<64x768xf32, #tpu.memory_space<vmem>>, vector<1x16xf32>,
      %get3A_229 = arith.index_cast %scan3A_66 : i32 to index
      %get3A_230 = arith.constant 256 : index
      %get3A_231 = tpu.vector_load %arg5[%get3A_229, %get3A_230] {strides = array<i32>} : memref<64x768xf32, #tpu.memory_space<vmem>>, vector<1x16xf32>,
      %get3A_232 = vector.shape_cast %get3A_231 : vector<1x16xf32> to vector<16xf32>
      %mul3A_233 = arith.mulf %get3A_232, %get3A_69 : vector<16xf32>
      %swap3A_234 = arith.index_cast %scan3A_66 : i32 to index
      %swap3A_235 = arith.constant 256 : index
      %swap3A_236 = tpu.vector_load %arg5[%swap3A_234, %swap3A_235] {strides = array<i32>} : memref<64x768xf32, #tpu.memory_space<vmem>>, vector<1x16xf32>,
      %swap3A_237 = vector.shape_cast %swap3A_236 : vector<1x16xf32> to vector<16xf32>
      %swap3A_238 = vector.shape_cast %mul3A_233 : vector<16xf32> to vector<1x16xf32>
      tpu.vector_store %arg5[%swap3A_234, %swap3A_235], %swap3A_238 {strides = array<i32>} : memref<64x768xf32, #tpu.memory_space<vmem>>, vector<1x16xf32>,
      %get3A_239 = arith.index_cast %scan3A_66 : i32 to index
      %get3A_240 = arith.constant 272 : index
      %get3A_241 = tpu.vector_load %arg5[%get3A_239, %get3A_240] {strides = array<i32>} : memref<64x768xf32, #tpu.memory_space<vmem>>, vector<1x16xf32>,
      %get3A_242 = vector.shape_cast %get3A_241 : vector<1x16xf32> to vector<16xf32>
      %mul3A_243 = arith.mulf %get3A_242, %get3A_69 : vector<16xf32>
      %swap3A_244 = arith.index_cast %scan3A_66 : i32 to index
      %swap3A_245 = arith.constant 272 : index
      %swap3A_246 = tpu.vector_load %arg5[%swap3A_244, %swap3A_245] {strides = array<i32>} : memref<64x768xf32, #tpu.memory_space<vmem>>, vector<1x16xf32>,
      %swap3A_247 = vector.shape_cast %swap3A_246 : vector<1x16xf32> to vector<16xf32>
      %swap3A_248 = vector.shape_cast %mul3A_243 : vector<16xf32> to vector<1x16xf32>
      tpu.vector_store %arg5[%swap3A_244, %swap3A_245], %swap3A_248 {strides = array<i32>} : memref<64x768xf32, #tpu.memory_space<vmem>>, vector<1x16xf32>,
      %get3A_249 = arith.index_cast %scan3A_66 : i32 to index
      %get3A_250 = arith.constant 288 : index
      %get3A_251 = tpu.vector_load %arg5[%get3A_249, %get3A_250] {strides = array<i32>} : memref<64x768xf32, #tpu.memory_space<vmem>>, vector<1x16xf32>,
      %get3A_252 = vector.shape_cast %get3A_251 : vector<1x16xf32> to vector<16xf32>
      %mul3A_253 = arith.mulf %get3A_252, %get3A_69 : vector<16xf32>
      %swap3A_254 = arith.index_cast %scan3A_66 : i32 to index
      %swap3A_255 = arith.constant 288 : index
      %swap3A_256 = tpu.vector_load %arg5[%swap3A_254, %swap3A_255] {strides = array<i32>} : memref<64x768xf32, #tpu.memory_space<vmem>>, vector<1x16xf32>,
      %swap3A_257 = vector.shape_cast %swap3A_256 : vector<1x16xf32> to vector<16xf32>
      %swap3A_258 = vector.shape_cast %mul3A_253 : vector<16xf32> to vector<1x16xf32>
      tpu.vector_store %arg5[%swap3A_254, %swap3A_255], %swap3A_258 {strides = array<i32>} : memref<64x768xf32, #tpu.memory_space<vmem>>, vector<1x16xf32>,
      %get3A_259 = arith.index_cast %scan3A_66 : i32 to index
      %get3A_260 = arith.constant 304 : index
      %get3A_261 = tpu.vector_load %arg5[%get3A_259, %get3A_260] {strides = array<i32>} : memref<64x768xf32, #tpu.memory_space<vmem>>, vector<1x16xf32>,
      %get3A_262 = vector.shape_cast %get3A_261 : vector<1x16xf32> to vector<16xf32>
      %mul3A_263 = arith.mulf %get3A_262, %get3A_69 : vector<16xf32>
      %swap3A_264 = arith.index_cast %scan3A_66 : i32 to index
      %swap3A_265 = arith.constant 304 : index
      %swap3A_266 = tpu.vector_load %arg5[%swap3A_264, %swap3A_265] {strides = array<i32>} : memref<64x768xf32, #tpu.memory_space<vmem>>, vector<1x16xf32>,
      %swap3A_267 = vector.shape_cast %swap3A_266 : vector<1x16xf32> to vector<16xf32>
      %swap3A_268 = vector.shape_cast %mul3A_263 : vector<16xf32> to vector<1x16xf32>
      tpu.vector_store %arg5[%swap3A_264, %swap3A_265], %swap3A_268 {strides = array<i32>} : memref<64x768xf32, #tpu.memory_space<vmem>>, vector<1x16xf32>,
      %get3A_269 = arith.index_cast %scan3A_66 : i32 to index
      %get3A_270 = arith.constant 320 : index
      %get3A_271 = tpu.vector_load %arg5[%get3A_269, %get3A_270] {strides = array<i32>} : memref<64x768xf32, #tpu.memory_space<vmem>>, vector<1x16xf32>,
      %get3A_272 = vector.shape_cast %get3A_271 : vector<1x16xf32> to vector<16xf32>
      %mul3A_273 = arith.mulf %get3A_272, %get3A_69 : vector<16xf32>
      %swap3A_274 = arith.index_cast %scan3A_66 : i32 to index
      %swap3A_275 = arith.constant 320 : index
      %swap3A_276 = tpu.vector_load %arg5[%swap3A_274, %swap3A_275] {strides = array<i32>} : memref<64x768xf32, #tpu.memory_space<vmem>>, vector<1x16xf32>,
      %swap3A_277 = vector.shape_cast %swap3A_276 : vector<1x16xf32> to vector<16xf32>
      %swap3A_278 = vector.shape_cast %mul3A_273 : vector<16xf32> to vector<1x16xf32>
      tpu.vector_store %arg5[%swap3A_274, %swap3A_275], %swap3A_278 {strides = array<i32>} : memref<64x768xf32, #tpu.memory_space<vmem>>, vector<1x16xf32>,
      %get3A_279 = arith.index_cast %scan3A_66 : i32 to index
      %get3A_280 = arith.constant 336 : index
      %get3A_281 = tpu.vector_load %arg5[%get3A_279, %get3A_280] {strides = array<i32>} : memref<64x768xf32, #tpu.memory_space<vmem>>, vector<1x16xf32>,
      %get3A_282 = vector.shape_cast %get3A_281 : vector<1x16xf32> to vector<16xf32>
      %mul3A_283 = arith.mulf %get3A_282, %get3A_69 : vector<16xf32>
      %swap3A_284 = arith.index_cast %scan3A_66 : i32 to index
      %swap3A_285 = arith.constant 336 : index
      %swap3A_286 = tpu.vector_load %arg5[%swap3A_284, %swap3A_285] {strides = array<i32>} : memref<64x768xf32, #tpu.memory_space<vmem>>, vector<1x16xf32>,
      %swap3A_287 = vector.shape_cast %swap3A_286 : vector<1x16xf32> to vector<16xf32>
      %swap3A_288 = vector.shape_cast %mul3A_283 : vector<16xf32> to vector<1x16xf32>
      tpu.vector_store %arg5[%swap3A_284, %swap3A_285], %swap3A_288 {strides = array<i32>} : memref<64x768xf32, #tpu.memory_space<vmem>>, vector<1x16xf32>,
      %get3A_289 = arith.index_cast %scan3A_66 : i32 to index
      %get3A_290 = arith.constant 352 : index
      %get3A_291 = tpu.vector_load %arg5[%get3A_289, %get3A_290] {strides = array<i32>} : memref<64x768xf32, #tpu.memory_space<vmem>>, vector<1x16xf32>,
      %get3A_292 = vector.shape_cast %get3A_291 : vector<1x16xf32> to vector<16xf32>
      %mul3A_293 = arith.mulf %get3A_292, %get3A_69 : vector<16xf32>
      %swap3A_294 = arith.index_cast %scan3A_66 : i32 to index
      %swap3A_295 = arith.constant 352 : index
      %swap3A_296 = tpu.vector_load %arg5[%swap3A_294, %swap3A_295] {strides = array<i32>} : memref<64x768xf32, #tpu.memory_space<vmem>>, vector<1x16xf32>,
      %swap3A_297 = vector.shape_cast %swap3A_296 : vector<1x16xf32> to vector<16xf32>
      %swap3A_298 = vector.shape_cast %mul3A_293 : vector<16xf32> to vector<1x16xf32>
      tpu.vector_store %arg5[%swap3A_294, %swap3A_295], %swap3A_298 {strides = array<i32>} : memref<64x768xf32, #tpu.memory_space<vmem>>, vector<1x16xf32>,
      %get3A_299 = arith.index_cast %scan3A_66 : i32 to index
      %get3A_300 = arith.constant 368 : index
      %get3A_301 = tpu.vector_load %arg5[%get3A_299, %get3A_300] {strides = array<i32>} : memref<64x768xf32, #tpu.memory_space<vmem>>, vector<1x16xf32>,
      %get3A_302 = vector.shape_cast %get3A_301 : vector<1x16xf32> to vector<16xf32>
      %mul3A_303 = arith.mulf %get3A_302, %get3A_69 : vector<16xf32>
      %swap3A_304 = arith.index_cast %scan3A_66 : i32 to index
      %swap3A_305 = arith.constant 368 : index
      %swap3A_306 = tpu.vector_load %arg5[%swap3A_304, %swap3A_305] {strides = array<i32>} : memref<64x768xf32, #tpu.memory_space<vmem>>, vector<1x16xf32>,
      %swap3A_307 = vector.shape_cast %swap3A_306 : vector<1x16xf32> to vector<16xf32>
      %swap3A_308 = vector.shape_cast %mul3A_303 : vector<16xf32> to vector<1x16xf32>
      tpu.vector_store %arg5[%swap3A_304, %swap3A_305], %swap3A_308 {strides = array<i32>} : memref<64x768xf32, #tpu.memory_space<vmem>>, vector<1x16xf32>,
      %get3A_309 = arith.index_cast %scan3A_66 : i32 to index
      %get3A_310 = arith.constant 384 : index
      %get3A_311 = tpu.vector_load %arg5[%get3A_309, %get3A_310] {strides = array<i32>} : memref<64x768xf32, #tpu.memory_space<vmem>>, vector<1x16xf32>,
      %get3A_312 = vector.shape_cast %get3A_311 : vector<1x16xf32> to vector<16xf32>
      %mul3A_313 = arith.mulf %get3A_312, %get3A_69 : vector<16xf32>
      %swap3A_314 = arith.index_cast %scan3A_66 : i32 to index
      %swap3A_315 = arith.constant 384 : index
      %swap3A_316 = tpu.vector_load %arg5[%swap3A_314, %swap3A_315] {strides = array<i32>} : memref<64x768xf32, #tpu.memory_space<vmem>>, vector<1x16xf32>,
      %swap3A_317 = vector.shape_cast %swap3A_316 : vector<1x16xf32> to vector<16xf32>
      %swap3A_318 = vector.shape_cast %mul3A_313 : vector<16xf32> to vector<1x16xf32>
      tpu.vector_store %arg5[%swap3A_314, %swap3A_315], %swap3A_318 {strides = array<i32>} : memref<64x768xf32, #tpu.memory_space<vmem>>, vector<1x16xf32>,
      %get3A_319 = arith.index_cast %scan3A_66 : i32 to index
      %get3A_320 = arith.constant 400 : index
      %get3A_321 = tpu.vector_load %arg5[%get3A_319, %get3A_320] {strides = array<i32>} : memref<64x768xf32, #tpu.memory_space<vmem>>, vector<1x16xf32>,
      %get3A_322 = vector.shape_cast %get3A_321 : vector<1x16xf32> to vector<16xf32>
      %mul3A_323 = arith.mulf %get3A_322, %get3A_69 : vector<16xf32>
      %swap3A_324 = arith.index_cast %scan3A_66 : i32 to index
      %swap3A_325 = arith.constant 400 : index
      %swap3A_326 = tpu.vector_load %arg5[%swap3A_324, %swap3A_325] {strides = array<i32>} : memref<64x768xf32, #tpu.memory_space<vmem>>, vector<1x16xf32>,
      %swap3A_327 = vector.shape_cast %swap3A_326 : vector<1x16xf32> to vector<16xf32>
      %swap3A_328 = vector.shape_cast %mul3A_323 : vector<16xf32> to vector<1x16xf32>
      tpu.vector_store %arg5[%swap3A_324, %swap3A_325], %swap3A_328 {strides = array<i32>} : memref<64x768xf32, #tpu.memory_space<vmem>>, vector<1x16xf32>,
      %get3A_329 = arith.index_cast %scan3A_66 : i32 to index
      %get3A_330 = arith.constant 416 : index
      %get3A_331 = tpu.vector_load %arg5[%get3A_329, %get3A_330] {strides = array<i32>} : memref<64x768xf32, #tpu.memory_space<vmem>>, vector<1x16xf32>,
      %get3A_332 = vector.shape_cast %get3A_331 : vector<1x16xf32> to vector<16xf32>
      %mul3A_333 = arith.mulf %get3A_332, %get3A_69 : vector<16xf32>
      %swap3A_334 = arith.index_cast %scan3A_66 : i32 to index
      %swap3A_335 = arith.constant 416 : index
      %swap3A_336 = tpu.vector_load %arg5[%swap3A_334, %swap3A_335] {strides = array<i32>} : memref<64x768xf32, #tpu.memory_space<vmem>>, vector<1x16xf32>,
      %swap3A_337 = vector.shape_cast %swap3A_336 : vector<1x16xf32> to vector<16xf32>
      %swap3A_338 = vector.shape_cast %mul3A_333 : vector<16xf32> to vector<1x16xf32>
      tpu.vector_store %arg5[%swap3A_334, %swap3A_335], %swap3A_338 {strides = array<i32>} : memref<64x768xf32, #tpu.memory_space<vmem>>, vector<1x16xf32>,
      %get3A_339 = arith.index_cast %scan3A_66 : i32 to index
      %get3A_340 = arith.constant 432 : index
      %get3A_341 = tpu.vector_load %arg5[%get3A_339, %get3A_340] {strides = array<i32>} : memref<64x768xf32, #tpu.memory_space<vmem>>, vector<1x16xf32>,
      %get3A_342 = vector.shape_cast %get3A_341 : vector<1x16xf32> to vector<16xf32>
      %mul3A_343 = arith.mulf %get3A_342, %get3A_69 : vector<16xf32>
      %swap3A_344 = arith.index_cast %scan3A_66 : i32 to index
      %swap3A_345 = arith.constant 432 : index
      %swap3A_346 = tpu.vector_load %arg5[%swap3A_344, %swap3A_345] {strides = array<i32>} : memref<64x768xf32, #tpu.memory_space<vmem>>, vector<1x16xf32>,
      %swap3A_347 = vector.shape_cast %swap3A_346 : vector<1x16xf32> to vector<16xf32>
      %swap3A_348 = vector.shape_cast %mul3A_343 : vector<16xf32> to vector<1x16xf32>
      tpu.vector_store %arg5[%swap3A_344, %swap3A_345], %swap3A_348 {strides = array<i32>} : memref<64x768xf32, #tpu.memory_space<vmem>>, vector<1x16xf32>,
      %get3A_349 = arith.index_cast %scan3A_66 : i32 to index
      %get3A_350 = arith.constant 448 : index
      %get3A_351 = tpu.vector_load %arg5[%get3A_349, %get3A_350] {strides = array<i32>} : memref<64x768xf32, #tpu.memory_space<vmem>>, vector<1x16xf32>,
      %get3A_352 = vector.shape_cast %get3A_351 : vector<1x16xf32> to vector<16xf32>
      %mul3A_353 = arith.mulf %get3A_352, %get3A_69 : vector<16xf32>
      %swap3A_354 = arith.index_cast %scan3A_66 : i32 to index
      %swap3A_355 = arith.constant 448 : index
      %swap3A_356 = tpu.vector_load %arg5[%swap3A_354, %swap3A_355] {strides = array<i32>} : memref<64x768xf32, #tpu.memory_space<vmem>>, vector<1x16xf32>,
      %swap3A_357 = vector.shape_cast %swap3A_356 : vector<1x16xf32> to vector<16xf32>
      %swap3A_358 = vector.shape_cast %mul3A_353 : vector<16xf32> to vector<1x16xf32>
      tpu.vector_store %arg5[%swap3A_354, %swap3A_355], %swap3A_358 {strides = array<i32>} : memref<64x768xf32, #tpu.memory_space<vmem>>, vector<1x16xf32>,
      %get3A_359 = arith.index_cast %scan3A_66 : i32 to index
      %get3A_360 = arith.constant 464 : index
      %get3A_361 = tpu.vector_load %arg5[%get3A_359, %get3A_360] {strides = array<i32>} : memref<64x768xf32, #tpu.memory_space<vmem>>, vector<1x16xf32>,
      %get3A_362 = vector.shape_cast %get3A_361 : vector<1x16xf32> to vector<16xf32>
      %mul3A_363 = arith.mulf %get3A_362, %get3A_69 : vector<16xf32>
      %swap3A_364 = arith.index_cast %scan3A_66 : i32 to index
      %swap3A_365 = arith.constant 464 : index
      %swap3A_366 = tpu.vector_load %arg5[%swap3A_364, %swap3A_365] {strides = array<i32>} : memref<64x768xf32, #tpu.memory_space<vmem>>, vector<1x16xf32>,
      %swap3A_367 = vector.shape_cast %swap3A_366 : vector<1x16xf32> to vector<16xf32>
      %swap3A_368 = vector.shape_cast %mul3A_363 : vector<16xf32> to vector<1x16xf32>
      tpu.vector_store %arg5[%swap3A_364, %swap3A_365], %swap3A_368 {strides = array<i32>} : memref<64x768xf32, #tpu.memory_space<vmem>>, vector<1x16xf32>,
      %get3A_369 = arith.index_cast %scan3A_66 : i32 to index
      %get3A_370 = arith.constant 480 : index
      %get3A_371 = tpu.vector_load %arg5[%get3A_369, %get3A_370] {strides = array<i32>} : memref<64x768xf32, #tpu.memory_space<vmem>>, vector<1x16xf32>,
      %get3A_372 = vector.shape_cast %get3A_371 : vector<1x16xf32> to vector<16xf32>
      %mul3A_373 = arith.mulf %get3A_372, %get3A_69 : vector<16xf32>
      %swap3A_374 = arith.index_cast %scan3A_66 : i32 to index
      %swap3A_375 = arith.constant 480 : index
      %swap3A_376 = tpu.vector_load %arg5[%swap3A_374, %swap3A_375] {strides = array<i32>} : memref<64x768xf32, #tpu.memory_space<vmem>>, vector<1x16xf32>,
      %swap3A_377 = vector.shape_cast %swap3A_376 : vector<1x16xf32> to vector<16xf32>
      %swap3A_378 = vector.shape_cast %mul3A_373 : vector<16xf32> to vector<1x16xf32>
      tpu.vector_store %arg5[%swap3A_374, %swap3A_375], %swap3A_378 {strides = array<i32>} : memref<64x768xf32, #tpu.memory_space<vmem>>, vector<1x16xf32>,
      %get3A_379 = arith.index_cast %scan3A_66 : i32 to index
      %get3A_380 = arith.constant 496 : index
      %get3A_381 = tpu.vector_load %arg5[%get3A_379, %get3A_380] {strides = array<i32>} : memref<64x768xf32, #tpu.memory_space<vmem>>, vector<1x16xf32>,
      %get3A_382 = vector.shape_cast %get3A_381 : vector<1x16xf32> to vector<16xf32>
      %mul3A_383 = arith.mulf %get3A_382, %get3A_69 : vector<16xf32>
      %swap3A_384 = arith.index_cast %scan3A_66 : i32 to index
      %swap3A_385 = arith.constant 496 : index
      %swap3A_386 = tpu.vector_load %arg5[%swap3A_384, %swap3A_385] {strides = array<i32>} : memref<64x768xf32, #tpu.memory_space<vmem>>, vector<1x16xf32>,
      %swap3A_387 = vector.shape_cast %swap3A_386 : vector<1x16xf32> to vector<16xf32>
      %swap3A_388 = vector.shape_cast %mul3A_383 : vector<16xf32> to vector<1x16xf32>
      tpu.vector_store %arg5[%swap3A_384, %swap3A_385], %swap3A_388 {strides = array<i32>} : memref<64x768xf32, #tpu.memory_space<vmem>>, vector<1x16xf32>,
      %get3A_389 = arith.index_cast %scan3A_66 : i32 to index
      %get3A_390 = arith.constant 512 : index
      %get3A_391 = tpu.vector_load %arg5[%get3A_389, %get3A_390] {strides = array<i32>} : memref<64x768xf32, #tpu.memory_space<vmem>>, vector<1x16xf32>,
      %get3A_392 = vector.shape_cast %get3A_391 : vector<1x16xf32> to vector<16xf32>
      %mul3A_393 = arith.mulf %get3A_392, %get3A_69 : vector<16xf32>
      %swap3A_394 = arith.index_cast %scan3A_66 : i32 to index
      %swap3A_395 = arith.constant 512 : index
      %swap3A_396 = tpu.vector_load %arg5[%swap3A_394, %swap3A_395] {strides = array<i32>} : memref<64x768xf32, #tpu.memory_space<vmem>>, vector<1x16xf32>,
      %swap3A_397 = vector.shape_cast %swap3A_396 : vector<1x16xf32> to vector<16xf32>
      %swap3A_398 = vector.shape_cast %mul3A_393 : vector<16xf32> to vector<1x16xf32>
      tpu.vector_store %arg5[%swap3A_394, %swap3A_395], %swap3A_398 {strides = array<i32>} : memref<64x768xf32, #tpu.memory_space<vmem>>, vector<1x16xf32>,
      %get3A_399 = arith.index_cast %scan3A_66 : i32 to index
      %get3A_400 = arith.constant 528 : index
      %get3A_401 = tpu.vector_load %arg5[%get3A_399, %get3A_400] {strides = array<i32>} : memref<64x768xf32, #tpu.memory_space<vmem>>, vector<1x16xf32>,
      %get3A_402 = vector.shape_cast %get3A_401 : vector<1x16xf32> to vector<16xf32>
      %mul3A_403 = arith.mulf %get3A_402, %get3A_69 : vector<16xf32>
      %swap3A_404 = arith.index_cast %scan3A_66 : i32 to index
      %swap3A_405 = arith.constant 528 : index
      %swap3A_406 = tpu.vector_load %arg5[%swap3A_404, %swap3A_405] {strides = array<i32>} : memref<64x768xf32, #tpu.memory_space<vmem>>, vector<1x16xf32>,
      %swap3A_407 = vector.shape_cast %swap3A_406 : vector<1x16xf32> to vector<16xf32>
      %swap3A_408 = vector.shape_cast %mul3A_403 : vector<16xf32> to vector<1x16xf32>
      tpu.vector_store %arg5[%swap3A_404, %swap3A_405], %swap3A_408 {strides = array<i32>} : memref<64x768xf32, #tpu.memory_space<vmem>>, vector<1x16xf32>,
      %get3A_409 = arith.index_cast %scan3A_66 : i32 to index
      %get3A_410 = arith.constant 544 : index
      %get3A_411 = tpu.vector_load %arg5[%get3A_409, %get3A_410] {strides = array<i32>} : memref<64x768xf32, #tpu.memory_space<vmem>>, vector<1x16xf32>,
      %get3A_412 = vector.shape_cast %get3A_411 : vector<1x16xf32> to vector<16xf32>
      %mul3A_413 = arith.mulf %get3A_412, %get3A_69 : vector<16xf32>
      %swap3A_414 = arith.index_cast %scan3A_66 : i32 to index
      %swap3A_415 = arith.constant 544 : index
      %swap3A_416 = tpu.vector_load %arg5[%swap3A_414, %swap3A_415] {strides = array<i32>} : memref<64x768xf32, #tpu.memory_space<vmem>>, vector<1x16xf32>,
      %swap3A_417 = vector.shape_cast %swap3A_416 : vector<1x16xf32> to vector<16xf32>
      %swap3A_418 = vector.shape_cast %mul3A_413 : vector<16xf32> to vector<1x16xf32>
      tpu.vector_store %arg5[%swap3A_414, %swap3A_415], %swap3A_418 {strides = array<i32>} : memref<64x768xf32, #tpu.memory_space<vmem>>, vector<1x16xf32>,
      %get3A_419 = arith.index_cast %scan3A_66 : i32 to index
      %get3A_420 = arith.constant 560 : index
      %get3A_421 = tpu.vector_load %arg5[%get3A_419, %get3A_420] {strides = array<i32>} : memref<64x768xf32, #tpu.memory_space<vmem>>, vector<1x16xf32>,
      %get3A_422 = vector.shape_cast %get3A_421 : vector<1x16xf32> to vector<16xf32>
      %mul3A_423 = arith.mulf %get3A_422, %get3A_69 : vector<16xf32>
      %swap3A_424 = arith.index_cast %scan3A_66 : i32 to index
      %swap3A_425 = arith.constant 560 : index
      %swap3A_426 = tpu.vector_load %arg5[%swap3A_424, %swap3A_425] {strides = array<i32>} : memref<64x768xf32, #tpu.memory_space<vmem>>, vector<1x16xf32>,
      %swap3A_427 = vector.shape_cast %swap3A_426 : vector<1x16xf32> to vector<16xf32>
      %swap3A_428 = vector.shape_cast %mul3A_423 : vector<16xf32> to vector<1x16xf32>
      tpu.vector_store %arg5[%swap3A_424, %swap3A_425], %swap3A_428 {strides = array<i32>} : memref<64x768xf32, #tpu.memory_space<vmem>>, vector<1x16xf32>,
      %get3A_429 = arith.index_cast %scan3A_66 : i32 to index
      %get3A_430 = arith.constant 576 : index
      %get3A_431 = tpu.vector_load %arg5[%get3A_429, %get3A_430] {strides = array<i32>} : memref<64x768xf32, #tpu.memory_space<vmem>>, vector<1x16xf32>,
      %get3A_432 = vector.shape_cast %get3A_431 : vector<1x16xf32> to vector<16xf32>
      %mul3A_433 = arith.mulf %get3A_432, %get3A_69 : vector<16xf32>
      %swap3A_434 = arith.index_cast %scan3A_66 : i32 to index
      %swap3A_435 = arith.constant 576 : index
      %swap3A_436 = tpu.vector_load %arg5[%swap3A_434, %swap3A_435] {strides = array<i32>} : memref<64x768xf32, #tpu.memory_space<vmem>>, vector<1x16xf32>,
      %swap3A_437 = vector.shape_cast %swap3A_436 : vector<1x16xf32> to vector<16xf32>
      %swap3A_438 = vector.shape_cast %mul3A_433 : vector<16xf32> to vector<1x16xf32>
      tpu.vector_store %arg5[%swap3A_434, %swap3A_435], %swap3A_438 {strides = array<i32>} : memref<64x768xf32, #tpu.memory_space<vmem>>, vector<1x16xf32>,
      %get3A_439 = arith.index_cast %scan3A_66 : i32 to index
      %get3A_440 = arith.constant 592 : index
      %get3A_441 = tpu.vector_load %arg5[%get3A_439, %get3A_440] {strides = array<i32>} : memref<64x768xf32, #tpu.memory_space<vmem>>, vector<1x16xf32>,
      %get3A_442 = vector.shape_cast %get3A_441 : vector<1x16xf32> to vector<16xf32>
      %mul3A_443 = arith.mulf %get3A_442, %get3A_69 : vector<16xf32>
      %swap3A_444 = arith.index_cast %scan3A_66 : i32 to index
      %swap3A_445 = arith.constant 592 : index
      %swap3A_446 = tpu.vector_load %arg5[%swap3A_444, %swap3A_445] {strides = array<i32>} : memref<64x768xf32, #tpu.memory_space<vmem>>, vector<1x16xf32>,
      %swap3A_447 = vector.shape_cast %swap3A_446 : vector<1x16xf32> to vector<16xf32>
      %swap3A_448 = vector.shape_cast %mul3A_443 : vector<16xf32> to vector<1x16xf32>
      tpu.vector_store %arg5[%swap3A_444, %swap3A_445], %swap3A_448 {strides = array<i32>} : memref<64x768xf32, #tpu.memory_space<vmem>>, vector<1x16xf32>,
      %get3A_449 = arith.index_cast %scan3A_66 : i32 to index
      %get3A_450 = arith.constant 608 : index
      %get3A_451 = tpu.vector_load %arg5[%get3A_449, %get3A_450] {strides = array<i32>} : memref<64x768xf32, #tpu.memory_space<vmem>>, vector<1x16xf32>,
      %get3A_452 = vector.shape_cast %get3A_451 : vector<1x16xf32> to vector<16xf32>
      %mul3A_453 = arith.mulf %get3A_452, %get3A_69 : vector<16xf32>
      %swap3A_454 = arith.index_cast %scan3A_66 : i32 to index
      %swap3A_455 = arith.constant 608 : index
      %swap3A_456 = tpu.vector_load %arg5[%swap3A_454, %swap3A_455] {strides = array<i32>} : memref<64x768xf32, #tpu.memory_space<vmem>>, vector<1x16xf32>,
      %swap3A_457 = vector.shape_cast %swap3A_456 : vector<1x16xf32> to vector<16xf32>
      %swap3A_458 = vector.shape_cast %mul3A_453 : vector<16xf32> to vector<1x16xf32>
      tpu.vector_store %arg5[%swap3A_454, %swap3A_455], %swap3A_458 {strides = array<i32>} : memref<64x768xf32, #tpu.memory_space<vmem>>, vector<1x16xf32>,
      %get3A_459 = arith.index_cast %scan3A_66 : i32 to index
      %get3A_460 = arith.constant 624 : index
      %get3A_461 = tpu.vector_load %arg5[%get3A_459, %get3A_460] {strides = array<i32>} : memref<64x768xf32, #tpu.memory_space<vmem>>, vector<1x16xf32>,
      %get3A_462 = vector.shape_cast %get3A_461 : vector<1x16xf32> to vector<16xf32>
      %mul3A_463 = arith.mulf %get3A_462, %get3A_69 : vector<16xf32>
      %swap3A_464 = arith.index_cast %scan3A_66 : i32 to index
      %swap3A_465 = arith.constant 624 : index
      %swap3A_466 = tpu.vector_load %arg5[%swap3A_464, %swap3A_465] {strides = array<i32>} : memref<64x768xf32, #tpu.memory_space<vmem>>, vector<1x16xf32>,
      %swap3A_467 = vector.shape_cast %swap3A_466 : vector<1x16xf32> to vector<16xf32>
      %swap3A_468 = vector.shape_cast %mul3A_463 : vector<16xf32> to vector<1x16xf32>
      tpu.vector_store %arg5[%swap3A_464, %swap3A_465], %swap3A_468 {strides = array<i32>} : memref<64x768xf32, #tpu.memory_space<vmem>>, vector<1x16xf32>,
      %get3A_469 = arith.index_cast %scan3A_66 : i32 to index
      %get3A_470 = arith.constant 640 : index
      %get3A_471 = tpu.vector_load %arg5[%get3A_469, %get3A_470] {strides = array<i32>} : memref<64x768xf32, #tpu.memory_space<vmem>>, vector<1x16xf32>,
      %get3A_472 = vector.shape_cast %get3A_471 : vector<1x16xf32> to vector<16xf32>
      %mul3A_473 = arith.mulf %get3A_472, %get3A_69 : vector<16xf32>
      %swap3A_474 = arith.index_cast %scan3A_66 : i32 to index
      %swap3A_475 = arith.constant 640 : index
      %swap3A_476 = tpu.vector_load %arg5[%swap3A_474, %swap3A_475] {strides = array<i32>} : memref<64x768xf32, #tpu.memory_space<vmem>>, vector<1x16xf32>,
      %swap3A_477 = vector.shape_cast %swap3A_476 : vector<1x16xf32> to vector<16xf32>
      %swap3A_478 = vector.shape_cast %mul3A_473 : vector<16xf32> to vector<1x16xf32>
      tpu.vector_store %arg5[%swap3A_474, %swap3A_475], %swap3A_478 {strides = array<i32>} : memref<64x768xf32, #tpu.memory_space<vmem>>, vector<1x16xf32>,
      %get3A_479 = arith.index_cast %scan3A_66 : i32 to index
      %get3A_480 = arith.constant 656 : index
      %get3A_481 = tpu.vector_load %arg5[%get3A_479, %get3A_480] {strides = array<i32>} : memref<64x768xf32, #tpu.memory_space<vmem>>, vector<1x16xf32>,
      %get3A_482 = vector.shape_cast %get3A_481 : vector<1x16xf32> to vector<16xf32>
      %mul3A_483 = arith.mulf %get3A_482, %get3A_69 : vector<16xf32>
      %swap3A_484 = arith.index_cast %scan3A_66 : i32 to index
      %swap3A_485 = arith.constant 656 : index
      %swap3A_486 = tpu.vector_load %arg5[%swap3A_484, %swap3A_485] {strides = array<i32>} : memref<64x768xf32, #tpu.memory_space<vmem>>, vector<1x16xf32>,
      %swap3A_487 = vector.shape_cast %swap3A_486 : vector<1x16xf32> to vector<16xf32>
      %swap3A_488 = vector.shape_cast %mul3A_483 : vector<16xf32> to vector<1x16xf32>
      tpu.vector_store %arg5[%swap3A_484, %swap3A_485], %swap3A_488 {strides = array<i32>} : memref<64x768xf32, #tpu.memory_space<vmem>>, vector<1x16xf32>,
      %get3A_489 = arith.index_cast %scan3A_66 : i32 to index
      %get3A_490 = arith.constant 672 : index
      %get3A_491 = tpu.vector_load %arg5[%get3A_489, %get3A_490] {strides = array<i32>} : memref<64x768xf32, #tpu.memory_space<vmem>>, vector<1x16xf32>,
      %get3A_492 = vector.shape_cast %get3A_491 : vector<1x16xf32> to vector<16xf32>
      %mul3A_493 = arith.mulf %get3A_492, %get3A_69 : vector<16xf32>
      %swap3A_494 = arith.index_cast %scan3A_66 : i32 to index
      %swap3A_495 = arith.constant 672 : index
      %swap3A_496 = tpu.vector_load %arg5[%swap3A_494, %swap3A_495] {strides = array<i32>} : memref<64x768xf32, #tpu.memory_space<vmem>>, vector<1x16xf32>,
      %swap3A_497 = vector.shape_cast %swap3A_496 : vector<1x16xf32> to vector<16xf32>
      %swap3A_498 = vector.shape_cast %mul3A_493 : vector<16xf32> to vector<1x16xf32>
      tpu.vector_store %arg5[%swap3A_494, %swap3A_495], %swap3A_498 {strides = array<i32>} : memref<64x768xf32, #tpu.memory_space<vmem>>, vector<1x16xf32>,
      %get3A_499 = arith.index_cast %scan3A_66 : i32 to index
      %get3A_500 = arith.constant 688 : index
      %get3A_501 = tpu.vector_load %arg5[%get3A_499, %get3A_500] {strides = array<i32>} : memref<64x768xf32, #tpu.memory_space<vmem>>, vector<1x16xf32>,
      %get3A_502 = vector.shape_cast %get3A_501 : vector<1x16xf32> to vector<16xf32>
      %mul3A_503 = arith.mulf %get3A_502, %get3A_69 : vector<16xf32>
      %swap3A_504 = arith.index_cast %scan3A_66 : i32 to index
      %swap3A_505 = arith.constant 688 : index
      %swap3A_506 = tpu.vector_load %arg5[%swap3A_504, %swap3A_505] {strides = array<i32>} : memref<64x768xf32, #tpu.memory_space<vmem>>, vector<1x16xf32>,
      %swap3A_507 = vector.shape_cast %swap3A_506 : vector<1x16xf32> to vector<16xf32>
      %swap3A_508 = vector.shape_cast %mul3A_503 : vector<16xf32> to vector<1x16xf32>
      tpu.vector_store %arg5[%swap3A_504, %swap3A_505], %swap3A_508 {strides = array<i32>} : memref<64x768xf32, #tpu.memory_space<vmem>>, vector<1x16xf32>,
      %get3A_509 = arith.index_cast %scan3A_66 : i32 to index
      %get3A_510 = arith.constant 704 : index
      %get3A_511 = tpu.vector_load %arg5[%get3A_509, %get3A_510] {strides = array<i32>} : memref<64x768xf32, #tpu.memory_space<vmem>>, vector<1x16xf32>,
      %get3A_512 = vector.shape_cast %get3A_511 : vector<1x16xf32> to vector<16xf32>
      %mul3A_513 = arith.mulf %get3A_512, %get3A_69 : vector<16xf32>
      %swap3A_514 = arith.index_cast %scan3A_66 : i32 to index
      %swap3A_515 = arith.constant 704 : index
      %swap3A_516 = tpu.vector_load %arg5[%swap3A_514, %swap3A_515] {strides = array<i32>} : memref<64x768xf32, #tpu.memory_space<vmem>>, vector<1x16xf32>,
      %swap3A_517 = vector.shape_cast %swap3A_516 : vector<1x16xf32> to vector<16xf32>
      %swap3A_518 = vector.shape_cast %mul3A_513 : vector<16xf32> to vector<1x16xf32>
      tpu.vector_store %arg5[%swap3A_514, %swap3A_515], %swap3A_518 {strides = array<i32>} : memref<64x768xf32, #tpu.memory_space<vmem>>, vector<1x16xf32>,
      %get3A_519 = arith.index_cast %scan3A_66 : i32 to index
      %get3A_520 = arith.constant 720 : index
      %get3A_521 = tpu.vector_load %arg5[%get3A_519, %get3A_520] {strides = array<i32>} : memref<64x768xf32, #tpu.memory_space<vmem>>, vector<1x16xf32>,
      %get3A_522 = vector.shape_cast %get3A_521 : vector<1x16xf32> to vector<16xf32>
      %mul3A_523 = arith.mulf %get3A_522, %get3A_69 : vector<16xf32>
      %swap3A_524 = arith.index_cast %scan3A_66 : i32 to index
      %swap3A_525 = arith.constant 720 : index
      %swap3A_526 = tpu.vector_load %arg5[%swap3A_524, %swap3A_525] {strides = array<i32>} : memref<64x768xf32, #tpu.memory_space<vmem>>, vector<1x16xf32>,
      %swap3A_527 = vector.shape_cast %swap3A_526 : vector<1x16xf32> to vector<16xf32>
      %swap3A_528 = vector.shape_cast %mul3A_523 : vector<16xf32> to vector<1x16xf32>
      tpu.vector_store %arg5[%swap3A_524, %swap3A_525], %swap3A_528 {strides = array<i32>} : memref<64x768xf32, #tpu.memory_space<vmem>>, vector<1x16xf32>,
      %get3A_529 = arith.index_cast %scan3A_66 : i32 to index
      %get3A_530 = arith.constant 736 : index
      %get3A_531 = tpu.vector_load %arg5[%get3A_529, %get3A_530] {strides = array<i32>} : memref<64x768xf32, #tpu.memory_space<vmem>>, vector<1x16xf32>,
      %get3A_532 = vector.shape_cast %get3A_531 : vector<1x16xf32> to vector<16xf32>
      %mul3A_533 = arith.mulf %get3A_532, %get3A_69 : vector<16xf32>
      %swap3A_534 = arith.index_cast %scan3A_66 : i32 to index
      %swap3A_535 = arith.constant 736 : index
      %swap3A_536 = tpu.vector_load %arg5[%swap3A_534, %swap3A_535] {strides = array<i32>} : memref<64x768xf32, #tpu.memory_space<vmem>>, vector<1x16xf32>,
      %swap3A_537 = vector.shape_cast %swap3A_536 : vector<1x16xf32> to vector<16xf32>
      %swap3A_538 = vector.shape_cast %mul3A_533 : vector<16xf32> to vector<1x16xf32>
      tpu.vector_store %arg5[%swap3A_534, %swap3A_535], %swap3A_538 {strides = array<i32>} : memref<64x768xf32, #tpu.memory_space<vmem>>, vector<1x16xf32>,
      %get3A_539 = arith.index_cast %scan3A_66 : i32 to index
      %get3A_540 = arith.constant 752 : index
      %get3A_541 = tpu.vector_load %arg5[%get3A_539, %get3A_540] {strides = array<i32>} : memref<64x768xf32, #tpu.memory_space<vmem>>, vector<1x16xf32>,
      %get3A_542 = vector.shape_cast %get3A_541 : vector<1x16xf32> to vector<16xf32>
      %mul3A_543 = arith.mulf %get3A_542, %get3A_69 : vector<16xf32>
      %swap3A_544 = arith.index_cast %scan3A_66 : i32 to index
      %swap3A_545 = arith.constant 752 : index
      %swap3A_546 = tpu.vector_load %arg5[%swap3A_544, %swap3A_545] {strides = array<i32>} : memref<64x768xf32, #tpu.memory_space<vmem>>, vector<1x16xf32>,
      %swap3A_547 = vector.shape_cast %swap3A_546 : vector<1x16xf32> to vector<16xf32>
      %swap3A_548 = vector.shape_cast %mul3A_543 : vector<16xf32> to vector<1x16xf32>
      tpu.vector_store %arg5[%swap3A_544, %swap3A_545], %swap3A_548 {strides = array<i32>} : memref<64x768xf32, #tpu.memory_space<vmem>>, vector<1x16xf32>,
    }
    %scan3A_33 = arith.constant 64 : i32
    "tpu.region"() ({
      %run_scoped3A = tpu.sem_alloc : memref<!tpu.dma_semaphore, #tpu.memory_space<semaphore_mem>>
      %dma_start3A = arith.constant 0 : i32
      %dma_start3A_66 = tpu.memref_slice %arg4[%add3A_27, %dma_start3A] : memref<16384x768xf32, #tpu.memory_space<hbm>> -> memref<64x768xf32, #tpu.memory_space<hbm>>
      %dma_start3A_67 = arith.constant 0 : i32
      %dma_start3A_68 = tpu.memref_slice %arg4[%add3A_27, %dma_start3A_67] : memref<16384x768xf32, #tpu.memory_space<hbm>> -> memref<64x768xf32, #tpu.memory_space<hbm>>
      tpu.enqueue_dma source(%arg5 : memref<64x768xf32, #tpu.memory_space<vmem>>) target(%dma_start3A_68 : memref<64x768xf32, #tpu.memory_space<hbm>>) target_semaphore(%run_scoped3A : memref<!tpu.dma_semaphore, #tpu.memory_space<semaphore_mem>>)
      %dma_wait3A = arith.constant 0 : i32
      %dma_wait3A_69 = tpu.memref_slice %arg4[%add3A_27, %dma_wait3A] : memref<16384x768xf32, #tpu.memory_space<hbm>> -> memref<64x768xf32, #tpu.memory_space<hbm>>
      %dma_wait3A_70 = arith.constant 0 : i32
      %dma_wait3A_71 = tpu.memref_slice %arg4[%add3A_27, %dma_wait3A_70] : memref<16384x768xf32, #tpu.memory_space<hbm>> -> memref<64x768xf32, #tpu.memory_space<hbm>>
      tpu.wait_dma2 semaphore(%run_scoped3A : memref<!tpu.dma_semaphore, #tpu.memory_space<semaphore_mem>>) src(%arg5 : memref<64x768xf32, #tpu.memory_space<vmem>>) dst(%dma_wait3A_71 : memref<64x768xf32, #tpu.memory_space<hbm>>)
      tpu.yield
    }) : () -> ()
    %add3A_34 = arith.constant 256 : i32
    %add3A_35 = arith.addi %mul3A_2, %add3A_34 : i32
    "tpu.region"() ({
      %run_scoped3A = tpu.sem_alloc : memref<!tpu.dma_semaphore, #tpu.memory_space<semaphore_mem>>
      %dma_start3A = arith.constant 0 : i32
      %dma_start3A_66 = tpu.memref_slice %arg2[%add3A_35, %dma_start3A] : memref<16384x768xf32, #tpu.memory_space<hbm>> -> memref<64x768xf32, #tpu.memory_space<hbm>>
      %dma_start3A_67 = arith.constant 0 : i32
      %dma_start3A_68 = tpu.memref_slice %arg2[%add3A_35, %dma_start3A_67] : memref<16384x768xf32, #tpu.memory_space<hbm>> -> memref<64x768xf32, #tpu.memory_space<hbm>>
      tpu.enqueue_dma source(%dma_start3A_68 : memref<64x768xf32, #tpu.memory_space<hbm>>) target(%arg5 : memref<64x768xf32, #tpu.memory_space<vmem>>) target_semaphore(%run_scoped3A : memref<!tpu.dma_semaphore, #tpu.memory_space<semaphore_mem>>)
      %dma_wait3A = arith.constant 0 : i32
      %dma_wait3A_69 = tpu.memref_slice %arg2[%add3A_35, %dma_wait3A] : memref<16384x768xf32, #tpu.memory_space<hbm>> -> memref<64x768xf32, #tpu.memory_space<hbm>>
      %dma_wait3A_70 = arith.constant 0 : i32
      %dma_wait3A_71 = tpu.memref_slice %arg2[%add3A_35, %dma_wait3A_70] : memref<16384x768xf32, #tpu.memory_space<hbm>> -> memref<64x768xf32, #tpu.memory_space<hbm>>
      tpu.wait_dma2 semaphore(%run_scoped3A : memref<!tpu.dma_semaphore, #tpu.memory_space<semaphore_mem>>) src(%dma_wait3A_71 : memref<64x768xf32, #tpu.memory_space<hbm>>) dst(%arg5 : memref<64x768xf32, #tpu.memory_space<vmem>>)
      tpu.yield
    }) : () -> ()
    "tpu.region"() ({
      %run_scoped3A = tpu.sem_alloc : memref<!tpu.dma_semaphore, #tpu.memory_space<semaphore_mem>>
      %dma_start3A = arith.constant 0 : i32
      %dma_start3A_66 = tpu.memref_slice %arg3[%add3A_35, %dma_start3A] : memref<16384x128xf32, #tpu.memory_space<hbm>> -> memref<64x128xf32, #tpu.memory_space<hbm>>
      %dma_start3A_67 = arith.constant 0 : i32
      %dma_start3A_68 = tpu.memref_slice %arg3[%add3A_35, %dma_start3A_67] : memref<16384x128xf32, #tpu.memory_space<hbm>> -> memref<64x128xf32, #tpu.memory_space<hbm>>
      tpu.enqueue_dma source(%dma_start3A_68 : memref<64x128xf32, #tpu.memory_space<hbm>>) target(%arg6 : memref<64x128xf32, #tpu.memory_space<vmem>>) target_semaphore(%run_scoped3A : memref<!tpu.dma_semaphore, #tpu.memory_space<semaphore_mem>>)
      %dma_wait3A = arith.constant 0 : i32
      %dma_wait3A_69 = tpu.memref_slice %arg3[%add3A_35, %dma_wait3A] : memref<16384x128xf32, #tpu.memory_space<hbm>> -> memref<64x128xf32, #tpu.memory_space<hbm>>
      %dma_wait3A_70 = arith.constant 0 : i32
      %dma_wait3A_71 = tpu.memref_slice %arg3[%add3A_35, %dma_wait3A_70] : memref<16384x128xf32, #tpu.memory_space<hbm>> -> memref<64x128xf32, #tpu.memory_space<hbm>>
      tpu.wait_dma2 semaphore(%run_scoped3A : memref<!tpu.dma_semaphore, #tpu.memory_space<semaphore_mem>>) src(%dma_wait3A_71 : memref<64x128xf32, #tpu.memory_space<hbm>>) dst(%arg6 : memref<64x128xf32, #tpu.memory_space<vmem>>)
      tpu.yield
    }) : () -> ()
    %scan3A_36 = arith.constant 0 : i32
    %scan3A_37 = arith.constant 0 : i32
    %scan3A_38 = arith.constant 64 : i32
    %scan3A_39 = arith.addi %scan3A_37, %scan3A_38 : i32
    %scan3A_40 = arith.constant 1 : i32
    scf.for %scan3A_66 = %scan3A_37 to %scan3A_39 step %scan3A_40  : i32 {
      %get3A = arith.index_cast %scan3A_66 : i32 to index
      %get3A_67 = arith.constant 0 : index
      %get3A_68 = tpu.vector_load %arg6[%get3A, %get3A_67] {strides = array<i32>} : memref<64x128xf32, #tpu.memory_space<vmem>>, vector<1x16xf32>,
      %get3A_69 = vector.shape_cast %get3A_68 : vector<1x16xf32> to vector<16xf32>
      %get3A_70 = arith.index_cast %scan3A_66 : i32 to index
      %get3A_71 = arith.constant 0 : index
      %get3A_72 = tpu.vector_load %arg5[%get3A_70, %get3A_71] {strides = array<i32>} : memref<64x768xf32, #tpu.memory_space<vmem>>, vector<1x16xf32>,
      %get3A_73 = vector.shape_cast %get3A_72 : vector<1x16xf32> to vector<16xf32>
      %mul3A_74 = arith.mulf %get3A_73, %get3A_69 : vector<16xf32>
      %swap3A = arith.index_cast %scan3A_66 : i32 to index
      %swap3A_75 = arith.constant 0 : index
      %swap3A_76 = tpu.vector_load %arg5[%swap3A, %swap3A_75] {strides = array<i32>} : memref<64x768xf32, #tpu.memory_space<vmem>>, vector<1x16xf32>,
      %swap3A_77 = vector.shape_cast %swap3A_76 : vector<1x16xf32> to vector<16xf32>
      %swap3A_78 = vector.shape_cast %mul3A_74 : vector<16xf32> to vector<1x16xf32>
      tpu.vector_store %arg5[%swap3A, %swap3A_75], %swap3A_78 {strides = array<i32>} : memref<64x768xf32, #tpu.memory_space<vmem>>, vector<1x16xf32>,
      %get3A_79 = arith.index_cast %scan3A_66 : i32 to index
      %get3A_80 = arith.constant 16 : index
      %get3A_81 = tpu.vector_load %arg5[%get3A_79, %get3A_80] {strides = array<i32>} : memref<64x768xf32, #tpu.memory_space<vmem>>, vector<1x16xf32>,
      %get3A_82 = vector.shape_cast %get3A_81 : vector<1x16xf32> to vector<16xf32>
      %mul3A_83 = arith.mulf %get3A_82, %get3A_69 : vector<16xf32>
      %swap3A_84 = arith.index_cast %scan3A_66 : i32 to index
      %swap3A_85 = arith.constant 16 : index
      %swap3A_86 = tpu.vector_load %arg5[%swap3A_84, %swap3A_85] {strides = array<i32>} : memref<64x768xf32, #tpu.memory_space<vmem>>, vector<1x16xf32>,
      %swap3A_87 = vector.shape_cast %swap3A_86 : vector<1x16xf32> to vector<16xf32>
      %swap3A_88 = vector.shape_cast %mul3A_83 : vector<16xf32> to vector<1x16xf32>
      tpu.vector_store %arg5[%swap3A_84, %swap3A_85], %swap3A_88 {strides = array<i32>} : memref<64x768xf32, #tpu.memory_space<vmem>>, vector<1x16xf32>,
      %get3A_89 = arith.index_cast %scan3A_66 : i32 to index
      %get3A_90 = arith.constant 32 : index
      %get3A_91 = tpu.vector_load %arg5[%get3A_89, %get3A_90] {strides = array<i32>} : memref<64x768xf32, #tpu.memory_space<vmem>>, vector<1x16xf32>,
      %get3A_92 = vector.shape_cast %get3A_91 : vector<1x16xf32> to vector<16xf32>
      %mul3A_93 = arith.mulf %get3A_92, %get3A_69 : vector<16xf32>
      %swap3A_94 = arith.index_cast %scan3A_66 : i32 to index
      %swap3A_95 = arith.constant 32 : index
      %swap3A_96 = tpu.vector_load %arg5[%swap3A_94, %swap3A_95] {strides = array<i32>} : memref<64x768xf32, #tpu.memory_space<vmem>>, vector<1x16xf32>,
      %swap3A_97 = vector.shape_cast %swap3A_96 : vector<1x16xf32> to vector<16xf32>
      %swap3A_98 = vector.shape_cast %mul3A_93 : vector<16xf32> to vector<1x16xf32>
      tpu.vector_store %arg5[%swap3A_94, %swap3A_95], %swap3A_98 {strides = array<i32>} : memref<64x768xf32, #tpu.memory_space<vmem>>, vector<1x16xf32>,
      %get3A_99 = arith.index_cast %scan3A_66 : i32 to index
      %get3A_100 = arith.constant 48 : index
      %get3A_101 = tpu.vector_load %arg5[%get3A_99, %get3A_100] {strides = array<i32>} : memref<64x768xf32, #tpu.memory_space<vmem>>, vector<1x16xf32>,
      %get3A_102 = vector.shape_cast %get3A_101 : vector<1x16xf32> to vector<16xf32>
      %mul3A_103 = arith.mulf %get3A_102, %get3A_69 : vector<16xf32>
      %swap3A_104 = arith.index_cast %scan3A_66 : i32 to index
      %swap3A_105 = arith.constant 48 : index
      %swap3A_106 = tpu.vector_load %arg5[%swap3A_104, %swap3A_105] {strides = array<i32>} : memref<64x768xf32, #tpu.memory_space<vmem>>, vector<1x16xf32>,
      %swap3A_107 = vector.shape_cast %swap3A_106 : vector<1x16xf32> to vector<16xf32>
      %swap3A_108 = vector.shape_cast %mul3A_103 : vector<16xf32> to vector<1x16xf32>
      tpu.vector_store %arg5[%swap3A_104, %swap3A_105], %swap3A_108 {strides = array<i32>} : memref<64x768xf32, #tpu.memory_space<vmem>>, vector<1x16xf32>,
      %get3A_109 = arith.index_cast %scan3A_66 : i32 to index
      %get3A_110 = arith.constant 64 : index
      %get3A_111 = tpu.vector_load %arg5[%get3A_109, %get3A_110] {strides = array<i32>} : memref<64x768xf32, #tpu.memory_space<vmem>>, vector<1x16xf32>,
      %get3A_112 = vector.shape_cast %get3A_111 : vector<1x16xf32> to vector<16xf32>
      %mul3A_113 = arith.mulf %get3A_112, %get3A_69 : vector<16xf32>
      %swap3A_114 = arith.index_cast %scan3A_66 : i32 to index
      %swap3A_115 = arith.constant 64 : index
      %swap3A_116 = tpu.vector_load %arg5[%swap3A_114, %swap3A_115] {strides = array<i32>} : memref<64x768xf32, #tpu.memory_space<vmem>>, vector<1x16xf32>,
      %swap3A_117 = vector.shape_cast %swap3A_116 : vector<1x16xf32> to vector<16xf32>
      %swap3A_118 = vector.shape_cast %mul3A_113 : vector<16xf32> to vector<1x16xf32>
      tpu.vector_store %arg5[%swap3A_114, %swap3A_115], %swap3A_118 {strides = array<i32>} : memref<64x768xf32, #tpu.memory_space<vmem>>, vector<1x16xf32>,
      %get3A_119 = arith.index_cast %scan3A_66 : i32 to index
      %get3A_120 = arith.constant 80 : index
      %get3A_121 = tpu.vector_load %arg5[%get3A_119, %get3A_120] {strides = array<i32>} : memref<64x768xf32, #tpu.memory_space<vmem>>, vector<1x16xf32>,
      %get3A_122 = vector.shape_cast %get3A_121 : vector<1x16xf32> to vector<16xf32>
      %mul3A_123 = arith.mulf %get3A_122, %get3A_69 : vector<16xf32>
      %swap3A_124 = arith.index_cast %scan3A_66 : i32 to index
      %swap3A_125 = arith.constant 80 : index
      %swap3A_126 = tpu.vector_load %arg5[%swap3A_124, %swap3A_125] {strides = array<i32>} : memref<64x768xf32, #tpu.memory_space<vmem>>, vector<1x16xf32>,
      %swap3A_127 = vector.shape_cast %swap3A_126 : vector<1x16xf32> to vector<16xf32>
      %swap3A_128 = vector.shape_cast %mul3A_123 : vector<16xf32> to vector<1x16xf32>
      tpu.vector_store %arg5[%swap3A_124, %swap3A_125], %swap3A_128 {strides = array<i32>} : memref<64x768xf32, #tpu.memory_space<vmem>>, vector<1x16xf32>,
      %get3A_129 = arith.index_cast %scan3A_66 : i32 to index
      %get3A_130 = arith.constant 96 : index
      %get3A_131 = tpu.vector_load %arg5[%get3A_129, %get3A_130] {strides = array<i32>} : memref<64x768xf32, #tpu.memory_space<vmem>>, vector<1x16xf32>,
      %get3A_132 = vector.shape_cast %get3A_131 : vector<1x16xf32> to vector<16xf32>
      %mul3A_133 = arith.mulf %get3A_132, %get3A_69 : vector<16xf32>
      %swap3A_134 = arith.index_cast %scan3A_66 : i32 to index
      %swap3A_135 = arith.constant 96 : index
      %swap3A_136 = tpu.vector_load %arg5[%swap3A_134, %swap3A_135] {strides = array<i32>} : memref<64x768xf32, #tpu.memory_space<vmem>>, vector<1x16xf32>,
      %swap3A_137 = vector.shape_cast %swap3A_136 : vector<1x16xf32> to vector<16xf32>
      %swap3A_138 = vector.shape_cast %mul3A_133 : vector<16xf32> to vector<1x16xf32>
      tpu.vector_store %arg5[%swap3A_134, %swap3A_135], %swap3A_138 {strides = array<i32>} : memref<64x768xf32, #tpu.memory_space<vmem>>, vector<1x16xf32>,
      %get3A_139 = arith.index_cast %scan3A_66 : i32 to index
      %get3A_140 = arith.constant 112 : index
      %get3A_141 = tpu.vector_load %arg5[%get3A_139, %get3A_140] {strides = array<i32>} : memref<64x768xf32, #tpu.memory_space<vmem>>, vector<1x16xf32>,
      %get3A_142 = vector.shape_cast %get3A_141 : vector<1x16xf32> to vector<16xf32>
      %mul3A_143 = arith.mulf %get3A_142, %get3A_69 : vector<16xf32>
      %swap3A_144 = arith.index_cast %scan3A_66 : i32 to index
      %swap3A_145 = arith.constant 112 : index
      %swap3A_146 = tpu.vector_load %arg5[%swap3A_144, %swap3A_145] {strides = array<i32>} : memref<64x768xf32, #tpu.memory_space<vmem>>, vector<1x16xf32>,
      %swap3A_147 = vector.shape_cast %swap3A_146 : vector<1x16xf32> to vector<16xf32>
      %swap3A_148 = vector.shape_cast %mul3A_143 : vector<16xf32> to vector<1x16xf32>
      tpu.vector_store %arg5[%swap3A_144, %swap3A_145], %swap3A_148 {strides = array<i32>} : memref<64x768xf32, #tpu.memory_space<vmem>>, vector<1x16xf32>,
      %get3A_149 = arith.index_cast %scan3A_66 : i32 to index
      %get3A_150 = arith.constant 128 : index
      %get3A_151 = tpu.vector_load %arg5[%get3A_149, %get3A_150] {strides = array<i32>} : memref<64x768xf32, #tpu.memory_space<vmem>>, vector<1x16xf32>,
      %get3A_152 = vector.shape_cast %get3A_151 : vector<1x16xf32> to vector<16xf32>
      %mul3A_153 = arith.mulf %get3A_152, %get3A_69 : vector<16xf32>
      %swap3A_154 = arith.index_cast %scan3A_66 : i32 to index
      %swap3A_155 = arith.constant 128 : index
      %swap3A_156 = tpu.vector_load %arg5[%swap3A_154, %swap3A_155] {strides = array<i32>} : memref<64x768xf32, #tpu.memory_space<vmem>>, vector<1x16xf32>,
      %swap3A_157 = vector.shape_cast %swap3A_156 : vector<1x16xf32> to vector<16xf32>
      %swap3A_158 = vector.shape_cast %mul3A_153 : vector<16xf32> to vector<1x16xf32>
      tpu.vector_store %arg5[%swap3A_154, %swap3A_155], %swap3A_158 {strides = array<i32>} : memref<64x768xf32, #tpu.memory_space<vmem>>, vector<1x16xf32>,
      %get3A_159 = arith.index_cast %scan3A_66 : i32 to index
      %get3A_160 = arith.constant 144 : index
      %get3A_161 = tpu.vector_load %arg5[%get3A_159, %get3A_160] {strides = array<i32>} : memref<64x768xf32, #tpu.memory_space<vmem>>, vector<1x16xf32>,
      %get3A_162 = vector.shape_cast %get3A_161 : vector<1x16xf32> to vector<16xf32>
      %mul3A_163 = arith.mulf %get3A_162, %get3A_69 : vector<16xf32>
      %swap3A_164 = arith.index_cast %scan3A_66 : i32 to index
      %swap3A_165 = arith.constant 144 : index
      %swap3A_166 = tpu.vector_load %arg5[%swap3A_164, %swap3A_165] {strides = array<i32>} : memref<64x768xf32, #tpu.memory_space<vmem>>, vector<1x16xf32>,
      %swap3A_167 = vector.shape_cast %swap3A_166 : vector<1x16xf32> to vector<16xf32>
      %swap3A_168 = vector.shape_cast %mul3A_163 : vector<16xf32> to vector<1x16xf32>
      tpu.vector_store %arg5[%swap3A_164, %swap3A_165], %swap3A_168 {strides = array<i32>} : memref<64x768xf32, #tpu.memory_space<vmem>>, vector<1x16xf32>,
      %get3A_169 = arith.index_cast %scan3A_66 : i32 to index
      %get3A_170 = arith.constant 160 : index
      %get3A_171 = tpu.vector_load %arg5[%get3A_169, %get3A_170] {strides = array<i32>} : memref<64x768xf32, #tpu.memory_space<vmem>>, vector<1x16xf32>,
      %get3A_172 = vector.shape_cast %get3A_171 : vector<1x16xf32> to vector<16xf32>
      %mul3A_173 = arith.mulf %get3A_172, %get3A_69 : vector<16xf32>
      %swap3A_174 = arith.index_cast %scan3A_66 : i32 to index
      %swap3A_175 = arith.constant 160 : index
      %swap3A_176 = tpu.vector_load %arg5[%swap3A_174, %swap3A_175] {strides = array<i32>} : memref<64x768xf32, #tpu.memory_space<vmem>>, vector<1x16xf32>,
      %swap3A_177 = vector.shape_cast %swap3A_176 : vector<1x16xf32> to vector<16xf32>
      %swap3A_178 = vector.shape_cast %mul3A_173 : vector<16xf32> to vector<1x16xf32>
      tpu.vector_store %arg5[%swap3A_174, %swap3A_175], %swap3A_178 {strides = array<i32>} : memref<64x768xf32, #tpu.memory_space<vmem>>, vector<1x16xf32>,
      %get3A_179 = arith.index_cast %scan3A_66 : i32 to index
      %get3A_180 = arith.constant 176 : index
      %get3A_181 = tpu.vector_load %arg5[%get3A_179, %get3A_180] {strides = array<i32>} : memref<64x768xf32, #tpu.memory_space<vmem>>, vector<1x16xf32>,
      %get3A_182 = vector.shape_cast %get3A_181 : vector<1x16xf32> to vector<16xf32>
      %mul3A_183 = arith.mulf %get3A_182, %get3A_69 : vector<16xf32>
      %swap3A_184 = arith.index_cast %scan3A_66 : i32 to index
      %swap3A_185 = arith.constant 176 : index
      %swap3A_186 = tpu.vector_load %arg5[%swap3A_184, %swap3A_185] {strides = array<i32>} : memref<64x768xf32, #tpu.memory_space<vmem>>, vector<1x16xf32>,
      %swap3A_187 = vector.shape_cast %swap3A_186 : vector<1x16xf32> to vector<16xf32>
      %swap3A_188 = vector.shape_cast %mul3A_183 : vector<16xf32> to vector<1x16xf32>
      tpu.vector_store %arg5[%swap3A_184, %swap3A_185], %swap3A_188 {strides = array<i32>} : memref<64x768xf32, #tpu.memory_space<vmem>>, vector<1x16xf32>,
      %get3A_189 = arith.index_cast %scan3A_66 : i32 to index
      %get3A_190 = arith.constant 192 : index
      %get3A_191 = tpu.vector_load %arg5[%get3A_189, %get3A_190] {strides = array<i32>} : memref<64x768xf32, #tpu.memory_space<vmem>>, vector<1x16xf32>,
      %get3A_192 = vector.shape_cast %get3A_191 : vector<1x16xf32> to vector<16xf32>
      %mul3A_193 = arith.mulf %get3A_192, %get3A_69 : vector<16xf32>
      %swap3A_194 = arith.index_cast %scan3A_66 : i32 to index
      %swap3A_195 = arith.constant 192 : index
      %swap3A_196 = tpu.vector_load %arg5[%swap3A_194, %swap3A_195] {strides = array<i32>} : memref<64x768xf32, #tpu.memory_space<vmem>>, vector<1x16xf32>,
      %swap3A_197 = vector.shape_cast %swap3A_196 : vector<1x16xf32> to vector<16xf32>
      %swap3A_198 = vector.shape_cast %mul3A_193 : vector<16xf32> to vector<1x16xf32>
      tpu.vector_store %arg5[%swap3A_194, %swap3A_195], %swap3A_198 {strides = array<i32>} : memref<64x768xf32, #tpu.memory_space<vmem>>, vector<1x16xf32>,
      %get3A_199 = arith.index_cast %scan3A_66 : i32 to index
      %get3A_200 = arith.constant 208 : index
      %get3A_201 = tpu.vector_load %arg5[%get3A_199, %get3A_200] {strides = array<i32>} : memref<64x768xf32, #tpu.memory_space<vmem>>, vector<1x16xf32>,
      %get3A_202 = vector.shape_cast %get3A_201 : vector<1x16xf32> to vector<16xf32>
      %mul3A_203 = arith.mulf %get3A_202, %get3A_69 : vector<16xf32>
      %swap3A_204 = arith.index_cast %scan3A_66 : i32 to index
      %swap3A_205 = arith.constant 208 : index
      %swap3A_206 = tpu.vector_load %arg5[%swap3A_204, %swap3A_205] {strides = array<i32>} : memref<64x768xf32, #tpu.memory_space<vmem>>, vector<1x16xf32>,
      %swap3A_207 = vector.shape_cast %swap3A_206 : vector<1x16xf32> to vector<16xf32>
      %swap3A_208 = vector.shape_cast %mul3A_203 : vector<16xf32> to vector<1x16xf32>
      tpu.vector_store %arg5[%swap3A_204, %swap3A_205], %swap3A_208 {strides = array<i32>} : memref<64x768xf32, #tpu.memory_space<vmem>>, vector<1x16xf32>,
      %get3A_209 = arith.index_cast %scan3A_66 : i32 to index
      %get3A_210 = arith.constant 224 : index
      %get3A_211 = tpu.vector_load %arg5[%get3A_209, %get3A_210] {strides = array<i32>} : memref<64x768xf32, #tpu.memory_space<vmem>>, vector<1x16xf32>,
      %get3A_212 = vector.shape_cast %get3A_211 : vector<1x16xf32> to vector<16xf32>
      %mul3A_213 = arith.mulf %get3A_212, %get3A_69 : vector<16xf32>
      %swap3A_214 = arith.index_cast %scan3A_66 : i32 to index
      %swap3A_215 = arith.constant 224 : index
      %swap3A_216 = tpu.vector_load %arg5[%swap3A_214, %swap3A_215] {strides = array<i32>} : memref<64x768xf32, #tpu.memory_space<vmem>>, vector<1x16xf32>,
      %swap3A_217 = vector.shape_cast %swap3A_216 : vector<1x16xf32> to vector<16xf32>
      %swap3A_218 = vector.shape_cast %mul3A_213 : vector<16xf32> to vector<1x16xf32>
      tpu.vector_store %arg5[%swap3A_214, %swap3A_215], %swap3A_218 {strides = array<i32>} : memref<64x768xf32, #tpu.memory_space<vmem>>, vector<1x16xf32>,
      %get3A_219 = arith.index_cast %scan3A_66 : i32 to index
      %get3A_220 = arith.constant 240 : index
      %get3A_221 = tpu.vector_load %arg5[%get3A_219, %get3A_220] {strides = array<i32>} : memref<64x768xf32, #tpu.memory_space<vmem>>, vector<1x16xf32>,
      %get3A_222 = vector.shape_cast %get3A_221 : vector<1x16xf32> to vector<16xf32>
      %mul3A_223 = arith.mulf %get3A_222, %get3A_69 : vector<16xf32>
      %swap3A_224 = arith.index_cast %scan3A_66 : i32 to index
      %swap3A_225 = arith.constant 240 : index
      %swap3A_226 = tpu.vector_load %arg5[%swap3A_224, %swap3A_225] {strides = array<i32>} : memref<64x768xf32, #tpu.memory_space<vmem>>, vector<1x16xf32>,
      %swap3A_227 = vector.shape_cast %swap3A_226 : vector<1x16xf32> to vector<16xf32>
      %swap3A_228 = vector.shape_cast %mul3A_223 : vector<16xf32> to vector<1x16xf32>
      tpu.vector_store %arg5[%swap3A_224, %swap3A_225], %swap3A_228 {strides = array<i32>} : memref<64x768xf32, #tpu.memory_space<vmem>>, vector<1x16xf32>,
      %get3A_229 = arith.index_cast %scan3A_66 : i32 to index
      %get3A_230 = arith.constant 256 : index
      %get3A_231 = tpu.vector_load %arg5[%get3A_229, %get3A_230] {strides = array<i32>} : memref<64x768xf32, #tpu.memory_space<vmem>>, vector<1x16xf32>,
      %get3A_232 = vector.shape_cast %get3A_231 : vector<1x16xf32> to vector<16xf32>
      %mul3A_233 = arith.mulf %get3A_232, %get3A_69 : vector<16xf32>
      %swap3A_234 = arith.index_cast %scan3A_66 : i32 to index
      %swap3A_235 = arith.constant 256 : index
      %swap3A_236 = tpu.vector_load %arg5[%swap3A_234, %swap3A_235] {strides = array<i32>} : memref<64x768xf32, #tpu.memory_space<vmem>>, vector<1x16xf32>,
      %swap3A_237 = vector.shape_cast %swap3A_236 : vector<1x16xf32> to vector<16xf32>
      %swap3A_238 = vector.shape_cast %mul3A_233 : vector<16xf32> to vector<1x16xf32>
      tpu.vector_store %arg5[%swap3A_234, %swap3A_235], %swap3A_238 {strides = array<i32>} : memref<64x768xf32, #tpu.memory_space<vmem>>, vector<1x16xf32>,
      %get3A_239 = arith.index_cast %scan3A_66 : i32 to index
      %get3A_240 = arith.constant 272 : index
      %get3A_241 = tpu.vector_load %arg5[%get3A_239, %get3A_240] {strides = array<i32>} : memref<64x768xf32, #tpu.memory_space<vmem>>, vector<1x16xf32>,
      %get3A_242 = vector.shape_cast %get3A_241 : vector<1x16xf32> to vector<16xf32>
      %mul3A_243 = arith.mulf %get3A_242, %get3A_69 : vector<16xf32>
      %swap3A_244 = arith.index_cast %scan3A_66 : i32 to index
      %swap3A_245 = arith.constant 272 : index
      %swap3A_246 = tpu.vector_load %arg5[%swap3A_244, %swap3A_245] {strides = array<i32>} : memref<64x768xf32, #tpu.memory_space<vmem>>, vector<1x16xf32>,
      %swap3A_247 = vector.shape_cast %swap3A_246 : vector<1x16xf32> to vector<16xf32>
      %swap3A_248 = vector.shape_cast %mul3A_243 : vector<16xf32> to vector<1x16xf32>
      tpu.vector_store %arg5[%swap3A_244, %swap3A_245], %swap3A_248 {strides = array<i32>} : memref<64x768xf32, #tpu.memory_space<vmem>>, vector<1x16xf32>,
      %get3A_249 = arith.index_cast %scan3A_66 : i32 to index
      %get3A_250 = arith.constant 288 : index
      %get3A_251 = tpu.vector_load %arg5[%get3A_249, %get3A_250] {strides = array<i32>} : memref<64x768xf32, #tpu.memory_space<vmem>>, vector<1x16xf32>,
      %get3A_252 = vector.shape_cast %get3A_251 : vector<1x16xf32> to vector<16xf32>
      %mul3A_253 = arith.mulf %get3A_252, %get3A_69 : vector<16xf32>
      %swap3A_254 = arith.index_cast %scan3A_66 : i32 to index
      %swap3A_255 = arith.constant 288 : index
      %swap3A_256 = tpu.vector_load %arg5[%swap3A_254, %swap3A_255] {strides = array<i32>} : memref<64x768xf32, #tpu.memory_space<vmem>>, vector<1x16xf32>,
      %swap3A_257 = vector.shape_cast %swap3A_256 : vector<1x16xf32> to vector<16xf32>
      %swap3A_258 = vector.shape_cast %mul3A_253 : vector<16xf32> to vector<1x16xf32>
      tpu.vector_store %arg5[%swap3A_254, %swap3A_255], %swap3A_258 {strides = array<i32>} : memref<64x768xf32, #tpu.memory_space<vmem>>, vector<1x16xf32>,
      %get3A_259 = arith.index_cast %scan3A_66 : i32 to index
      %get3A_260 = arith.constant 304 : index
      %get3A_261 = tpu.vector_load %arg5[%get3A_259, %get3A_260] {strides = array<i32>} : memref<64x768xf32, #tpu.memory_space<vmem>>, vector<1x16xf32>,
      %get3A_262 = vector.shape_cast %get3A_261 : vector<1x16xf32> to vector<16xf32>
      %mul3A_263 = arith.mulf %get3A_262, %get3A_69 : vector<16xf32>
      %swap3A_264 = arith.index_cast %scan3A_66 : i32 to index
      %swap3A_265 = arith.constant 304 : index
      %swap3A_266 = tpu.vector_load %arg5[%swap3A_264, %swap3A_265] {strides = array<i32>} : memref<64x768xf32, #tpu.memory_space<vmem>>, vector<1x16xf32>,
      %swap3A_267 = vector.shape_cast %swap3A_266 : vector<1x16xf32> to vector<16xf32>
      %swap3A_268 = vector.shape_cast %mul3A_263 : vector<16xf32> to vector<1x16xf32>
      tpu.vector_store %arg5[%swap3A_264, %swap3A_265], %swap3A_268 {strides = array<i32>} : memref<64x768xf32, #tpu.memory_space<vmem>>, vector<1x16xf32>,
      %get3A_269 = arith.index_cast %scan3A_66 : i32 to index
      %get3A_270 = arith.constant 320 : index
      %get3A_271 = tpu.vector_load %arg5[%get3A_269, %get3A_270] {strides = array<i32>} : memref<64x768xf32, #tpu.memory_space<vmem>>, vector<1x16xf32>,
      %get3A_272 = vector.shape_cast %get3A_271 : vector<1x16xf32> to vector<16xf32>
      %mul3A_273 = arith.mulf %get3A_272, %get3A_69 : vector<16xf32>
      %swap3A_274 = arith.index_cast %scan3A_66 : i32 to index
      %swap3A_275 = arith.constant 320 : index
      %swap3A_276 = tpu.vector_load %arg5[%swap3A_274, %swap3A_275] {strides = array<i32>} : memref<64x768xf32, #tpu.memory_space<vmem>>, vector<1x16xf32>,
      %swap3A_277 = vector.shape_cast %swap3A_276 : vector<1x16xf32> to vector<16xf32>
      %swap3A_278 = vector.shape_cast %mul3A_273 : vector<16xf32> to vector<1x16xf32>
      tpu.vector_store %arg5[%swap3A_274, %swap3A_275], %swap3A_278 {strides = array<i32>} : memref<64x768xf32, #tpu.memory_space<vmem>>, vector<1x16xf32>,
      %get3A_279 = arith.index_cast %scan3A_66 : i32 to index
      %get3A_280 = arith.constant 336 : index
      %get3A_281 = tpu.vector_load %arg5[%get3A_279, %get3A_280] {strides = array<i32>} : memref<64x768xf32, #tpu.memory_space<vmem>>, vector<1x16xf32>,
      %get3A_282 = vector.shape_cast %get3A_281 : vector<1x16xf32> to vector<16xf32>
      %mul3A_283 = arith.mulf %get3A_282, %get3A_69 : vector<16xf32>
      %swap3A_284 = arith.index_cast %scan3A_66 : i32 to index
      %swap3A_285 = arith.constant 336 : index
      %swap3A_286 = tpu.vector_load %arg5[%swap3A_284, %swap3A_285] {strides = array<i32>} : memref<64x768xf32, #tpu.memory_space<vmem>>, vector<1x16xf32>,
      %swap3A_287 = vector.shape_cast %swap3A_286 : vector<1x16xf32> to vector<16xf32>
      %swap3A_288 = vector.shape_cast %mul3A_283 : vector<16xf32> to vector<1x16xf32>
      tpu.vector_store %arg5[%swap3A_284, %swap3A_285], %swap3A_288 {strides = array<i32>} : memref<64x768xf32, #tpu.memory_space<vmem>>, vector<1x16xf32>,
      %get3A_289 = arith.index_cast %scan3A_66 : i32 to index
      %get3A_290 = arith.constant 352 : index
      %get3A_291 = tpu.vector_load %arg5[%get3A_289, %get3A_290] {strides = array<i32>} : memref<64x768xf32, #tpu.memory_space<vmem>>, vector<1x16xf32>,
      %get3A_292 = vector.shape_cast %get3A_291 : vector<1x16xf32> to vector<16xf32>
      %mul3A_293 = arith.mulf %get3A_292, %get3A_69 : vector<16xf32>
      %swap3A_294 = arith.index_cast %scan3A_66 : i32 to index
      %swap3A_295 = arith.constant 352 : index
      %swap3A_296 = tpu.vector_load %arg5[%swap3A_294, %swap3A_295] {strides = array<i32>} : memref<64x768xf32, #tpu.memory_space<vmem>>, vector<1x16xf32>,
      %swap3A_297 = vector.shape_cast %swap3A_296 : vector<1x16xf32> to vector<16xf32>
      %swap3A_298 = vector.shape_cast %mul3A_293 : vector<16xf32> to vector<1x16xf32>
      tpu.vector_store %arg5[%swap3A_294, %swap3A_295], %swap3A_298 {strides = array<i32>} : memref<64x768xf32, #tpu.memory_space<vmem>>, vector<1x16xf32>,
      %get3A_299 = arith.index_cast %scan3A_66 : i32 to index
      %get3A_300 = arith.constant 368 : index
      %get3A_301 = tpu.vector_load %arg5[%get3A_299, %get3A_300] {strides = array<i32>} : memref<64x768xf32, #tpu.memory_space<vmem>>, vector<1x16xf32>,
      %get3A_302 = vector.shape_cast %get3A_301 : vector<1x16xf32> to vector<16xf32>
      %mul3A_303 = arith.mulf %get3A_302, %get3A_69 : vector<16xf32>
      %swap3A_304 = arith.index_cast %scan3A_66 : i32 to index
      %swap3A_305 = arith.constant 368 : index
      %swap3A_306 = tpu.vector_load %arg5[%swap3A_304, %swap3A_305] {strides = array<i32>} : memref<64x768xf32, #tpu.memory_space<vmem>>, vector<1x16xf32>,
      %swap3A_307 = vector.shape_cast %swap3A_306 : vector<1x16xf32> to vector<16xf32>
      %swap3A_308 = vector.shape_cast %mul3A_303 : vector<16xf32> to vector<1x16xf32>
      tpu.vector_store %arg5[%swap3A_304, %swap3A_305], %swap3A_308 {strides = array<i32>} : memref<64x768xf32, #tpu.memory_space<vmem>>, vector<1x16xf32>,
      %get3A_309 = arith.index_cast %scan3A_66 : i32 to index
      %get3A_310 = arith.constant 384 : index
      %get3A_311 = tpu.vector_load %arg5[%get3A_309, %get3A_310] {strides = array<i32>} : memref<64x768xf32, #tpu.memory_space<vmem>>, vector<1x16xf32>,
      %get3A_312 = vector.shape_cast %get3A_311 : vector<1x16xf32> to vector<16xf32>
      %mul3A_313 = arith.mulf %get3A_312, %get3A_69 : vector<16xf32>
      %swap3A_314 = arith.index_cast %scan3A_66 : i32 to index
      %swap3A_315 = arith.constant 384 : index
      %swap3A_316 = tpu.vector_load %arg5[%swap3A_314, %swap3A_315] {strides = array<i32>} : memref<64x768xf32, #tpu.memory_space<vmem>>, vector<1x16xf32>,
      %swap3A_317 = vector.shape_cast %swap3A_316 : vector<1x16xf32> to vector<16xf32>
      %swap3A_318 = vector.shape_cast %mul3A_313 : vector<16xf32> to vector<1x16xf32>
      tpu.vector_store %arg5[%swap3A_314, %swap3A_315], %swap3A_318 {strides = array<i32>} : memref<64x768xf32, #tpu.memory_space<vmem>>, vector<1x16xf32>,
      %get3A_319 = arith.index_cast %scan3A_66 : i32 to index
      %get3A_320 = arith.constant 400 : index
      %get3A_321 = tpu.vector_load %arg5[%get3A_319, %get3A_320] {strides = array<i32>} : memref<64x768xf32, #tpu.memory_space<vmem>>, vector<1x16xf32>,
      %get3A_322 = vector.shape_cast %get3A_321 : vector<1x16xf32> to vector<16xf32>
      %mul3A_323 = arith.mulf %get3A_322, %get3A_69 : vector<16xf32>
      %swap3A_324 = arith.index_cast %scan3A_66 : i32 to index
      %swap3A_325 = arith.constant 400 : index
      %swap3A_326 = tpu.vector_load %arg5[%swap3A_324, %swap3A_325] {strides = array<i32>} : memref<64x768xf32, #tpu.memory_space<vmem>>, vector<1x16xf32>,
      %swap3A_327 = vector.shape_cast %swap3A_326 : vector<1x16xf32> to vector<16xf32>
      %swap3A_328 = vector.shape_cast %mul3A_323 : vector<16xf32> to vector<1x16xf32>
      tpu.vector_store %arg5[%swap3A_324, %swap3A_325], %swap3A_328 {strides = array<i32>} : memref<64x768xf32, #tpu.memory_space<vmem>>, vector<1x16xf32>,
      %get3A_329 = arith.index_cast %scan3A_66 : i32 to index
      %get3A_330 = arith.constant 416 : index
      %get3A_331 = tpu.vector_load %arg5[%get3A_329, %get3A_330] {strides = array<i32>} : memref<64x768xf32, #tpu.memory_space<vmem>>, vector<1x16xf32>,
      %get3A_332 = vector.shape_cast %get3A_331 : vector<1x16xf32> to vector<16xf32>
      %mul3A_333 = arith.mulf %get3A_332, %get3A_69 : vector<16xf32>
      %swap3A_334 = arith.index_cast %scan3A_66 : i32 to index
      %swap3A_335 = arith.constant 416 : index
      %swap3A_336 = tpu.vector_load %arg5[%swap3A_334, %swap3A_335] {strides = array<i32>} : memref<64x768xf32, #tpu.memory_space<vmem>>, vector<1x16xf32>,
      %swap3A_337 = vector.shape_cast %swap3A_336 : vector<1x16xf32> to vector<16xf32>
      %swap3A_338 = vector.shape_cast %mul3A_333 : vector<16xf32> to vector<1x16xf32>
      tpu.vector_store %arg5[%swap3A_334, %swap3A_335], %swap3A_338 {strides = array<i32>} : memref<64x768xf32, #tpu.memory_space<vmem>>, vector<1x16xf32>,
      %get3A_339 = arith.index_cast %scan3A_66 : i32 to index
      %get3A_340 = arith.constant 432 : index
      %get3A_341 = tpu.vector_load %arg5[%get3A_339, %get3A_340] {strides = array<i32>} : memref<64x768xf32, #tpu.memory_space<vmem>>, vector<1x16xf32>,
      %get3A_342 = vector.shape_cast %get3A_341 : vector<1x16xf32> to vector<16xf32>
      %mul3A_343 = arith.mulf %get3A_342, %get3A_69 : vector<16xf32>
      %swap3A_344 = arith.index_cast %scan3A_66 : i32 to index
      %swap3A_345 = arith.constant 432 : index
      %swap3A_346 = tpu.vector_load %arg5[%swap3A_344, %swap3A_345] {strides = array<i32>} : memref<64x768xf32, #tpu.memory_space<vmem>>, vector<1x16xf32>,
      %swap3A_347 = vector.shape_cast %swap3A_346 : vector<1x16xf32> to vector<16xf32>
      %swap3A_348 = vector.shape_cast %mul3A_343 : vector<16xf32> to vector<1x16xf32>
      tpu.vector_store %arg5[%swap3A_344, %swap3A_345], %swap3A_348 {strides = array<i32>} : memref<64x768xf32, #tpu.memory_space<vmem>>, vector<1x16xf32>,
      %get3A_349 = arith.index_cast %scan3A_66 : i32 to index
      %get3A_350 = arith.constant 448 : index
      %get3A_351 = tpu.vector_load %arg5[%get3A_349, %get3A_350] {strides = array<i32>} : memref<64x768xf32, #tpu.memory_space<vmem>>, vector<1x16xf32>,
      %get3A_352 = vector.shape_cast %get3A_351 : vector<1x16xf32> to vector<16xf32>
      %mul3A_353 = arith.mulf %get3A_352, %get3A_69 : vector<16xf32>
      %swap3A_354 = arith.index_cast %scan3A_66 : i32 to index
      %swap3A_355 = arith.constant 448 : index
      %swap3A_356 = tpu.vector_load %arg5[%swap3A_354, %swap3A_355] {strides = array<i32>} : memref<64x768xf32, #tpu.memory_space<vmem>>, vector<1x16xf32>,
      %swap3A_357 = vector.shape_cast %swap3A_356 : vector<1x16xf32> to vector<16xf32>
      %swap3A_358 = vector.shape_cast %mul3A_353 : vector<16xf32> to vector<1x16xf32>
      tpu.vector_store %arg5[%swap3A_354, %swap3A_355], %swap3A_358 {strides = array<i32>} : memref<64x768xf32, #tpu.memory_space<vmem>>, vector<1x16xf32>,
      %get3A_359 = arith.index_cast %scan3A_66 : i32 to index
      %get3A_360 = arith.constant 464 : index
      %get3A_361 = tpu.vector_load %arg5[%get3A_359, %get3A_360] {strides = array<i32>} : memref<64x768xf32, #tpu.memory_space<vmem>>, vector<1x16xf32>,
      %get3A_362 = vector.shape_cast %get3A_361 : vector<1x16xf32> to vector<16xf32>
      %mul3A_363 = arith.mulf %get3A_362, %get3A_69 : vector<16xf32>
      %swap3A_364 = arith.index_cast %scan3A_66 : i32 to index
      %swap3A_365 = arith.constant 464 : index
      %swap3A_366 = tpu.vector_load %arg5[%swap3A_364, %swap3A_365] {strides = array<i32>} : memref<64x768xf32, #tpu.memory_space<vmem>>, vector<1x16xf32>,
      %swap3A_367 = vector.shape_cast %swap3A_366 : vector<1x16xf32> to vector<16xf32>
      %swap3A_368 = vector.shape_cast %mul3A_363 : vector<16xf32> to vector<1x16xf32>
      tpu.vector_store %arg5[%swap3A_364, %swap3A_365], %swap3A_368 {strides = array<i32>} : memref<64x768xf32, #tpu.memory_space<vmem>>, vector<1x16xf32>,
      %get3A_369 = arith.index_cast %scan3A_66 : i32 to index
      %get3A_370 = arith.constant 480 : index
      %get3A_371 = tpu.vector_load %arg5[%get3A_369, %get3A_370] {strides = array<i32>} : memref<64x768xf32, #tpu.memory_space<vmem>>, vector<1x16xf32>,
      %get3A_372 = vector.shape_cast %get3A_371 : vector<1x16xf32> to vector<16xf32>
      %mul3A_373 = arith.mulf %get3A_372, %get3A_69 : vector<16xf32>
      %swap3A_374 = arith.index_cast %scan3A_66 : i32 to index
      %swap3A_375 = arith.constant 480 : index
      %swap3A_376 = tpu.vector_load %arg5[%swap3A_374, %swap3A_375] {strides = array<i32>} : memref<64x768xf32, #tpu.memory_space<vmem>>, vector<1x16xf32>,
      %swap3A_377 = vector.shape_cast %swap3A_376 : vector<1x16xf32> to vector<16xf32>
      %swap3A_378 = vector.shape_cast %mul3A_373 : vector<16xf32> to vector<1x16xf32>
      tpu.vector_store %arg5[%swap3A_374, %swap3A_375], %swap3A_378 {strides = array<i32>} : memref<64x768xf32, #tpu.memory_space<vmem>>, vector<1x16xf32>,
      %get3A_379 = arith.index_cast %scan3A_66 : i32 to index
      %get3A_380 = arith.constant 496 : index
      %get3A_381 = tpu.vector_load %arg5[%get3A_379, %get3A_380] {strides = array<i32>} : memref<64x768xf32, #tpu.memory_space<vmem>>, vector<1x16xf32>,
      %get3A_382 = vector.shape_cast %get3A_381 : vector<1x16xf32> to vector<16xf32>
      %mul3A_383 = arith.mulf %get3A_382, %get3A_69 : vector<16xf32>
      %swap3A_384 = arith.index_cast %scan3A_66 : i32 to index
      %swap3A_385 = arith.constant 496 : index
      %swap3A_386 = tpu.vector_load %arg5[%swap3A_384, %swap3A_385] {strides = array<i32>} : memref<64x768xf32, #tpu.memory_space<vmem>>, vector<1x16xf32>,
      %swap3A_387 = vector.shape_cast %swap3A_386 : vector<1x16xf32> to vector<16xf32>
      %swap3A_388 = vector.shape_cast %mul3A_383 : vector<16xf32> to vector<1x16xf32>
      tpu.vector_store %arg5[%swap3A_384, %swap3A_385], %swap3A_388 {strides = array<i32>} : memref<64x768xf32, #tpu.memory_space<vmem>>, vector<1x16xf32>,
      %get3A_389 = arith.index_cast %scan3A_66 : i32 to index
      %get3A_390 = arith.constant 512 : index
      %get3A_391 = tpu.vector_load %arg5[%get3A_389, %get3A_390] {strides = array<i32>} : memref<64x768xf32, #tpu.memory_space<vmem>>, vector<1x16xf32>,
      %get3A_392 = vector.shape_cast %get3A_391 : vector<1x16xf32> to vector<16xf32>
      %mul3A_393 = arith.mulf %get3A_392, %get3A_69 : vector<16xf32>
      %swap3A_394 = arith.index_cast %scan3A_66 : i32 to index
      %swap3A_395 = arith.constant 512 : index
      %swap3A_396 = tpu.vector_load %arg5[%swap3A_394, %swap3A_395] {strides = array<i32>} : memref<64x768xf32, #tpu.memory_space<vmem>>, vector<1x16xf32>,
      %swap3A_397 = vector.shape_cast %swap3A_396 : vector<1x16xf32> to vector<16xf32>
      %swap3A_398 = vector.shape_cast %mul3A_393 : vector<16xf32> to vector<1x16xf32>
      tpu.vector_store %arg5[%swap3A_394, %swap3A_395], %swap3A_398 {strides = array<i32>} : memref<64x768xf32, #tpu.memory_space<vmem>>, vector<1x16xf32>,
      %get3A_399 = arith.index_cast %scan3A_66 : i32 to index
      %get3A_400 = arith.constant 528 : index
      %get3A_401 = tpu.vector_load %arg5[%get3A_399, %get3A_400] {strides = array<i32>} : memref<64x768xf32, #tpu.memory_space<vmem>>, vector<1x16xf32>,
      %get3A_402 = vector.shape_cast %get3A_401 : vector<1x16xf32> to vector<16xf32>
      %mul3A_403 = arith.mulf %get3A_402, %get3A_69 : vector<16xf32>
      %swap3A_404 = arith.index_cast %scan3A_66 : i32 to index
      %swap3A_405 = arith.constant 528 : index
      %swap3A_406 = tpu.vector_load %arg5[%swap3A_404, %swap3A_405] {strides = array<i32>} : memref<64x768xf32, #tpu.memory_space<vmem>>, vector<1x16xf32>,
      %swap3A_407 = vector.shape_cast %swap3A_406 : vector<1x16xf32> to vector<16xf32>
      %swap3A_408 = vector.shape_cast %mul3A_403 : vector<16xf32> to vector<1x16xf32>
      tpu.vector_store %arg5[%swap3A_404, %swap3A_405], %swap3A_408 {strides = array<i32>} : memref<64x768xf32, #tpu.memory_space<vmem>>, vector<1x16xf32>,
      %get3A_409 = arith.index_cast %scan3A_66 : i32 to index
      %get3A_410 = arith.constant 544 : index
      %get3A_411 = tpu.vector_load %arg5[%get3A_409, %get3A_410] {strides = array<i32>} : memref<64x768xf32, #tpu.memory_space<vmem>>, vector<1x16xf32>,
      %get3A_412 = vector.shape_cast %get3A_411 : vector<1x16xf32> to vector<16xf32>
      %mul3A_413 = arith.mulf %get3A_412, %get3A_69 : vector<16xf32>
      %swap3A_414 = arith.index_cast %scan3A_66 : i32 to index
      %swap3A_415 = arith.constant 544 : index
      %swap3A_416 = tpu.vector_load %arg5[%swap3A_414, %swap3A_415] {strides = array<i32>} : memref<64x768xf32, #tpu.memory_space<vmem>>, vector<1x16xf32>,
      %swap3A_417 = vector.shape_cast %swap3A_416 : vector<1x16xf32> to vector<16xf32>
      %swap3A_418 = vector.shape_cast %mul3A_413 : vector<16xf32> to vector<1x16xf32>
      tpu.vector_store %arg5[%swap3A_414, %swap3A_415], %swap3A_418 {strides = array<i32>} : memref<64x768xf32, #tpu.memory_space<vmem>>, vector<1x16xf32>,
      %get3A_419 = arith.index_cast %scan3A_66 : i32 to index
      %get3A_420 = arith.constant 560 : index
      %get3A_421 = tpu.vector_load %arg5[%get3A_419, %get3A_420] {strides = array<i32>} : memref<64x768xf32, #tpu.memory_space<vmem>>, vector<1x16xf32>,
      %get3A_422 = vector.shape_cast %get3A_421 : vector<1x16xf32> to vector<16xf32>
      %mul3A_423 = arith.mulf %get3A_422, %get3A_69 : vector<16xf32>
      %swap3A_424 = arith.index_cast %scan3A_66 : i32 to index
      %swap3A_425 = arith.constant 560 : index
      %swap3A_426 = tpu.vector_load %arg5[%swap3A_424, %swap3A_425] {strides = array<i32>} : memref<64x768xf32, #tpu.memory_space<vmem>>, vector<1x16xf32>,
      %swap3A_427 = vector.shape_cast %swap3A_426 : vector<1x16xf32> to vector<16xf32>
      %swap3A_428 = vector.shape_cast %mul3A_423 : vector<16xf32> to vector<1x16xf32>
      tpu.vector_store %arg5[%swap3A_424, %swap3A_425], %swap3A_428 {strides = array<i32>} : memref<64x768xf32, #tpu.memory_space<vmem>>, vector<1x16xf32>,
      %get3A_429 = arith.index_cast %scan3A_66 : i32 to index
      %get3A_430 = arith.constant 576 : index
      %get3A_431 = tpu.vector_load %arg5[%get3A_429, %get3A_430] {strides = array<i32>} : memref<64x768xf32, #tpu.memory_space<vmem>>, vector<1x16xf32>,
      %get3A_432 = vector.shape_cast %get3A_431 : vector<1x16xf32> to vector<16xf32>
      %mul3A_433 = arith.mulf %get3A_432, %get3A_69 : vector<16xf32>
      %swap3A_434 = arith.index_cast %scan3A_66 : i32 to index
      %swap3A_435 = arith.constant 576 : index
      %swap3A_436 = tpu.vector_load %arg5[%swap3A_434, %swap3A_435] {strides = array<i32>} : memref<64x768xf32, #tpu.memory_space<vmem>>, vector<1x16xf32>,
      %swap3A_437 = vector.shape_cast %swap3A_436 : vector<1x16xf32> to vector<16xf32>
      %swap3A_438 = vector.shape_cast %mul3A_433 : vector<16xf32> to vector<1x16xf32>
      tpu.vector_store %arg5[%swap3A_434, %swap3A_435], %swap3A_438 {strides = array<i32>} : memref<64x768xf32, #tpu.memory_space<vmem>>, vector<1x16xf32>,
      %get3A_439 = arith.index_cast %scan3A_66 : i32 to index
      %get3A_440 = arith.constant 592 : index
      %get3A_441 = tpu.vector_load %arg5[%get3A_439, %get3A_440] {strides = array<i32>} : memref<64x768xf32, #tpu.memory_space<vmem>>, vector<1x16xf32>,
      %get3A_442 = vector.shape_cast %get3A_441 : vector<1x16xf32> to vector<16xf32>
      %mul3A_443 = arith.mulf %get3A_442, %get3A_69 : vector<16xf32>
      %swap3A_444 = arith.index_cast %scan3A_66 : i32 to index
      %swap3A_445 = arith.constant 592 : index
      %swap3A_446 = tpu.vector_load %arg5[%swap3A_444, %swap3A_445] {strides = array<i32>} : memref<64x768xf32, #tpu.memory_space<vmem>>, vector<1x16xf32>,
      %swap3A_447 = vector.shape_cast %swap3A_446 : vector<1x16xf32> to vector<16xf32>
      %swap3A_448 = vector.shape_cast %mul3A_443 : vector<16xf32> to vector<1x16xf32>
      tpu.vector_store %arg5[%swap3A_444, %swap3A_445], %swap3A_448 {strides = array<i32>} : memref<64x768xf32, #tpu.memory_space<vmem>>, vector<1x16xf32>,
      %get3A_449 = arith.index_cast %scan3A_66 : i32 to index
      %get3A_450 = arith.constant 608 : index
      %get3A_451 = tpu.vector_load %arg5[%get3A_449, %get3A_450] {strides = array<i32>} : memref<64x768xf32, #tpu.memory_space<vmem>>, vector<1x16xf32>,
      %get3A_452 = vector.shape_cast %get3A_451 : vector<1x16xf32> to vector<16xf32>
      %mul3A_453 = arith.mulf %get3A_452, %get3A_69 : vector<16xf32>
      %swap3A_454 = arith.index_cast %scan3A_66 : i32 to index
      %swap3A_455 = arith.constant 608 : index
      %swap3A_456 = tpu.vector_load %arg5[%swap3A_454, %swap3A_455] {strides = array<i32>} : memref<64x768xf32, #tpu.memory_space<vmem>>, vector<1x16xf32>,
      %swap3A_457 = vector.shape_cast %swap3A_456 : vector<1x16xf32> to vector<16xf32>
      %swap3A_458 = vector.shape_cast %mul3A_453 : vector<16xf32> to vector<1x16xf32>
      tpu.vector_store %arg5[%swap3A_454, %swap3A_455], %swap3A_458 {strides = array<i32>} : memref<64x768xf32, #tpu.memory_space<vmem>>, vector<1x16xf32>,
      %get3A_459 = arith.index_cast %scan3A_66 : i32 to index
      %get3A_460 = arith.constant 624 : index
      %get3A_461 = tpu.vector_load %arg5[%get3A_459, %get3A_460] {strides = array<i32>} : memref<64x768xf32, #tpu.memory_space<vmem>>, vector<1x16xf32>,
      %get3A_462 = vector.shape_cast %get3A_461 : vector<1x16xf32> to vector<16xf32>
      %mul3A_463 = arith.mulf %get3A_462, %get3A_69 : vector<16xf32>
      %swap3A_464 = arith.index_cast %scan3A_66 : i32 to index
      %swap3A_465 = arith.constant 624 : index
      %swap3A_466 = tpu.vector_load %arg5[%swap3A_464, %swap3A_465] {strides = array<i32>} : memref<64x768xf32, #tpu.memory_space<vmem>>, vector<1x16xf32>,
      %swap3A_467 = vector.shape_cast %swap3A_466 : vector<1x16xf32> to vector<16xf32>
      %swap3A_468 = vector.shape_cast %mul3A_463 : vector<16xf32> to vector<1x16xf32>
      tpu.vector_store %arg5[%swap3A_464, %swap3A_465], %swap3A_468 {strides = array<i32>} : memref<64x768xf32, #tpu.memory_space<vmem>>, vector<1x16xf32>,
      %get3A_469 = arith.index_cast %scan3A_66 : i32 to index
      %get3A_470 = arith.constant 640 : index
      %get3A_471 = tpu.vector_load %arg5[%get3A_469, %get3A_470] {strides = array<i32>} : memref<64x768xf32, #tpu.memory_space<vmem>>, vector<1x16xf32>,
      %get3A_472 = vector.shape_cast %get3A_471 : vector<1x16xf32> to vector<16xf32>
      %mul3A_473 = arith.mulf %get3A_472, %get3A_69 : vector<16xf32>
      %swap3A_474 = arith.index_cast %scan3A_66 : i32 to index
      %swap3A_475 = arith.constant 640 : index
      %swap3A_476 = tpu.vector_load %arg5[%swap3A_474, %swap3A_475] {strides = array<i32>} : memref<64x768xf32, #tpu.memory_space<vmem>>, vector<1x16xf32>,
      %swap3A_477 = vector.shape_cast %swap3A_476 : vector<1x16xf32> to vector<16xf32>
      %swap3A_478 = vector.shape_cast %mul3A_473 : vector<16xf32> to vector<1x16xf32>
      tpu.vector_store %arg5[%swap3A_474, %swap3A_475], %swap3A_478 {strides = array<i32>} : memref<64x768xf32, #tpu.memory_space<vmem>>, vector<1x16xf32>,
      %get3A_479 = arith.index_cast %scan3A_66 : i32 to index
      %get3A_480 = arith.constant 656 : index
      %get3A_481 = tpu.vector_load %arg5[%get3A_479, %get3A_480] {strides = array<i32>} : memref<64x768xf32, #tpu.memory_space<vmem>>, vector<1x16xf32>,
      %get3A_482 = vector.shape_cast %get3A_481 : vector<1x16xf32> to vector<16xf32>
      %mul3A_483 = arith.mulf %get3A_482, %get3A_69 : vector<16xf32>
      %swap3A_484 = arith.index_cast %scan3A_66 : i32 to index
      %swap3A_485 = arith.constant 656 : index
      %swap3A_486 = tpu.vector_load %arg5[%swap3A_484, %swap3A_485] {strides = array<i32>} : memref<64x768xf32, #tpu.memory_space<vmem>>, vector<1x16xf32>,
      %swap3A_487 = vector.shape_cast %swap3A_486 : vector<1x16xf32> to vector<16xf32>
      %swap3A_488 = vector.shape_cast %mul3A_483 : vector<16xf32> to vector<1x16xf32>
      tpu.vector_store %arg5[%swap3A_484, %swap3A_485], %swap3A_488 {strides = array<i32>} : memref<64x768xf32, #tpu.memory_space<vmem>>, vector<1x16xf32>,
      %get3A_489 = arith.index_cast %scan3A_66 : i32 to index
      %get3A_490 = arith.constant 672 : index
      %get3A_491 = tpu.vector_load %arg5[%get3A_489, %get3A_490] {strides = array<i32>} : memref<64x768xf32, #tpu.memory_space<vmem>>, vector<1x16xf32>,
      %get3A_492 = vector.shape_cast %get3A_491 : vector<1x16xf32> to vector<16xf32>
      %mul3A_493 = arith.mulf %get3A_492, %get3A_69 : vector<16xf32>
      %swap3A_494 = arith.index_cast %scan3A_66 : i32 to index
      %swap3A_495 = arith.constant 672 : index
      %swap3A_496 = tpu.vector_load %arg5[%swap3A_494, %swap3A_495] {strides = array<i32>} : memref<64x768xf32, #tpu.memory_space<vmem>>, vector<1x16xf32>,
      %swap3A_497 = vector.shape_cast %swap3A_496 : vector<1x16xf32> to vector<16xf32>
      %swap3A_498 = vector.shape_cast %mul3A_493 : vector<16xf32> to vector<1x16xf32>
      tpu.vector_store %arg5[%swap3A_494, %swap3A_495], %swap3A_498 {strides = array<i32>} : memref<64x768xf32, #tpu.memory_space<vmem>>, vector<1x16xf32>,
      %get3A_499 = arith.index_cast %scan3A_66 : i32 to index
      %get3A_500 = arith.constant 688 : index
      %get3A_501 = tpu.vector_load %arg5[%get3A_499, %get3A_500] {strides = array<i32>} : memref<64x768xf32, #tpu.memory_space<vmem>>, vector<1x16xf32>,
      %get3A_502 = vector.shape_cast %get3A_501 : vector<1x16xf32> to vector<16xf32>
      %mul3A_503 = arith.mulf %get3A_502, %get3A_69 : vector<16xf32>
      %swap3A_504 = arith.index_cast %scan3A_66 : i32 to index
      %swap3A_505 = arith.constant 688 : index
      %swap3A_506 = tpu.vector_load %arg5[%swap3A_504, %swap3A_505] {strides = array<i32>} : memref<64x768xf32, #tpu.memory_space<vmem>>, vector<1x16xf32>,
      %swap3A_507 = vector.shape_cast %swap3A_506 : vector<1x16xf32> to vector<16xf32>
      %swap3A_508 = vector.shape_cast %mul3A_503 : vector<16xf32> to vector<1x16xf32>
      tpu.vector_store %arg5[%swap3A_504, %swap3A_505], %swap3A_508 {strides = array<i32>} : memref<64x768xf32, #tpu.memory_space<vmem>>, vector<1x16xf32>,
      %get3A_509 = arith.index_cast %scan3A_66 : i32 to index
      %get3A_510 = arith.constant 704 : index
      %get3A_511 = tpu.vector_load %arg5[%get3A_509, %get3A_510] {strides = array<i32>} : memref<64x768xf32, #tpu.memory_space<vmem>>, vector<1x16xf32>,
      %get3A_512 = vector.shape_cast %get3A_511 : vector<1x16xf32> to vector<16xf32>
      %mul3A_513 = arith.mulf %get3A_512, %get3A_69 : vector<16xf32>
      %swap3A_514 = arith.index_cast %scan3A_66 : i32 to index
      %swap3A_515 = arith.constant 704 : index
      %swap3A_516 = tpu.vector_load %arg5[%swap3A_514, %swap3A_515] {strides = array<i32>} : memref<64x768xf32, #tpu.memory_space<vmem>>, vector<1x16xf32>,
      %swap3A_517 = vector.shape_cast %swap3A_516 : vector<1x16xf32> to vector<16xf32>
      %swap3A_518 = vector.shape_cast %mul3A_513 : vector<16xf32> to vector<1x16xf32>
      tpu.vector_store %arg5[%swap3A_514, %swap3A_515], %swap3A_518 {strides = array<i32>} : memref<64x768xf32, #tpu.memory_space<vmem>>, vector<1x16xf32>,
      %get3A_519 = arith.index_cast %scan3A_66 : i32 to index
      %get3A_520 = arith.constant 720 : index
      %get3A_521 = tpu.vector_load %arg5[%get3A_519, %get3A_520] {strides = array<i32>} : memref<64x768xf32, #tpu.memory_space<vmem>>, vector<1x16xf32>,
      %get3A_522 = vector.shape_cast %get3A_521 : vector<1x16xf32> to vector<16xf32>
      %mul3A_523 = arith.mulf %get3A_522, %get3A_69 : vector<16xf32>
      %swap3A_524 = arith.index_cast %scan3A_66 : i32 to index
      %swap3A_525 = arith.constant 720 : index
      %swap3A_526 = tpu.vector_load %arg5[%swap3A_524, %swap3A_525] {strides = array<i32>} : memref<64x768xf32, #tpu.memory_space<vmem>>, vector<1x16xf32>,
      %swap3A_527 = vector.shape_cast %swap3A_526 : vector<1x16xf32> to vector<16xf32>
      %swap3A_528 = vector.shape_cast %mul3A_523 : vector<16xf32> to vector<1x16xf32>
      tpu.vector_store %arg5[%swap3A_524, %swap3A_525], %swap3A_528 {strides = array<i32>} : memref<64x768xf32, #tpu.memory_space<vmem>>, vector<1x16xf32>,
      %get3A_529 = arith.index_cast %scan3A_66 : i32 to index
      %get3A_530 = arith.constant 736 : index
      %get3A_531 = tpu.vector_load %arg5[%get3A_529, %get3A_530] {strides = array<i32>} : memref<64x768xf32, #tpu.memory_space<vmem>>, vector<1x16xf32>,
      %get3A_532 = vector.shape_cast %get3A_531 : vector<1x16xf32> to vector<16xf32>
      %mul3A_533 = arith.mulf %get3A_532, %get3A_69 : vector<16xf32>
      %swap3A_534 = arith.index_cast %scan3A_66 : i32 to index
      %swap3A_535 = arith.constant 736 : index
      %swap3A_536 = tpu.vector_load %arg5[%swap3A_534, %swap3A_535] {strides = array<i32>} : memref<64x768xf32, #tpu.memory_space<vmem>>, vector<1x16xf32>,
      %swap3A_537 = vector.shape_cast %swap3A_536 : vector<1x16xf32> to vector<16xf32>
      %swap3A_538 = vector.shape_cast %mul3A_533 : vector<16xf32> to vector<1x16xf32>
      tpu.vector_store %arg5[%swap3A_534, %swap3A_535], %swap3A_538 {strides = array<i32>} : memref<64x768xf32, #tpu.memory_space<vmem>>, vector<1x16xf32>,
      %get3A_539 = arith.index_cast %scan3A_66 : i32 to index
      %get3A_540 = arith.constant 752 : index
      %get3A_541 = tpu.vector_load %arg5[%get3A_539, %get3A_540] {strides = array<i32>} : memref<64x768xf32, #tpu.memory_space<vmem>>, vector<1x16xf32>,
      %get3A_542 = vector.shape_cast %get3A_541 : vector<1x16xf32> to vector<16xf32>
      %mul3A_543 = arith.mulf %get3A_542, %get3A_69 : vector<16xf32>
      %swap3A_544 = arith.index_cast %scan3A_66 : i32 to index
      %swap3A_545 = arith.constant 752 : index
      %swap3A_546 = tpu.vector_load %arg5[%swap3A_544, %swap3A_545] {strides = array<i32>} : memref<64x768xf32, #tpu.memory_space<vmem>>, vector<1x16xf32>,
      %swap3A_547 = vector.shape_cast %swap3A_546 : vector<1x16xf32> to vector<16xf32>
      %swap3A_548 = vector.shape_cast %mul3A_543 : vector<16xf32> to vector<1x16xf32>
      tpu.vector_store %arg5[%swap3A_544, %swap3A_545], %swap3A_548 {strides = array<i32>} : memref<64x768xf32, #tpu.memory_space<vmem>>, vector<1x16xf32>,
    }
    %scan3A_41 = arith.constant 64 : i32
    "tpu.region"() ({
      %run_scoped3A = tpu.sem_alloc : memref<!tpu.dma_semaphore, #tpu.memory_space<semaphore_mem>>
      %dma_start3A = arith.constant 0 : i32
      %dma_start3A_66 = tpu.memref_slice %arg4[%add3A_35, %dma_start3A] : memref<16384x768xf32, #tpu.memory_space<hbm>> -> memref<64x768xf32, #tpu.memory_space<hbm>>
      %dma_start3A_67 = arith.constant 0 : i32
      %dma_start3A_68 = tpu.memref_slice %arg4[%add3A_35, %dma_start3A_67] : memref<16384x768xf32, #tpu.memory_space<hbm>> -> memref<64x768xf32, #tpu.memory_space<hbm>>
      tpu.enqueue_dma source(%arg5 : memref<64x768xf32, #tpu.memory_space<vmem>>) target(%dma_start3A_68 : memref<64x768xf32, #tpu.memory_space<hbm>>) target_semaphore(%run_scoped3A : memref<!tpu.dma_semaphore, #tpu.memory_space<semaphore_mem>>)
      %dma_wait3A = arith.constant 0 : i32
      %dma_wait3A_69 = tpu.memref_slice %arg4[%add3A_35, %dma_wait3A] : memref<16384x768xf32, #tpu.memory_space<hbm>> -> memref<64x768xf32, #tpu.memory_space<hbm>>
      %dma_wait3A_70 = arith.constant 0 : i32
      %dma_wait3A_71 = tpu.memref_slice %arg4[%add3A_35, %dma_wait3A_70] : memref<16384x768xf32, #tpu.memory_space<hbm>> -> memref<64x768xf32, #tpu.memory_space<hbm>>
      tpu.wait_dma2 semaphore(%run_scoped3A : memref<!tpu.dma_semaphore, #tpu.memory_space<semaphore_mem>>) src(%arg5 : memref<64x768xf32, #tpu.memory_space<vmem>>) dst(%dma_wait3A_71 : memref<64x768xf32, #tpu.memory_space<hbm>>)
      tpu.yield
    }) : () -> ()
    %add3A_42 = arith.constant 320 : i32
    %add3A_43 = arith.addi %mul3A_2, %add3A_42 : i32
    "tpu.region"() ({
      %run_scoped3A = tpu.sem_alloc : memref<!tpu.dma_semaphore, #tpu.memory_space<semaphore_mem>>
      %dma_start3A = arith.constant 0 : i32
      %dma_start3A_66 = tpu.memref_slice %arg2[%add3A_43, %dma_start3A] : memref<16384x768xf32, #tpu.memory_space<hbm>> -> memref<64x768xf32, #tpu.memory_space<hbm>>
      %dma_start3A_67 = arith.constant 0 : i32
      %dma_start3A_68 = tpu.memref_slice %arg2[%add3A_43, %dma_start3A_67] : memref<16384x768xf32, #tpu.memory_space<hbm>> -> memref<64x768xf32, #tpu.memory_space<hbm>>
      tpu.enqueue_dma source(%dma_start3A_68 : memref<64x768xf32, #tpu.memory_space<hbm>>) target(%arg5 : memref<64x768xf32, #tpu.memory_space<vmem>>) target_semaphore(%run_scoped3A : memref<!tpu.dma_semaphore, #tpu.memory_space<semaphore_mem>>)
      %dma_wait3A = arith.constant 0 : i32
      %dma_wait3A_69 = tpu.memref_slice %arg2[%add3A_43, %dma_wait3A] : memref<16384x768xf32, #tpu.memory_space<hbm>> -> memref<64x768xf32, #tpu.memory_space<hbm>>
      %dma_wait3A_70 = arith.constant 0 : i32
      %dma_wait3A_71 = tpu.memref_slice %arg2[%add3A_43, %dma_wait3A_70] : memref<16384x768xf32, #tpu.memory_space<hbm>> -> memref<64x768xf32, #tpu.memory_space<hbm>>
      tpu.wait_dma2 semaphore(%run_scoped3A : memref<!tpu.dma_semaphore, #tpu.memory_space<semaphore_mem>>) src(%dma_wait3A_71 : memref<64x768xf32, #tpu.memory_space<hbm>>) dst(%arg5 : memref<64x768xf32, #tpu.memory_space<vmem>>)
      tpu.yield
    }) : () -> ()
    "tpu.region"() ({
      %run_scoped3A = tpu.sem_alloc : memref<!tpu.dma_semaphore, #tpu.memory_space<semaphore_mem>>
      %dma_start3A = arith.constant 0 : i32
      %dma_start3A_66 = tpu.memref_slice %arg3[%add3A_43, %dma_start3A] : memref<16384x128xf32, #tpu.memory_space<hbm>> -> memref<64x128xf32, #tpu.memory_space<hbm>>
      %dma_start3A_67 = arith.constant 0 : i32
      %dma_start3A_68 = tpu.memref_slice %arg3[%add3A_43, %dma_start3A_67] : memref<16384x128xf32, #tpu.memory_space<hbm>> -> memref<64x128xf32, #tpu.memory_space<hbm>>
      tpu.enqueue_dma source(%dma_start3A_68 : memref<64x128xf32, #tpu.memory_space<hbm>>) target(%arg6 : memref<64x128xf32, #tpu.memory_space<vmem>>) target_semaphore(%run_scoped3A : memref<!tpu.dma_semaphore, #tpu.memory_space<semaphore_mem>>)
      %dma_wait3A = arith.constant 0 : i32
      %dma_wait3A_69 = tpu.memref_slice %arg3[%add3A_43, %dma_wait3A] : memref<16384x128xf32, #tpu.memory_space<hbm>> -> memref<64x128xf32, #tpu.memory_space<hbm>>
      %dma_wait3A_70 = arith.constant 0 : i32
      %dma_wait3A_71 = tpu.memref_slice %arg3[%add3A_43, %dma_wait3A_70] : memref<16384x128xf32, #tpu.memory_space<hbm>> -> memref<64x128xf32, #tpu.memory_space<hbm>>
      tpu.wait_dma2 semaphore(%run_scoped3A : memref<!tpu.dma_semaphore, #tpu.memory_space<semaphore_mem>>) src(%dma_wait3A_71 : memref<64x128xf32, #tpu.memory_space<hbm>>) dst(%arg6 : memref<64x128xf32, #tpu.memory_space<vmem>>)
      tpu.yield
    }) : () -> ()
    %scan3A_44 = arith.constant 0 : i32
    %scan3A_45 = arith.constant 0 : i32
    %scan3A_46 = arith.constant 64 : i32
    %scan3A_47 = arith.addi %scan3A_45, %scan3A_46 : i32
    %scan3A_48 = arith.constant 1 : i32
    scf.for %scan3A_66 = %scan3A_45 to %scan3A_47 step %scan3A_48  : i32 {
      %get3A = arith.index_cast %scan3A_66 : i32 to index
      %get3A_67 = arith.constant 0 : index
      %get3A_68 = tpu.vector_load %arg6[%get3A, %get3A_67] {strides = array<i32>} : memref<64x128xf32, #tpu.memory_space<vmem>>, vector<1x16xf32>,
      %get3A_69 = vector.shape_cast %get3A_68 : vector<1x16xf32> to vector<16xf32>
      %get3A_70 = arith.index_cast %scan3A_66 : i32 to index
      %get3A_71 = arith.constant 0 : index
      %get3A_72 = tpu.vector_load %arg5[%get3A_70, %get3A_71] {strides = array<i32>} : memref<64x768xf32, #tpu.memory_space<vmem>>, vector<1x16xf32>,
      %get3A_73 = vector.shape_cast %get3A_72 : vector<1x16xf32> to vector<16xf32>
      %mul3A_74 = arith.mulf %get3A_73, %get3A_69 : vector<16xf32>
      %swap3A = arith.index_cast %scan3A_66 : i32 to index
      %swap3A_75 = arith.constant 0 : index
      %swap3A_76 = tpu.vector_load %arg5[%swap3A, %swap3A_75] {strides = array<i32>} : memref<64x768xf32, #tpu.memory_space<vmem>>, vector<1x16xf32>,
      %swap3A_77 = vector.shape_cast %swap3A_76 : vector<1x16xf32> to vector<16xf32>
      %swap3A_78 = vector.shape_cast %mul3A_74 : vector<16xf32> to vector<1x16xf32>
      tpu.vector_store %arg5[%swap3A, %swap3A_75], %swap3A_78 {strides = array<i32>} : memref<64x768xf32, #tpu.memory_space<vmem>>, vector<1x16xf32>,
      %get3A_79 = arith.index_cast %scan3A_66 : i32 to index
      %get3A_80 = arith.constant 16 : index
      %get3A_81 = tpu.vector_load %arg5[%get3A_79, %get3A_80] {strides = array<i32>} : memref<64x768xf32, #tpu.memory_space<vmem>>, vector<1x16xf32>,
      %get3A_82 = vector.shape_cast %get3A_81 : vector<1x16xf32> to vector<16xf32>
      %mul3A_83 = arith.mulf %get3A_82, %get3A_69 : vector<16xf32>
      %swap3A_84 = arith.index_cast %scan3A_66 : i32 to index
      %swap3A_85 = arith.constant 16 : index
      %swap3A_86 = tpu.vector_load %arg5[%swap3A_84, %swap3A_85] {strides = array<i32>} : memref<64x768xf32, #tpu.memory_space<vmem>>, vector<1x16xf32>,
      %swap3A_87 = vector.shape_cast %swap3A_86 : vector<1x16xf32> to vector<16xf32>
      %swap3A_88 = vector.shape_cast %mul3A_83 : vector<16xf32> to vector<1x16xf32>
      tpu.vector_store %arg5[%swap3A_84, %swap3A_85], %swap3A_88 {strides = array<i32>} : memref<64x768xf32, #tpu.memory_space<vmem>>, vector<1x16xf32>,
      %get3A_89 = arith.index_cast %scan3A_66 : i32 to index
      %get3A_90 = arith.constant 32 : index
      %get3A_91 = tpu.vector_load %arg5[%get3A_89, %get3A_90] {strides = array<i32>} : memref<64x768xf32, #tpu.memory_space<vmem>>, vector<1x16xf32>,
      %get3A_92 = vector.shape_cast %get3A_91 : vector<1x16xf32> to vector<16xf32>
      %mul3A_93 = arith.mulf %get3A_92, %get3A_69 : vector<16xf32>
      %swap3A_94 = arith.index_cast %scan3A_66 : i32 to index
      %swap3A_95 = arith.constant 32 : index
      %swap3A_96 = tpu.vector_load %arg5[%swap3A_94, %swap3A_95] {strides = array<i32>} : memref<64x768xf32, #tpu.memory_space<vmem>>, vector<1x16xf32>,
      %swap3A_97 = vector.shape_cast %swap3A_96 : vector<1x16xf32> to vector<16xf32>
      %swap3A_98 = vector.shape_cast %mul3A_93 : vector<16xf32> to vector<1x16xf32>
      tpu.vector_store %arg5[%swap3A_94, %swap3A_95], %swap3A_98 {strides = array<i32>} : memref<64x768xf32, #tpu.memory_space<vmem>>, vector<1x16xf32>,
      %get3A_99 = arith.index_cast %scan3A_66 : i32 to index
      %get3A_100 = arith.constant 48 : index
      %get3A_101 = tpu.vector_load %arg5[%get3A_99, %get3A_100] {strides = array<i32>} : memref<64x768xf32, #tpu.memory_space<vmem>>, vector<1x16xf32>,
      %get3A_102 = vector.shape_cast %get3A_101 : vector<1x16xf32> to vector<16xf32>
      %mul3A_103 = arith.mulf %get3A_102, %get3A_69 : vector<16xf32>
      %swap3A_104 = arith.index_cast %scan3A_66 : i32 to index
      %swap3A_105 = arith.constant 48 : index
      %swap3A_106 = tpu.vector_load %arg5[%swap3A_104, %swap3A_105] {strides = array<i32>} : memref<64x768xf32, #tpu.memory_space<vmem>>, vector<1x16xf32>,
      %swap3A_107 = vector.shape_cast %swap3A_106 : vector<1x16xf32> to vector<16xf32>
      %swap3A_108 = vector.shape_cast %mul3A_103 : vector<16xf32> to vector<1x16xf32>
      tpu.vector_store %arg5[%swap3A_104, %swap3A_105], %swap3A_108 {strides = array<i32>} : memref<64x768xf32, #tpu.memory_space<vmem>>, vector<1x16xf32>,
      %get3A_109 = arith.index_cast %scan3A_66 : i32 to index
      %get3A_110 = arith.constant 64 : index
      %get3A_111 = tpu.vector_load %arg5[%get3A_109, %get3A_110] {strides = array<i32>} : memref<64x768xf32, #tpu.memory_space<vmem>>, vector<1x16xf32>,
      %get3A_112 = vector.shape_cast %get3A_111 : vector<1x16xf32> to vector<16xf32>
      %mul3A_113 = arith.mulf %get3A_112, %get3A_69 : vector<16xf32>
      %swap3A_114 = arith.index_cast %scan3A_66 : i32 to index
      %swap3A_115 = arith.constant 64 : index
      %swap3A_116 = tpu.vector_load %arg5[%swap3A_114, %swap3A_115] {strides = array<i32>} : memref<64x768xf32, #tpu.memory_space<vmem>>, vector<1x16xf32>,
      %swap3A_117 = vector.shape_cast %swap3A_116 : vector<1x16xf32> to vector<16xf32>
      %swap3A_118 = vector.shape_cast %mul3A_113 : vector<16xf32> to vector<1x16xf32>
      tpu.vector_store %arg5[%swap3A_114, %swap3A_115], %swap3A_118 {strides = array<i32>} : memref<64x768xf32, #tpu.memory_space<vmem>>, vector<1x16xf32>,
      %get3A_119 = arith.index_cast %scan3A_66 : i32 to index
      %get3A_120 = arith.constant 80 : index
      %get3A_121 = tpu.vector_load %arg5[%get3A_119, %get3A_120] {strides = array<i32>} : memref<64x768xf32, #tpu.memory_space<vmem>>, vector<1x16xf32>,
      %get3A_122 = vector.shape_cast %get3A_121 : vector<1x16xf32> to vector<16xf32>
      %mul3A_123 = arith.mulf %get3A_122, %get3A_69 : vector<16xf32>
      %swap3A_124 = arith.index_cast %scan3A_66 : i32 to index
      %swap3A_125 = arith.constant 80 : index
      %swap3A_126 = tpu.vector_load %arg5[%swap3A_124, %swap3A_125] {strides = array<i32>} : memref<64x768xf32, #tpu.memory_space<vmem>>, vector<1x16xf32>,
      %swap3A_127 = vector.shape_cast %swap3A_126 : vector<1x16xf32> to vector<16xf32>
      %swap3A_128 = vector.shape_cast %mul3A_123 : vector<16xf32> to vector<1x16xf32>
      tpu.vector_store %arg5[%swap3A_124, %swap3A_125], %swap3A_128 {strides = array<i32>} : memref<64x768xf32, #tpu.memory_space<vmem>>, vector<1x16xf32>,
      %get3A_129 = arith.index_cast %scan3A_66 : i32 to index
      %get3A_130 = arith.constant 96 : index
      %get3A_131 = tpu.vector_load %arg5[%get3A_129, %get3A_130] {strides = array<i32>} : memref<64x768xf32, #tpu.memory_space<vmem>>, vector<1x16xf32>,
      %get3A_132 = vector.shape_cast %get3A_131 : vector<1x16xf32> to vector<16xf32>
      %mul3A_133 = arith.mulf %get3A_132, %get3A_69 : vector<16xf32>
      %swap3A_134 = arith.index_cast %scan3A_66 : i32 to index
      %swap3A_135 = arith.constant 96 : index
      %swap3A_136 = tpu.vector_load %arg5[%swap3A_134, %swap3A_135] {strides = array<i32>} : memref<64x768xf32, #tpu.memory_space<vmem>>, vector<1x16xf32>,
      %swap3A_137 = vector.shape_cast %swap3A_136 : vector<1x16xf32> to vector<16xf32>
      %swap3A_138 = vector.shape_cast %mul3A_133 : vector<16xf32> to vector<1x16xf32>
      tpu.vector_store %arg5[%swap3A_134, %swap3A_135], %swap3A_138 {strides = array<i32>} : memref<64x768xf32, #tpu.memory_space<vmem>>, vector<1x16xf32>,
      %get3A_139 = arith.index_cast %scan3A_66 : i32 to index
      %get3A_140 = arith.constant 112 : index
      %get3A_141 = tpu.vector_load %arg5[%get3A_139, %get3A_140] {strides = array<i32>} : memref<64x768xf32, #tpu.memory_space<vmem>>, vector<1x16xf32>,
      %get3A_142 = vector.shape_cast %get3A_141 : vector<1x16xf32> to vector<16xf32>
      %mul3A_143 = arith.mulf %get3A_142, %get3A_69 : vector<16xf32>
      %swap3A_144 = arith.index_cast %scan3A_66 : i32 to index
      %swap3A_145 = arith.constant 112 : index
      %swap3A_146 = tpu.vector_load %arg5[%swap3A_144, %swap3A_145] {strides = array<i32>} : memref<64x768xf32, #tpu.memory_space<vmem>>, vector<1x16xf32>,
      %swap3A_147 = vector.shape_cast %swap3A_146 : vector<1x16xf32> to vector<16xf32>
      %swap3A_148 = vector.shape_cast %mul3A_143 : vector<16xf32> to vector<1x16xf32>
      tpu.vector_store %arg5[%swap3A_144, %swap3A_145], %swap3A_148 {strides = array<i32>} : memref<64x768xf32, #tpu.memory_space<vmem>>, vector<1x16xf32>,
      %get3A_149 = arith.index_cast %scan3A_66 : i32 to index
      %get3A_150 = arith.constant 128 : index
      %get3A_151 = tpu.vector_load %arg5[%get3A_149, %get3A_150] {strides = array<i32>} : memref<64x768xf32, #tpu.memory_space<vmem>>, vector<1x16xf32>,
      %get3A_152 = vector.shape_cast %get3A_151 : vector<1x16xf32> to vector<16xf32>
      %mul3A_153 = arith.mulf %get3A_152, %get3A_69 : vector<16xf32>
      %swap3A_154 = arith.index_cast %scan3A_66 : i32 to index
      %swap3A_155 = arith.constant 128 : index
      %swap3A_156 = tpu.vector_load %arg5[%swap3A_154, %swap3A_155] {strides = array<i32>} : memref<64x768xf32, #tpu.memory_space<vmem>>, vector<1x16xf32>,
      %swap3A_157 = vector.shape_cast %swap3A_156 : vector<1x16xf32> to vector<16xf32>
      %swap3A_158 = vector.shape_cast %mul3A_153 : vector<16xf32> to vector<1x16xf32>
      tpu.vector_store %arg5[%swap3A_154, %swap3A_155], %swap3A_158 {strides = array<i32>} : memref<64x768xf32, #tpu.memory_space<vmem>>, vector<1x16xf32>,
      %get3A_159 = arith.index_cast %scan3A_66 : i32 to index
      %get3A_160 = arith.constant 144 : index
      %get3A_161 = tpu.vector_load %arg5[%get3A_159, %get3A_160] {strides = array<i32>} : memref<64x768xf32, #tpu.memory_space<vmem>>, vector<1x16xf32>,
      %get3A_162 = vector.shape_cast %get3A_161 : vector<1x16xf32> to vector<16xf32>
      %mul3A_163 = arith.mulf %get3A_162, %get3A_69 : vector<16xf32>
      %swap3A_164 = arith.index_cast %scan3A_66 : i32 to index
      %swap3A_165 = arith.constant 144 : index
      %swap3A_166 = tpu.vector_load %arg5[%swap3A_164, %swap3A_165] {strides = array<i32>} : memref<64x768xf32, #tpu.memory_space<vmem>>, vector<1x16xf32>,
      %swap3A_167 = vector.shape_cast %swap3A_166 : vector<1x16xf32> to vector<16xf32>
      %swap3A_168 = vector.shape_cast %mul3A_163 : vector<16xf32> to vector<1x16xf32>
      tpu.vector_store %arg5[%swap3A_164, %swap3A_165], %swap3A_168 {strides = array<i32>} : memref<64x768xf32, #tpu.memory_space<vmem>>, vector<1x16xf32>,
      %get3A_169 = arith.index_cast %scan3A_66 : i32 to index
      %get3A_170 = arith.constant 160 : index
      %get3A_171 = tpu.vector_load %arg5[%get3A_169, %get3A_170] {strides = array<i32>} : memref<64x768xf32, #tpu.memory_space<vmem>>, vector<1x16xf32>,
      %get3A_172 = vector.shape_cast %get3A_171 : vector<1x16xf32> to vector<16xf32>
      %mul3A_173 = arith.mulf %get3A_172, %get3A_69 : vector<16xf32>
      %swap3A_174 = arith.index_cast %scan3A_66 : i32 to index
      %swap3A_175 = arith.constant 160 : index
      %swap3A_176 = tpu.vector_load %arg5[%swap3A_174, %swap3A_175] {strides = array<i32>} : memref<64x768xf32, #tpu.memory_space<vmem>>, vector<1x16xf32>,
      %swap3A_177 = vector.shape_cast %swap3A_176 : vector<1x16xf32> to vector<16xf32>
      %swap3A_178 = vector.shape_cast %mul3A_173 : vector<16xf32> to vector<1x16xf32>
      tpu.vector_store %arg5[%swap3A_174, %swap3A_175], %swap3A_178 {strides = array<i32>} : memref<64x768xf32, #tpu.memory_space<vmem>>, vector<1x16xf32>,
      %get3A_179 = arith.index_cast %scan3A_66 : i32 to index
      %get3A_180 = arith.constant 176 : index
      %get3A_181 = tpu.vector_load %arg5[%get3A_179, %get3A_180] {strides = array<i32>} : memref<64x768xf32, #tpu.memory_space<vmem>>, vector<1x16xf32>,
      %get3A_182 = vector.shape_cast %get3A_181 : vector<1x16xf32> to vector<16xf32>
      %mul3A_183 = arith.mulf %get3A_182, %get3A_69 : vector<16xf32>
      %swap3A_184 = arith.index_cast %scan3A_66 : i32 to index
      %swap3A_185 = arith.constant 176 : index
      %swap3A_186 = tpu.vector_load %arg5[%swap3A_184, %swap3A_185] {strides = array<i32>} : memref<64x768xf32, #tpu.memory_space<vmem>>, vector<1x16xf32>,
      %swap3A_187 = vector.shape_cast %swap3A_186 : vector<1x16xf32> to vector<16xf32>
      %swap3A_188 = vector.shape_cast %mul3A_183 : vector<16xf32> to vector<1x16xf32>
      tpu.vector_store %arg5[%swap3A_184, %swap3A_185], %swap3A_188 {strides = array<i32>} : memref<64x768xf32, #tpu.memory_space<vmem>>, vector<1x16xf32>,
      %get3A_189 = arith.index_cast %scan3A_66 : i32 to index
      %get3A_190 = arith.constant 192 : index
      %get3A_191 = tpu.vector_load %arg5[%get3A_189, %get3A_190] {strides = array<i32>} : memref<64x768xf32, #tpu.memory_space<vmem>>, vector<1x16xf32>,
      %get3A_192 = vector.shape_cast %get3A_191 : vector<1x16xf32> to vector<16xf32>
      %mul3A_193 = arith.mulf %get3A_192, %get3A_69 : vector<16xf32>
      %swap3A_194 = arith.index_cast %scan3A_66 : i32 to index
      %swap3A_195 = arith.constant 192 : index
      %swap3A_196 = tpu.vector_load %arg5[%swap3A_194, %swap3A_195] {strides = array<i32>} : memref<64x768xf32, #tpu.memory_space<vmem>>, vector<1x16xf32>,
      %swap3A_197 = vector.shape_cast %swap3A_196 : vector<1x16xf32> to vector<16xf32>
      %swap3A_198 = vector.shape_cast %mul3A_193 : vector<16xf32> to vector<1x16xf32>
      tpu.vector_store %arg5[%swap3A_194, %swap3A_195], %swap3A_198 {strides = array<i32>} : memref<64x768xf32, #tpu.memory_space<vmem>>, vector<1x16xf32>,
      %get3A_199 = arith.index_cast %scan3A_66 : i32 to index
      %get3A_200 = arith.constant 208 : index
      %get3A_201 = tpu.vector_load %arg5[%get3A_199, %get3A_200] {strides = array<i32>} : memref<64x768xf32, #tpu.memory_space<vmem>>, vector<1x16xf32>,
      %get3A_202 = vector.shape_cast %get3A_201 : vector<1x16xf32> to vector<16xf32>
      %mul3A_203 = arith.mulf %get3A_202, %get3A_69 : vector<16xf32>
      %swap3A_204 = arith.index_cast %scan3A_66 : i32 to index
      %swap3A_205 = arith.constant 208 : index
      %swap3A_206 = tpu.vector_load %arg5[%swap3A_204, %swap3A_205] {strides = array<i32>} : memref<64x768xf32, #tpu.memory_space<vmem>>, vector<1x16xf32>,
      %swap3A_207 = vector.shape_cast %swap3A_206 : vector<1x16xf32> to vector<16xf32>
      %swap3A_208 = vector.shape_cast %mul3A_203 : vector<16xf32> to vector<1x16xf32>
      tpu.vector_store %arg5[%swap3A_204, %swap3A_205], %swap3A_208 {strides = array<i32>} : memref<64x768xf32, #tpu.memory_space<vmem>>, vector<1x16xf32>,
      %get3A_209 = arith.index_cast %scan3A_66 : i32 to index
      %get3A_210 = arith.constant 224 : index
      %get3A_211 = tpu.vector_load %arg5[%get3A_209, %get3A_210] {strides = array<i32>} : memref<64x768xf32, #tpu.memory_space<vmem>>, vector<1x16xf32>,
      %get3A_212 = vector.shape_cast %get3A_211 : vector<1x16xf32> to vector<16xf32>
      %mul3A_213 = arith.mulf %get3A_212, %get3A_69 : vector<16xf32>
      %swap3A_214 = arith.index_cast %scan3A_66 : i32 to index
      %swap3A_215 = arith.constant 224 : index
      %swap3A_216 = tpu.vector_load %arg5[%swap3A_214, %swap3A_215] {strides = array<i32>} : memref<64x768xf32, #tpu.memory_space<vmem>>, vector<1x16xf32>,
      %swap3A_217 = vector.shape_cast %swap3A_216 : vector<1x16xf32> to vector<16xf32>
      %swap3A_218 = vector.shape_cast %mul3A_213 : vector<16xf32> to vector<1x16xf32>
      tpu.vector_store %arg5[%swap3A_214, %swap3A_215], %swap3A_218 {strides = array<i32>} : memref<64x768xf32, #tpu.memory_space<vmem>>, vector<1x16xf32>,
      %get3A_219 = arith.index_cast %scan3A_66 : i32 to index
      %get3A_220 = arith.constant 240 : index
      %get3A_221 = tpu.vector_load %arg5[%get3A_219, %get3A_220] {strides = array<i32>} : memref<64x768xf32, #tpu.memory_space<vmem>>, vector<1x16xf32>,
      %get3A_222 = vector.shape_cast %get3A_221 : vector<1x16xf32> to vector<16xf32>
      %mul3A_223 = arith.mulf %get3A_222, %get3A_69 : vector<16xf32>
      %swap3A_224 = arith.index_cast %scan3A_66 : i32 to index
      %swap3A_225 = arith.constant 240 : index
      %swap3A_226 = tpu.vector_load %arg5[%swap3A_224, %swap3A_225] {strides = array<i32>} : memref<64x768xf32, #tpu.memory_space<vmem>>, vector<1x16xf32>,
      %swap3A_227 = vector.shape_cast %swap3A_226 : vector<1x16xf32> to vector<16xf32>
      %swap3A_228 = vector.shape_cast %mul3A_223 : vector<16xf32> to vector<1x16xf32>
      tpu.vector_store %arg5[%swap3A_224, %swap3A_225], %swap3A_228 {strides = array<i32>} : memref<64x768xf32, #tpu.memory_space<vmem>>, vector<1x16xf32>,
      %get3A_229 = arith.index_cast %scan3A_66 : i32 to index
      %get3A_230 = arith.constant 256 : index
      %get3A_231 = tpu.vector_load %arg5[%get3A_229, %get3A_230] {strides = array<i32>} : memref<64x768xf32, #tpu.memory_space<vmem>>, vector<1x16xf32>,
      %get3A_232 = vector.shape_cast %get3A_231 : vector<1x16xf32> to vector<16xf32>
      %mul3A_233 = arith.mulf %get3A_232, %get3A_69 : vector<16xf32>
      %swap3A_234 = arith.index_cast %scan3A_66 : i32 to index
      %swap3A_235 = arith.constant 256 : index
      %swap3A_236 = tpu.vector_load %arg5[%swap3A_234, %swap3A_235] {strides = array<i32>} : memref<64x768xf32, #tpu.memory_space<vmem>>, vector<1x16xf32>,
      %swap3A_237 = vector.shape_cast %swap3A_236 : vector<1x16xf32> to vector<16xf32>
      %swap3A_238 = vector.shape_cast %mul3A_233 : vector<16xf32> to vector<1x16xf32>
      tpu.vector_store %arg5[%swap3A_234, %swap3A_235], %swap3A_238 {strides = array<i32>} : memref<64x768xf32, #tpu.memory_space<vmem>>, vector<1x16xf32>,
      %get3A_239 = arith.index_cast %scan3A_66 : i32 to index
      %get3A_240 = arith.constant 272 : index
      %get3A_241 = tpu.vector_load %arg5[%get3A_239, %get3A_240] {strides = array<i32>} : memref<64x768xf32, #tpu.memory_space<vmem>>, vector<1x16xf32>,
      %get3A_242 = vector.shape_cast %get3A_241 : vector<1x16xf32> to vector<16xf32>
      %mul3A_243 = arith.mulf %get3A_242, %get3A_69 : vector<16xf32>
      %swap3A_244 = arith.index_cast %scan3A_66 : i32 to index
      %swap3A_245 = arith.constant 272 : index
      %swap3A_246 = tpu.vector_load %arg5[%swap3A_244, %swap3A_245] {strides = array<i32>} : memref<64x768xf32, #tpu.memory_space<vmem>>, vector<1x16xf32>,
      %swap3A_247 = vector.shape_cast %swap3A_246 : vector<1x16xf32> to vector<16xf32>
      %swap3A_248 = vector.shape_cast %mul3A_243 : vector<16xf32> to vector<1x16xf32>
      tpu.vector_store %arg5[%swap3A_244, %swap3A_245], %swap3A_248 {strides = array<i32>} : memref<64x768xf32, #tpu.memory_space<vmem>>, vector<1x16xf32>,
      %get3A_249 = arith.index_cast %scan3A_66 : i32 to index
      %get3A_250 = arith.constant 288 : index
      %get3A_251 = tpu.vector_load %arg5[%get3A_249, %get3A_250] {strides = array<i32>} : memref<64x768xf32, #tpu.memory_space<vmem>>, vector<1x16xf32>,
      %get3A_252 = vector.shape_cast %get3A_251 : vector<1x16xf32> to vector<16xf32>
      %mul3A_253 = arith.mulf %get3A_252, %get3A_69 : vector<16xf32>
      %swap3A_254 = arith.index_cast %scan3A_66 : i32 to index
      %swap3A_255 = arith.constant 288 : index
      %swap3A_256 = tpu.vector_load %arg5[%swap3A_254, %swap3A_255] {strides = array<i32>} : memref<64x768xf32, #tpu.memory_space<vmem>>, vector<1x16xf32>,
      %swap3A_257 = vector.shape_cast %swap3A_256 : vector<1x16xf32> to vector<16xf32>
      %swap3A_258 = vector.shape_cast %mul3A_253 : vector<16xf32> to vector<1x16xf32>
      tpu.vector_store %arg5[%swap3A_254, %swap3A_255], %swap3A_258 {strides = array<i32>} : memref<64x768xf32, #tpu.memory_space<vmem>>, vector<1x16xf32>,
      %get3A_259 = arith.index_cast %scan3A_66 : i32 to index
      %get3A_260 = arith.constant 304 : index
      %get3A_261 = tpu.vector_load %arg5[%get3A_259, %get3A_260] {strides = array<i32>} : memref<64x768xf32, #tpu.memory_space<vmem>>, vector<1x16xf32>,
      %get3A_262 = vector.shape_cast %get3A_261 : vector<1x16xf32> to vector<16xf32>
      %mul3A_263 = arith.mulf %get3A_262, %get3A_69 : vector<16xf32>
      %swap3A_264 = arith.index_cast %scan3A_66 : i32 to index
      %swap3A_265 = arith.constant 304 : index
      %swap3A_266 = tpu.vector_load %arg5[%swap3A_264, %swap3A_265] {strides = array<i32>} : memref<64x768xf32, #tpu.memory_space<vmem>>, vector<1x16xf32>,
      %swap3A_267 = vector.shape_cast %swap3A_266 : vector<1x16xf32> to vector<16xf32>
      %swap3A_268 = vector.shape_cast %mul3A_263 : vector<16xf32> to vector<1x16xf32>
      tpu.vector_store %arg5[%swap3A_264, %swap3A_265], %swap3A_268 {strides = array<i32>} : memref<64x768xf32, #tpu.memory_space<vmem>>, vector<1x16xf32>,
      %get3A_269 = arith.index_cast %scan3A_66 : i32 to index
      %get3A_270 = arith.constant 320 : index
      %get3A_271 = tpu.vector_load %arg5[%get3A_269, %get3A_270] {strides = array<i32>} : memref<64x768xf32, #tpu.memory_space<vmem>>, vector<1x16xf32>,
      %get3A_272 = vector.shape_cast %get3A_271 : vector<1x16xf32> to vector<16xf32>
      %mul3A_273 = arith.mulf %get3A_272, %get3A_69 : vector<16xf32>
      %swap3A_274 = arith.index_cast %scan3A_66 : i32 to index
      %swap3A_275 = arith.constant 320 : index
      %swap3A_276 = tpu.vector_load %arg5[%swap3A_274, %swap3A_275] {strides = array<i32>} : memref<64x768xf32, #tpu.memory_space<vmem>>, vector<1x16xf32>,
      %swap3A_277 = vector.shape_cast %swap3A_276 : vector<1x16xf32> to vector<16xf32>
      %swap3A_278 = vector.shape_cast %mul3A_273 : vector<16xf32> to vector<1x16xf32>
      tpu.vector_store %arg5[%swap3A_274, %swap3A_275], %swap3A_278 {strides = array<i32>} : memref<64x768xf32, #tpu.memory_space<vmem>>, vector<1x16xf32>,
      %get3A_279 = arith.index_cast %scan3A_66 : i32 to index
      %get3A_280 = arith.constant 336 : index
      %get3A_281 = tpu.vector_load %arg5[%get3A_279, %get3A_280] {strides = array<i32>} : memref<64x768xf32, #tpu.memory_space<vmem>>, vector<1x16xf32>,
      %get3A_282 = vector.shape_cast %get3A_281 : vector<1x16xf32> to vector<16xf32>
      %mul3A_283 = arith.mulf %get3A_282, %get3A_69 : vector<16xf32>
      %swap3A_284 = arith.index_cast %scan3A_66 : i32 to index
      %swap3A_285 = arith.constant 336 : index
      %swap3A_286 = tpu.vector_load %arg5[%swap3A_284, %swap3A_285] {strides = array<i32>} : memref<64x768xf32, #tpu.memory_space<vmem>>, vector<1x16xf32>,
      %swap3A_287 = vector.shape_cast %swap3A_286 : vector<1x16xf32> to vector<16xf32>
      %swap3A_288 = vector.shape_cast %mul3A_283 : vector<16xf32> to vector<1x16xf32>
      tpu.vector_store %arg5[%swap3A_284, %swap3A_285], %swap3A_288 {strides = array<i32>} : memref<64x768xf32, #tpu.memory_space<vmem>>, vector<1x16xf32>,
      %get3A_289 = arith.index_cast %scan3A_66 : i32 to index
      %get3A_290 = arith.constant 352 : index
      %get3A_291 = tpu.vector_load %arg5[%get3A_289, %get3A_290] {strides = array<i32>} : memref<64x768xf32, #tpu.memory_space<vmem>>, vector<1x16xf32>,
      %get3A_292 = vector.shape_cast %get3A_291 : vector<1x16xf32> to vector<16xf32>
      %mul3A_293 = arith.mulf %get3A_292, %get3A_69 : vector<16xf32>
      %swap3A_294 = arith.index_cast %scan3A_66 : i32 to index
      %swap3A_295 = arith.constant 352 : index
      %swap3A_296 = tpu.vector_load %arg5[%swap3A_294, %swap3A_295] {strides = array<i32>} : memref<64x768xf32, #tpu.memory_space<vmem>>, vector<1x16xf32>,
      %swap3A_297 = vector.shape_cast %swap3A_296 : vector<1x16xf32> to vector<16xf32>
      %swap3A_298 = vector.shape_cast %mul3A_293 : vector<16xf32> to vector<1x16xf32>
      tpu.vector_store %arg5[%swap3A_294, %swap3A_295], %swap3A_298 {strides = array<i32>} : memref<64x768xf32, #tpu.memory_space<vmem>>, vector<1x16xf32>,
      %get3A_299 = arith.index_cast %scan3A_66 : i32 to index
      %get3A_300 = arith.constant 368 : index
      %get3A_301 = tpu.vector_load %arg5[%get3A_299, %get3A_300] {strides = array<i32>} : memref<64x768xf32, #tpu.memory_space<vmem>>, vector<1x16xf32>,
      %get3A_302 = vector.shape_cast %get3A_301 : vector<1x16xf32> to vector<16xf32>
      %mul3A_303 = arith.mulf %get3A_302, %get3A_69 : vector<16xf32>
      %swap3A_304 = arith.index_cast %scan3A_66 : i32 to index
      %swap3A_305 = arith.constant 368 : index
      %swap3A_306 = tpu.vector_load %arg5[%swap3A_304, %swap3A_305] {strides = array<i32>} : memref<64x768xf32, #tpu.memory_space<vmem>>, vector<1x16xf32>,
      %swap3A_307 = vector.shape_cast %swap3A_306 : vector<1x16xf32> to vector<16xf32>
      %swap3A_308 = vector.shape_cast %mul3A_303 : vector<16xf32> to vector<1x16xf32>
      tpu.vector_store %arg5[%swap3A_304, %swap3A_305], %swap3A_308 {strides = array<i32>} : memref<64x768xf32, #tpu.memory_space<vmem>>, vector<1x16xf32>,
      %get3A_309 = arith.index_cast %scan3A_66 : i32 to index
      %get3A_310 = arith.constant 384 : index
      %get3A_311 = tpu.vector_load %arg5[%get3A_309, %get3A_310] {strides = array<i32>} : memref<64x768xf32, #tpu.memory_space<vmem>>, vector<1x16xf32>,
      %get3A_312 = vector.shape_cast %get3A_311 : vector<1x16xf32> to vector<16xf32>
      %mul3A_313 = arith.mulf %get3A_312, %get3A_69 : vector<16xf32>
      %swap3A_314 = arith.index_cast %scan3A_66 : i32 to index
      %swap3A_315 = arith.constant 384 : index
      %swap3A_316 = tpu.vector_load %arg5[%swap3A_314, %swap3A_315] {strides = array<i32>} : memref<64x768xf32, #tpu.memory_space<vmem>>, vector<1x16xf32>,
      %swap3A_317 = vector.shape_cast %swap3A_316 : vector<1x16xf32> to vector<16xf32>
      %swap3A_318 = vector.shape_cast %mul3A_313 : vector<16xf32> to vector<1x16xf32>
      tpu.vector_store %arg5[%swap3A_314, %swap3A_315], %swap3A_318 {strides = array<i32>} : memref<64x768xf32, #tpu.memory_space<vmem>>, vector<1x16xf32>,
      %get3A_319 = arith.index_cast %scan3A_66 : i32 to index
      %get3A_320 = arith.constant 400 : index
      %get3A_321 = tpu.vector_load %arg5[%get3A_319, %get3A_320] {strides = array<i32>} : memref<64x768xf32, #tpu.memory_space<vmem>>, vector<1x16xf32>,
      %get3A_322 = vector.shape_cast %get3A_321 : vector<1x16xf32> to vector<16xf32>
      %mul3A_323 = arith.mulf %get3A_322, %get3A_69 : vector<16xf32>
      %swap3A_324 = arith.index_cast %scan3A_66 : i32 to index
      %swap3A_325 = arith.constant 400 : index
      %swap3A_326 = tpu.vector_load %arg5[%swap3A_324, %swap3A_325] {strides = array<i32>} : memref<64x768xf32, #tpu.memory_space<vmem>>, vector<1x16xf32>,
      %swap3A_327 = vector.shape_cast %swap3A_326 : vector<1x16xf32> to vector<16xf32>
      %swap3A_328 = vector.shape_cast %mul3A_323 : vector<16xf32> to vector<1x16xf32>
      tpu.vector_store %arg5[%swap3A_324, %swap3A_325], %swap3A_328 {strides = array<i32>} : memref<64x768xf32, #tpu.memory_space<vmem>>, vector<1x16xf32>,
      %get3A_329 = arith.index_cast %scan3A_66 : i32 to index
      %get3A_330 = arith.constant 416 : index
      %get3A_331 = tpu.vector_load %arg5[%get3A_329, %get3A_330] {strides = array<i32>} : memref<64x768xf32, #tpu.memory_space<vmem>>, vector<1x16xf32>,
      %get3A_332 = vector.shape_cast %get3A_331 : vector<1x16xf32> to vector<16xf32>
      %mul3A_333 = arith.mulf %get3A_332, %get3A_69 : vector<16xf32>
      %swap3A_334 = arith.index_cast %scan3A_66 : i32 to index
      %swap3A_335 = arith.constant 416 : index
      %swap3A_336 = tpu.vector_load %arg5[%swap3A_334, %swap3A_335] {strides = array<i32>} : memref<64x768xf32, #tpu.memory_space<vmem>>, vector<1x16xf32>,
      %swap3A_337 = vector.shape_cast %swap3A_336 : vector<1x16xf32> to vector<16xf32>
      %swap3A_338 = vector.shape_cast %mul3A_333 : vector<16xf32> to vector<1x16xf32>
      tpu.vector_store %arg5[%swap3A_334, %swap3A_335], %swap3A_338 {strides = array<i32>} : memref<64x768xf32, #tpu.memory_space<vmem>>, vector<1x16xf32>,
      %get3A_339 = arith.index_cast %scan3A_66 : i32 to index
      %get3A_340 = arith.constant 432 : index
      %get3A_341 = tpu.vector_load %arg5[%get3A_339, %get3A_340] {strides = array<i32>} : memref<64x768xf32, #tpu.memory_space<vmem>>, vector<1x16xf32>,
      %get3A_342 = vector.shape_cast %get3A_341 : vector<1x16xf32> to vector<16xf32>
      %mul3A_343 = arith.mulf %get3A_342, %get3A_69 : vector<16xf32>
      %swap3A_344 = arith.index_cast %scan3A_66 : i32 to index
      %swap3A_345 = arith.constant 432 : index
      %swap3A_346 = tpu.vector_load %arg5[%swap3A_344, %swap3A_345] {strides = array<i32>} : memref<64x768xf32, #tpu.memory_space<vmem>>, vector<1x16xf32>,
      %swap3A_347 = vector.shape_cast %swap3A_346 : vector<1x16xf32> to vector<16xf32>
      %swap3A_348 = vector.shape_cast %mul3A_343 : vector<16xf32> to vector<1x16xf32>
      tpu.vector_store %arg5[%swap3A_344, %swap3A_345], %swap3A_348 {strides = array<i32>} : memref<64x768xf32, #tpu.memory_space<vmem>>, vector<1x16xf32>,
      %get3A_349 = arith.index_cast %scan3A_66 : i32 to index
      %get3A_350 = arith.constant 448 : index
      %get3A_351 = tpu.vector_load %arg5[%get3A_349, %get3A_350] {strides = array<i32>} : memref<64x768xf32, #tpu.memory_space<vmem>>, vector<1x16xf32>,
      %get3A_352 = vector.shape_cast %get3A_351 : vector<1x16xf32> to vector<16xf32>
      %mul3A_353 = arith.mulf %get3A_352, %get3A_69 : vector<16xf32>
      %swap3A_354 = arith.index_cast %scan3A_66 : i32 to index
      %swap3A_355 = arith.constant 448 : index
      %swap3A_356 = tpu.vector_load %arg5[%swap3A_354, %swap3A_355] {strides = array<i32>} : memref<64x768xf32, #tpu.memory_space<vmem>>, vector<1x16xf32>,
      %swap3A_357 = vector.shape_cast %swap3A_356 : vector<1x16xf32> to vector<16xf32>
      %swap3A_358 = vector.shape_cast %mul3A_353 : vector<16xf32> to vector<1x16xf32>
      tpu.vector_store %arg5[%swap3A_354, %swap3A_355], %swap3A_358 {strides = array<i32>} : memref<64x768xf32, #tpu.memory_space<vmem>>, vector<1x16xf32>,
      %get3A_359 = arith.index_cast %scan3A_66 : i32 to index
      %get3A_360 = arith.constant 464 : index
      %get3A_361 = tpu.vector_load %arg5[%get3A_359, %get3A_360] {strides = array<i32>} : memref<64x768xf32, #tpu.memory_space<vmem>>, vector<1x16xf32>,
      %get3A_362 = vector.shape_cast %get3A_361 : vector<1x16xf32> to vector<16xf32>
      %mul3A_363 = arith.mulf %get3A_362, %get3A_69 : vector<16xf32>
      %swap3A_364 = arith.index_cast %scan3A_66 : i32 to index
      %swap3A_365 = arith.constant 464 : index
      %swap3A_366 = tpu.vector_load %arg5[%swap3A_364, %swap3A_365] {strides = array<i32>} : memref<64x768xf32, #tpu.memory_space<vmem>>, vector<1x16xf32>,
      %swap3A_367 = vector.shape_cast %swap3A_366 : vector<1x16xf32> to vector<16xf32>
      %swap3A_368 = vector.shape_cast %mul3A_363 : vector<16xf32> to vector<1x16xf32>
      tpu.vector_store %arg5[%swap3A_364, %swap3A_365], %swap3A_368 {strides = array<i32>} : memref<64x768xf32, #tpu.memory_space<vmem>>, vector<1x16xf32>,
      %get3A_369 = arith.index_cast %scan3A_66 : i32 to index
      %get3A_370 = arith.constant 480 : index
      %get3A_371 = tpu.vector_load %arg5[%get3A_369, %get3A_370] {strides = array<i32>} : memref<64x768xf32, #tpu.memory_space<vmem>>, vector<1x16xf32>,
      %get3A_372 = vector.shape_cast %get3A_371 : vector<1x16xf32> to vector<16xf32>
      %mul3A_373 = arith.mulf %get3A_372, %get3A_69 : vector<16xf32>
      %swap3A_374 = arith.index_cast %scan3A_66 : i32 to index
      %swap3A_375 = arith.constant 480 : index
      %swap3A_376 = tpu.vector_load %arg5[%swap3A_374, %swap3A_375] {strides = array<i32>} : memref<64x768xf32, #tpu.memory_space<vmem>>, vector<1x16xf32>,
      %swap3A_377 = vector.shape_cast %swap3A_376 : vector<1x16xf32> to vector<16xf32>
      %swap3A_378 = vector.shape_cast %mul3A_373 : vector<16xf32> to vector<1x16xf32>
      tpu.vector_store %arg5[%swap3A_374, %swap3A_375], %swap3A_378 {strides = array<i32>} : memref<64x768xf32, #tpu.memory_space<vmem>>, vector<1x16xf32>,
      %get3A_379 = arith.index_cast %scan3A_66 : i32 to index
      %get3A_380 = arith.constant 496 : index
      %get3A_381 = tpu.vector_load %arg5[%get3A_379, %get3A_380] {strides = array<i32>} : memref<64x768xf32, #tpu.memory_space<vmem>>, vector<1x16xf32>,
      %get3A_382 = vector.shape_cast %get3A_381 : vector<1x16xf32> to vector<16xf32>
      %mul3A_383 = arith.mulf %get3A_382, %get3A_69 : vector<16xf32>
      %swap3A_384 = arith.index_cast %scan3A_66 : i32 to index
      %swap3A_385 = arith.constant 496 : index
      %swap3A_386 = tpu.vector_load %arg5[%swap3A_384, %swap3A_385] {strides = array<i32>} : memref<64x768xf32, #tpu.memory_space<vmem>>, vector<1x16xf32>,
      %swap3A_387 = vector.shape_cast %swap3A_386 : vector<1x16xf32> to vector<16xf32>
      %swap3A_388 = vector.shape_cast %mul3A_383 : vector<16xf32> to vector<1x16xf32>
      tpu.vector_store %arg5[%swap3A_384, %swap3A_385], %swap3A_388 {strides = array<i32>} : memref<64x768xf32, #tpu.memory_space<vmem>>, vector<1x16xf32>,
      %get3A_389 = arith.index_cast %scan3A_66 : i32 to index
      %get3A_390 = arith.constant 512 : index
      %get3A_391 = tpu.vector_load %arg5[%get3A_389, %get3A_390] {strides = array<i32>} : memref<64x768xf32, #tpu.memory_space<vmem>>, vector<1x16xf32>,
      %get3A_392 = vector.shape_cast %get3A_391 : vector<1x16xf32> to vector<16xf32>
      %mul3A_393 = arith.mulf %get3A_392, %get3A_69 : vector<16xf32>
      %swap3A_394 = arith.index_cast %scan3A_66 : i32 to index
      %swap3A_395 = arith.constant 512 : index
      %swap3A_396 = tpu.vector_load %arg5[%swap3A_394, %swap3A_395] {strides = array<i32>} : memref<64x768xf32, #tpu.memory_space<vmem>>, vector<1x16xf32>,
      %swap3A_397 = vector.shape_cast %swap3A_396 : vector<1x16xf32> to vector<16xf32>
      %swap3A_398 = vector.shape_cast %mul3A_393 : vector<16xf32> to vector<1x16xf32>
      tpu.vector_store %arg5[%swap3A_394, %swap3A_395], %swap3A_398 {strides = array<i32>} : memref<64x768xf32, #tpu.memory_space<vmem>>, vector<1x16xf32>,
      %get3A_399 = arith.index_cast %scan3A_66 : i32 to index
      %get3A_400 = arith.constant 528 : index
      %get3A_401 = tpu.vector_load %arg5[%get3A_399, %get3A_400] {strides = array<i32>} : memref<64x768xf32, #tpu.memory_space<vmem>>, vector<1x16xf32>,
      %get3A_402 = vector.shape_cast %get3A_401 : vector<1x16xf32> to vector<16xf32>
      %mul3A_403 = arith.mulf %get3A_402, %get3A_69 : vector<16xf32>
      %swap3A_404 = arith.index_cast %scan3A_66 : i32 to index
      %swap3A_405 = arith.constant 528 : index
      %swap3A_406 = tpu.vector_load %arg5[%swap3A_404, %swap3A_405] {strides = array<i32>} : memref<64x768xf32, #tpu.memory_space<vmem>>, vector<1x16xf32>,
      %swap3A_407 = vector.shape_cast %swap3A_406 : vector<1x16xf32> to vector<16xf32>
      %swap3A_408 = vector.shape_cast %mul3A_403 : vector<16xf32> to vector<1x16xf32>
      tpu.vector_store %arg5[%swap3A_404, %swap3A_405], %swap3A_408 {strides = array<i32>} : memref<64x768xf32, #tpu.memory_space<vmem>>, vector<1x16xf32>,
      %get3A_409 = arith.index_cast %scan3A_66 : i32 to index
      %get3A_410 = arith.constant 544 : index
      %get3A_411 = tpu.vector_load %arg5[%get3A_409, %get3A_410] {strides = array<i32>} : memref<64x768xf32, #tpu.memory_space<vmem>>, vector<1x16xf32>,
      %get3A_412 = vector.shape_cast %get3A_411 : vector<1x16xf32> to vector<16xf32>
      %mul3A_413 = arith.mulf %get3A_412, %get3A_69 : vector<16xf32>
      %swap3A_414 = arith.index_cast %scan3A_66 : i32 to index
      %swap3A_415 = arith.constant 544 : index
      %swap3A_416 = tpu.vector_load %arg5[%swap3A_414, %swap3A_415] {strides = array<i32>} : memref<64x768xf32, #tpu.memory_space<vmem>>, vector<1x16xf32>,
      %swap3A_417 = vector.shape_cast %swap3A_416 : vector<1x16xf32> to vector<16xf32>
      %swap3A_418 = vector.shape_cast %mul3A_413 : vector<16xf32> to vector<1x16xf32>
      tpu.vector_store %arg5[%swap3A_414, %swap3A_415], %swap3A_418 {strides = array<i32>} : memref<64x768xf32, #tpu.memory_space<vmem>>, vector<1x16xf32>,
      %get3A_419 = arith.index_cast %scan3A_66 : i32 to index
      %get3A_420 = arith.constant 560 : index
      %get3A_421 = tpu.vector_load %arg5[%get3A_419, %get3A_420] {strides = array<i32>} : memref<64x768xf32, #tpu.memory_space<vmem>>, vector<1x16xf32>,
      %get3A_422 = vector.shape_cast %get3A_421 : vector<1x16xf32> to vector<16xf32>
      %mul3A_423 = arith.mulf %get3A_422, %get3A_69 : vector<16xf32>
      %swap3A_424 = arith.index_cast %scan3A_66 : i32 to index
      %swap3A_425 = arith.constant 560 : index
      %swap3A_426 = tpu.vector_load %arg5[%swap3A_424, %swap3A_425] {strides = array<i32>} : memref<64x768xf32, #tpu.memory_space<vmem>>, vector<1x16xf32>,
      %swap3A_427 = vector.shape_cast %swap3A_426 : vector<1x16xf32> to vector<16xf32>
      %swap3A_428 = vector.shape_cast %mul3A_423 : vector<16xf32> to vector<1x16xf32>
      tpu.vector_store %arg5[%swap3A_424, %swap3A_425], %swap3A_428 {strides = array<i32>} : memref<64x768xf32, #tpu.memory_space<vmem>>, vector<1x16xf32>,
      %get3A_429 = arith.index_cast %scan3A_66 : i32 to index
      %get3A_430 = arith.constant 576 : index
      %get3A_431 = tpu.vector_load %arg5[%get3A_429, %get3A_430] {strides = array<i32>} : memref<64x768xf32, #tpu.memory_space<vmem>>, vector<1x16xf32>,
      %get3A_432 = vector.shape_cast %get3A_431 : vector<1x16xf32> to vector<16xf32>
      %mul3A_433 = arith.mulf %get3A_432, %get3A_69 : vector<16xf32>
      %swap3A_434 = arith.index_cast %scan3A_66 : i32 to index
      %swap3A_435 = arith.constant 576 : index
      %swap3A_436 = tpu.vector_load %arg5[%swap3A_434, %swap3A_435] {strides = array<i32>} : memref<64x768xf32, #tpu.memory_space<vmem>>, vector<1x16xf32>,
      %swap3A_437 = vector.shape_cast %swap3A_436 : vector<1x16xf32> to vector<16xf32>
      %swap3A_438 = vector.shape_cast %mul3A_433 : vector<16xf32> to vector<1x16xf32>
      tpu.vector_store %arg5[%swap3A_434, %swap3A_435], %swap3A_438 {strides = array<i32>} : memref<64x768xf32, #tpu.memory_space<vmem>>, vector<1x16xf32>,
      %get3A_439 = arith.index_cast %scan3A_66 : i32 to index
      %get3A_440 = arith.constant 592 : index
      %get3A_441 = tpu.vector_load %arg5[%get3A_439, %get3A_440] {strides = array<i32>} : memref<64x768xf32, #tpu.memory_space<vmem>>, vector<1x16xf32>,
      %get3A_442 = vector.shape_cast %get3A_441 : vector<1x16xf32> to vector<16xf32>
      %mul3A_443 = arith.mulf %get3A_442, %get3A_69 : vector<16xf32>
      %swap3A_444 = arith.index_cast %scan3A_66 : i32 to index
      %swap3A_445 = arith.constant 592 : index
      %swap3A_446 = tpu.vector_load %arg5[%swap3A_444, %swap3A_445] {strides = array<i32>} : memref<64x768xf32, #tpu.memory_space<vmem>>, vector<1x16xf32>,
      %swap3A_447 = vector.shape_cast %swap3A_446 : vector<1x16xf32> to vector<16xf32>
      %swap3A_448 = vector.shape_cast %mul3A_443 : vector<16xf32> to vector<1x16xf32>
      tpu.vector_store %arg5[%swap3A_444, %swap3A_445], %swap3A_448 {strides = array<i32>} : memref<64x768xf32, #tpu.memory_space<vmem>>, vector<1x16xf32>,
      %get3A_449 = arith.index_cast %scan3A_66 : i32 to index
      %get3A_450 = arith.constant 608 : index
      %get3A_451 = tpu.vector_load %arg5[%get3A_449, %get3A_450] {strides = array<i32>} : memref<64x768xf32, #tpu.memory_space<vmem>>, vector<1x16xf32>,
      %get3A_452 = vector.shape_cast %get3A_451 : vector<1x16xf32> to vector<16xf32>
      %mul3A_453 = arith.mulf %get3A_452, %get3A_69 : vector<16xf32>
      %swap3A_454 = arith.index_cast %scan3A_66 : i32 to index
      %swap3A_455 = arith.constant 608 : index
      %swap3A_456 = tpu.vector_load %arg5[%swap3A_454, %swap3A_455] {strides = array<i32>} : memref<64x768xf32, #tpu.memory_space<vmem>>, vector<1x16xf32>,
      %swap3A_457 = vector.shape_cast %swap3A_456 : vector<1x16xf32> to vector<16xf32>
      %swap3A_458 = vector.shape_cast %mul3A_453 : vector<16xf32> to vector<1x16xf32>
      tpu.vector_store %arg5[%swap3A_454, %swap3A_455], %swap3A_458 {strides = array<i32>} : memref<64x768xf32, #tpu.memory_space<vmem>>, vector<1x16xf32>,
      %get3A_459 = arith.index_cast %scan3A_66 : i32 to index
      %get3A_460 = arith.constant 624 : index
      %get3A_461 = tpu.vector_load %arg5[%get3A_459, %get3A_460] {strides = array<i32>} : memref<64x768xf32, #tpu.memory_space<vmem>>, vector<1x16xf32>,
      %get3A_462 = vector.shape_cast %get3A_461 : vector<1x16xf32> to vector<16xf32>
      %mul3A_463 = arith.mulf %get3A_462, %get3A_69 : vector<16xf32>
      %swap3A_464 = arith.index_cast %scan3A_66 : i32 to index
      %swap3A_465 = arith.constant 624 : index
      %swap3A_466 = tpu.vector_load %arg5[%swap3A_464, %swap3A_465] {strides = array<i32>} : memref<64x768xf32, #tpu.memory_space<vmem>>, vector<1x16xf32>,
      %swap3A_467 = vector.shape_cast %swap3A_466 : vector<1x16xf32> to vector<16xf32>
      %swap3A_468 = vector.shape_cast %mul3A_463 : vector<16xf32> to vector<1x16xf32>
      tpu.vector_store %arg5[%swap3A_464, %swap3A_465], %swap3A_468 {strides = array<i32>} : memref<64x768xf32, #tpu.memory_space<vmem>>, vector<1x16xf32>,
      %get3A_469 = arith.index_cast %scan3A_66 : i32 to index
      %get3A_470 = arith.constant 640 : index
      %get3A_471 = tpu.vector_load %arg5[%get3A_469, %get3A_470] {strides = array<i32>} : memref<64x768xf32, #tpu.memory_space<vmem>>, vector<1x16xf32>,
      %get3A_472 = vector.shape_cast %get3A_471 : vector<1x16xf32> to vector<16xf32>
      %mul3A_473 = arith.mulf %get3A_472, %get3A_69 : vector<16xf32>
      %swap3A_474 = arith.index_cast %scan3A_66 : i32 to index
      %swap3A_475 = arith.constant 640 : index
      %swap3A_476 = tpu.vector_load %arg5[%swap3A_474, %swap3A_475] {strides = array<i32>} : memref<64x768xf32, #tpu.memory_space<vmem>>, vector<1x16xf32>,
      %swap3A_477 = vector.shape_cast %swap3A_476 : vector<1x16xf32> to vector<16xf32>
      %swap3A_478 = vector.shape_cast %mul3A_473 : vector<16xf32> to vector<1x16xf32>
      tpu.vector_store %arg5[%swap3A_474, %swap3A_475], %swap3A_478 {strides = array<i32>} : memref<64x768xf32, #tpu.memory_space<vmem>>, vector<1x16xf32>,
      %get3A_479 = arith.index_cast %scan3A_66 : i32 to index
      %get3A_480 = arith.constant 656 : index
      %get3A_481 = tpu.vector_load %arg5[%get3A_479, %get3A_480] {strides = array<i32>} : memref<64x768xf32, #tpu.memory_space<vmem>>, vector<1x16xf32>,
      %get3A_482 = vector.shape_cast %get3A_481 : vector<1x16xf32> to vector<16xf32>
      %mul3A_483 = arith.mulf %get3A_482, %get3A_69 : vector<16xf32>
      %swap3A_484 = arith.index_cast %scan3A_66 : i32 to index
      %swap3A_485 = arith.constant 656 : index
      %swap3A_486 = tpu.vector_load %arg5[%swap3A_484, %swap3A_485] {strides = array<i32>} : memref<64x768xf32, #tpu.memory_space<vmem>>, vector<1x16xf32>,
      %swap3A_487 = vector.shape_cast %swap3A_486 : vector<1x16xf32> to vector<16xf32>
      %swap3A_488 = vector.shape_cast %mul3A_483 : vector<16xf32> to vector<1x16xf32>
      tpu.vector_store %arg5[%swap3A_484, %swap3A_485], %swap3A_488 {strides = array<i32>} : memref<64x768xf32, #tpu.memory_space<vmem>>, vector<1x16xf32>,
      %get3A_489 = arith.index_cast %scan3A_66 : i32 to index
      %get3A_490 = arith.constant 672 : index
      %get3A_491 = tpu.vector_load %arg5[%get3A_489, %get3A_490] {strides = array<i32>} : memref<64x768xf32, #tpu.memory_space<vmem>>, vector<1x16xf32>,
      %get3A_492 = vector.shape_cast %get3A_491 : vector<1x16xf32> to vector<16xf32>
      %mul3A_493 = arith.mulf %get3A_492, %get3A_69 : vector<16xf32>
      %swap3A_494 = arith.index_cast %scan3A_66 : i32 to index
      %swap3A_495 = arith.constant 672 : index
      %swap3A_496 = tpu.vector_load %arg5[%swap3A_494, %swap3A_495] {strides = array<i32>} : memref<64x768xf32, #tpu.memory_space<vmem>>, vector<1x16xf32>,
      %swap3A_497 = vector.shape_cast %swap3A_496 : vector<1x16xf32> to vector<16xf32>
      %swap3A_498 = vector.shape_cast %mul3A_493 : vector<16xf32> to vector<1x16xf32>
      tpu.vector_store %arg5[%swap3A_494, %swap3A_495], %swap3A_498 {strides = array<i32>} : memref<64x768xf32, #tpu.memory_space<vmem>>, vector<1x16xf32>,
      %get3A_499 = arith.index_cast %scan3A_66 : i32 to index
      %get3A_500 = arith.constant 688 : index
      %get3A_501 = tpu.vector_load %arg5[%get3A_499, %get3A_500] {strides = array<i32>} : memref<64x768xf32, #tpu.memory_space<vmem>>, vector<1x16xf32>,
      %get3A_502 = vector.shape_cast %get3A_501 : vector<1x16xf32> to vector<16xf32>
      %mul3A_503 = arith.mulf %get3A_502, %get3A_69 : vector<16xf32>
      %swap3A_504 = arith.index_cast %scan3A_66 : i32 to index
      %swap3A_505 = arith.constant 688 : index
      %swap3A_506 = tpu.vector_load %arg5[%swap3A_504, %swap3A_505] {strides = array<i32>} : memref<64x768xf32, #tpu.memory_space<vmem>>, vector<1x16xf32>,
      %swap3A_507 = vector.shape_cast %swap3A_506 : vector<1x16xf32> to vector<16xf32>
      %swap3A_508 = vector.shape_cast %mul3A_503 : vector<16xf32> to vector<1x16xf32>
      tpu.vector_store %arg5[%swap3A_504, %swap3A_505], %swap3A_508 {strides = array<i32>} : memref<64x768xf32, #tpu.memory_space<vmem>>, vector<1x16xf32>,
      %get3A_509 = arith.index_cast %scan3A_66 : i32 to index
      %get3A_510 = arith.constant 704 : index
      %get3A_511 = tpu.vector_load %arg5[%get3A_509, %get3A_510] {strides = array<i32>} : memref<64x768xf32, #tpu.memory_space<vmem>>, vector<1x16xf32>,
      %get3A_512 = vector.shape_cast %get3A_511 : vector<1x16xf32> to vector<16xf32>
      %mul3A_513 = arith.mulf %get3A_512, %get3A_69 : vector<16xf32>
      %swap3A_514 = arith.index_cast %scan3A_66 : i32 to index
      %swap3A_515 = arith.constant 704 : index
      %swap3A_516 = tpu.vector_load %arg5[%swap3A_514, %swap3A_515] {strides = array<i32>} : memref<64x768xf32, #tpu.memory_space<vmem>>, vector<1x16xf32>,
      %swap3A_517 = vector.shape_cast %swap3A_516 : vector<1x16xf32> to vector<16xf32>
      %swap3A_518 = vector.shape_cast %mul3A_513 : vector<16xf32> to vector<1x16xf32>
      tpu.vector_store %arg5[%swap3A_514, %swap3A_515], %swap3A_518 {strides = array<i32>} : memref<64x768xf32, #tpu.memory_space<vmem>>, vector<1x16xf32>,
      %get3A_519 = arith.index_cast %scan3A_66 : i32 to index
      %get3A_520 = arith.constant 720 : index
      %get3A_521 = tpu.vector_load %arg5[%get3A_519, %get3A_520] {strides = array<i32>} : memref<64x768xf32, #tpu.memory_space<vmem>>, vector<1x16xf32>,
      %get3A_522 = vector.shape_cast %get3A_521 : vector<1x16xf32> to vector<16xf32>
      %mul3A_523 = arith.mulf %get3A_522, %get3A_69 : vector<16xf32>
      %swap3A_524 = arith.index_cast %scan3A_66 : i32 to index
      %swap3A_525 = arith.constant 720 : index
      %swap3A_526 = tpu.vector_load %arg5[%swap3A_524, %swap3A_525] {strides = array<i32>} : memref<64x768xf32, #tpu.memory_space<vmem>>, vector<1x16xf32>,
      %swap3A_527 = vector.shape_cast %swap3A_526 : vector<1x16xf32> to vector<16xf32>
      %swap3A_528 = vector.shape_cast %mul3A_523 : vector<16xf32> to vector<1x16xf32>
      tpu.vector_store %arg5[%swap3A_524, %swap3A_525], %swap3A_528 {strides = array<i32>} : memref<64x768xf32, #tpu.memory_space<vmem>>, vector<1x16xf32>,
      %get3A_529 = arith.index_cast %scan3A_66 : i32 to index
      %get3A_530 = arith.constant 736 : index
      %get3A_531 = tpu.vector_load %arg5[%get3A_529, %get3A_530] {strides = array<i32>} : memref<64x768xf32, #tpu.memory_space<vmem>>, vector<1x16xf32>,
      %get3A_532 = vector.shape_cast %get3A_531 : vector<1x16xf32> to vector<16xf32>
      %mul3A_533 = arith.mulf %get3A_532, %get3A_69 : vector<16xf32>
      %swap3A_534 = arith.index_cast %scan3A_66 : i32 to index
      %swap3A_535 = arith.constant 736 : index
      %swap3A_536 = tpu.vector_load %arg5[%swap3A_534, %swap3A_535] {strides = array<i32>} : memref<64x768xf32, #tpu.memory_space<vmem>>, vector<1x16xf32>,
      %swap3A_537 = vector.shape_cast %swap3A_536 : vector<1x16xf32> to vector<16xf32>
      %swap3A_538 = vector.shape_cast %mul3A_533 : vector<16xf32> to vector<1x16xf32>
      tpu.vector_store %arg5[%swap3A_534, %swap3A_535], %swap3A_538 {strides = array<i32>} : memref<64x768xf32, #tpu.memory_space<vmem>>, vector<1x16xf32>,
      %get3A_539 = arith.index_cast %scan3A_66 : i32 to index
      %get3A_540 = arith.constant 752 : index
      %get3A_541 = tpu.vector_load %arg5[%get3A_539, %get3A_540] {strides = array<i32>} : memref<64x768xf32, #tpu.memory_space<vmem>>, vector<1x16xf32>,
      %get3A_542 = vector.shape_cast %get3A_541 : vector<1x16xf32> to vector<16xf32>
      %mul3A_543 = arith.mulf %get3A_542, %get3A_69 : vector<16xf32>
      %swap3A_544 = arith.index_cast %scan3A_66 : i32 to index
      %swap3A_545 = arith.constant 752 : index
      %swap3A_546 = tpu.vector_load %arg5[%swap3A_544, %swap3A_545] {strides = array<i32>} : memref<64x768xf32, #tpu.memory_space<vmem>>, vector<1x16xf32>,
      %swap3A_547 = vector.shape_cast %swap3A_546 : vector<1x16xf32> to vector<16xf32>
      %swap3A_548 = vector.shape_cast %mul3A_543 : vector<16xf32> to vector<1x16xf32>
      tpu.vector_store %arg5[%swap3A_544, %swap3A_545], %swap3A_548 {strides = array<i32>} : memref<64x768xf32, #tpu.memory_space<vmem>>, vector<1x16xf32>,
    }
    %scan3A_49 = arith.constant 64 : i32
    "tpu.region"() ({
      %run_scoped3A = tpu.sem_alloc : memref<!tpu.dma_semaphore, #tpu.memory_space<semaphore_mem>>
      %dma_start3A = arith.constant 0 : i32
      %dma_start3A_66 = tpu.memref_slice %arg4[%add3A_43, %dma_start3A] : memref<16384x768xf32, #tpu.memory_space<hbm>> -> memref<64x768xf32, #tpu.memory_space<hbm>>
      %dma_start3A_67 = arith.constant 0 : i32
      %dma_start3A_68 = tpu.memref_slice %arg4[%add3A_43, %dma_start3A_67] : memref<16384x768xf32, #tpu.memory_space<hbm>> -> memref<64x768xf32, #tpu.memory_space<hbm>>
      tpu.enqueue_dma source(%arg5 : memref<64x768xf32, #tpu.memory_space<vmem>>) target(%dma_start3A_68 : memref<64x768xf32, #tpu.memory_space<hbm>>) target_semaphore(%run_scoped3A : memref<!tpu.dma_semaphore, #tpu.memory_space<semaphore_mem>>)
      %dma_wait3A = arith.constant 0 : i32
      %dma_wait3A_69 = tpu.memref_slice %arg4[%add3A_43, %dma_wait3A] : memref<16384x768xf32, #tpu.memory_space<hbm>> -> memref<64x768xf32, #tpu.memory_space<hbm>>
      %dma_wait3A_70 = arith.constant 0 : i32
      %dma_wait3A_71 = tpu.memref_slice %arg4[%add3A_43, %dma_wait3A_70] : memref<16384x768xf32, #tpu.memory_space<hbm>> -> memref<64x768xf32, #tpu.memory_space<hbm>>
      tpu.wait_dma2 semaphore(%run_scoped3A : memref<!tpu.dma_semaphore, #tpu.memory_space<semaphore_mem>>) src(%arg5 : memref<64x768xf32, #tpu.memory_space<vmem>>) dst(%dma_wait3A_71 : memref<64x768xf32, #tpu.memory_space<hbm>>)
      tpu.yield
    }) : () -> ()
    %add3A_50 = arith.constant 384 : i32
    %add3A_51 = arith.addi %mul3A_2, %add3A_50 : i32
    "tpu.region"() ({
      %run_scoped3A = tpu.sem_alloc : memref<!tpu.dma_semaphore, #tpu.memory_space<semaphore_mem>>
      %dma_start3A = arith.constant 0 : i32
      %dma_start3A_66 = tpu.memref_slice %arg2[%add3A_51, %dma_start3A] : memref<16384x768xf32, #tpu.memory_space<hbm>> -> memref<64x768xf32, #tpu.memory_space<hbm>>
      %dma_start3A_67 = arith.constant 0 : i32
      %dma_start3A_68 = tpu.memref_slice %arg2[%add3A_51, %dma_start3A_67] : memref<16384x768xf32, #tpu.memory_space<hbm>> -> memref<64x768xf32, #tpu.memory_space<hbm>>
      tpu.enqueue_dma source(%dma_start3A_68 : memref<64x768xf32, #tpu.memory_space<hbm>>) target(%arg5 : memref<64x768xf32, #tpu.memory_space<vmem>>) target_semaphore(%run_scoped3A : memref<!tpu.dma_semaphore, #tpu.memory_space<semaphore_mem>>)
      %dma_wait3A = arith.constant 0 : i32
      %dma_wait3A_69 = tpu.memref_slice %arg2[%add3A_51, %dma_wait3A] : memref<16384x768xf32, #tpu.memory_space<hbm>> -> memref<64x768xf32, #tpu.memory_space<hbm>>
      %dma_wait3A_70 = arith.constant 0 : i32
      %dma_wait3A_71 = tpu.memref_slice %arg2[%add3A_51, %dma_wait3A_70] : memref<16384x768xf32, #tpu.memory_space<hbm>> -> memref<64x768xf32, #tpu.memory_space<hbm>>
      tpu.wait_dma2 semaphore(%run_scoped3A : memref<!tpu.dma_semaphore, #tpu.memory_space<semaphore_mem>>) src(%dma_wait3A_71 : memref<64x768xf32, #tpu.memory_space<hbm>>) dst(%arg5 : memref<64x768xf32, #tpu.memory_space<vmem>>)
      tpu.yield
    }) : () -> ()
    "tpu.region"() ({
      %run_scoped3A = tpu.sem_alloc : memref<!tpu.dma_semaphore, #tpu.memory_space<semaphore_mem>>
      %dma_start3A = arith.constant 0 : i32
      %dma_start3A_66 = tpu.memref_slice %arg3[%add3A_51, %dma_start3A] : memref<16384x128xf32, #tpu.memory_space<hbm>> -> memref<64x128xf32, #tpu.memory_space<hbm>>
      %dma_start3A_67 = arith.constant 0 : i32
      %dma_start3A_68 = tpu.memref_slice %arg3[%add3A_51, %dma_start3A_67] : memref<16384x128xf32, #tpu.memory_space<hbm>> -> memref<64x128xf32, #tpu.memory_space<hbm>>
      tpu.enqueue_dma source(%dma_start3A_68 : memref<64x128xf32, #tpu.memory_space<hbm>>) target(%arg6 : memref<64x128xf32, #tpu.memory_space<vmem>>) target_semaphore(%run_scoped3A : memref<!tpu.dma_semaphore, #tpu.memory_space<semaphore_mem>>)
      %dma_wait3A = arith.constant 0 : i32
      %dma_wait3A_69 = tpu.memref_slice %arg3[%add3A_51, %dma_wait3A] : memref<16384x128xf32, #tpu.memory_space<hbm>> -> memref<64x128xf32, #tpu.memory_space<hbm>>
      %dma_wait3A_70 = arith.constant 0 : i32
      %dma_wait3A_71 = tpu.memref_slice %arg3[%add3A_51, %dma_wait3A_70] : memref<16384x128xf32, #tpu.memory_space<hbm>> -> memref<64x128xf32, #tpu.memory_space<hbm>>
      tpu.wait_dma2 semaphore(%run_scoped3A : memref<!tpu.dma_semaphore, #tpu.memory_space<semaphore_mem>>) src(%dma_wait3A_71 : memref<64x128xf32, #tpu.memory_space<hbm>>) dst(%arg6 : memref<64x128xf32, #tpu.memory_space<vmem>>)
      tpu.yield
    }) : () -> ()
    %scan3A_52 = arith.constant 0 : i32
    %scan3A_53 = arith.constant 0 : i32
    %scan3A_54 = arith.constant 64 : i32
    %scan3A_55 = arith.addi %scan3A_53, %scan3A_54 : i32
    %scan3A_56 = arith.constant 1 : i32
    scf.for %scan3A_66 = %scan3A_53 to %scan3A_55 step %scan3A_56  : i32 {
      %get3A = arith.index_cast %scan3A_66 : i32 to index
      %get3A_67 = arith.constant 0 : index
      %get3A_68 = tpu.vector_load %arg6[%get3A, %get3A_67] {strides = array<i32>} : memref<64x128xf32, #tpu.memory_space<vmem>>, vector<1x16xf32>,
      %get3A_69 = vector.shape_cast %get3A_68 : vector<1x16xf32> to vector<16xf32>
      %get3A_70 = arith.index_cast %scan3A_66 : i32 to index
      %get3A_71 = arith.constant 0 : index
      %get3A_72 = tpu.vector_load %arg5[%get3A_70, %get3A_71] {strides = array<i32>} : memref<64x768xf32, #tpu.memory_space<vmem>>, vector<1x16xf32>,
      %get3A_73 = vector.shape_cast %get3A_72 : vector<1x16xf32> to vector<16xf32>
      %mul3A_74 = arith.mulf %get3A_73, %get3A_69 : vector<16xf32>
      %swap3A = arith.index_cast %scan3A_66 : i32 to index
      %swap3A_75 = arith.constant 0 : index
      %swap3A_76 = tpu.vector_load %arg5[%swap3A, %swap3A_75] {strides = array<i32>} : memref<64x768xf32, #tpu.memory_space<vmem>>, vector<1x16xf32>,
      %swap3A_77 = vector.shape_cast %swap3A_76 : vector<1x16xf32> to vector<16xf32>
      %swap3A_78 = vector.shape_cast %mul3A_74 : vector<16xf32> to vector<1x16xf32>
      tpu.vector_store %arg5[%swap3A, %swap3A_75], %swap3A_78 {strides = array<i32>} : memref<64x768xf32, #tpu.memory_space<vmem>>, vector<1x16xf32>,
      %get3A_79 = arith.index_cast %scan3A_66 : i32 to index
      %get3A_80 = arith.constant 16 : index
      %get3A_81 = tpu.vector_load %arg5[%get3A_79, %get3A_80] {strides = array<i32>} : memref<64x768xf32, #tpu.memory_space<vmem>>, vector<1x16xf32>,
      %get3A_82 = vector.shape_cast %get3A_81 : vector<1x16xf32> to vector<16xf32>
      %mul3A_83 = arith.mulf %get3A_82, %get3A_69 : vector<16xf32>
      %swap3A_84 = arith.index_cast %scan3A_66 : i32 to index
      %swap3A_85 = arith.constant 16 : index
      %swap3A_86 = tpu.vector_load %arg5[%swap3A_84, %swap3A_85] {strides = array<i32>} : memref<64x768xf32, #tpu.memory_space<vmem>>, vector<1x16xf32>,
      %swap3A_87 = vector.shape_cast %swap3A_86 : vector<1x16xf32> to vector<16xf32>
      %swap3A_88 = vector.shape_cast %mul3A_83 : vector<16xf32> to vector<1x16xf32>
      tpu.vector_store %arg5[%swap3A_84, %swap3A_85], %swap3A_88 {strides = array<i32>} : memref<64x768xf32, #tpu.memory_space<vmem>>, vector<1x16xf32>,
      %get3A_89 = arith.index_cast %scan3A_66 : i32 to index
      %get3A_90 = arith.constant 32 : index
      %get3A_91 = tpu.vector_load %arg5[%get3A_89, %get3A_90] {strides = array<i32>} : memref<64x768xf32, #tpu.memory_space<vmem>>, vector<1x16xf32>,
      %get3A_92 = vector.shape_cast %get3A_91 : vector<1x16xf32> to vector<16xf32>
      %mul3A_93 = arith.mulf %get3A_92, %get3A_69 : vector<16xf32>
      %swap3A_94 = arith.index_cast %scan3A_66 : i32 to index
      %swap3A_95 = arith.constant 32 : index
      %swap3A_96 = tpu.vector_load %arg5[%swap3A_94, %swap3A_95] {strides = array<i32>} : memref<64x768xf32, #tpu.memory_space<vmem>>, vector<1x16xf32>,
      %swap3A_97 = vector.shape_cast %swap3A_96 : vector<1x16xf32> to vector<16xf32>
      %swap3A_98 = vector.shape_cast %mul3A_93 : vector<16xf32> to vector<1x16xf32>
      tpu.vector_store %arg5[%swap3A_94, %swap3A_95], %swap3A_98 {strides = array<i32>} : memref<64x768xf32, #tpu.memory_space<vmem>>, vector<1x16xf32>,
      %get3A_99 = arith.index_cast %scan3A_66 : i32 to index
      %get3A_100 = arith.constant 48 : index
      %get3A_101 = tpu.vector_load %arg5[%get3A_99, %get3A_100] {strides = array<i32>} : memref<64x768xf32, #tpu.memory_space<vmem>>, vector<1x16xf32>,
      %get3A_102 = vector.shape_cast %get3A_101 : vector<1x16xf32> to vector<16xf32>
      %mul3A_103 = arith.mulf %get3A_102, %get3A_69 : vector<16xf32>
      %swap3A_104 = arith.index_cast %scan3A_66 : i32 to index
      %swap3A_105 = arith.constant 48 : index
      %swap3A_106 = tpu.vector_load %arg5[%swap3A_104, %swap3A_105] {strides = array<i32>} : memref<64x768xf32, #tpu.memory_space<vmem>>, vector<1x16xf32>,
      %swap3A_107 = vector.shape_cast %swap3A_106 : vector<1x16xf32> to vector<16xf32>
      %swap3A_108 = vector.shape_cast %mul3A_103 : vector<16xf32> to vector<1x16xf32>
      tpu.vector_store %arg5[%swap3A_104, %swap3A_105], %swap3A_108 {strides = array<i32>} : memref<64x768xf32, #tpu.memory_space<vmem>>, vector<1x16xf32>,
      %get3A_109 = arith.index_cast %scan3A_66 : i32 to index
      %get3A_110 = arith.constant 64 : index
      %get3A_111 = tpu.vector_load %arg5[%get3A_109, %get3A_110] {strides = array<i32>} : memref<64x768xf32, #tpu.memory_space<vmem>>, vector<1x16xf32>,
      %get3A_112 = vector.shape_cast %get3A_111 : vector<1x16xf32> to vector<16xf32>
      %mul3A_113 = arith.mulf %get3A_112, %get3A_69 : vector<16xf32>
      %swap3A_114 = arith.index_cast %scan3A_66 : i32 to index
      %swap3A_115 = arith.constant 64 : index
      %swap3A_116 = tpu.vector_load %arg5[%swap3A_114, %swap3A_115] {strides = array<i32>} : memref<64x768xf32, #tpu.memory_space<vmem>>, vector<1x16xf32>,
      %swap3A_117 = vector.shape_cast %swap3A_116 : vector<1x16xf32> to vector<16xf32>
      %swap3A_118 = vector.shape_cast %mul3A_113 : vector<16xf32> to vector<1x16xf32>
      tpu.vector_store %arg5[%swap3A_114, %swap3A_115], %swap3A_118 {strides = array<i32>} : memref<64x768xf32, #tpu.memory_space<vmem>>, vector<1x16xf32>,
      %get3A_119 = arith.index_cast %scan3A_66 : i32 to index
      %get3A_120 = arith.constant 80 : index
      %get3A_121 = tpu.vector_load %arg5[%get3A_119, %get3A_120] {strides = array<i32>} : memref<64x768xf32, #tpu.memory_space<vmem>>, vector<1x16xf32>,
      %get3A_122 = vector.shape_cast %get3A_121 : vector<1x16xf32> to vector<16xf32>
      %mul3A_123 = arith.mulf %get3A_122, %get3A_69 : vector<16xf32>
      %swap3A_124 = arith.index_cast %scan3A_66 : i32 to index
      %swap3A_125 = arith.constant 80 : index
      %swap3A_126 = tpu.vector_load %arg5[%swap3A_124, %swap3A_125] {strides = array<i32>} : memref<64x768xf32, #tpu.memory_space<vmem>>, vector<1x16xf32>,
      %swap3A_127 = vector.shape_cast %swap3A_126 : vector<1x16xf32> to vector<16xf32>
      %swap3A_128 = vector.shape_cast %mul3A_123 : vector<16xf32> to vector<1x16xf32>
      tpu.vector_store %arg5[%swap3A_124, %swap3A_125], %swap3A_128 {strides = array<i32>} : memref<64x768xf32, #tpu.memory_space<vmem>>, vector<1x16xf32>,
      %get3A_129 = arith.index_cast %scan3A_66 : i32 to index
      %get3A_130 = arith.constant 96 : index
      %get3A_131 = tpu.vector_load %arg5[%get3A_129, %get3A_130] {strides = array<i32>} : memref<64x768xf32, #tpu.memory_space<vmem>>, vector<1x16xf32>,
      %get3A_132 = vector.shape_cast %get3A_131 : vector<1x16xf32> to vector<16xf32>
      %mul3A_133 = arith.mulf %get3A_132, %get3A_69 : vector<16xf32>
      %swap3A_134 = arith.index_cast %scan3A_66 : i32 to index
      %swap3A_135 = arith.constant 96 : index
      %swap3A_136 = tpu.vector_load %arg5[%swap3A_134, %swap3A_135] {strides = array<i32>} : memref<64x768xf32, #tpu.memory_space<vmem>>, vector<1x16xf32>,
      %swap3A_137 = vector.shape_cast %swap3A_136 : vector<1x16xf32> to vector<16xf32>
      %swap3A_138 = vector.shape_cast %mul3A_133 : vector<16xf32> to vector<1x16xf32>
      tpu.vector_store %arg5[%swap3A_134, %swap3A_135], %swap3A_138 {strides = array<i32>} : memref<64x768xf32, #tpu.memory_space<vmem>>, vector<1x16xf32>,
      %get3A_139 = arith.index_cast %scan3A_66 : i32 to index
      %get3A_140 = arith.constant 112 : index
      %get3A_141 = tpu.vector_load %arg5[%get3A_139, %get3A_140] {strides = array<i32>} : memref<64x768xf32, #tpu.memory_space<vmem>>, vector<1x16xf32>,
      %get3A_142 = vector.shape_cast %get3A_141 : vector<1x16xf32> to vector<16xf32>
      %mul3A_143 = arith.mulf %get3A_142, %get3A_69 : vector<16xf32>
      %swap3A_144 = arith.index_cast %scan3A_66 : i32 to index
      %swap3A_145 = arith.constant 112 : index
      %swap3A_146 = tpu.vector_load %arg5[%swap3A_144, %swap3A_145] {strides = array<i32>} : memref<64x768xf32, #tpu.memory_space<vmem>>, vector<1x16xf32>,
      %swap3A_147 = vector.shape_cast %swap3A_146 : vector<1x16xf32> to vector<16xf32>
      %swap3A_148 = vector.shape_cast %mul3A_143 : vector<16xf32> to vector<1x16xf32>
      tpu.vector_store %arg5[%swap3A_144, %swap3A_145], %swap3A_148 {strides = array<i32>} : memref<64x768xf32, #tpu.memory_space<vmem>>, vector<1x16xf32>,
      %get3A_149 = arith.index_cast %scan3A_66 : i32 to index
      %get3A_150 = arith.constant 128 : index
      %get3A_151 = tpu.vector_load %arg5[%get3A_149, %get3A_150] {strides = array<i32>} : memref<64x768xf32, #tpu.memory_space<vmem>>, vector<1x16xf32>,
      %get3A_152 = vector.shape_cast %get3A_151 : vector<1x16xf32> to vector<16xf32>
      %mul3A_153 = arith.mulf %get3A_152, %get3A_69 : vector<16xf32>
      %swap3A_154 = arith.index_cast %scan3A_66 : i32 to index
      %swap3A_155 = arith.constant 128 : index
      %swap3A_156 = tpu.vector_load %arg5[%swap3A_154, %swap3A_155] {strides = array<i32>} : memref<64x768xf32, #tpu.memory_space<vmem>>, vector<1x16xf32>,
      %swap3A_157 = vector.shape_cast %swap3A_156 : vector<1x16xf32> to vector<16xf32>
      %swap3A_158 = vector.shape_cast %mul3A_153 : vector<16xf32> to vector<1x16xf32>
      tpu.vector_store %arg5[%swap3A_154, %swap3A_155], %swap3A_158 {strides = array<i32>} : memref<64x768xf32, #tpu.memory_space<vmem>>, vector<1x16xf32>,
      %get3A_159 = arith.index_cast %scan3A_66 : i32 to index
      %get3A_160 = arith.constant 144 : index
      %get3A_161 = tpu.vector_load %arg5[%get3A_159, %get3A_160] {strides = array<i32>} : memref<64x768xf32, #tpu.memory_space<vmem>>, vector<1x16xf32>,
      %get3A_162 = vector.shape_cast %get3A_161 : vector<1x16xf32> to vector<16xf32>
      %mul3A_163 = arith.mulf %get3A_162, %get3A_69 : vector<16xf32>
      %swap3A_164 = arith.index_cast %scan3A_66 : i32 to index
      %swap3A_165 = arith.constant 144 : index
      %swap3A_166 = tpu.vector_load %arg5[%swap3A_164, %swap3A_165] {strides = array<i32>} : memref<64x768xf32, #tpu.memory_space<vmem>>, vector<1x16xf32>,
      %swap3A_167 = vector.shape_cast %swap3A_166 : vector<1x16xf32> to vector<16xf32>
      %swap3A_168 = vector.shape_cast %mul3A_163 : vector<16xf32> to vector<1x16xf32>
      tpu.vector_store %arg5[%swap3A_164, %swap3A_165], %swap3A_168 {strides = array<i32>} : memref<64x768xf32, #tpu.memory_space<vmem>>, vector<1x16xf32>,
      %get3A_169 = arith.index_cast %scan3A_66 : i32 to index
      %get3A_170 = arith.constant 160 : index
      %get3A_171 = tpu.vector_load %arg5[%get3A_169, %get3A_170] {strides = array<i32>} : memref<64x768xf32, #tpu.memory_space<vmem>>, vector<1x16xf32>,
      %get3A_172 = vector.shape_cast %get3A_171 : vector<1x16xf32> to vector<16xf32>
      %mul3A_173 = arith.mulf %get3A_172, %get3A_69 : vector<16xf32>
      %swap3A_174 = arith.index_cast %scan3A_66 : i32 to index
      %swap3A_175 = arith.constant 160 : index
      %swap3A_176 = tpu.vector_load %arg5[%swap3A_174, %swap3A_175] {strides = array<i32>} : memref<64x768xf32, #tpu.memory_space<vmem>>, vector<1x16xf32>,
      %swap3A_177 = vector.shape_cast %swap3A_176 : vector<1x16xf32> to vector<16xf32>
      %swap3A_178 = vector.shape_cast %mul3A_173 : vector<16xf32> to vector<1x16xf32>
      tpu.vector_store %arg5[%swap3A_174, %swap3A_175], %swap3A_178 {strides = array<i32>} : memref<64x768xf32, #tpu.memory_space<vmem>>, vector<1x16xf32>,
      %get3A_179 = arith.index_cast %scan3A_66 : i32 to index
      %get3A_180 = arith.constant 176 : index
      %get3A_181 = tpu.vector_load %arg5[%get3A_179, %get3A_180] {strides = array<i32>} : memref<64x768xf32, #tpu.memory_space<vmem>>, vector<1x16xf32>,
      %get3A_182 = vector.shape_cast %get3A_181 : vector<1x16xf32> to vector<16xf32>
      %mul3A_183 = arith.mulf %get3A_182, %get3A_69 : vector<16xf32>
      %swap3A_184 = arith.index_cast %scan3A_66 : i32 to index
      %swap3A_185 = arith.constant 176 : index
      %swap3A_186 = tpu.vector_load %arg5[%swap3A_184, %swap3A_185] {strides = array<i32>} : memref<64x768xf32, #tpu.memory_space<vmem>>, vector<1x16xf32>,
      %swap3A_187 = vector.shape_cast %swap3A_186 : vector<1x16xf32> to vector<16xf32>
      %swap3A_188 = vector.shape_cast %mul3A_183 : vector<16xf32> to vector<1x16xf32>
      tpu.vector_store %arg5[%swap3A_184, %swap3A_185], %swap3A_188 {strides = array<i32>} : memref<64x768xf32, #tpu.memory_space<vmem>>, vector<1x16xf32>,
      %get3A_189 = arith.index_cast %scan3A_66 : i32 to index
      %get3A_190 = arith.constant 192 : index
      %get3A_191 = tpu.vector_load %arg5[%get3A_189, %get3A_190] {strides = array<i32>} : memref<64x768xf32, #tpu.memory_space<vmem>>, vector<1x16xf32>,
      %get3A_192 = vector.shape_cast %get3A_191 : vector<1x16xf32> to vector<16xf32>
      %mul3A_193 = arith.mulf %get3A_192, %get3A_69 : vector<16xf32>
      %swap3A_194 = arith.index_cast %scan3A_66 : i32 to index
      %swap3A_195 = arith.constant 192 : index
      %swap3A_196 = tpu.vector_load %arg5[%swap3A_194, %swap3A_195] {strides = array<i32>} : memref<64x768xf32, #tpu.memory_space<vmem>>, vector<1x16xf32>,
      %swap3A_197 = vector.shape_cast %swap3A_196 : vector<1x16xf32> to vector<16xf32>
      %swap3A_198 = vector.shape_cast %mul3A_193 : vector<16xf32> to vector<1x16xf32>
      tpu.vector_store %arg5[%swap3A_194, %swap3A_195], %swap3A_198 {strides = array<i32>} : memref<64x768xf32, #tpu.memory_space<vmem>>, vector<1x16xf32>,
      %get3A_199 = arith.index_cast %scan3A_66 : i32 to index
      %get3A_200 = arith.constant 208 : index
      %get3A_201 = tpu.vector_load %arg5[%get3A_199, %get3A_200] {strides = array<i32>} : memref<64x768xf32, #tpu.memory_space<vmem>>, vector<1x16xf32>,
      %get3A_202 = vector.shape_cast %get3A_201 : vector<1x16xf32> to vector<16xf32>
      %mul3A_203 = arith.mulf %get3A_202, %get3A_69 : vector<16xf32>
      %swap3A_204 = arith.index_cast %scan3A_66 : i32 to index
      %swap3A_205 = arith.constant 208 : index
      %swap3A_206 = tpu.vector_load %arg5[%swap3A_204, %swap3A_205] {strides = array<i32>} : memref<64x768xf32, #tpu.memory_space<vmem>>, vector<1x16xf32>,
      %swap3A_207 = vector.shape_cast %swap3A_206 : vector<1x16xf32> to vector<16xf32>
      %swap3A_208 = vector.shape_cast %mul3A_203 : vector<16xf32> to vector<1x16xf32>
      tpu.vector_store %arg5[%swap3A_204, %swap3A_205], %swap3A_208 {strides = array<i32>} : memref<64x768xf32, #tpu.memory_space<vmem>>, vector<1x16xf32>,
      %get3A_209 = arith.index_cast %scan3A_66 : i32 to index
      %get3A_210 = arith.constant 224 : index
      %get3A_211 = tpu.vector_load %arg5[%get3A_209, %get3A_210] {strides = array<i32>} : memref<64x768xf32, #tpu.memory_space<vmem>>, vector<1x16xf32>,
      %get3A_212 = vector.shape_cast %get3A_211 : vector<1x16xf32> to vector<16xf32>
      %mul3A_213 = arith.mulf %get3A_212, %get3A_69 : vector<16xf32>
      %swap3A_214 = arith.index_cast %scan3A_66 : i32 to index
      %swap3A_215 = arith.constant 224 : index
      %swap3A_216 = tpu.vector_load %arg5[%swap3A_214, %swap3A_215] {strides = array<i32>} : memref<64x768xf32, #tpu.memory_space<vmem>>, vector<1x16xf32>,
      %swap3A_217 = vector.shape_cast %swap3A_216 : vector<1x16xf32> to vector<16xf32>
      %swap3A_218 = vector.shape_cast %mul3A_213 : vector<16xf32> to vector<1x16xf32>
      tpu.vector_store %arg5[%swap3A_214, %swap3A_215], %swap3A_218 {strides = array<i32>} : memref<64x768xf32, #tpu.memory_space<vmem>>, vector<1x16xf32>,
      %get3A_219 = arith.index_cast %scan3A_66 : i32 to index
      %get3A_220 = arith.constant 240 : index
      %get3A_221 = tpu.vector_load %arg5[%get3A_219, %get3A_220] {strides = array<i32>} : memref<64x768xf32, #tpu.memory_space<vmem>>, vector<1x16xf32>,
      %get3A_222 = vector.shape_cast %get3A_221 : vector<1x16xf32> to vector<16xf32>
      %mul3A_223 = arith.mulf %get3A_222, %get3A_69 : vector<16xf32>
      %swap3A_224 = arith.index_cast %scan3A_66 : i32 to index
      %swap3A_225 = arith.constant 240 : index
      %swap3A_226 = tpu.vector_load %arg5[%swap3A_224, %swap3A_225] {strides = array<i32>} : memref<64x768xf32, #tpu.memory_space<vmem>>, vector<1x16xf32>,
      %swap3A_227 = vector.shape_cast %swap3A_226 : vector<1x16xf32> to vector<16xf32>
      %swap3A_228 = vector.shape_cast %mul3A_223 : vector<16xf32> to vector<1x16xf32>
      tpu.vector_store %arg5[%swap3A_224, %swap3A_225], %swap3A_228 {strides = array<i32>} : memref<64x768xf32, #tpu.memory_space<vmem>>, vector<1x16xf32>,
      %get3A_229 = arith.index_cast %scan3A_66 : i32 to index
      %get3A_230 = arith.constant 256 : index
      %get3A_231 = tpu.vector_load %arg5[%get3A_229, %get3A_230] {strides = array<i32>} : memref<64x768xf32, #tpu.memory_space<vmem>>, vector<1x16xf32>,
      %get3A_232 = vector.shape_cast %get3A_231 : vector<1x16xf32> to vector<16xf32>
      %mul3A_233 = arith.mulf %get3A_232, %get3A_69 : vector<16xf32>
      %swap3A_234 = arith.index_cast %scan3A_66 : i32 to index
      %swap3A_235 = arith.constant 256 : index
      %swap3A_236 = tpu.vector_load %arg5[%swap3A_234, %swap3A_235] {strides = array<i32>} : memref<64x768xf32, #tpu.memory_space<vmem>>, vector<1x16xf32>,
      %swap3A_237 = vector.shape_cast %swap3A_236 : vector<1x16xf32> to vector<16xf32>
      %swap3A_238 = vector.shape_cast %mul3A_233 : vector<16xf32> to vector<1x16xf32>
      tpu.vector_store %arg5[%swap3A_234, %swap3A_235], %swap3A_238 {strides = array<i32>} : memref<64x768xf32, #tpu.memory_space<vmem>>, vector<1x16xf32>,
      %get3A_239 = arith.index_cast %scan3A_66 : i32 to index
      %get3A_240 = arith.constant 272 : index
      %get3A_241 = tpu.vector_load %arg5[%get3A_239, %get3A_240] {strides = array<i32>} : memref<64x768xf32, #tpu.memory_space<vmem>>, vector<1x16xf32>,
      %get3A_242 = vector.shape_cast %get3A_241 : vector<1x16xf32> to vector<16xf32>
      %mul3A_243 = arith.mulf %get3A_242, %get3A_69 : vector<16xf32>
      %swap3A_244 = arith.index_cast %scan3A_66 : i32 to index
      %swap3A_245 = arith.constant 272 : index
      %swap3A_246 = tpu.vector_load %arg5[%swap3A_244, %swap3A_245] {strides = array<i32>} : memref<64x768xf32, #tpu.memory_space<vmem>>, vector<1x16xf32>,
      %swap3A_247 = vector.shape_cast %swap3A_246 : vector<1x16xf32> to vector<16xf32>
      %swap3A_248 = vector.shape_cast %mul3A_243 : vector<16xf32> to vector<1x16xf32>
      tpu.vector_store %arg5[%swap3A_244, %swap3A_245], %swap3A_248 {strides = array<i32>} : memref<64x768xf32, #tpu.memory_space<vmem>>, vector<1x16xf32>,
      %get3A_249 = arith.index_cast %scan3A_66 : i32 to index
      %get3A_250 = arith.constant 288 : index
      %get3A_251 = tpu.vector_load %arg5[%get3A_249, %get3A_250] {strides = array<i32>} : memref<64x768xf32, #tpu.memory_space<vmem>>, vector<1x16xf32>,
      %get3A_252 = vector.shape_cast %get3A_251 : vector<1x16xf32> to vector<16xf32>
      %mul3A_253 = arith.mulf %get3A_252, %get3A_69 : vector<16xf32>
      %swap3A_254 = arith.index_cast %scan3A_66 : i32 to index
      %swap3A_255 = arith.constant 288 : index
      %swap3A_256 = tpu.vector_load %arg5[%swap3A_254, %swap3A_255] {strides = array<i32>} : memref<64x768xf32, #tpu.memory_space<vmem>>, vector<1x16xf32>,
      %swap3A_257 = vector.shape_cast %swap3A_256 : vector<1x16xf32> to vector<16xf32>
      %swap3A_258 = vector.shape_cast %mul3A_253 : vector<16xf32> to vector<1x16xf32>
      tpu.vector_store %arg5[%swap3A_254, %swap3A_255], %swap3A_258 {strides = array<i32>} : memref<64x768xf32, #tpu.memory_space<vmem>>, vector<1x16xf32>,
      %get3A_259 = arith.index_cast %scan3A_66 : i32 to index
      %get3A_260 = arith.constant 304 : index
      %get3A_261 = tpu.vector_load %arg5[%get3A_259, %get3A_260] {strides = array<i32>} : memref<64x768xf32, #tpu.memory_space<vmem>>, vector<1x16xf32>,
      %get3A_262 = vector.shape_cast %get3A_261 : vector<1x16xf32> to vector<16xf32>
      %mul3A_263 = arith.mulf %get3A_262, %get3A_69 : vector<16xf32>
      %swap3A_264 = arith.index_cast %scan3A_66 : i32 to index
      %swap3A_265 = arith.constant 304 : index
      %swap3A_266 = tpu.vector_load %arg5[%swap3A_264, %swap3A_265] {strides = array<i32>} : memref<64x768xf32, #tpu.memory_space<vmem>>, vector<1x16xf32>,
      %swap3A_267 = vector.shape_cast %swap3A_266 : vector<1x16xf32> to vector<16xf32>
      %swap3A_268 = vector.shape_cast %mul3A_263 : vector<16xf32> to vector<1x16xf32>
      tpu.vector_store %arg5[%swap3A_264, %swap3A_265], %swap3A_268 {strides = array<i32>} : memref<64x768xf32, #tpu.memory_space<vmem>>, vector<1x16xf32>,
      %get3A_269 = arith.index_cast %scan3A_66 : i32 to index
      %get3A_270 = arith.constant 320 : index
      %get3A_271 = tpu.vector_load %arg5[%get3A_269, %get3A_270] {strides = array<i32>} : memref<64x768xf32, #tpu.memory_space<vmem>>, vector<1x16xf32>,
      %get3A_272 = vector.shape_cast %get3A_271 : vector<1x16xf32> to vector<16xf32>
      %mul3A_273 = arith.mulf %get3A_272, %get3A_69 : vector<16xf32>
      %swap3A_274 = arith.index_cast %scan3A_66 : i32 to index
      %swap3A_275 = arith.constant 320 : index
      %swap3A_276 = tpu.vector_load %arg5[%swap3A_274, %swap3A_275] {strides = array<i32>} : memref<64x768xf32, #tpu.memory_space<vmem>>, vector<1x16xf32>,
      %swap3A_277 = vector.shape_cast %swap3A_276 : vector<1x16xf32> to vector<16xf32>
      %swap3A_278 = vector.shape_cast %mul3A_273 : vector<16xf32> to vector<1x16xf32>
      tpu.vector_store %arg5[%swap3A_274, %swap3A_275], %swap3A_278 {strides = array<i32>} : memref<64x768xf32, #tpu.memory_space<vmem>>, vector<1x16xf32>,
      %get3A_279 = arith.index_cast %scan3A_66 : i32 to index
      %get3A_280 = arith.constant 336 : index
      %get3A_281 = tpu.vector_load %arg5[%get3A_279, %get3A_280] {strides = array<i32>} : memref<64x768xf32, #tpu.memory_space<vmem>>, vector<1x16xf32>,
      %get3A_282 = vector.shape_cast %get3A_281 : vector<1x16xf32> to vector<16xf32>
      %mul3A_283 = arith.mulf %get3A_282, %get3A_69 : vector<16xf32>
      %swap3A_284 = arith.index_cast %scan3A_66 : i32 to index
      %swap3A_285 = arith.constant 336 : index
      %swap3A_286 = tpu.vector_load %arg5[%swap3A_284, %swap3A_285] {strides = array<i32>} : memref<64x768xf32, #tpu.memory_space<vmem>>, vector<1x16xf32>,
      %swap3A_287 = vector.shape_cast %swap3A_286 : vector<1x16xf32> to vector<16xf32>
      %swap3A_288 = vector.shape_cast %mul3A_283 : vector<16xf32> to vector<1x16xf32>
      tpu.vector_store %arg5[%swap3A_284, %swap3A_285], %swap3A_288 {strides = array<i32>} : memref<64x768xf32, #tpu.memory_space<vmem>>, vector<1x16xf32>,
      %get3A_289 = arith.index_cast %scan3A_66 : i32 to index
      %get3A_290 = arith.constant 352 : index
      %get3A_291 = tpu.vector_load %arg5[%get3A_289, %get3A_290] {strides = array<i32>} : memref<64x768xf32, #tpu.memory_space<vmem>>, vector<1x16xf32>,
      %get3A_292 = vector.shape_cast %get3A_291 : vector<1x16xf32> to vector<16xf32>
      %mul3A_293 = arith.mulf %get3A_292, %get3A_69 : vector<16xf32>
      %swap3A_294 = arith.index_cast %scan3A_66 : i32 to index
      %swap3A_295 = arith.constant 352 : index
      %swap3A_296 = tpu.vector_load %arg5[%swap3A_294, %swap3A_295] {strides = array<i32>} : memref<64x768xf32, #tpu.memory_space<vmem>>, vector<1x16xf32>,
      %swap3A_297 = vector.shape_cast %swap3A_296 : vector<1x16xf32> to vector<16xf32>
      %swap3A_298 = vector.shape_cast %mul3A_293 : vector<16xf32> to vector<1x16xf32>
      tpu.vector_store %arg5[%swap3A_294, %swap3A_295], %swap3A_298 {strides = array<i32>} : memref<64x768xf32, #tpu.memory_space<vmem>>, vector<1x16xf32>,
      %get3A_299 = arith.index_cast %scan3A_66 : i32 to index
      %get3A_300 = arith.constant 368 : index
      %get3A_301 = tpu.vector_load %arg5[%get3A_299, %get3A_300] {strides = array<i32>} : memref<64x768xf32, #tpu.memory_space<vmem>>, vector<1x16xf32>,
      %get3A_302 = vector.shape_cast %get3A_301 : vector<1x16xf32> to vector<16xf32>
      %mul3A_303 = arith.mulf %get3A_302, %get3A_69 : vector<16xf32>
      %swap3A_304 = arith.index_cast %scan3A_66 : i32 to index
      %swap3A_305 = arith.constant 368 : index
      %swap3A_306 = tpu.vector_load %arg5[%swap3A_304, %swap3A_305] {strides = array<i32>} : memref<64x768xf32, #tpu.memory_space<vmem>>, vector<1x16xf32>,
      %swap3A_307 = vector.shape_cast %swap3A_306 : vector<1x16xf32> to vector<16xf32>
      %swap3A_308 = vector.shape_cast %mul3A_303 : vector<16xf32> to vector<1x16xf32>
      tpu.vector_store %arg5[%swap3A_304, %swap3A_305], %swap3A_308 {strides = array<i32>} : memref<64x768xf32, #tpu.memory_space<vmem>>, vector<1x16xf32>,
      %get3A_309 = arith.index_cast %scan3A_66 : i32 to index
      %get3A_310 = arith.constant 384 : index
      %get3A_311 = tpu.vector_load %arg5[%get3A_309, %get3A_310] {strides = array<i32>} : memref<64x768xf32, #tpu.memory_space<vmem>>, vector<1x16xf32>,
      %get3A_312 = vector.shape_cast %get3A_311 : vector<1x16xf32> to vector<16xf32>
      %mul3A_313 = arith.mulf %get3A_312, %get3A_69 : vector<16xf32>
      %swap3A_314 = arith.index_cast %scan3A_66 : i32 to index
      %swap3A_315 = arith.constant 384 : index
      %swap3A_316 = tpu.vector_load %arg5[%swap3A_314, %swap3A_315] {strides = array<i32>} : memref<64x768xf32, #tpu.memory_space<vmem>>, vector<1x16xf32>,
      %swap3A_317 = vector.shape_cast %swap3A_316 : vector<1x16xf32> to vector<16xf32>
      %swap3A_318 = vector.shape_cast %mul3A_313 : vector<16xf32> to vector<1x16xf32>
      tpu.vector_store %arg5[%swap3A_314, %swap3A_315], %swap3A_318 {strides = array<i32>} : memref<64x768xf32, #tpu.memory_space<vmem>>, vector<1x16xf32>,
      %get3A_319 = arith.index_cast %scan3A_66 : i32 to index
      %get3A_320 = arith.constant 400 : index
      %get3A_321 = tpu.vector_load %arg5[%get3A_319, %get3A_320] {strides = array<i32>} : memref<64x768xf32, #tpu.memory_space<vmem>>, vector<1x16xf32>,
      %get3A_322 = vector.shape_cast %get3A_321 : vector<1x16xf32> to vector<16xf32>
      %mul3A_323 = arith.mulf %get3A_322, %get3A_69 : vector<16xf32>
      %swap3A_324 = arith.index_cast %scan3A_66 : i32 to index
      %swap3A_325 = arith.constant 400 : index
      %swap3A_326 = tpu.vector_load %arg5[%swap3A_324, %swap3A_325] {strides = array<i32>} : memref<64x768xf32, #tpu.memory_space<vmem>>, vector<1x16xf32>,
      %swap3A_327 = vector.shape_cast %swap3A_326 : vector<1x16xf32> to vector<16xf32>
      %swap3A_328 = vector.shape_cast %mul3A_323 : vector<16xf32> to vector<1x16xf32>
      tpu.vector_store %arg5[%swap3A_324, %swap3A_325], %swap3A_328 {strides = array<i32>} : memref<64x768xf32, #tpu.memory_space<vmem>>, vector<1x16xf32>,
      %get3A_329 = arith.index_cast %scan3A_66 : i32 to index
      %get3A_330 = arith.constant 416 : index
      %get3A_331 = tpu.vector_load %arg5[%get3A_329, %get3A_330] {strides = array<i32>} : memref<64x768xf32, #tpu.memory_space<vmem>>, vector<1x16xf32>,
      %get3A_332 = vector.shape_cast %get3A_331 : vector<1x16xf32> to vector<16xf32>
      %mul3A_333 = arith.mulf %get3A_332, %get3A_69 : vector<16xf32>
      %swap3A_334 = arith.index_cast %scan3A_66 : i32 to index
      %swap3A_335 = arith.constant 416 : index
      %swap3A_336 = tpu.vector_load %arg5[%swap3A_334, %swap3A_335] {strides = array<i32>} : memref<64x768xf32, #tpu.memory_space<vmem>>, vector<1x16xf32>,
      %swap3A_337 = vector.shape_cast %swap3A_336 : vector<1x16xf32> to vector<16xf32>
      %swap3A_338 = vector.shape_cast %mul3A_333 : vector<16xf32> to vector<1x16xf32>
      tpu.vector_store %arg5[%swap3A_334, %swap3A_335], %swap3A_338 {strides = array<i32>} : memref<64x768xf32, #tpu.memory_space<vmem>>, vector<1x16xf32>,
      %get3A_339 = arith.index_cast %scan3A_66 : i32 to index
      %get3A_340 = arith.constant 432 : index
      %get3A_341 = tpu.vector_load %arg5[%get3A_339, %get3A_340] {strides = array<i32>} : memref<64x768xf32, #tpu.memory_space<vmem>>, vector<1x16xf32>,
      %get3A_342 = vector.shape_cast %get3A_341 : vector<1x16xf32> to vector<16xf32>
      %mul3A_343 = arith.mulf %get3A_342, %get3A_69 : vector<16xf32>
      %swap3A_344 = arith.index_cast %scan3A_66 : i32 to index
      %swap3A_345 = arith.constant 432 : index
      %swap3A_346 = tpu.vector_load %arg5[%swap3A_344, %swap3A_345] {strides = array<i32>} : memref<64x768xf32, #tpu.memory_space<vmem>>, vector<1x16xf32>,
      %swap3A_347 = vector.shape_cast %swap3A_346 : vector<1x16xf32> to vector<16xf32>
      %swap3A_348 = vector.shape_cast %mul3A_343 : vector<16xf32> to vector<1x16xf32>
      tpu.vector_store %arg5[%swap3A_344, %swap3A_345], %swap3A_348 {strides = array<i32>} : memref<64x768xf32, #tpu.memory_space<vmem>>, vector<1x16xf32>,
      %get3A_349 = arith.index_cast %scan3A_66 : i32 to index
      %get3A_350 = arith.constant 448 : index
      %get3A_351 = tpu.vector_load %arg5[%get3A_349, %get3A_350] {strides = array<i32>} : memref<64x768xf32, #tpu.memory_space<vmem>>, vector<1x16xf32>,
      %get3A_352 = vector.shape_cast %get3A_351 : vector<1x16xf32> to vector<16xf32>
      %mul3A_353 = arith.mulf %get3A_352, %get3A_69 : vector<16xf32>
      %swap3A_354 = arith.index_cast %scan3A_66 : i32 to index
      %swap3A_355 = arith.constant 448 : index
      %swap3A_356 = tpu.vector_load %arg5[%swap3A_354, %swap3A_355] {strides = array<i32>} : memref<64x768xf32, #tpu.memory_space<vmem>>, vector<1x16xf32>,
      %swap3A_357 = vector.shape_cast %swap3A_356 : vector<1x16xf32> to vector<16xf32>
      %swap3A_358 = vector.shape_cast %mul3A_353 : vector<16xf32> to vector<1x16xf32>
      tpu.vector_store %arg5[%swap3A_354, %swap3A_355], %swap3A_358 {strides = array<i32>} : memref<64x768xf32, #tpu.memory_space<vmem>>, vector<1x16xf32>,
      %get3A_359 = arith.index_cast %scan3A_66 : i32 to index
      %get3A_360 = arith.constant 464 : index
      %get3A_361 = tpu.vector_load %arg5[%get3A_359, %get3A_360] {strides = array<i32>} : memref<64x768xf32, #tpu.memory_space<vmem>>, vector<1x16xf32>,
      %get3A_362 = vector.shape_cast %get3A_361 : vector<1x16xf32> to vector<16xf32>
      %mul3A_363 = arith.mulf %get3A_362, %get3A_69 : vector<16xf32>
      %swap3A_364 = arith.index_cast %scan3A_66 : i32 to index
      %swap3A_365 = arith.constant 464 : index
      %swap3A_366 = tpu.vector_load %arg5[%swap3A_364, %swap3A_365] {strides = array<i32>} : memref<64x768xf32, #tpu.memory_space<vmem>>, vector<1x16xf32>,
      %swap3A_367 = vector.shape_cast %swap3A_366 : vector<1x16xf32> to vector<16xf32>
      %swap3A_368 = vector.shape_cast %mul3A_363 : vector<16xf32> to vector<1x16xf32>
      tpu.vector_store %arg5[%swap3A_364, %swap3A_365], %swap3A_368 {strides = array<i32>} : memref<64x768xf32, #tpu.memory_space<vmem>>, vector<1x16xf32>,
      %get3A_369 = arith.index_cast %scan3A_66 : i32 to index
      %get3A_370 = arith.constant 480 : index
      %get3A_371 = tpu.vector_load %arg5[%get3A_369, %get3A_370] {strides = array<i32>} : memref<64x768xf32, #tpu.memory_space<vmem>>, vector<1x16xf32>,
      %get3A_372 = vector.shape_cast %get3A_371 : vector<1x16xf32> to vector<16xf32>
      %mul3A_373 = arith.mulf %get3A_372, %get3A_69 : vector<16xf32>
      %swap3A_374 = arith.index_cast %scan3A_66 : i32 to index
      %swap3A_375 = arith.constant 480 : index
      %swap3A_376 = tpu.vector_load %arg5[%swap3A_374, %swap3A_375] {strides = array<i32>} : memref<64x768xf32, #tpu.memory_space<vmem>>, vector<1x16xf32>,
      %swap3A_377 = vector.shape_cast %swap3A_376 : vector<1x16xf32> to vector<16xf32>
      %swap3A_378 = vector.shape_cast %mul3A_373 : vector<16xf32> to vector<1x16xf32>
      tpu.vector_store %arg5[%swap3A_374, %swap3A_375], %swap3A_378 {strides = array<i32>} : memref<64x768xf32, #tpu.memory_space<vmem>>, vector<1x16xf32>,
      %get3A_379 = arith.index_cast %scan3A_66 : i32 to index
      %get3A_380 = arith.constant 496 : index
      %get3A_381 = tpu.vector_load %arg5[%get3A_379, %get3A_380] {strides = array<i32>} : memref<64x768xf32, #tpu.memory_space<vmem>>, vector<1x16xf32>,
      %get3A_382 = vector.shape_cast %get3A_381 : vector<1x16xf32> to vector<16xf32>
      %mul3A_383 = arith.mulf %get3A_382, %get3A_69 : vector<16xf32>
      %swap3A_384 = arith.index_cast %scan3A_66 : i32 to index
      %swap3A_385 = arith.constant 496 : index
      %swap3A_386 = tpu.vector_load %arg5[%swap3A_384, %swap3A_385] {strides = array<i32>} : memref<64x768xf32, #tpu.memory_space<vmem>>, vector<1x16xf32>,
      %swap3A_387 = vector.shape_cast %swap3A_386 : vector<1x16xf32> to vector<16xf32>
      %swap3A_388 = vector.shape_cast %mul3A_383 : vector<16xf32> to vector<1x16xf32>
      tpu.vector_store %arg5[%swap3A_384, %swap3A_385], %swap3A_388 {strides = array<i32>} : memref<64x768xf32, #tpu.memory_space<vmem>>, vector<1x16xf32>,
      %get3A_389 = arith.index_cast %scan3A_66 : i32 to index
      %get3A_390 = arith.constant 512 : index
      %get3A_391 = tpu.vector_load %arg5[%get3A_389, %get3A_390] {strides = array<i32>} : memref<64x768xf32, #tpu.memory_space<vmem>>, vector<1x16xf32>,
      %get3A_392 = vector.shape_cast %get3A_391 : vector<1x16xf32> to vector<16xf32>
      %mul3A_393 = arith.mulf %get3A_392, %get3A_69 : vector<16xf32>
      %swap3A_394 = arith.index_cast %scan3A_66 : i32 to index
      %swap3A_395 = arith.constant 512 : index
      %swap3A_396 = tpu.vector_load %arg5[%swap3A_394, %swap3A_395] {strides = array<i32>} : memref<64x768xf32, #tpu.memory_space<vmem>>, vector<1x16xf32>,
      %swap3A_397 = vector.shape_cast %swap3A_396 : vector<1x16xf32> to vector<16xf32>
      %swap3A_398 = vector.shape_cast %mul3A_393 : vector<16xf32> to vector<1x16xf32>
      tpu.vector_store %arg5[%swap3A_394, %swap3A_395], %swap3A_398 {strides = array<i32>} : memref<64x768xf32, #tpu.memory_space<vmem>>, vector<1x16xf32>,
      %get3A_399 = arith.index_cast %scan3A_66 : i32 to index
      %get3A_400 = arith.constant 528 : index
      %get3A_401 = tpu.vector_load %arg5[%get3A_399, %get3A_400] {strides = array<i32>} : memref<64x768xf32, #tpu.memory_space<vmem>>, vector<1x16xf32>,
      %get3A_402 = vector.shape_cast %get3A_401 : vector<1x16xf32> to vector<16xf32>
      %mul3A_403 = arith.mulf %get3A_402, %get3A_69 : vector<16xf32>
      %swap3A_404 = arith.index_cast %scan3A_66 : i32 to index
      %swap3A_405 = arith.constant 528 : index
      %swap3A_406 = tpu.vector_load %arg5[%swap3A_404, %swap3A_405] {strides = array<i32>} : memref<64x768xf32, #tpu.memory_space<vmem>>, vector<1x16xf32>,
      %swap3A_407 = vector.shape_cast %swap3A_406 : vector<1x16xf32> to vector<16xf32>
      %swap3A_408 = vector.shape_cast %mul3A_403 : vector<16xf32> to vector<1x16xf32>
      tpu.vector_store %arg5[%swap3A_404, %swap3A_405], %swap3A_408 {strides = array<i32>} : memref<64x768xf32, #tpu.memory_space<vmem>>, vector<1x16xf32>,
      %get3A_409 = arith.index_cast %scan3A_66 : i32 to index
      %get3A_410 = arith.constant 544 : index
      %get3A_411 = tpu.vector_load %arg5[%get3A_409, %get3A_410] {strides = array<i32>} : memref<64x768xf32, #tpu.memory_space<vmem>>, vector<1x16xf32>,
      %get3A_412 = vector.shape_cast %get3A_411 : vector<1x16xf32> to vector<16xf32>
      %mul3A_413 = arith.mulf %get3A_412, %get3A_69 : vector<16xf32>
      %swap3A_414 = arith.index_cast %scan3A_66 : i32 to index
      %swap3A_415 = arith.constant 544 : index
      %swap3A_416 = tpu.vector_load %arg5[%swap3A_414, %swap3A_415] {strides = array<i32>} : memref<64x768xf32, #tpu.memory_space<vmem>>, vector<1x16xf32>,
      %swap3A_417 = vector.shape_cast %swap3A_416 : vector<1x16xf32> to vector<16xf32>
      %swap3A_418 = vector.shape_cast %mul3A_413 : vector<16xf32> to vector<1x16xf32>
      tpu.vector_store %arg5[%swap3A_414, %swap3A_415], %swap3A_418 {strides = array<i32>} : memref<64x768xf32, #tpu.memory_space<vmem>>, vector<1x16xf32>,
      %get3A_419 = arith.index_cast %scan3A_66 : i32 to index
      %get3A_420 = arith.constant 560 : index
      %get3A_421 = tpu.vector_load %arg5[%get3A_419, %get3A_420] {strides = array<i32>} : memref<64x768xf32, #tpu.memory_space<vmem>>, vector<1x16xf32>,
      %get3A_422 = vector.shape_cast %get3A_421 : vector<1x16xf32> to vector<16xf32>
      %mul3A_423 = arith.mulf %get3A_422, %get3A_69 : vector<16xf32>
      %swap3A_424 = arith.index_cast %scan3A_66 : i32 to index
      %swap3A_425 = arith.constant 560 : index
      %swap3A_426 = tpu.vector_load %arg5[%swap3A_424, %swap3A_425] {strides = array<i32>} : memref<64x768xf32, #tpu.memory_space<vmem>>, vector<1x16xf32>,
      %swap3A_427 = vector.shape_cast %swap3A_426 : vector<1x16xf32> to vector<16xf32>
      %swap3A_428 = vector.shape_cast %mul3A_423 : vector<16xf32> to vector<1x16xf32>
      tpu.vector_store %arg5[%swap3A_424, %swap3A_425], %swap3A_428 {strides = array<i32>} : memref<64x768xf32, #tpu.memory_space<vmem>>, vector<1x16xf32>,
      %get3A_429 = arith.index_cast %scan3A_66 : i32 to index
      %get3A_430 = arith.constant 576 : index
      %get3A_431 = tpu.vector_load %arg5[%get3A_429, %get3A_430] {strides = array<i32>} : memref<64x768xf32, #tpu.memory_space<vmem>>, vector<1x16xf32>,
      %get3A_432 = vector.shape_cast %get3A_431 : vector<1x16xf32> to vector<16xf32>
      %mul3A_433 = arith.mulf %get3A_432, %get3A_69 : vector<16xf32>
      %swap3A_434 = arith.index_cast %scan3A_66 : i32 to index
      %swap3A_435 = arith.constant 576 : index
      %swap3A_436 = tpu.vector_load %arg5[%swap3A_434, %swap3A_435] {strides = array<i32>} : memref<64x768xf32, #tpu.memory_space<vmem>>, vector<1x16xf32>,
      %swap3A_437 = vector.shape_cast %swap3A_436 : vector<1x16xf32> to vector<16xf32>
      %swap3A_438 = vector.shape_cast %mul3A_433 : vector<16xf32> to vector<1x16xf32>
      tpu.vector_store %arg5[%swap3A_434, %swap3A_435], %swap3A_438 {strides = array<i32>} : memref<64x768xf32, #tpu.memory_space<vmem>>, vector<1x16xf32>,
      %get3A_439 = arith.index_cast %scan3A_66 : i32 to index
      %get3A_440 = arith.constant 592 : index
      %get3A_441 = tpu.vector_load %arg5[%get3A_439, %get3A_440] {strides = array<i32>} : memref<64x768xf32, #tpu.memory_space<vmem>>, vector<1x16xf32>,
      %get3A_442 = vector.shape_cast %get3A_441 : vector<1x16xf32> to vector<16xf32>
      %mul3A_443 = arith.mulf %get3A_442, %get3A_69 : vector<16xf32>
      %swap3A_444 = arith.index_cast %scan3A_66 : i32 to index
      %swap3A_445 = arith.constant 592 : index
      %swap3A_446 = tpu.vector_load %arg5[%swap3A_444, %swap3A_445] {strides = array<i32>} : memref<64x768xf32, #tpu.memory_space<vmem>>, vector<1x16xf32>,
      %swap3A_447 = vector.shape_cast %swap3A_446 : vector<1x16xf32> to vector<16xf32>
      %swap3A_448 = vector.shape_cast %mul3A_443 : vector<16xf32> to vector<1x16xf32>
      tpu.vector_store %arg5[%swap3A_444, %swap3A_445], %swap3A_448 {strides = array<i32>} : memref<64x768xf32, #tpu.memory_space<vmem>>, vector<1x16xf32>,
      %get3A_449 = arith.index_cast %scan3A_66 : i32 to index
      %get3A_450 = arith.constant 608 : index
      %get3A_451 = tpu.vector_load %arg5[%get3A_449, %get3A_450] {strides = array<i32>} : memref<64x768xf32, #tpu.memory_space<vmem>>, vector<1x16xf32>,
      %get3A_452 = vector.shape_cast %get3A_451 : vector<1x16xf32> to vector<16xf32>
      %mul3A_453 = arith.mulf %get3A_452, %get3A_69 : vector<16xf32>
      %swap3A_454 = arith.index_cast %scan3A_66 : i32 to index
      %swap3A_455 = arith.constant 608 : index
      %swap3A_456 = tpu.vector_load %arg5[%swap3A_454, %swap3A_455] {strides = array<i32>} : memref<64x768xf32, #tpu.memory_space<vmem>>, vector<1x16xf32>,
      %swap3A_457 = vector.shape_cast %swap3A_456 : vector<1x16xf32> to vector<16xf32>
      %swap3A_458 = vector.shape_cast %mul3A_453 : vector<16xf32> to vector<1x16xf32>
      tpu.vector_store %arg5[%swap3A_454, %swap3A_455], %swap3A_458 {strides = array<i32>} : memref<64x768xf32, #tpu.memory_space<vmem>>, vector<1x16xf32>,
      %get3A_459 = arith.index_cast %scan3A_66 : i32 to index
      %get3A_460 = arith.constant 624 : index
      %get3A_461 = tpu.vector_load %arg5[%get3A_459, %get3A_460] {strides = array<i32>} : memref<64x768xf32, #tpu.memory_space<vmem>>, vector<1x16xf32>,
      %get3A_462 = vector.shape_cast %get3A_461 : vector<1x16xf32> to vector<16xf32>
      %mul3A_463 = arith.mulf %get3A_462, %get3A_69 : vector<16xf32>
      %swap3A_464 = arith.index_cast %scan3A_66 : i32 to index
      %swap3A_465 = arith.constant 624 : index
      %swap3A_466 = tpu.vector_load %arg5[%swap3A_464, %swap3A_465] {strides = array<i32>} : memref<64x768xf32, #tpu.memory_space<vmem>>, vector<1x16xf32>,
      %swap3A_467 = vector.shape_cast %swap3A_466 : vector<1x16xf32> to vector<16xf32>
      %swap3A_468 = vector.shape_cast %mul3A_463 : vector<16xf32> to vector<1x16xf32>
      tpu.vector_store %arg5[%swap3A_464, %swap3A_465], %swap3A_468 {strides = array<i32>} : memref<64x768xf32, #tpu.memory_space<vmem>>, vector<1x16xf32>,
      %get3A_469 = arith.index_cast %scan3A_66 : i32 to index
      %get3A_470 = arith.constant 640 : index
      %get3A_471 = tpu.vector_load %arg5[%get3A_469, %get3A_470] {strides = array<i32>} : memref<64x768xf32, #tpu.memory_space<vmem>>, vector<1x16xf32>,
      %get3A_472 = vector.shape_cast %get3A_471 : vector<1x16xf32> to vector<16xf32>
      %mul3A_473 = arith.mulf %get3A_472, %get3A_69 : vector<16xf32>
      %swap3A_474 = arith.index_cast %scan3A_66 : i32 to index
      %swap3A_475 = arith.constant 640 : index
      %swap3A_476 = tpu.vector_load %arg5[%swap3A_474, %swap3A_475] {strides = array<i32>} : memref<64x768xf32, #tpu.memory_space<vmem>>, vector<1x16xf32>,
      %swap3A_477 = vector.shape_cast %swap3A_476 : vector<1x16xf32> to vector<16xf32>
      %swap3A_478 = vector.shape_cast %mul3A_473 : vector<16xf32> to vector<1x16xf32>
      tpu.vector_store %arg5[%swap3A_474, %swap3A_475], %swap3A_478 {strides = array<i32>} : memref<64x768xf32, #tpu.memory_space<vmem>>, vector<1x16xf32>,
      %get3A_479 = arith.index_cast %scan3A_66 : i32 to index
      %get3A_480 = arith.constant 656 : index
      %get3A_481 = tpu.vector_load %arg5[%get3A_479, %get3A_480] {strides = array<i32>} : memref<64x768xf32, #tpu.memory_space<vmem>>, vector<1x16xf32>,
      %get3A_482 = vector.shape_cast %get3A_481 : vector<1x16xf32> to vector<16xf32>
      %mul3A_483 = arith.mulf %get3A_482, %get3A_69 : vector<16xf32>
      %swap3A_484 = arith.index_cast %scan3A_66 : i32 to index
      %swap3A_485 = arith.constant 656 : index
      %swap3A_486 = tpu.vector_load %arg5[%swap3A_484, %swap3A_485] {strides = array<i32>} : memref<64x768xf32, #tpu.memory_space<vmem>>, vector<1x16xf32>,
      %swap3A_487 = vector.shape_cast %swap3A_486 : vector<1x16xf32> to vector<16xf32>
      %swap3A_488 = vector.shape_cast %mul3A_483 : vector<16xf32> to vector<1x16xf32>
      tpu.vector_store %arg5[%swap3A_484, %swap3A_485], %swap3A_488 {strides = array<i32>} : memref<64x768xf32, #tpu.memory_space<vmem>>, vector<1x16xf32>,
      %get3A_489 = arith.index_cast %scan3A_66 : i32 to index
      %get3A_490 = arith.constant 672 : index
      %get3A_491 = tpu.vector_load %arg5[%get3A_489, %get3A_490] {strides = array<i32>} : memref<64x768xf32, #tpu.memory_space<vmem>>, vector<1x16xf32>,
      %get3A_492 = vector.shape_cast %get3A_491 : vector<1x16xf32> to vector<16xf32>
      %mul3A_493 = arith.mulf %get3A_492, %get3A_69 : vector<16xf32>
      %swap3A_494 = arith.index_cast %scan3A_66 : i32 to index
      %swap3A_495 = arith.constant 672 : index
      %swap3A_496 = tpu.vector_load %arg5[%swap3A_494, %swap3A_495] {strides = array<i32>} : memref<64x768xf32, #tpu.memory_space<vmem>>, vector<1x16xf32>,
      %swap3A_497 = vector.shape_cast %swap3A_496 : vector<1x16xf32> to vector<16xf32>
      %swap3A_498 = vector.shape_cast %mul3A_493 : vector<16xf32> to vector<1x16xf32>
      tpu.vector_store %arg5[%swap3A_494, %swap3A_495], %swap3A_498 {strides = array<i32>} : memref<64x768xf32, #tpu.memory_space<vmem>>, vector<1x16xf32>,
      %get3A_499 = arith.index_cast %scan3A_66 : i32 to index
      %get3A_500 = arith.constant 688 : index
      %get3A_501 = tpu.vector_load %arg5[%get3A_499, %get3A_500] {strides = array<i32>} : memref<64x768xf32, #tpu.memory_space<vmem>>, vector<1x16xf32>,
      %get3A_502 = vector.shape_cast %get3A_501 : vector<1x16xf32> to vector<16xf32>
      %mul3A_503 = arith.mulf %get3A_502, %get3A_69 : vector<16xf32>
      %swap3A_504 = arith.index_cast %scan3A_66 : i32 to index
      %swap3A_505 = arith.constant 688 : index
      %swap3A_506 = tpu.vector_load %arg5[%swap3A_504, %swap3A_505] {strides = array<i32>} : memref<64x768xf32, #tpu.memory_space<vmem>>, vector<1x16xf32>,
      %swap3A_507 = vector.shape_cast %swap3A_506 : vector<1x16xf32> to vector<16xf32>
      %swap3A_508 = vector.shape_cast %mul3A_503 : vector<16xf32> to vector<1x16xf32>
      tpu.vector_store %arg5[%swap3A_504, %swap3A_505], %swap3A_508 {strides = array<i32>} : memref<64x768xf32, #tpu.memory_space<vmem>>, vector<1x16xf32>,
      %get3A_509 = arith.index_cast %scan3A_66 : i32 to index
      %get3A_510 = arith.constant 704 : index
      %get3A_511 = tpu.vector_load %arg5[%get3A_509, %get3A_510] {strides = array<i32>} : memref<64x768xf32, #tpu.memory_space<vmem>>, vector<1x16xf32>,
      %get3A_512 = vector.shape_cast %get3A_511 : vector<1x16xf32> to vector<16xf32>
      %mul3A_513 = arith.mulf %get3A_512, %get3A_69 : vector<16xf32>
      %swap3A_514 = arith.index_cast %scan3A_66 : i32 to index
      %swap3A_515 = arith.constant 704 : index
      %swap3A_516 = tpu.vector_load %arg5[%swap3A_514, %swap3A_515] {strides = array<i32>} : memref<64x768xf32, #tpu.memory_space<vmem>>, vector<1x16xf32>,
      %swap3A_517 = vector.shape_cast %swap3A_516 : vector<1x16xf32> to vector<16xf32>
      %swap3A_518 = vector.shape_cast %mul3A_513 : vector<16xf32> to vector<1x16xf32>
      tpu.vector_store %arg5[%swap3A_514, %swap3A_515], %swap3A_518 {strides = array<i32>} : memref<64x768xf32, #tpu.memory_space<vmem>>, vector<1x16xf32>,
      %get3A_519 = arith.index_cast %scan3A_66 : i32 to index
      %get3A_520 = arith.constant 720 : index
      %get3A_521 = tpu.vector_load %arg5[%get3A_519, %get3A_520] {strides = array<i32>} : memref<64x768xf32, #tpu.memory_space<vmem>>, vector<1x16xf32>,
      %get3A_522 = vector.shape_cast %get3A_521 : vector<1x16xf32> to vector<16xf32>
      %mul3A_523 = arith.mulf %get3A_522, %get3A_69 : vector<16xf32>
      %swap3A_524 = arith.index_cast %scan3A_66 : i32 to index
      %swap3A_525 = arith.constant 720 : index
      %swap3A_526 = tpu.vector_load %arg5[%swap3A_524, %swap3A_525] {strides = array<i32>} : memref<64x768xf32, #tpu.memory_space<vmem>>, vector<1x16xf32>,
      %swap3A_527 = vector.shape_cast %swap3A_526 : vector<1x16xf32> to vector<16xf32>
      %swap3A_528 = vector.shape_cast %mul3A_523 : vector<16xf32> to vector<1x16xf32>
      tpu.vector_store %arg5[%swap3A_524, %swap3A_525], %swap3A_528 {strides = array<i32>} : memref<64x768xf32, #tpu.memory_space<vmem>>, vector<1x16xf32>,
      %get3A_529 = arith.index_cast %scan3A_66 : i32 to index
      %get3A_530 = arith.constant 736 : index
      %get3A_531 = tpu.vector_load %arg5[%get3A_529, %get3A_530] {strides = array<i32>} : memref<64x768xf32, #tpu.memory_space<vmem>>, vector<1x16xf32>,
      %get3A_532 = vector.shape_cast %get3A_531 : vector<1x16xf32> to vector<16xf32>
      %mul3A_533 = arith.mulf %get3A_532, %get3A_69 : vector<16xf32>
      %swap3A_534 = arith.index_cast %scan3A_66 : i32 to index
      %swap3A_535 = arith.constant 736 : index
      %swap3A_536 = tpu.vector_load %arg5[%swap3A_534, %swap3A_535] {strides = array<i32>} : memref<64x768xf32, #tpu.memory_space<vmem>>, vector<1x16xf32>,
      %swap3A_537 = vector.shape_cast %swap3A_536 : vector<1x16xf32> to vector<16xf32>
      %swap3A_538 = vector.shape_cast %mul3A_533 : vector<16xf32> to vector<1x16xf32>
      tpu.vector_store %arg5[%swap3A_534, %swap3A_535], %swap3A_538 {strides = array<i32>} : memref<64x768xf32, #tpu.memory_space<vmem>>, vector<1x16xf32>,
      %get3A_539 = arith.index_cast %scan3A_66 : i32 to index
      %get3A_540 = arith.constant 752 : index
      %get3A_541 = tpu.vector_load %arg5[%get3A_539, %get3A_540] {strides = array<i32>} : memref<64x768xf32, #tpu.memory_space<vmem>>, vector<1x16xf32>,
      %get3A_542 = vector.shape_cast %get3A_541 : vector<1x16xf32> to vector<16xf32>
      %mul3A_543 = arith.mulf %get3A_542, %get3A_69 : vector<16xf32>
      %swap3A_544 = arith.index_cast %scan3A_66 : i32 to index
      %swap3A_545 = arith.constant 752 : index
      %swap3A_546 = tpu.vector_load %arg5[%swap3A_544, %swap3A_545] {strides = array<i32>} : memref<64x768xf32, #tpu.memory_space<vmem>>, vector<1x16xf32>,
      %swap3A_547 = vector.shape_cast %swap3A_546 : vector<1x16xf32> to vector<16xf32>
      %swap3A_548 = vector.shape_cast %mul3A_543 : vector<16xf32> to vector<1x16xf32>
      tpu.vector_store %arg5[%swap3A_544, %swap3A_545], %swap3A_548 {strides = array<i32>} : memref<64x768xf32, #tpu.memory_space<vmem>>, vector<1x16xf32>,
    }
    %scan3A_57 = arith.constant 64 : i32
    "tpu.region"() ({
      %run_scoped3A = tpu.sem_alloc : memref<!tpu.dma_semaphore, #tpu.memory_space<semaphore_mem>>
      %dma_start3A = arith.constant 0 : i32
      %dma_start3A_66 = tpu.memref_slice %arg4[%add3A_51, %dma_start3A] : memref<16384x768xf32, #tpu.memory_space<hbm>> -> memref<64x768xf32, #tpu.memory_space<hbm>>
      %dma_start3A_67 = arith.constant 0 : i32
      %dma_start3A_68 = tpu.memref_slice %arg4[%add3A_51, %dma_start3A_67] : memref<16384x768xf32, #tpu.memory_space<hbm>> -> memref<64x768xf32, #tpu.memory_space<hbm>>
      tpu.enqueue_dma source(%arg5 : memref<64x768xf32, #tpu.memory_space<vmem>>) target(%dma_start3A_68 : memref<64x768xf32, #tpu.memory_space<hbm>>) target_semaphore(%run_scoped3A : memref<!tpu.dma_semaphore, #tpu.memory_space<semaphore_mem>>)
      %dma_wait3A = arith.constant 0 : i32
      %dma_wait3A_69 = tpu.memref_slice %arg4[%add3A_51, %dma_wait3A] : memref<16384x768xf32, #tpu.memory_space<hbm>> -> memref<64x768xf32, #tpu.memory_space<hbm>>
      %dma_wait3A_70 = arith.constant 0 : i32
      %dma_wait3A_71 = tpu.memref_slice %arg4[%add3A_51, %dma_wait3A_70] : memref<16384x768xf32, #tpu.memory_space<hbm>> -> memref<64x768xf32, #tpu.memory_space<hbm>>
      tpu.wait_dma2 semaphore(%run_scoped3A : memref<!tpu.dma_semaphore, #tpu.memory_space<semaphore_mem>>) src(%arg5 : memref<64x768xf32, #tpu.memory_space<vmem>>) dst(%dma_wait3A_71 : memref<64x768xf32, #tpu.memory_space<hbm>>)
      tpu.yield
    }) : () -> ()
    %add3A_58 = arith.constant 448 : i32
    %add3A_59 = arith.addi %mul3A_2, %add3A_58 : i32
    "tpu.region"() ({
      %run_scoped3A = tpu.sem_alloc : memref<!tpu.dma_semaphore, #tpu.memory_space<semaphore_mem>>
      %dma_start3A = arith.constant 0 : i32
      %dma_start3A_66 = tpu.memref_slice %arg2[%add3A_59, %dma_start3A] : memref<16384x768xf32, #tpu.memory_space<hbm>> -> memref<64x768xf32, #tpu.memory_space<hbm>>
      %dma_start3A_67 = arith.constant 0 : i32
      %dma_start3A_68 = tpu.memref_slice %arg2[%add3A_59, %dma_start3A_67] : memref<16384x768xf32, #tpu.memory_space<hbm>> -> memref<64x768xf32, #tpu.memory_space<hbm>>
      tpu.enqueue_dma source(%dma_start3A_68 : memref<64x768xf32, #tpu.memory_space<hbm>>) target(%arg5 : memref<64x768xf32, #tpu.memory_space<vmem>>) target_semaphore(%run_scoped3A : memref<!tpu.dma_semaphore, #tpu.memory_space<semaphore_mem>>)
      %dma_wait3A = arith.constant 0 : i32
      %dma_wait3A_69 = tpu.memref_slice %arg2[%add3A_59, %dma_wait3A] : memref<16384x768xf32, #tpu.memory_space<hbm>> -> memref<64x768xf32, #tpu.memory_space<hbm>>
      %dma_wait3A_70 = arith.constant 0 : i32
      %dma_wait3A_71 = tpu.memref_slice %arg2[%add3A_59, %dma_wait3A_70] : memref<16384x768xf32, #tpu.memory_space<hbm>> -> memref<64x768xf32, #tpu.memory_space<hbm>>
      tpu.wait_dma2 semaphore(%run_scoped3A : memref<!tpu.dma_semaphore, #tpu.memory_space<semaphore_mem>>) src(%dma_wait3A_71 : memref<64x768xf32, #tpu.memory_space<hbm>>) dst(%arg5 : memref<64x768xf32, #tpu.memory_space<vmem>>)
      tpu.yield
    }) : () -> ()
    "tpu.region"() ({
      %run_scoped3A = tpu.sem_alloc : memref<!tpu.dma_semaphore, #tpu.memory_space<semaphore_mem>>
      %dma_start3A = arith.constant 0 : i32
      %dma_start3A_66 = tpu.memref_slice %arg3[%add3A_59, %dma_start3A] : memref<16384x128xf32, #tpu.memory_space<hbm>> -> memref<64x128xf32, #tpu.memory_space<hbm>>
      %dma_start3A_67 = arith.constant 0 : i32
      %dma_start3A_68 = tpu.memref_slice %arg3[%add3A_59, %dma_start3A_67] : memref<16384x128xf32, #tpu.memory_space<hbm>> -> memref<64x128xf32, #tpu.memory_space<hbm>>
      tpu.enqueue_dma source(%dma_start3A_68 : memref<64x128xf32, #tpu.memory_space<hbm>>) target(%arg6 : memref<64x128xf32, #tpu.memory_space<vmem>>) target_semaphore(%run_scoped3A : memref<!tpu.dma_semaphore, #tpu.memory_space<semaphore_mem>>)
      %dma_wait3A = arith.constant 0 : i32
      %dma_wait3A_69 = tpu.memref_slice %arg3[%add3A_59, %dma_wait3A] : memref<16384x128xf32, #tpu.memory_space<hbm>> -> memref<64x128xf32, #tpu.memory_space<hbm>>
      %dma_wait3A_70 = arith.constant 0 : i32
      %dma_wait3A_71 = tpu.memref_slice %arg3[%add3A_59, %dma_wait3A_70] : memref<16384x128xf32, #tpu.memory_space<hbm>> -> memref<64x128xf32, #tpu.memory_space<hbm>>
      tpu.wait_dma2 semaphore(%run_scoped3A : memref<!tpu.dma_semaphore, #tpu.memory_space<semaphore_mem>>) src(%dma_wait3A_71 : memref<64x128xf32, #tpu.memory_space<hbm>>) dst(%arg6 : memref<64x128xf32, #tpu.memory_space<vmem>>)
      tpu.yield
    }) : () -> ()
    %scan3A_60 = arith.constant 0 : i32
    %scan3A_61 = arith.constant 0 : i32
    %scan3A_62 = arith.constant 64 : i32
    %scan3A_63 = arith.addi %scan3A_61, %scan3A_62 : i32
    %scan3A_64 = arith.constant 1 : i32
    scf.for %scan3A_66 = %scan3A_61 to %scan3A_63 step %scan3A_64  : i32 {
      %get3A = arith.index_cast %scan3A_66 : i32 to index
      %get3A_67 = arith.constant 0 : index
      %get3A_68 = tpu.vector_load %arg6[%get3A, %get3A_67] {strides = array<i32>} : memref<64x128xf32, #tpu.memory_space<vmem>>, vector<1x16xf32>,
      %get3A_69 = vector.shape_cast %get3A_68 : vector<1x16xf32> to vector<16xf32>
      %get3A_70 = arith.index_cast %scan3A_66 : i32 to index
      %get3A_71 = arith.constant 0 : index
      %get3A_72 = tpu.vector_load %arg5[%get3A_70, %get3A_71] {strides = array<i32>} : memref<64x768xf32, #tpu.memory_space<vmem>>, vector<1x16xf32>,
      %get3A_73 = vector.shape_cast %get3A_72 : vector<1x16xf32> to vector<16xf32>
      %mul3A_74 = arith.mulf %get3A_73, %get3A_69 : vector<16xf32>
      %swap3A = arith.index_cast %scan3A_66 : i32 to index
      %swap3A_75 = arith.constant 0 : index
      %swap3A_76 = tpu.vector_load %arg5[%swap3A, %swap3A_75] {strides = array<i32>} : memref<64x768xf32, #tpu.memory_space<vmem>>, vector<1x16xf32>,
      %swap3A_77 = vector.shape_cast %swap3A_76 : vector<1x16xf32> to vector<16xf32>
      %swap3A_78 = vector.shape_cast %mul3A_74 : vector<16xf32> to vector<1x16xf32>
      tpu.vector_store %arg5[%swap3A, %swap3A_75], %swap3A_78 {strides = array<i32>} : memref<64x768xf32, #tpu.memory_space<vmem>>, vector<1x16xf32>,
      %get3A_79 = arith.index_cast %scan3A_66 : i32 to index
      %get3A_80 = arith.constant 16 : index
      %get3A_81 = tpu.vector_load %arg5[%get3A_79, %get3A_80] {strides = array<i32>} : memref<64x768xf32, #tpu.memory_space<vmem>>, vector<1x16xf32>,
      %get3A_82 = vector.shape_cast %get3A_81 : vector<1x16xf32> to vector<16xf32>
      %mul3A_83 = arith.mulf %get3A_82, %get3A_69 : vector<16xf32>
      %swap3A_84 = arith.index_cast %scan3A_66 : i32 to index
      %swap3A_85 = arith.constant 16 : index
      %swap3A_86 = tpu.vector_load %arg5[%swap3A_84, %swap3A_85] {strides = array<i32>} : memref<64x768xf32, #tpu.memory_space<vmem>>, vector<1x16xf32>,
      %swap3A_87 = vector.shape_cast %swap3A_86 : vector<1x16xf32> to vector<16xf32>
      %swap3A_88 = vector.shape_cast %mul3A_83 : vector<16xf32> to vector<1x16xf32>
      tpu.vector_store %arg5[%swap3A_84, %swap3A_85], %swap3A_88 {strides = array<i32>} : memref<64x768xf32, #tpu.memory_space<vmem>>, vector<1x16xf32>,
      %get3A_89 = arith.index_cast %scan3A_66 : i32 to index
      %get3A_90 = arith.constant 32 : index
      %get3A_91 = tpu.vector_load %arg5[%get3A_89, %get3A_90] {strides = array<i32>} : memref<64x768xf32, #tpu.memory_space<vmem>>, vector<1x16xf32>,
      %get3A_92 = vector.shape_cast %get3A_91 : vector<1x16xf32> to vector<16xf32>
      %mul3A_93 = arith.mulf %get3A_92, %get3A_69 : vector<16xf32>
      %swap3A_94 = arith.index_cast %scan3A_66 : i32 to index
      %swap3A_95 = arith.constant 32 : index
      %swap3A_96 = tpu.vector_load %arg5[%swap3A_94, %swap3A_95] {strides = array<i32>} : memref<64x768xf32, #tpu.memory_space<vmem>>, vector<1x16xf32>,
      %swap3A_97 = vector.shape_cast %swap3A_96 : vector<1x16xf32> to vector<16xf32>
      %swap3A_98 = vector.shape_cast %mul3A_93 : vector<16xf32> to vector<1x16xf32>
      tpu.vector_store %arg5[%swap3A_94, %swap3A_95], %swap3A_98 {strides = array<i32>} : memref<64x768xf32, #tpu.memory_space<vmem>>, vector<1x16xf32>,
      %get3A_99 = arith.index_cast %scan3A_66 : i32 to index
      %get3A_100 = arith.constant 48 : index
      %get3A_101 = tpu.vector_load %arg5[%get3A_99, %get3A_100] {strides = array<i32>} : memref<64x768xf32, #tpu.memory_space<vmem>>, vector<1x16xf32>,
      %get3A_102 = vector.shape_cast %get3A_101 : vector<1x16xf32> to vector<16xf32>
      %mul3A_103 = arith.mulf %get3A_102, %get3A_69 : vector<16xf32>
      %swap3A_104 = arith.index_cast %scan3A_66 : i32 to index
      %swap3A_105 = arith.constant 48 : index
      %swap3A_106 = tpu.vector_load %arg5[%swap3A_104, %swap3A_105] {strides = array<i32>} : memref<64x768xf32, #tpu.memory_space<vmem>>, vector<1x16xf32>,
      %swap3A_107 = vector.shape_cast %swap3A_106 : vector<1x16xf32> to vector<16xf32>
      %swap3A_108 = vector.shape_cast %mul3A_103 : vector<16xf32> to vector<1x16xf32>
      tpu.vector_store %arg5[%swap3A_104, %swap3A_105], %swap3A_108 {strides = array<i32>} : memref<64x768xf32, #tpu.memory_space<vmem>>, vector<1x16xf32>,
      %get3A_109 = arith.index_cast %scan3A_66 : i32 to index
      %get3A_110 = arith.constant 64 : index
      %get3A_111 = tpu.vector_load %arg5[%get3A_109, %get3A_110] {strides = array<i32>} : memref<64x768xf32, #tpu.memory_space<vmem>>, vector<1x16xf32>,
      %get3A_112 = vector.shape_cast %get3A_111 : vector<1x16xf32> to vector<16xf32>
      %mul3A_113 = arith.mulf %get3A_112, %get3A_69 : vector<16xf32>
      %swap3A_114 = arith.index_cast %scan3A_66 : i32 to index
      %swap3A_115 = arith.constant 64 : index
      %swap3A_116 = tpu.vector_load %arg5[%swap3A_114, %swap3A_115] {strides = array<i32>} : memref<64x768xf32, #tpu.memory_space<vmem>>, vector<1x16xf32>,
      %swap3A_117 = vector.shape_cast %swap3A_116 : vector<1x16xf32> to vector<16xf32>
      %swap3A_118 = vector.shape_cast %mul3A_113 : vector<16xf32> to vector<1x16xf32>
      tpu.vector_store %arg5[%swap3A_114, %swap3A_115], %swap3A_118 {strides = array<i32>} : memref<64x768xf32, #tpu.memory_space<vmem>>, vector<1x16xf32>,
      %get3A_119 = arith.index_cast %scan3A_66 : i32 to index
      %get3A_120 = arith.constant 80 : index
      %get3A_121 = tpu.vector_load %arg5[%get3A_119, %get3A_120] {strides = array<i32>} : memref<64x768xf32, #tpu.memory_space<vmem>>, vector<1x16xf32>,
      %get3A_122 = vector.shape_cast %get3A_121 : vector<1x16xf32> to vector<16xf32>
      %mul3A_123 = arith.mulf %get3A_122, %get3A_69 : vector<16xf32>
      %swap3A_124 = arith.index_cast %scan3A_66 : i32 to index
      %swap3A_125 = arith.constant 80 : index
      %swap3A_126 = tpu.vector_load %arg5[%swap3A_124, %swap3A_125] {strides = array<i32>} : memref<64x768xf32, #tpu.memory_space<vmem>>, vector<1x16xf32>,
      %swap3A_127 = vector.shape_cast %swap3A_126 : vector<1x16xf32> to vector<16xf32>
      %swap3A_128 = vector.shape_cast %mul3A_123 : vector<16xf32> to vector<1x16xf32>
      tpu.vector_store %arg5[%swap3A_124, %swap3A_125], %swap3A_128 {strides = array<i32>} : memref<64x768xf32, #tpu.memory_space<vmem>>, vector<1x16xf32>,
      %get3A_129 = arith.index_cast %scan3A_66 : i32 to index
      %get3A_130 = arith.constant 96 : index
      %get3A_131 = tpu.vector_load %arg5[%get3A_129, %get3A_130] {strides = array<i32>} : memref<64x768xf32, #tpu.memory_space<vmem>>, vector<1x16xf32>,
      %get3A_132 = vector.shape_cast %get3A_131 : vector<1x16xf32> to vector<16xf32>
      %mul3A_133 = arith.mulf %get3A_132, %get3A_69 : vector<16xf32>
      %swap3A_134 = arith.index_cast %scan3A_66 : i32 to index
      %swap3A_135 = arith.constant 96 : index
      %swap3A_136 = tpu.vector_load %arg5[%swap3A_134, %swap3A_135] {strides = array<i32>} : memref<64x768xf32, #tpu.memory_space<vmem>>, vector<1x16xf32>,
      %swap3A_137 = vector.shape_cast %swap3A_136 : vector<1x16xf32> to vector<16xf32>
      %swap3A_138 = vector.shape_cast %mul3A_133 : vector<16xf32> to vector<1x16xf32>
      tpu.vector_store %arg5[%swap3A_134, %swap3A_135], %swap3A_138 {strides = array<i32>} : memref<64x768xf32, #tpu.memory_space<vmem>>, vector<1x16xf32>,
      %get3A_139 = arith.index_cast %scan3A_66 : i32 to index
      %get3A_140 = arith.constant 112 : index
      %get3A_141 = tpu.vector_load %arg5[%get3A_139, %get3A_140] {strides = array<i32>} : memref<64x768xf32, #tpu.memory_space<vmem>>, vector<1x16xf32>,
      %get3A_142 = vector.shape_cast %get3A_141 : vector<1x16xf32> to vector<16xf32>
      %mul3A_143 = arith.mulf %get3A_142, %get3A_69 : vector<16xf32>
      %swap3A_144 = arith.index_cast %scan3A_66 : i32 to index
      %swap3A_145 = arith.constant 112 : index
      %swap3A_146 = tpu.vector_load %arg5[%swap3A_144, %swap3A_145] {strides = array<i32>} : memref<64x768xf32, #tpu.memory_space<vmem>>, vector<1x16xf32>,
      %swap3A_147 = vector.shape_cast %swap3A_146 : vector<1x16xf32> to vector<16xf32>
      %swap3A_148 = vector.shape_cast %mul3A_143 : vector<16xf32> to vector<1x16xf32>
      tpu.vector_store %arg5[%swap3A_144, %swap3A_145], %swap3A_148 {strides = array<i32>} : memref<64x768xf32, #tpu.memory_space<vmem>>, vector<1x16xf32>,
      %get3A_149 = arith.index_cast %scan3A_66 : i32 to index
      %get3A_150 = arith.constant 128 : index
      %get3A_151 = tpu.vector_load %arg5[%get3A_149, %get3A_150] {strides = array<i32>} : memref<64x768xf32, #tpu.memory_space<vmem>>, vector<1x16xf32>,
      %get3A_152 = vector.shape_cast %get3A_151 : vector<1x16xf32> to vector<16xf32>
      %mul3A_153 = arith.mulf %get3A_152, %get3A_69 : vector<16xf32>
      %swap3A_154 = arith.index_cast %scan3A_66 : i32 to index
      %swap3A_155 = arith.constant 128 : index
      %swap3A_156 = tpu.vector_load %arg5[%swap3A_154, %swap3A_155] {strides = array<i32>} : memref<64x768xf32, #tpu.memory_space<vmem>>, vector<1x16xf32>,
      %swap3A_157 = vector.shape_cast %swap3A_156 : vector<1x16xf32> to vector<16xf32>
      %swap3A_158 = vector.shape_cast %mul3A_153 : vector<16xf32> to vector<1x16xf32>
      tpu.vector_store %arg5[%swap3A_154, %swap3A_155], %swap3A_158 {strides = array<i32>} : memref<64x768xf32, #tpu.memory_space<vmem>>, vector<1x16xf32>,
      %get3A_159 = arith.index_cast %scan3A_66 : i32 to index
      %get3A_160 = arith.constant 144 : index
      %get3A_161 = tpu.vector_load %arg5[%get3A_159, %get3A_160] {strides = array<i32>} : memref<64x768xf32, #tpu.memory_space<vmem>>, vector<1x16xf32>,
      %get3A_162 = vector.shape_cast %get3A_161 : vector<1x16xf32> to vector<16xf32>
      %mul3A_163 = arith.mulf %get3A_162, %get3A_69 : vector<16xf32>
      %swap3A_164 = arith.index_cast %scan3A_66 : i32 to index
      %swap3A_165 = arith.constant 144 : index
      %swap3A_166 = tpu.vector_load %arg5[%swap3A_164, %swap3A_165] {strides = array<i32>} : memref<64x768xf32, #tpu.memory_space<vmem>>, vector<1x16xf32>,
      %swap3A_167 = vector.shape_cast %swap3A_166 : vector<1x16xf32> to vector<16xf32>
      %swap3A_168 = vector.shape_cast %mul3A_163 : vector<16xf32> to vector<1x16xf32>
      tpu.vector_store %arg5[%swap3A_164, %swap3A_165], %swap3A_168 {strides = array<i32>} : memref<64x768xf32, #tpu.memory_space<vmem>>, vector<1x16xf32>,
      %get3A_169 = arith.index_cast %scan3A_66 : i32 to index
      %get3A_170 = arith.constant 160 : index
      %get3A_171 = tpu.vector_load %arg5[%get3A_169, %get3A_170] {strides = array<i32>} : memref<64x768xf32, #tpu.memory_space<vmem>>, vector<1x16xf32>,
      %get3A_172 = vector.shape_cast %get3A_171 : vector<1x16xf32> to vector<16xf32>
      %mul3A_173 = arith.mulf %get3A_172, %get3A_69 : vector<16xf32>
      %swap3A_174 = arith.index_cast %scan3A_66 : i32 to index
      %swap3A_175 = arith.constant 160 : index
      %swap3A_176 = tpu.vector_load %arg5[%swap3A_174, %swap3A_175] {strides = array<i32>} : memref<64x768xf32, #tpu.memory_space<vmem>>, vector<1x16xf32>,
      %swap3A_177 = vector.shape_cast %swap3A_176 : vector<1x16xf32> to vector<16xf32>
      %swap3A_178 = vector.shape_cast %mul3A_173 : vector<16xf32> to vector<1x16xf32>
      tpu.vector_store %arg5[%swap3A_174, %swap3A_175], %swap3A_178 {strides = array<i32>} : memref<64x768xf32, #tpu.memory_space<vmem>>, vector<1x16xf32>,
      %get3A_179 = arith.index_cast %scan3A_66 : i32 to index
      %get3A_180 = arith.constant 176 : index
      %get3A_181 = tpu.vector_load %arg5[%get3A_179, %get3A_180] {strides = array<i32>} : memref<64x768xf32, #tpu.memory_space<vmem>>, vector<1x16xf32>,
      %get3A_182 = vector.shape_cast %get3A_181 : vector<1x16xf32> to vector<16xf32>
      %mul3A_183 = arith.mulf %get3A_182, %get3A_69 : vector<16xf32>
      %swap3A_184 = arith.index_cast %scan3A_66 : i32 to index
      %swap3A_185 = arith.constant 176 : index
      %swap3A_186 = tpu.vector_load %arg5[%swap3A_184, %swap3A_185] {strides = array<i32>} : memref<64x768xf32, #tpu.memory_space<vmem>>, vector<1x16xf32>,
      %swap3A_187 = vector.shape_cast %swap3A_186 : vector<1x16xf32> to vector<16xf32>
      %swap3A_188 = vector.shape_cast %mul3A_183 : vector<16xf32> to vector<1x16xf32>
      tpu.vector_store %arg5[%swap3A_184, %swap3A_185], %swap3A_188 {strides = array<i32>} : memref<64x768xf32, #tpu.memory_space<vmem>>, vector<1x16xf32>,
      %get3A_189 = arith.index_cast %scan3A_66 : i32 to index
      %get3A_190 = arith.constant 192 : index
      %get3A_191 = tpu.vector_load %arg5[%get3A_189, %get3A_190] {strides = array<i32>} : memref<64x768xf32, #tpu.memory_space<vmem>>, vector<1x16xf32>,
      %get3A_192 = vector.shape_cast %get3A_191 : vector<1x16xf32> to vector<16xf32>
      %mul3A_193 = arith.mulf %get3A_192, %get3A_69 : vector<16xf32>
      %swap3A_194 = arith.index_cast %scan3A_66 : i32 to index
      %swap3A_195 = arith.constant 192 : index
      %swap3A_196 = tpu.vector_load %arg5[%swap3A_194, %swap3A_195] {strides = array<i32>} : memref<64x768xf32, #tpu.memory_space<vmem>>, vector<1x16xf32>,
      %swap3A_197 = vector.shape_cast %swap3A_196 : vector<1x16xf32> to vector<16xf32>
      %swap3A_198 = vector.shape_cast %mul3A_193 : vector<16xf32> to vector<1x16xf32>
      tpu.vector_store %arg5[%swap3A_194, %swap3A_195], %swap3A_198 {strides = array<i32>} : memref<64x768xf32, #tpu.memory_space<vmem>>, vector<1x16xf32>,
      %get3A_199 = arith.index_cast %scan3A_66 : i32 to index
      %get3A_200 = arith.constant 208 : index
      %get3A_201 = tpu.vector_load %arg5[%get3A_199, %get3A_200] {strides = array<i32>} : memref<64x768xf32, #tpu.memory_space<vmem>>, vector<1x16xf32>,
      %get3A_202 = vector.shape_cast %get3A_201 : vector<1x16xf32> to vector<16xf32>
      %mul3A_203 = arith.mulf %get3A_202, %get3A_69 : vector<16xf32>
      %swap3A_204 = arith.index_cast %scan3A_66 : i32 to index
      %swap3A_205 = arith.constant 208 : index
      %swap3A_206 = tpu.vector_load %arg5[%swap3A_204, %swap3A_205] {strides = array<i32>} : memref<64x768xf32, #tpu.memory_space<vmem>>, vector<1x16xf32>,
      %swap3A_207 = vector.shape_cast %swap3A_206 : vector<1x16xf32> to vector<16xf32>
      %swap3A_208 = vector.shape_cast %mul3A_203 : vector<16xf32> to vector<1x16xf32>
      tpu.vector_store %arg5[%swap3A_204, %swap3A_205], %swap3A_208 {strides = array<i32>} : memref<64x768xf32, #tpu.memory_space<vmem>>, vector<1x16xf32>,
      %get3A_209 = arith.index_cast %scan3A_66 : i32 to index
      %get3A_210 = arith.constant 224 : index
      %get3A_211 = tpu.vector_load %arg5[%get3A_209, %get3A_210] {strides = array<i32>} : memref<64x768xf32, #tpu.memory_space<vmem>>, vector<1x16xf32>,
      %get3A_212 = vector.shape_cast %get3A_211 : vector<1x16xf32> to vector<16xf32>
      %mul3A_213 = arith.mulf %get3A_212, %get3A_69 : vector<16xf32>
      %swap3A_214 = arith.index_cast %scan3A_66 : i32 to index
      %swap3A_215 = arith.constant 224 : index
      %swap3A_216 = tpu.vector_load %arg5[%swap3A_214, %swap3A_215] {strides = array<i32>} : memref<64x768xf32, #tpu.memory_space<vmem>>, vector<1x16xf32>,
      %swap3A_217 = vector.shape_cast %swap3A_216 : vector<1x16xf32> to vector<16xf32>
      %swap3A_218 = vector.shape_cast %mul3A_213 : vector<16xf32> to vector<1x16xf32>
      tpu.vector_store %arg5[%swap3A_214, %swap3A_215], %swap3A_218 {strides = array<i32>} : memref<64x768xf32, #tpu.memory_space<vmem>>, vector<1x16xf32>,
      %get3A_219 = arith.index_cast %scan3A_66 : i32 to index
      %get3A_220 = arith.constant 240 : index
      %get3A_221 = tpu.vector_load %arg5[%get3A_219, %get3A_220] {strides = array<i32>} : memref<64x768xf32, #tpu.memory_space<vmem>>, vector<1x16xf32>,
      %get3A_222 = vector.shape_cast %get3A_221 : vector<1x16xf32> to vector<16xf32>
      %mul3A_223 = arith.mulf %get3A_222, %get3A_69 : vector<16xf32>
      %swap3A_224 = arith.index_cast %scan3A_66 : i32 to index
      %swap3A_225 = arith.constant 240 : index
      %swap3A_226 = tpu.vector_load %arg5[%swap3A_224, %swap3A_225] {strides = array<i32>} : memref<64x768xf32, #tpu.memory_space<vmem>>, vector<1x16xf32>,
      %swap3A_227 = vector.shape_cast %swap3A_226 : vector<1x16xf32> to vector<16xf32>
      %swap3A_228 = vector.shape_cast %mul3A_223 : vector<16xf32> to vector<1x16xf32>
      tpu.vector_store %arg5[%swap3A_224, %swap3A_225], %swap3A_228 {strides = array<i32>} : memref<64x768xf32, #tpu.memory_space<vmem>>, vector<1x16xf32>,
      %get3A_229 = arith.index_cast %scan3A_66 : i32 to index
      %get3A_230 = arith.constant 256 : index
      %get3A_231 = tpu.vector_load %arg5[%get3A_229, %get3A_230] {strides = array<i32>} : memref<64x768xf32, #tpu.memory_space<vmem>>, vector<1x16xf32>,
      %get3A_232 = vector.shape_cast %get3A_231 : vector<1x16xf32> to vector<16xf32>
      %mul3A_233 = arith.mulf %get3A_232, %get3A_69 : vector<16xf32>
      %swap3A_234 = arith.index_cast %scan3A_66 : i32 to index
      %swap3A_235 = arith.constant 256 : index
      %swap3A_236 = tpu.vector_load %arg5[%swap3A_234, %swap3A_235] {strides = array<i32>} : memref<64x768xf32, #tpu.memory_space<vmem>>, vector<1x16xf32>,
      %swap3A_237 = vector.shape_cast %swap3A_236 : vector<1x16xf32> to vector<16xf32>
      %swap3A_238 = vector.shape_cast %mul3A_233 : vector<16xf32> to vector<1x16xf32>
      tpu.vector_store %arg5[%swap3A_234, %swap3A_235], %swap3A_238 {strides = array<i32>} : memref<64x768xf32, #tpu.memory_space<vmem>>, vector<1x16xf32>,
      %get3A_239 = arith.index_cast %scan3A_66 : i32 to index
      %get3A_240 = arith.constant 272 : index
      %get3A_241 = tpu.vector_load %arg5[%get3A_239, %get3A_240] {strides = array<i32>} : memref<64x768xf32, #tpu.memory_space<vmem>>, vector<1x16xf32>,
      %get3A_242 = vector.shape_cast %get3A_241 : vector<1x16xf32> to vector<16xf32>
      %mul3A_243 = arith.mulf %get3A_242, %get3A_69 : vector<16xf32>
      %swap3A_244 = arith.index_cast %scan3A_66 : i32 to index
      %swap3A_245 = arith.constant 272 : index
      %swap3A_246 = tpu.vector_load %arg5[%swap3A_244, %swap3A_245] {strides = array<i32>} : memref<64x768xf32, #tpu.memory_space<vmem>>, vector<1x16xf32>,
      %swap3A_247 = vector.shape_cast %swap3A_246 : vector<1x16xf32> to vector<16xf32>
      %swap3A_248 = vector.shape_cast %mul3A_243 : vector<16xf32> to vector<1x16xf32>
      tpu.vector_store %arg5[%swap3A_244, %swap3A_245], %swap3A_248 {strides = array<i32>} : memref<64x768xf32, #tpu.memory_space<vmem>>, vector<1x16xf32>,
      %get3A_249 = arith.index_cast %scan3A_66 : i32 to index
      %get3A_250 = arith.constant 288 : index
      %get3A_251 = tpu.vector_load %arg5[%get3A_249, %get3A_250] {strides = array<i32>} : memref<64x768xf32, #tpu.memory_space<vmem>>, vector<1x16xf32>,
      %get3A_252 = vector.shape_cast %get3A_251 : vector<1x16xf32> to vector<16xf32>
      %mul3A_253 = arith.mulf %get3A_252, %get3A_69 : vector<16xf32>
      %swap3A_254 = arith.index_cast %scan3A_66 : i32 to index
      %swap3A_255 = arith.constant 288 : index
      %swap3A_256 = tpu.vector_load %arg5[%swap3A_254, %swap3A_255] {strides = array<i32>} : memref<64x768xf32, #tpu.memory_space<vmem>>, vector<1x16xf32>,
      %swap3A_257 = vector.shape_cast %swap3A_256 : vector<1x16xf32> to vector<16xf32>
      %swap3A_258 = vector.shape_cast %mul3A_253 : vector<16xf32> to vector<1x16xf32>
      tpu.vector_store %arg5[%swap3A_254, %swap3A_255], %swap3A_258 {strides = array<i32>} : memref<64x768xf32, #tpu.memory_space<vmem>>, vector<1x16xf32>,
      %get3A_259 = arith.index_cast %scan3A_66 : i32 to index
      %get3A_260 = arith.constant 304 : index
      %get3A_261 = tpu.vector_load %arg5[%get3A_259, %get3A_260] {strides = array<i32>} : memref<64x768xf32, #tpu.memory_space<vmem>>, vector<1x16xf32>,
      %get3A_262 = vector.shape_cast %get3A_261 : vector<1x16xf32> to vector<16xf32>
      %mul3A_263 = arith.mulf %get3A_262, %get3A_69 : vector<16xf32>
      %swap3A_264 = arith.index_cast %scan3A_66 : i32 to index
      %swap3A_265 = arith.constant 304 : index
      %swap3A_266 = tpu.vector_load %arg5[%swap3A_264, %swap3A_265] {strides = array<i32>} : memref<64x768xf32, #tpu.memory_space<vmem>>, vector<1x16xf32>,
      %swap3A_267 = vector.shape_cast %swap3A_266 : vector<1x16xf32> to vector<16xf32>
      %swap3A_268 = vector.shape_cast %mul3A_263 : vector<16xf32> to vector<1x16xf32>
      tpu.vector_store %arg5[%swap3A_264, %swap3A_265], %swap3A_268 {strides = array<i32>} : memref<64x768xf32, #tpu.memory_space<vmem>>, vector<1x16xf32>,
      %get3A_269 = arith.index_cast %scan3A_66 : i32 to index
      %get3A_270 = arith.constant 320 : index
      %get3A_271 = tpu.vector_load %arg5[%get3A_269, %get3A_270] {strides = array<i32>} : memref<64x768xf32, #tpu.memory_space<vmem>>, vector<1x16xf32>,
      %get3A_272 = vector.shape_cast %get3A_271 : vector<1x16xf32> to vector<16xf32>
      %mul3A_273 = arith.mulf %get3A_272, %get3A_69 : vector<16xf32>
      %swap3A_274 = arith.index_cast %scan3A_66 : i32 to index
      %swap3A_275 = arith.constant 320 : index
      %swap3A_276 = tpu.vector_load %arg5[%swap3A_274, %swap3A_275] {strides = array<i32>} : memref<64x768xf32, #tpu.memory_space<vmem>>, vector<1x16xf32>,
      %swap3A_277 = vector.shape_cast %swap3A_276 : vector<1x16xf32> to vector<16xf32>
      %swap3A_278 = vector.shape_cast %mul3A_273 : vector<16xf32> to vector<1x16xf32>
      tpu.vector_store %arg5[%swap3A_274, %swap3A_275], %swap3A_278 {strides = array<i32>} : memref<64x768xf32, #tpu.memory_space<vmem>>, vector<1x16xf32>,
      %get3A_279 = arith.index_cast %scan3A_66 : i32 to index
      %get3A_280 = arith.constant 336 : index
      %get3A_281 = tpu.vector_load %arg5[%get3A_279, %get3A_280] {strides = array<i32>} : memref<64x768xf32, #tpu.memory_space<vmem>>, vector<1x16xf32>,
      %get3A_282 = vector.shape_cast %get3A_281 : vector<1x16xf32> to vector<16xf32>
      %mul3A_283 = arith.mulf %get3A_282, %get3A_69 : vector<16xf32>
      %swap3A_284 = arith.index_cast %scan3A_66 : i32 to index
      %swap3A_285 = arith.constant 336 : index
      %swap3A_286 = tpu.vector_load %arg5[%swap3A_284, %swap3A_285] {strides = array<i32>} : memref<64x768xf32, #tpu.memory_space<vmem>>, vector<1x16xf32>,
      %swap3A_287 = vector.shape_cast %swap3A_286 : vector<1x16xf32> to vector<16xf32>
      %swap3A_288 = vector.shape_cast %mul3A_283 : vector<16xf32> to vector<1x16xf32>
      tpu.vector_store %arg5[%swap3A_284, %swap3A_285], %swap3A_288 {strides = array<i32>} : memref<64x768xf32, #tpu.memory_space<vmem>>, vector<1x16xf32>,
      %get3A_289 = arith.index_cast %scan3A_66 : i32 to index
      %get3A_290 = arith.constant 352 : index
      %get3A_291 = tpu.vector_load %arg5[%get3A_289, %get3A_290] {strides = array<i32>} : memref<64x768xf32, #tpu.memory_space<vmem>>, vector<1x16xf32>,
      %get3A_292 = vector.shape_cast %get3A_291 : vector<1x16xf32> to vector<16xf32>
      %mul3A_293 = arith.mulf %get3A_292, %get3A_69 : vector<16xf32>
      %swap3A_294 = arith.index_cast %scan3A_66 : i32 to index
      %swap3A_295 = arith.constant 352 : index
      %swap3A_296 = tpu.vector_load %arg5[%swap3A_294, %swap3A_295] {strides = array<i32>} : memref<64x768xf32, #tpu.memory_space<vmem>>, vector<1x16xf32>,
      %swap3A_297 = vector.shape_cast %swap3A_296 : vector<1x16xf32> to vector<16xf32>
      %swap3A_298 = vector.shape_cast %mul3A_293 : vector<16xf32> to vector<1x16xf32>
      tpu.vector_store %arg5[%swap3A_294, %swap3A_295], %swap3A_298 {strides = array<i32>} : memref<64x768xf32, #tpu.memory_space<vmem>>, vector<1x16xf32>,
      %get3A_299 = arith.index_cast %scan3A_66 : i32 to index
      %get3A_300 = arith.constant 368 : index
      %get3A_301 = tpu.vector_load %arg5[%get3A_299, %get3A_300] {strides = array<i32>} : memref<64x768xf32, #tpu.memory_space<vmem>>, vector<1x16xf32>,
      %get3A_302 = vector.shape_cast %get3A_301 : vector<1x16xf32> to vector<16xf32>
      %mul3A_303 = arith.mulf %get3A_302, %get3A_69 : vector<16xf32>
      %swap3A_304 = arith.index_cast %scan3A_66 : i32 to index
      %swap3A_305 = arith.constant 368 : index
      %swap3A_306 = tpu.vector_load %arg5[%swap3A_304, %swap3A_305] {strides = array<i32>} : memref<64x768xf32, #tpu.memory_space<vmem>>, vector<1x16xf32>,
      %swap3A_307 = vector.shape_cast %swap3A_306 : vector<1x16xf32> to vector<16xf32>
      %swap3A_308 = vector.shape_cast %mul3A_303 : vector<16xf32> to vector<1x16xf32>
      tpu.vector_store %arg5[%swap3A_304, %swap3A_305], %swap3A_308 {strides = array<i32>} : memref<64x768xf32, #tpu.memory_space<vmem>>, vector<1x16xf32>,
      %get3A_309 = arith.index_cast %scan3A_66 : i32 to index
      %get3A_310 = arith.constant 384 : index
      %get3A_311 = tpu.vector_load %arg5[%get3A_309, %get3A_310] {strides = array<i32>} : memref<64x768xf32, #tpu.memory_space<vmem>>, vector<1x16xf32>,
      %get3A_312 = vector.shape_cast %get3A_311 : vector<1x16xf32> to vector<16xf32>
      %mul3A_313 = arith.mulf %get3A_312, %get3A_69 : vector<16xf32>
      %swap3A_314 = arith.index_cast %scan3A_66 : i32 to index
      %swap3A_315 = arith.constant 384 : index
      %swap3A_316 = tpu.vector_load %arg5[%swap3A_314, %swap3A_315] {strides = array<i32>} : memref<64x768xf32, #tpu.memory_space<vmem>>, vector<1x16xf32>,
      %swap3A_317 = vector.shape_cast %swap3A_316 : vector<1x16xf32> to vector<16xf32>
      %swap3A_318 = vector.shape_cast %mul3A_313 : vector<16xf32> to vector<1x16xf32>
      tpu.vector_store %arg5[%swap3A_314, %swap3A_315], %swap3A_318 {strides = array<i32>} : memref<64x768xf32, #tpu.memory_space<vmem>>, vector<1x16xf32>,
      %get3A_319 = arith.index_cast %scan3A_66 : i32 to index
      %get3A_320 = arith.constant 400 : index
      %get3A_321 = tpu.vector_load %arg5[%get3A_319, %get3A_320] {strides = array<i32>} : memref<64x768xf32, #tpu.memory_space<vmem>>, vector<1x16xf32>,
      %get3A_322 = vector.shape_cast %get3A_321 : vector<1x16xf32> to vector<16xf32>
      %mul3A_323 = arith.mulf %get3A_322, %get3A_69 : vector<16xf32>
      %swap3A_324 = arith.index_cast %scan3A_66 : i32 to index
      %swap3A_325 = arith.constant 400 : index
      %swap3A_326 = tpu.vector_load %arg5[%swap3A_324, %swap3A_325] {strides = array<i32>} : memref<64x768xf32, #tpu.memory_space<vmem>>, vector<1x16xf32>,
      %swap3A_327 = vector.shape_cast %swap3A_326 : vector<1x16xf32> to vector<16xf32>
      %swap3A_328 = vector.shape_cast %mul3A_323 : vector<16xf32> to vector<1x16xf32>
      tpu.vector_store %arg5[%swap3A_324, %swap3A_325], %swap3A_328 {strides = array<i32>} : memref<64x768xf32, #tpu.memory_space<vmem>>, vector<1x16xf32>,
      %get3A_329 = arith.index_cast %scan3A_66 : i32 to index
      %get3A_330 = arith.constant 416 : index
      %get3A_331 = tpu.vector_load %arg5[%get3A_329, %get3A_330] {strides = array<i32>} : memref<64x768xf32, #tpu.memory_space<vmem>>, vector<1x16xf32>,
      %get3A_332 = vector.shape_cast %get3A_331 : vector<1x16xf32> to vector<16xf32>
      %mul3A_333 = arith.mulf %get3A_332, %get3A_69 : vector<16xf32>
      %swap3A_334 = arith.index_cast %scan3A_66 : i32 to index
      %swap3A_335 = arith.constant 416 : index
      %swap3A_336 = tpu.vector_load %arg5[%swap3A_334, %swap3A_335] {strides = array<i32>} : memref<64x768xf32, #tpu.memory_space<vmem>>, vector<1x16xf32>,
      %swap3A_337 = vector.shape_cast %swap3A_336 : vector<1x16xf32> to vector<16xf32>
      %swap3A_338 = vector.shape_cast %mul3A_333 : vector<16xf32> to vector<1x16xf32>
      tpu.vector_store %arg5[%swap3A_334, %swap3A_335], %swap3A_338 {strides = array<i32>} : memref<64x768xf32, #tpu.memory_space<vmem>>, vector<1x16xf32>,
      %get3A_339 = arith.index_cast %scan3A_66 : i32 to index
      %get3A_340 = arith.constant 432 : index
      %get3A_341 = tpu.vector_load %arg5[%get3A_339, %get3A_340] {strides = array<i32>} : memref<64x768xf32, #tpu.memory_space<vmem>>, vector<1x16xf32>,
      %get3A_342 = vector.shape_cast %get3A_341 : vector<1x16xf32> to vector<16xf32>
      %mul3A_343 = arith.mulf %get3A_342, %get3A_69 : vector<16xf32>
      %swap3A_344 = arith.index_cast %scan3A_66 : i32 to index
      %swap3A_345 = arith.constant 432 : index
      %swap3A_346 = tpu.vector_load %arg5[%swap3A_344, %swap3A_345] {strides = array<i32>} : memref<64x768xf32, #tpu.memory_space<vmem>>, vector<1x16xf32>,
      %swap3A_347 = vector.shape_cast %swap3A_346 : vector<1x16xf32> to vector<16xf32>
      %swap3A_348 = vector.shape_cast %mul3A_343 : vector<16xf32> to vector<1x16xf32>
      tpu.vector_store %arg5[%swap3A_344, %swap3A_345], %swap3A_348 {strides = array<i32>} : memref<64x768xf32, #tpu.memory_space<vmem>>, vector<1x16xf32>,
      %get3A_349 = arith.index_cast %scan3A_66 : i32 to index
      %get3A_350 = arith.constant 448 : index
      %get3A_351 = tpu.vector_load %arg5[%get3A_349, %get3A_350] {strides = array<i32>} : memref<64x768xf32, #tpu.memory_space<vmem>>, vector<1x16xf32>,
      %get3A_352 = vector.shape_cast %get3A_351 : vector<1x16xf32> to vector<16xf32>
      %mul3A_353 = arith.mulf %get3A_352, %get3A_69 : vector<16xf32>
      %swap3A_354 = arith.index_cast %scan3A_66 : i32 to index
      %swap3A_355 = arith.constant 448 : index
      %swap3A_356 = tpu.vector_load %arg5[%swap3A_354, %swap3A_355] {strides = array<i32>} : memref<64x768xf32, #tpu.memory_space<vmem>>, vector<1x16xf32>,
      %swap3A_357 = vector.shape_cast %swap3A_356 : vector<1x16xf32> to vector<16xf32>
      %swap3A_358 = vector.shape_cast %mul3A_353 : vector<16xf32> to vector<1x16xf32>
      tpu.vector_store %arg5[%swap3A_354, %swap3A_355], %swap3A_358 {strides = array<i32>} : memref<64x768xf32, #tpu.memory_space<vmem>>, vector<1x16xf32>,
      %get3A_359 = arith.index_cast %scan3A_66 : i32 to index
      %get3A_360 = arith.constant 464 : index
      %get3A_361 = tpu.vector_load %arg5[%get3A_359, %get3A_360] {strides = array<i32>} : memref<64x768xf32, #tpu.memory_space<vmem>>, vector<1x16xf32>,
      %get3A_362 = vector.shape_cast %get3A_361 : vector<1x16xf32> to vector<16xf32>
      %mul3A_363 = arith.mulf %get3A_362, %get3A_69 : vector<16xf32>
      %swap3A_364 = arith.index_cast %scan3A_66 : i32 to index
      %swap3A_365 = arith.constant 464 : index
      %swap3A_366 = tpu.vector_load %arg5[%swap3A_364, %swap3A_365] {strides = array<i32>} : memref<64x768xf32, #tpu.memory_space<vmem>>, vector<1x16xf32>,
      %swap3A_367 = vector.shape_cast %swap3A_366 : vector<1x16xf32> to vector<16xf32>
      %swap3A_368 = vector.shape_cast %mul3A_363 : vector<16xf32> to vector<1x16xf32>
      tpu.vector_store %arg5[%swap3A_364, %swap3A_365], %swap3A_368 {strides = array<i32>} : memref<64x768xf32, #tpu.memory_space<vmem>>, vector<1x16xf32>,
      %get3A_369 = arith.index_cast %scan3A_66 : i32 to index
      %get3A_370 = arith.constant 480 : index
      %get3A_371 = tpu.vector_load %arg5[%get3A_369, %get3A_370] {strides = array<i32>} : memref<64x768xf32, #tpu.memory_space<vmem>>, vector<1x16xf32>,
      %get3A_372 = vector.shape_cast %get3A_371 : vector<1x16xf32> to vector<16xf32>
      %mul3A_373 = arith.mulf %get3A_372, %get3A_69 : vector<16xf32>
      %swap3A_374 = arith.index_cast %scan3A_66 : i32 to index
      %swap3A_375 = arith.constant 480 : index
      %swap3A_376 = tpu.vector_load %arg5[%swap3A_374, %swap3A_375] {strides = array<i32>} : memref<64x768xf32, #tpu.memory_space<vmem>>, vector<1x16xf32>,
      %swap3A_377 = vector.shape_cast %swap3A_376 : vector<1x16xf32> to vector<16xf32>
      %swap3A_378 = vector.shape_cast %mul3A_373 : vector<16xf32> to vector<1x16xf32>
      tpu.vector_store %arg5[%swap3A_374, %swap3A_375], %swap3A_378 {strides = array<i32>} : memref<64x768xf32, #tpu.memory_space<vmem>>, vector<1x16xf32>,
      %get3A_379 = arith.index_cast %scan3A_66 : i32 to index
      %get3A_380 = arith.constant 496 : index
      %get3A_381 = tpu.vector_load %arg5[%get3A_379, %get3A_380] {strides = array<i32>} : memref<64x768xf32, #tpu.memory_space<vmem>>, vector<1x16xf32>,
      %get3A_382 = vector.shape_cast %get3A_381 : vector<1x16xf32> to vector<16xf32>
      %mul3A_383 = arith.mulf %get3A_382, %get3A_69 : vector<16xf32>
      %swap3A_384 = arith.index_cast %scan3A_66 : i32 to index
      %swap3A_385 = arith.constant 496 : index
      %swap3A_386 = tpu.vector_load %arg5[%swap3A_384, %swap3A_385] {strides = array<i32>} : memref<64x768xf32, #tpu.memory_space<vmem>>, vector<1x16xf32>,
      %swap3A_387 = vector.shape_cast %swap3A_386 : vector<1x16xf32> to vector<16xf32>
      %swap3A_388 = vector.shape_cast %mul3A_383 : vector<16xf32> to vector<1x16xf32>
      tpu.vector_store %arg5[%swap3A_384, %swap3A_385], %swap3A_388 {strides = array<i32>} : memref<64x768xf32, #tpu.memory_space<vmem>>, vector<1x16xf32>,
      %get3A_389 = arith.index_cast %scan3A_66 : i32 to index
      %get3A_390 = arith.constant 512 : index
      %get3A_391 = tpu.vector_load %arg5[%get3A_389, %get3A_390] {strides = array<i32>} : memref<64x768xf32, #tpu.memory_space<vmem>>, vector<1x16xf32>,
      %get3A_392 = vector.shape_cast %get3A_391 : vector<1x16xf32> to vector<16xf32>
      %mul3A_393 = arith.mulf %get3A_392, %get3A_69 : vector<16xf32>
      %swap3A_394 = arith.index_cast %scan3A_66 : i32 to index
      %swap3A_395 = arith.constant 512 : index
      %swap3A_396 = tpu.vector_load %arg5[%swap3A_394, %swap3A_395] {strides = array<i32>} : memref<64x768xf32, #tpu.memory_space<vmem>>, vector<1x16xf32>,
      %swap3A_397 = vector.shape_cast %swap3A_396 : vector<1x16xf32> to vector<16xf32>
      %swap3A_398 = vector.shape_cast %mul3A_393 : vector<16xf32> to vector<1x16xf32>
      tpu.vector_store %arg5[%swap3A_394, %swap3A_395], %swap3A_398 {strides = array<i32>} : memref<64x768xf32, #tpu.memory_space<vmem>>, vector<1x16xf32>,
      %get3A_399 = arith.index_cast %scan3A_66 : i32 to index
      %get3A_400 = arith.constant 528 : index
      %get3A_401 = tpu.vector_load %arg5[%get3A_399, %get3A_400] {strides = array<i32>} : memref<64x768xf32, #tpu.memory_space<vmem>>, vector<1x16xf32>,
      %get3A_402 = vector.shape_cast %get3A_401 : vector<1x16xf32> to vector<16xf32>
      %mul3A_403 = arith.mulf %get3A_402, %get3A_69 : vector<16xf32>
      %swap3A_404 = arith.index_cast %scan3A_66 : i32 to index
      %swap3A_405 = arith.constant 528 : index
      %swap3A_406 = tpu.vector_load %arg5[%swap3A_404, %swap3A_405] {strides = array<i32>} : memref<64x768xf32, #tpu.memory_space<vmem>>, vector<1x16xf32>,
      %swap3A_407 = vector.shape_cast %swap3A_406 : vector<1x16xf32> to vector<16xf32>
      %swap3A_408 = vector.shape_cast %mul3A_403 : vector<16xf32> to vector<1x16xf32>
      tpu.vector_store %arg5[%swap3A_404, %swap3A_405], %swap3A_408 {strides = array<i32>} : memref<64x768xf32, #tpu.memory_space<vmem>>, vector<1x16xf32>,
      %get3A_409 = arith.index_cast %scan3A_66 : i32 to index
      %get3A_410 = arith.constant 544 : index
      %get3A_411 = tpu.vector_load %arg5[%get3A_409, %get3A_410] {strides = array<i32>} : memref<64x768xf32, #tpu.memory_space<vmem>>, vector<1x16xf32>,
      %get3A_412 = vector.shape_cast %get3A_411 : vector<1x16xf32> to vector<16xf32>
      %mul3A_413 = arith.mulf %get3A_412, %get3A_69 : vector<16xf32>
      %swap3A_414 = arith.index_cast %scan3A_66 : i32 to index
      %swap3A_415 = arith.constant 544 : index
      %swap3A_416 = tpu.vector_load %arg5[%swap3A_414, %swap3A_415] {strides = array<i32>} : memref<64x768xf32, #tpu.memory_space<vmem>>, vector<1x16xf32>,
      %swap3A_417 = vector.shape_cast %swap3A_416 : vector<1x16xf32> to vector<16xf32>
      %swap3A_418 = vector.shape_cast %mul3A_413 : vector<16xf32> to vector<1x16xf32>
      tpu.vector_store %arg5[%swap3A_414, %swap3A_415], %swap3A_418 {strides = array<i32>} : memref<64x768xf32, #tpu.memory_space<vmem>>, vector<1x16xf32>,
      %get3A_419 = arith.index_cast %scan3A_66 : i32 to index
      %get3A_420 = arith.constant 560 : index
      %get3A_421 = tpu.vector_load %arg5[%get3A_419, %get3A_420] {strides = array<i32>} : memref<64x768xf32, #tpu.memory_space<vmem>>, vector<1x16xf32>,
      %get3A_422 = vector.shape_cast %get3A_421 : vector<1x16xf32> to vector<16xf32>
      %mul3A_423 = arith.mulf %get3A_422, %get3A_69 : vector<16xf32>
      %swap3A_424 = arith.index_cast %scan3A_66 : i32 to index
      %swap3A_425 = arith.constant 560 : index
      %swap3A_426 = tpu.vector_load %arg5[%swap3A_424, %swap3A_425] {strides = array<i32>} : memref<64x768xf32, #tpu.memory_space<vmem>>, vector<1x16xf32>,
      %swap3A_427 = vector.shape_cast %swap3A_426 : vector<1x16xf32> to vector<16xf32>
      %swap3A_428 = vector.shape_cast %mul3A_423 : vector<16xf32> to vector<1x16xf32>
      tpu.vector_store %arg5[%swap3A_424, %swap3A_425], %swap3A_428 {strides = array<i32>} : memref<64x768xf32, #tpu.memory_space<vmem>>, vector<1x16xf32>,
      %get3A_429 = arith.index_cast %scan3A_66 : i32 to index
      %get3A_430 = arith.constant 576 : index
      %get3A_431 = tpu.vector_load %arg5[%get3A_429, %get3A_430] {strides = array<i32>} : memref<64x768xf32, #tpu.memory_space<vmem>>, vector<1x16xf32>,
      %get3A_432 = vector.shape_cast %get3A_431 : vector<1x16xf32> to vector<16xf32>
      %mul3A_433 = arith.mulf %get3A_432, %get3A_69 : vector<16xf32>
      %swap3A_434 = arith.index_cast %scan3A_66 : i32 to index
      %swap3A_435 = arith.constant 576 : index
      %swap3A_436 = tpu.vector_load %arg5[%swap3A_434, %swap3A_435] {strides = array<i32>} : memref<64x768xf32, #tpu.memory_space<vmem>>, vector<1x16xf32>,
      %swap3A_437 = vector.shape_cast %swap3A_436 : vector<1x16xf32> to vector<16xf32>
      %swap3A_438 = vector.shape_cast %mul3A_433 : vector<16xf32> to vector<1x16xf32>
      tpu.vector_store %arg5[%swap3A_434, %swap3A_435], %swap3A_438 {strides = array<i32>} : memref<64x768xf32, #tpu.memory_space<vmem>>, vector<1x16xf32>,
      %get3A_439 = arith.index_cast %scan3A_66 : i32 to index
      %get3A_440 = arith.constant 592 : index
      %get3A_441 = tpu.vector_load %arg5[%get3A_439, %get3A_440] {strides = array<i32>} : memref<64x768xf32, #tpu.memory_space<vmem>>, vector<1x16xf32>,
      %get3A_442 = vector.shape_cast %get3A_441 : vector<1x16xf32> to vector<16xf32>
      %mul3A_443 = arith.mulf %get3A_442, %get3A_69 : vector<16xf32>
      %swap3A_444 = arith.index_cast %scan3A_66 : i32 to index
      %swap3A_445 = arith.constant 592 : index
      %swap3A_446 = tpu.vector_load %arg5[%swap3A_444, %swap3A_445] {strides = array<i32>} : memref<64x768xf32, #tpu.memory_space<vmem>>, vector<1x16xf32>,
      %swap3A_447 = vector.shape_cast %swap3A_446 : vector<1x16xf32> to vector<16xf32>
      %swap3A_448 = vector.shape_cast %mul3A_443 : vector<16xf32> to vector<1x16xf32>
      tpu.vector_store %arg5[%swap3A_444, %swap3A_445], %swap3A_448 {strides = array<i32>} : memref<64x768xf32, #tpu.memory_space<vmem>>, vector<1x16xf32>,
      %get3A_449 = arith.index_cast %scan3A_66 : i32 to index
      %get3A_450 = arith.constant 608 : index
      %get3A_451 = tpu.vector_load %arg5[%get3A_449, %get3A_450] {strides = array<i32>} : memref<64x768xf32, #tpu.memory_space<vmem>>, vector<1x16xf32>,
      %get3A_452 = vector.shape_cast %get3A_451 : vector<1x16xf32> to vector<16xf32>
      %mul3A_453 = arith.mulf %get3A_452, %get3A_69 : vector<16xf32>
      %swap3A_454 = arith.index_cast %scan3A_66 : i32 to index
      %swap3A_455 = arith.constant 608 : index
      %swap3A_456 = tpu.vector_load %arg5[%swap3A_454, %swap3A_455] {strides = array<i32>} : memref<64x768xf32, #tpu.memory_space<vmem>>, vector<1x16xf32>,
      %swap3A_457 = vector.shape_cast %swap3A_456 : vector<1x16xf32> to vector<16xf32>
      %swap3A_458 = vector.shape_cast %mul3A_453 : vector<16xf32> to vector<1x16xf32>
      tpu.vector_store %arg5[%swap3A_454, %swap3A_455], %swap3A_458 {strides = array<i32>} : memref<64x768xf32, #tpu.memory_space<vmem>>, vector<1x16xf32>,
      %get3A_459 = arith.index_cast %scan3A_66 : i32 to index
      %get3A_460 = arith.constant 624 : index
      %get3A_461 = tpu.vector_load %arg5[%get3A_459, %get3A_460] {strides = array<i32>} : memref<64x768xf32, #tpu.memory_space<vmem>>, vector<1x16xf32>,
      %get3A_462 = vector.shape_cast %get3A_461 : vector<1x16xf32> to vector<16xf32>
      %mul3A_463 = arith.mulf %get3A_462, %get3A_69 : vector<16xf32>
      %swap3A_464 = arith.index_cast %scan3A_66 : i32 to index
      %swap3A_465 = arith.constant 624 : index
      %swap3A_466 = tpu.vector_load %arg5[%swap3A_464, %swap3A_465] {strides = array<i32>} : memref<64x768xf32, #tpu.memory_space<vmem>>, vector<1x16xf32>,
      %swap3A_467 = vector.shape_cast %swap3A_466 : vector<1x16xf32> to vector<16xf32>
      %swap3A_468 = vector.shape_cast %mul3A_463 : vector<16xf32> to vector<1x16xf32>
      tpu.vector_store %arg5[%swap3A_464, %swap3A_465], %swap3A_468 {strides = array<i32>} : memref<64x768xf32, #tpu.memory_space<vmem>>, vector<1x16xf32>,
      %get3A_469 = arith.index_cast %scan3A_66 : i32 to index
      %get3A_470 = arith.constant 640 : index
      %get3A_471 = tpu.vector_load %arg5[%get3A_469, %get3A_470] {strides = array<i32>} : memref<64x768xf32, #tpu.memory_space<vmem>>, vector<1x16xf32>,
      %get3A_472 = vector.shape_cast %get3A_471 : vector<1x16xf32> to vector<16xf32>
      %mul3A_473 = arith.mulf %get3A_472, %get3A_69 : vector<16xf32>
      %swap3A_474 = arith.index_cast %scan3A_66 : i32 to index
      %swap3A_475 = arith.constant 640 : index
      %swap3A_476 = tpu.vector_load %arg5[%swap3A_474, %swap3A_475] {strides = array<i32>} : memref<64x768xf32, #tpu.memory_space<vmem>>, vector<1x16xf32>,
      %swap3A_477 = vector.shape_cast %swap3A_476 : vector<1x16xf32> to vector<16xf32>
      %swap3A_478 = vector.shape_cast %mul3A_473 : vector<16xf32> to vector<1x16xf32>
      tpu.vector_store %arg5[%swap3A_474, %swap3A_475], %swap3A_478 {strides = array<i32>} : memref<64x768xf32, #tpu.memory_space<vmem>>, vector<1x16xf32>,
      %get3A_479 = arith.index_cast %scan3A_66 : i32 to index
      %get3A_480 = arith.constant 656 : index
      %get3A_481 = tpu.vector_load %arg5[%get3A_479, %get3A_480] {strides = array<i32>} : memref<64x768xf32, #tpu.memory_space<vmem>>, vector<1x16xf32>,
      %get3A_482 = vector.shape_cast %get3A_481 : vector<1x16xf32> to vector<16xf32>
      %mul3A_483 = arith.mulf %get3A_482, %get3A_69 : vector<16xf32>
      %swap3A_484 = arith.index_cast %scan3A_66 : i32 to index
      %swap3A_485 = arith.constant 656 : index
      %swap3A_486 = tpu.vector_load %arg5[%swap3A_484, %swap3A_485] {strides = array<i32>} : memref<64x768xf32, #tpu.memory_space<vmem>>, vector<1x16xf32>,
      %swap3A_487 = vector.shape_cast %swap3A_486 : vector<1x16xf32> to vector<16xf32>
      %swap3A_488 = vector.shape_cast %mul3A_483 : vector<16xf32> to vector<1x16xf32>
      tpu.vector_store %arg5[%swap3A_484, %swap3A_485], %swap3A_488 {strides = array<i32>} : memref<64x768xf32, #tpu.memory_space<vmem>>, vector<1x16xf32>,
      %get3A_489 = arith.index_cast %scan3A_66 : i32 to index
      %get3A_490 = arith.constant 672 : index
      %get3A_491 = tpu.vector_load %arg5[%get3A_489, %get3A_490] {strides = array<i32>} : memref<64x768xf32, #tpu.memory_space<vmem>>, vector<1x16xf32>,
      %get3A_492 = vector.shape_cast %get3A_491 : vector<1x16xf32> to vector<16xf32>
      %mul3A_493 = arith.mulf %get3A_492, %get3A_69 : vector<16xf32>
      %swap3A_494 = arith.index_cast %scan3A_66 : i32 to index
      %swap3A_495 = arith.constant 672 : index
      %swap3A_496 = tpu.vector_load %arg5[%swap3A_494, %swap3A_495] {strides = array<i32>} : memref<64x768xf32, #tpu.memory_space<vmem>>, vector<1x16xf32>,
      %swap3A_497 = vector.shape_cast %swap3A_496 : vector<1x16xf32> to vector<16xf32>
      %swap3A_498 = vector.shape_cast %mul3A_493 : vector<16xf32> to vector<1x16xf32>
      tpu.vector_store %arg5[%swap3A_494, %swap3A_495], %swap3A_498 {strides = array<i32>} : memref<64x768xf32, #tpu.memory_space<vmem>>, vector<1x16xf32>,
      %get3A_499 = arith.index_cast %scan3A_66 : i32 to index
      %get3A_500 = arith.constant 688 : index
      %get3A_501 = tpu.vector_load %arg5[%get3A_499, %get3A_500] {strides = array<i32>} : memref<64x768xf32, #tpu.memory_space<vmem>>, vector<1x16xf32>,
      %get3A_502 = vector.shape_cast %get3A_501 : vector<1x16xf32> to vector<16xf32>
      %mul3A_503 = arith.mulf %get3A_502, %get3A_69 : vector<16xf32>
      %swap3A_504 = arith.index_cast %scan3A_66 : i32 to index
      %swap3A_505 = arith.constant 688 : index
      %swap3A_506 = tpu.vector_load %arg5[%swap3A_504, %swap3A_505] {strides = array<i32>} : memref<64x768xf32, #tpu.memory_space<vmem>>, vector<1x16xf32>,
      %swap3A_507 = vector.shape_cast %swap3A_506 : vector<1x16xf32> to vector<16xf32>
      %swap3A_508 = vector.shape_cast %mul3A_503 : vector<16xf32> to vector<1x16xf32>
      tpu.vector_store %arg5[%swap3A_504, %swap3A_505], %swap3A_508 {strides = array<i32>} : memref<64x768xf32, #tpu.memory_space<vmem>>, vector<1x16xf32>,
      %get3A_509 = arith.index_cast %scan3A_66 : i32 to index
      %get3A_510 = arith.constant 704 : index
      %get3A_511 = tpu.vector_load %arg5[%get3A_509, %get3A_510] {strides = array<i32>} : memref<64x768xf32, #tpu.memory_space<vmem>>, vector<1x16xf32>,
      %get3A_512 = vector.shape_cast %get3A_511 : vector<1x16xf32> to vector<16xf32>
      %mul3A_513 = arith.mulf %get3A_512, %get3A_69 : vector<16xf32>
      %swap3A_514 = arith.index_cast %scan3A_66 : i32 to index
      %swap3A_515 = arith.constant 704 : index
      %swap3A_516 = tpu.vector_load %arg5[%swap3A_514, %swap3A_515] {strides = array<i32>} : memref<64x768xf32, #tpu.memory_space<vmem>>, vector<1x16xf32>,
      %swap3A_517 = vector.shape_cast %swap3A_516 : vector<1x16xf32> to vector<16xf32>
      %swap3A_518 = vector.shape_cast %mul3A_513 : vector<16xf32> to vector<1x16xf32>
      tpu.vector_store %arg5[%swap3A_514, %swap3A_515], %swap3A_518 {strides = array<i32>} : memref<64x768xf32, #tpu.memory_space<vmem>>, vector<1x16xf32>,
      %get3A_519 = arith.index_cast %scan3A_66 : i32 to index
      %get3A_520 = arith.constant 720 : index
      %get3A_521 = tpu.vector_load %arg5[%get3A_519, %get3A_520] {strides = array<i32>} : memref<64x768xf32, #tpu.memory_space<vmem>>, vector<1x16xf32>,
      %get3A_522 = vector.shape_cast %get3A_521 : vector<1x16xf32> to vector<16xf32>
      %mul3A_523 = arith.mulf %get3A_522, %get3A_69 : vector<16xf32>
      %swap3A_524 = arith.index_cast %scan3A_66 : i32 to index
      %swap3A_525 = arith.constant 720 : index
      %swap3A_526 = tpu.vector_load %arg5[%swap3A_524, %swap3A_525] {strides = array<i32>} : memref<64x768xf32, #tpu.memory_space<vmem>>, vector<1x16xf32>,
      %swap3A_527 = vector.shape_cast %swap3A_526 : vector<1x16xf32> to vector<16xf32>
      %swap3A_528 = vector.shape_cast %mul3A_523 : vector<16xf32> to vector<1x16xf32>
      tpu.vector_store %arg5[%swap3A_524, %swap3A_525], %swap3A_528 {strides = array<i32>} : memref<64x768xf32, #tpu.memory_space<vmem>>, vector<1x16xf32>,
      %get3A_529 = arith.index_cast %scan3A_66 : i32 to index
      %get3A_530 = arith.constant 736 : index
      %get3A_531 = tpu.vector_load %arg5[%get3A_529, %get3A_530] {strides = array<i32>} : memref<64x768xf32, #tpu.memory_space<vmem>>, vector<1x16xf32>,
      %get3A_532 = vector.shape_cast %get3A_531 : vector<1x16xf32> to vector<16xf32>
      %mul3A_533 = arith.mulf %get3A_532, %get3A_69 : vector<16xf32>
      %swap3A_534 = arith.index_cast %scan3A_66 : i32 to index
      %swap3A_535 = arith.constant 736 : index
      %swap3A_536 = tpu.vector_load %arg5[%swap3A_534, %swap3A_535] {strides = array<i32>} : memref<64x768xf32, #tpu.memory_space<vmem>>, vector<1x16xf32>,
      %swap3A_537 = vector.shape_cast %swap3A_536 : vector<1x16xf32> to vector<16xf32>
      %swap3A_538 = vector.shape_cast %mul3A_533 : vector<16xf32> to vector<1x16xf32>
      tpu.vector_store %arg5[%swap3A_534, %swap3A_535], %swap3A_538 {strides = array<i32>} : memref<64x768xf32, #tpu.memory_space<vmem>>, vector<1x16xf32>,
      %get3A_539 = arith.index_cast %scan3A_66 : i32 to index
      %get3A_540 = arith.constant 752 : index
      %get3A_541 = tpu.vector_load %arg5[%get3A_539, %get3A_540] {strides = array<i32>} : memref<64x768xf32, #tpu.memory_space<vmem>>, vector<1x16xf32>,
      %get3A_542 = vector.shape_cast %get3A_541 : vector<1x16xf32> to vector<16xf32>
      %mul3A_543 = arith.mulf %get3A_542, %get3A_69 : vector<16xf32>
      %swap3A_544 = arith.index_cast %scan3A_66 : i32 to index
      %swap3A_545 = arith.constant 752 : index
      %swap3A_546 = tpu.vector_load %arg5[%swap3A_544, %swap3A_545] {strides = array<i32>} : memref<64x768xf32, #tpu.memory_space<vmem>>, vector<1x16xf32>,
      %swap3A_547 = vector.shape_cast %swap3A_546 : vector<1x16xf32> to vector<16xf32>
      %swap3A_548 = vector.shape_cast %mul3A_543 : vector<16xf32> to vector<1x16xf32>
      tpu.vector_store %arg5[%swap3A_544, %swap3A_545], %swap3A_548 {strides = array<i32>} : memref<64x768xf32, #tpu.memory_space<vmem>>, vector<1x16xf32>,
    }
    %scan3A_65 = arith.constant 64 : i32
    "tpu.region"() ({
      %run_scoped3A = tpu.sem_alloc : memref<!tpu.dma_semaphore, #tpu.memory_space<semaphore_mem>>
      %dma_start3A = arith.constant 0 : i32
      %dma_start3A_66 = tpu.memref_slice %arg4[%add3A_59, %dma_start3A] : memref<16384x768xf32, #tpu.memory_space<hbm>> -> memref<64x768xf32, #tpu.memory_space<hbm>>
      %dma_start3A_67 = arith.constant 0 : i32
      %dma_start3A_68 = tpu.memref_slice %arg4[%add3A_59, %dma_start3A_67] : memref<16384x768xf32, #tpu.memory_space<hbm>> -> memref<64x768xf32, #tpu.memory_space<hbm>>
      tpu.enqueue_dma source(%arg5 : memref<64x768xf32, #tpu.memory_space<vmem>>) target(%dma_start3A_68 : memref<64x768xf32, #tpu.memory_space<hbm>>) target_semaphore(%run_scoped3A : memref<!tpu.dma_semaphore, #tpu.memory_space<semaphore_mem>>)
      %dma_wait3A = arith.constant 0 : i32
      %dma_wait3A_69 = tpu.memref_slice %arg4[%add3A_59, %dma_wait3A] : memref<16384x768xf32, #tpu.memory_space<hbm>> -> memref<64x768xf32, #tpu.memory_space<hbm>>
      %dma_wait3A_70 = arith.constant 0 : i32
      %dma_wait3A_71 = tpu.memref_slice %arg4[%add3A_59, %dma_wait3A_70] : memref<16384x768xf32, #tpu.memory_space<hbm>> -> memref<64x768xf32, #tpu.memory_space<hbm>>
      tpu.wait_dma2 semaphore(%run_scoped3A : memref<!tpu.dma_semaphore, #tpu.memory_space<semaphore_mem>>) src(%arg5 : memref<64x768xf32, #tpu.memory_space<vmem>>) dst(%dma_wait3A_71 : memref<64x768xf32, #tpu.memory_space<hbm>>)
      tpu.yield
    }) : () -> ()
    return
  }
}

module attributes {stable_mosaic.version = 14 : i64} {
  func.func @_weights_body(%arg0: memref<16384x8xf32, #tpu.memory_space<vmem>>, %arg1: memref<16384x8xf32, #tpu.memory_space<vmem>>, %arg2: memref<16384x128xf32, #tpu.memory_space<vmem>>, %arg3: memref<1x8xf32, #tpu.memory_space<vmem>>) attributes {dimension_semantics = [], scalar_prefetch = 0 : i64, scratch_operands = 0 : i64, tpu.core_type = #tpu.core_type<tc>} {
    %get3A = arith.constant 0 : index
    %get3A_0 = arith.constant 0 : index
    %get3A_1 = vector.load %arg1[%get3A, %get3A_0] : memref<16384x8xf32, #tpu.memory_space<vmem>>, vector<16384x8xf32>
    %get3A_2 = arith.constant 0 : index
    %get3A_3 = arith.constant 0 : index
    %get3A_4 = vector.load %arg0[%get3A_2, %get3A_3] : memref<16384x8xf32, #tpu.memory_space<vmem>>, vector<16384x8xf32>
    %mul3A = arith.mulf %get3A_4, %get3A_1 : vector<16384x8xf32>
    %reduce_sum3A = arith.constant dense<0.000000e+00> : vector<16384xf32>
    %reduce_sum3A_5 = vector.multi_reduction <add>, %mul3A, %reduce_sum3A [1] : vector<16384x8xf32> to vector<16384xf32>
    %broadcast_in_dim3A = vector.shape_cast %reduce_sum3A_5 : vector<16384xf32> to vector<16384x1xf32>
    %broadcast_in_dim3A_6 = vector.shape_cast %broadcast_in_dim3A : vector<16384x1xf32> to vector<16384x1xf32>
    %broadcast_in_dim3A_7 = vector.broadcast %broadcast_in_dim3A_6 : vector<16384x1xf32> to vector<16384x128xf32>
    %swap3A = arith.constant 0 : index
    %swap3A_8 = arith.constant 0 : index
    %swap3A_9 = vector.load %arg2[%swap3A, %swap3A_8] : memref<16384x128xf32, #tpu.memory_space<vmem>>, vector<16384x128xf32>
    tpu.vector_store %arg2[%swap3A, %swap3A_8], %broadcast_in_dim3A_7 {strides = array<i32>} : memref<16384x128xf32, #tpu.memory_space<vmem>>, vector<16384x128xf32>,
    %reduce_sum3A_10 = arith.constant dense<0.000000e+00> : vector<8xf32>
    %reduce_sum3A_11 = vector.multi_reduction <add>, %get3A_1, %reduce_sum3A_10 [0] : vector<16384x8xf32> to vector<8xf32>
    %broadcast_in_dim3A_12 = vector.shape_cast %reduce_sum3A_11 : vector<8xf32> to vector<1x8xf32>
    %swap3A_13 = arith.constant 0 : index
    %swap3A_14 = arith.constant 0 : index
    %swap3A_15 = vector.load %arg3[%swap3A_13, %swap3A_14] : memref<1x8xf32, #tpu.memory_space<vmem>>, vector<1x8xf32>
    tpu.vector_store %arg3[%swap3A_13, %swap3A_14], %broadcast_in_dim3A_12 {strides = array<i32>} : memref<1x8xf32, #tpu.memory_space<vmem>>, vector<1x8xf32>,
    return
  }
}

</mosaic_0001>

<sc_bundles>
// kernel: kernel.4.cloned.1.call-start
scs
__scs_entry_jumppad:
0x0: {  	(pc) =	sbr.rel $0x88, $3  }
0x1: {  	(tag) =	ssettag $0x0;
	lr =	simm.s32 $0x1  }
0x2: {  	[smem:$0x3F9E] =	sst lr;
	_ =	strace $0xD0000000  }
0x3: {  	_ = 	snop  }
0x4: {  	_ = 	snop  }
0x5: {  	_ = 	snop  }
0x6: {  	_ = 	snop  }
0x7: {  	_ = 	snop  }
__scs_overlays_trampoline_lowered:
0x8: {  	[smem:$0x3FAD] =	sst s0  }
0x9: {  	[smem:$0x3FAE] =	sst s1  }
0xa: {  	[smem:$0x3FAF] =	sst s2  }
0xb: {  	[smem:$0x3FB0] =	sst s3  }
0xc: {  	[smem:$0x3FB1] =	sst s4  }
0xd: {  	[smem:$0x3FB2] =	sst s5  }
0xe: {  	[smem:$0x3FB3] =	sst s6  }
0xf: {  	[smem:$0x3FB4] =	sst s7  }
0x10: {  	[smem:$0x3FB5] =	sst s8  }
0x11: {  	[smem:$0x3FB6] =	sst s9;
	s0 =	simm.s32 @!p0 $0x0  }
0x12: {  	s1 =	sld [smem:$0x3F9C];
	s0 =	simm.s32 @p0 $0x1  }
0x13: {  	[smem:$0x3FB7] =	sst s0;
	s0 =	simm.s32 @!p1 $0x0  }
0x14: {  	s2 =	sld [smem:$0x3F9B];
	s0 =	simm.s32 @p1 $0x1  }
0x15: {  	[smem:$0x3FB8] =	sst s0;
	s0 =	simm.s32 @!p2 $0x0  }
0x16: {  	s3 =	sld [smem:$0x3FDB];
	s0 =	simm.s32 @p2 $0x1  }
0x17: {  	s4 =	simm.s32 $0x1BF5;
	[smem:$0x3FBA] =	sst s0  }
0x18: {  	s0 =	sld [smem:$0x3F9D];
	_ =	swait.ge [sflag:s4], $0x0  }
0x19: {  	s7 =	sld [smem:$0x3F9E]  }
0x1a: {  	s8 =	sadd.s32 $0xFFFFE003, lr  }
0x1b: {  	s9 =	sadd.s32 $0xFFFFFEF7, lr;
	s5 =	simm.s32 $0xFFFFFFFF;
	p2 =	slt.u32 s8, $0xFFFFF086  }
0x1c: {  	p1 =	slt.u32 s9, $0xF7A;
	s5 =	simm.s32 @!p2 $0x0  }
0x1d: {  	s5 =	simm.s32 @p1 $0x1;
	p0 =	seq.s32 s7, s2  }
0x1e: {  	s7 =	smul.u32 @!p0 $0xF7A, s2;
	p2 =	seq.s32 @!p0 s5, $0x0  }
0x1f: {  	s9 =	smul.u32 $0xF7A, s1;
	s8 =	simm.s32 @!p0 $0x1BF5;
	p2 =	por !p2, p0  }
0x20: {  	[sflag:s8] =	ssyncset.s32 @!p0 $0xFFFFF086;
	s6 =	sadd.s32 @!p0 s3, s7;
	s7 =	simm.s32 @!p0 $0x108  }
0x21: {  	s3 =	sadd.s32 s3, s9;
	s6 =	sadd.s32 @!p0 $0x88, s6;
	s7 =	simm.s32 @p2 $0x1082  }
0x22: {  	[simem:s7], [sflag:s8] =	dma.local @!p0 [hbm:s6], $0xF7A  }
0x23: {  	s9 =	sor.u32 $0xD0000000, s2;
	s6 =	simm.s32 $0x108;
	_ =	swait.ge @!p0 [sflag:s8], $0x0  }
0x24: {  	s3 =	sadd.s32 $0x88, s3;
	s6 =	simm.s32 @!p1 $0x1082;
	[sflag:s4] =	ssyncset.s32 $0xFFFFF086  }
0x25: {  	[simem:s6], [sflag:s4] =	dma.local [hbm:s3], $0xF7A  }
0x26: {  	[smem:$0x3F9E] =	sst s1;
	(tag) =	ssettag s2;
	_ =	strace s9  }
0x27: {  	s1 =	sld [smem:$0x3FAE]  }
0x28: {  	s2 =	sld [smem:$0x3FAF]  }
0x29: {  	s4 =	sld [smem:$0x3FB1]  }
0x2a: {  	p0 =	seq.s32 s5, $0x0;
	s5 =	sld [smem:$0x3FB2]  }
0x2b: {  	s6 =	sld [smem:$0x3FB3]  }
0x2c: {  	s7 =	sld [smem:$0x3FB4]  }
0x2d: {  	s3 =	simm.s32 $0x108;
	s8 =	sld [smem:$0x3FB5]  }
0x2e: {  	s3 =	simm.s32 @!p0 $0x1082;
	s9 =	sld [smem:$0x3FB6]  }
0x2f: {  	lr =	sadd.s32 s0, s3;
	s0 =	sld [smem:$0x3FAD]  }
0x30: {  	s3 =	sld [smem:$0x3FB0]  }
0x31: {  	[smem:$0x3FB9] =	sst s10  }
0x32: {  	s10 =	sld [smem:$0x3FB7];
	_ =	sdelay $0x3  }
0x33: {  	p0 =	seq.s32 s10, $0x1;
	s10 =	sld [smem:$0x3FB9];
	_ =	sdelay $0x3  }
0x34: {  	[smem:$0x3FB9] =	sst s10  }
0x35: {  	s10 =	sld [smem:$0x3FB8];
	_ =	sdelay $0x3  }
0x36: {  	p1 =	seq.s32 s10, $0x1;
	s10 =	sld [smem:$0x3FB9];
	_ =	sdelay $0x3  }
0x37: {  	[smem:$0x3FB9] =	sst s10  }
0x38: {  	s10 =	sld [smem:$0x3FBA]  }
0x39: {  	_ = 	snop;
	(pc) =	sbr.ind lr, $3  }
0x3a: {  	_ = 	snop  }
0x3b: {  	_ = 	snop  }
0x3c: {  	p2 =	seq.s32 s10, $0x1;
	s10 =	sld [smem:$0x3FB9]  }
0x3d: {  	_ =	shalt  }
0x3e: {  	_ =	shalt  }
0x3f: {  	_ =	shalt  }
0x40: {  	_ =	shalt  }
0x41: {  	_ =	shalt  }
0x42: {  	_ =	shalt  }
0x43: {  	_ =	shalt  }
0x44: {  	_ =	shalt  }
0x45: {  	_ =	shalt  }
0x46: {  	_ =	shalt  }
0x47: {  	_ =	shalt  }
0x48: {  	_ =	shalt  }
0x49: {  	_ =	shalt  }
0x4a: {  	_ =	shalt  }
0x4b: {  	_ =	shalt  }
0x4c: {  	_ =	shalt  }
0x4d: {  	_ =	shalt  }
0x4e: {  	_ =	shalt  }
0x4f: {  	_ =	shalt  }
0x50: {  	_ =	shalt  }
0x51: {  	_ =	shalt  }
0x52: {  	_ =	shalt  }
0x53: {  	_ =	shalt  }
0x54: {  	_ =	shalt  }
0x55: {  	_ =	shalt  }
0x56: {  	_ =	shalt  }
0x57: {  	_ =	shalt  }
0x58: {  	_ =	shalt  }
0x59: {  	_ =	shalt  }
0x5a: {  	_ =	shalt  }
0x5b: {  	_ =	shalt  }
0x5c: {  	_ =	shalt  }
0x5d: {  	_ =	shalt  }
0x5e: {  	_ =	shalt  }
0x5f: {  	_ =	shalt  }
0x60: {  	_ =	shalt  }
0x61: {  	_ =	shalt  }
0x62: {  	_ =	shalt  }
0x63: {  	_ =	shalt  }
0x64: {  	_ =	shalt  }
0x65: {  	_ =	shalt  }
0x66: {  	_ =	shalt  }
0x67: {  	_ =	shalt  }
0x68: {  	_ =	shalt  }
0x69: {  	_ =	shalt  }
0x6a: {  	_ =	shalt  }
0x6b: {  	_ =	shalt  }
0x6c: {  	_ =	shalt  }
0x6d: {  	_ =	shalt  }
0x6e: {  	_ =	shalt  }
0x6f: {  	_ =	shalt  }
0x70: {  	_ =	shalt  }
0x71: {  	_ =	shalt  }
0x72: {  	_ =	shalt  }
0x73: {  	_ =	shalt  }
0x74: {  	_ =	shalt  }
0x75: {  	_ =	shalt  }
0x76: {  	_ =	shalt  }
0x77: {  	_ =	shalt  }
0x78: {  	_ =	shalt  }
0x79: {  	_ =	shalt  }
0x7a: {  	_ =	shalt  }
0x7b: {  	_ =	shalt  }
0x7c: {  	_ =	shalt  }
0x7d: {  	_ =	shalt  }
0x7e: {  	_ =	shalt  }
0x7f: {  	_ =	shalt  }
0x80: {  	_ =	shalt  }
0x81: {  	_ =	shalt  }
0x82: {  	_ =	shalt  }
0x83: {  	_ =	shalt  }
0x84: {  	_ =	shalt  }
0x85: {  	_ =	shalt  }
0x86: {  	_ =	shalt  }
0x87: {  	_ =	shalt  }
.Lfunc_end0:
.L_simem_size_0:
called_computation_lowered:
.L_overlay_start_0:
0x88: {  	s2 =	sld [smem:$0x3FD9]  }
0x89: {  	s3 =	sld [smem:$0x3FFE];
	_ =	sdelay $0x1  }
0x8a: {  	s1 =	srdreg.scid  }
0x8b: {  	s0 =	sand.u32 $0x1, s1  }
0x8c: {  	s14 =	sshll.u32 s0, $0xA;
	s2 =	sadd.s32 s3, s2  }
0x8d: {  	s2 =	sadd.s32 s2, s14  }
0x8e: {  	[smem:$0x3FC5] =	sst s2  }
0x8f: {  	_ = 	snop  }
0x90: {  	s2 =	sld [smem:$0x3FD0];
	_ =	sdelay $0x2  }
0x91: {  	s15 =	simm.s32 $0xA;
	s4 =	simm.s32 $0x10  }
0x92: {  	[smem:s4], [sflag:s15] =	dma.local [hbm:s2], $0x1  }
0x93: {  	_ =	swait.eq [sflag:s15], $0x1  }
0x94: {  	[sflag:s15] =	ssyncset.done $0x0  }
0x95: {  	[sflag:s15] =	ssyncadd.s32 $0xFFFFFFFF  }
0x96: {  	s16 =	sld [smem:$0x10];
	(tm) =	ssettm $0x1  }
0x97: {  	s17 =	sld [smem:$0x3FFB];
	_ =	sdelay $0x3  }
0x98: {  	_ =	strace s17  }
0x99: {  	s3 =	sld [smem:$0x3FFC];
	_ =	sdelay $0x3  }
0x9a: {  	_ =	strace s3  }
0x9b: {  	s3 =	sld [smem:$0x3FFD];
	_ =	sdelay $0x3  }
0x9c: {  	_ =	strace s3  }
0x9d: {  	_ =	strace $0x8FFFFFFF  }
0x9e: {  	s18 =	sld [smem:$0x3FDB];
	_ =	sdelay $0x1  }
0x9f: {  	s19 =	simm.s32 $_scs_section_size  }
0xa0: {  	s5 =	simm.s32 $_size__tile_overlayer_lowered;
	s6 =	simm.s32 $_tile_overlayer_lowered  }
0xa1: {  	s22 =	simm.s32 $0x1BFF;
	s21 =	sshll.u32 s6, $0x1;
	s3 =	sadd.s32 s19, s18  }
0xa2: {  	s7 =	simm.s32 $0x0;
	s20 =	sshll.u32 s5, $0x1;
	s5 =	sadd.s32 s21, s3  }
0xa3: {  	[timem:s7], [sflag:s22] =	dma.local [hbm:s5], s20  }
0xa4: {  	_ =	swait.ge [sflag:s22], s20  }
0xa5: {  	s4 =	ssub.s32 $0x0, s20;
	[sflag:s22] =	ssyncset.done $0x0  }
0xa6: {  	[sflag:s22] =	ssyncadd.s32 s4;
	_ =	sdelay $0x1  }
0xa7: {  	s23 =	simm.s32 $0x1B8B  }
0xa8: {  	_ =	swait.ge [sflag:s23], $0x1  }
0xa9: {  	[sflag:s23] =	ssyncset.done $0x0  }
0xaa: {  	s25 =	simm.s32 $0x1B8E;
	s24 =	sld [smem:$0x3FFE];
	[sflag:s23] =	ssyncadd.s32 $0xFFFFFFFF  }
0xab: {  	s26 =	simm.s32 $execute0_lowered;
	[smem:$0x3FD2] =	sst s25  }
0xac: {  	s5 =	sshll.u32 s26, $0x1;
	_ =	strace $0x80000046;
	[dreg:$0x1] =	wrdreg $0xFFFFFFFF  }
0xad: {  	s28 =	simm.s32 $_size_execute0_lowered;
	s3 =	sadd.s32 s3, s5;
	[dreg:$0x0] =	wrdreg $0x0  }
0xae: {  	s5 =	sshll.u32 s28, $0x1;
	[dreg:$0x2] =	wrdreg s3  }
0xaf: {  	[dreg:$0x3] =	wrdreg s5  }
0xb0: {  	[dreg:$0x4] =	wrdreg $0xC0  }
0xb1: {  	_ =	task [dreg:s7], $0x5FFFF  }
0xb2: {  	[dreg:$0x1] =	wrdreg $0xFFFFFFFF  }
0xb3: {  	[dreg:$0x0] =	wrdreg $0x60  }
0xb4: {  	[dreg:$0x2] =	wrdreg s16  }
0xb5: {  	[dreg:$0x3] =	wrdreg s24  }
0xb6: {  	[dreg:$0x4] =	wrdreg $0x9  }
0xb7: {  	_ =	task.clear_ibuf [dreg:s7], $0x5FFFF;
	_ =	strace $0x90000046  }
0xb8: {  	s29 =	simm.s32 $0x9;
	_ =	strace $0x80000048  }
0xb9: {  	_ =	swait.ge [sflag:s29], $0x1  }
0xba: {  	[sflag:s29] =	ssyncadd.s32 $0xFFFFFFFF  }
0xbb: {  	_ =	strace $0x90000048  }
0xbc: {  	_ =	sfence  }
0xbd: {  	s30 =	sld [smem:$0x0];
	_ =	sdelay $0x2  }
0xbe: {  	s31 =	sshll.u32 s1, $0xD;
	s1 =	sshrl.u32 s1, $0x2  }
0xbf: {  	s3 =	sand.u32 $0x4000, s31;
	s1 =	sadd.s32 s1, s30  }
0xc0: {  	s0 =	sor.u32 s3, s0;
	s1 =	sshll.u32 s1, $0x11  }
0xc1: {  	s0 =	sor.u32 s1, s0  }
0xc2: {  	s0 =	sadd.s32 $0x8F2B, s0  }
0xc3: {  	[sflag:s0] =	ssyncadd.remote.s32 $0x1  }
0xc4: {  	_ =	sfence.sel $0xFFFF  }
0xc5: {  	[dreg:$0x0] =	wrdreg $0xFFFFFFFF;
	(pc) =	sbr.abs _section_cstart, $3  }
0xc6: {  	[dreg:$0x1] =	wrdreg $0xFFFFFFFF  }
0xc7: {  	_ =	task.clear_ibuf [dreg:s7], $0x2FFFF;
	_ =	strace $0x9FFFFFFF  }
0xc8: {  	(tm) =	ssettm $0x7FFFFFFF  }
0xc9: {  	_ =	shalt  }
tec
execute0_lowered:
.L_overlay_start_1:
0x0: {  	(tag) =	ssettag $0x1  }
0x1: {  	s0 =	rddreg [dreg:$0x0]  }
0x2: {  	s1 =	srdreg.scid;
	s2 =	rddreg [dreg:$0x1]  }
0x3: {  	s4 =	stileid.u32;
	s29 =	simm.s32 $0x1;
	s30 =	simm.s32 $0x0  }
0x4: {  	s3 =	sand.u32 $0x1, s1;
	s1 =	simm.s32 $0x0;
	s4 =	sshll.u32 s4, $0xA  }
0x5: {  	s17 =	sadd.s32 $0x800, s2;
	s5 =	sshll.u32 s3, $0x9;
	s3 =	ssub.s32 $0x2, s3  }
0x6: {  	s2 =	sadd.s32 $0x40800, s2;
	s4 =	sor.u32 s5, s4;
	s21 =	sshrl.u32 s3, $0x1  }
0x7: {  	[smem:$0x7FF] =	sst s1;
	s15 =	sshrl.u32 s4, $0x3;
	s20 =	ssub.s32 s3, s21  }
0x8: {  	s22 =	sshll.u32 s4, $0x4;
	s6 =	smul.u32 $0x300, s15;
	s7 =	sor.u32 $0x8, s15  }
0x9: {  	s3 =	sadd.s32 s17, s22;
	s9 =	sor.u32 $0x10, s15;
	s12 =	sor.u32 $0x18, s15  }
0xa: {  	s14 =	sor.u32 $0x20, s15;
	s25 =	sor.u32 $0x28, s15;
	s8 =	smul.u32 $0x300, s7  }
0xb: {  	s21 =	sor.u32 $0x30, s15;
	s28 =	smax.u32 s20, $0x1;
	s10 =	smul.u32 $0x300, s9  }
0xc: {  	[dreg:$0x4] =	wrdreg s3;
	s24 =	sshll.u32 s7, $0x7;
	s13 =	smul.u32 $0x300, s12  }
0xd: {  	s9 =	sshll.u32 s9, $0x7;
	s12 =	sshll.u32 s12, $0x7;
	s19 =	smul.u32 $0x300, s14  }
0xe: {  	s16 =	sshll.u32 s14, $0x7;
	s22 =	smul.u32 $0x300, s25;
	s26 =	sshll.u32 s25, $0x7  }
0xf: {  	s31 =	sshll.u32 s21, $0x7;
	s23 =	sadd.s32 s0, s6;
	s4 =	sadd.s32 s2, s6  }
0x10: {  	s6 =	sadd.s32 s17, s24;
	s9 =	sadd.s32 s17, s9;
	s12 =	sadd.s32 s17, s12  }
0x11: {  	s14 =	sadd.s32 s17, s16;
	s16 =	sadd.s32 s17, s31;
	s24 =	smul.u32 $0x300, s21  }
0x12: {  	[dreg:$0x3] =	wrdreg s23;
	s5 =	sadd.s32 s0, s8;
	s7 =	sadd.s32 s2, s8  }
0x13: {  	s8 =	sadd.s32 s0, s10;
	s10 =	sadd.s32 s2, s10;
	s11 =	sadd.s32 s0, s13  }
0x14: {  	s13 =	sadd.s32 s2, s13;
	s23 =	sor.u32 $0x38, s15;
	s15 =	sadd.s32 s17, s26  }
0x15: {  	s21 =	sadd.s32 s0, s22;
	s22 =	sadd.s32 s2, s22;
	s18 =	sshll.u32 s23, $0x7  }
0x16: {  	s26 =	smul.u32 $0x300, s23;
	s23 =	sadd.s32 s0, s24;
	s24 =	sadd.s32 s2, s24  }
0x17: {  	_ =	strace $0x80000047;
	s17 =	sadd.s32 s17, s18;
	s18 =	sadd.s32 s0, s19  }
0x18: {  	s19 =	sadd.s32 s2, s19;
	s25 =	sadd.s32 s0, s26;
	s26 =	sadd.s32 s2, s26  }
.LBB2_1:
0x19: {  	s0 =	rddreg [dreg:$0x3]  }
0x1a: {  	[tilespmem:s1], [sflag:$0x1] =	stream.linear.gather [hbm4b:s0+s1], $0xC000, $0x38;
	[tilespmem:$0xE000] =	vst v63  }
0x1b: {  	_ =	swait.ge [sflag:s29], $0xC000  }
0x1c: {  	[sflag:s29] =	ssyncset.done $0x0  }
0x1d: {  	s31 =	simm.s32 $0xC000;
	s20 =	rddreg [dreg:$0x4];
	[sflag:s29] =	ssyncadd.s32 $0xFFFF4000  }
0x1e: {  	[tilespmem:s31], [sflag:$0x1] =	stream.linear.gather [hbm4b:s20+s1], $0x2000, $0x38;
	[tilespmem:$0xE000] =	vst v63  }
0x1f: {  	_ =	swait.ge [sflag:s29], $0x2000  }
0x20: {  	[sflag:s29] =	ssyncset.done $0x0  }
0x21: {  	s0 =	simm.s32 $0x0;
	s20 =	simm.s32 $0x0;
	[sflag:s29] =	ssyncadd.s32 $0xFFFFE000  }
.LBB2_2:
0x22: {  	s2 =	sshrl.u32 s0, $0x3  }
0x23: {  	s2 =	smul.u32 $0x6000, s2;
	_ =	sdelay $0x1  }
0x24: {  	s3 =	sand.u32 $0x380, s20;
	s2 =	sshra.s32 s2, $0x2  }
0x25: {  	v0 =	vld [tilespmem:s31+$0x0];
	s2 =	sor.u32 s3, s2  }
0x26: {  	v1 =	vld [tilespmem:s2+$0x0]  }
0x27: {  	v2 =	vld [tilespmem:s2+$0x10]  }
0x28: {  	v3 =	vld [tilespmem:s2+$0x20]  }
0x29: {  	v4 =	vld [tilespmem:s2+$0x30]  }
0x2a: {  	v5 =	vld [tilespmem:s2+$0x40]  }
0x2b: {  	v6 =	vld [tilespmem:s2+$0x50];
	v1 =	vmul.f32 v1, v0  }
0x2c: {  	v7 =	vld [tilespmem:s2+$0x60];
	v2 =	vmul.f32 v2, v0  }
0x2d: {  	v35 =	vld [tilespmem:s2+$0x70];
	v34 =	vmul.f32 v3, v0;
	[tilespmem:s2+$0x0] =	vst v1  }
0x2e: {  	v37 =	vld [tilespmem:s2+$0x400];
	v36 =	vmul.f32 v4, v0;
	[tilespmem:s2+$0x10] =	vst v2  }
0x2f: {  	v39 =	vld [tilespmem:s2+$0x410];
	v38 =	vmul.f32 v5, v0;
	[tilespmem:s2+$0x20] =	vst v34  }
0x30: {  	v41 =	vld [tilespmem:s2+$0x420];
	v40 =	vmul.f32 v6, v0;
	[tilespmem:s2+$0x30] =	vst v36  }
0x31: {  	v43 =	vld [tilespmem:s2+$0x430];
	v42 =	vmul.f32 v7, v0;
	[tilespmem:s2+$0x40] =	vst v38  }
0x32: {  	v45 =	vld [tilespmem:s2+$0x440];
	v44 =	vmul.f32 v35, v0;
	[tilespmem:s2+$0x50] =	vst v40  }
0x33: {  	v47 =	vld [tilespmem:s2+$0x450];
	v46 =	vmul.f32 v37, v0;
	[tilespmem:s2+$0x60] =	vst v42  }
0x34: {  	v49 =	vld [tilespmem:s2+$0x460];
	v48 =	vmul.f32 v39, v0;
	[tilespmem:s2+$0x70] =	vst v44  }
0x35: {  	v51 =	vld [tilespmem:s2+$0x470];
	v50 =	vmul.f32 v41, v0;
	[tilespmem:s2+$0x400] =	vst v46  }
0x36: {  	v53 =	vld [tilespmem:s2+$0x800];
	v52 =	vmul.f32 v43, v0;
	[tilespmem:s2+$0x410] =	vst v48  }
0x37: {  	v55 =	vld [tilespmem:s2+$0x810];
	v54 =	vmul.f32 v45, v0;
	[tilespmem:s2+$0x420] =	vst v50  }
0x38: {  	v57 =	vld [tilespmem:s2+$0x820];
	v56 =	vmul.f32 v47, v0;
	[tilespmem:s2+$0x430] =	vst v52  }
0x39: {  	v59 =	vld [tilespmem:s2+$0x830];
	v58 =	vmul.f32 v49, v0;
	[tilespmem:s2+$0x440] =	vst v54  }
0x3a: {  	v61 =	vld [tilespmem:s2+$0x840];
	v60 =	vmul.f32 v51, v0;
	[tilespmem:s2+$0x450] =	vst v56  }
0x3b: {  	v63 =	vld [tilespmem:s2+$0x850];
	v62 =	vmul.f32 v53, v0;
	[tilespmem:s2+$0x460] =	vst v58  }
0x3c: {  	v9 =	vld [tilespmem:s2+$0x860];
	v8 =	vmul.f32 v55, v0;
	[tilespmem:s2+$0x470] =	vst v60  }
0x3d: {  	v11 =	vld [tilespmem:s2+$0x870];
	v10 =	vmul.f32 v57, v0;
	[tilespmem:s2+$0x800] =	vst v62  }
0x3e: {  	v13 =	vld [tilespmem:s2+$0xC00];
	v12 =	vmul.f32 v59, v0;
	[tilespmem:s2+$0x810] =	vst v8  }
0x3f: {  	v15 =	vld [tilespmem:s2+$0xC10];
	v14 =	vmul.f32 v61, v0;
	[tilespmem:s2+$0x820] =	vst v10  }
0x40: {  	v17 =	vld [tilespmem:s2+$0xC20];
	v16 =	vmul.f32 v63, v0;
	[tilespmem:s2+$0x830] =	vst v12  }
0x41: {  	v19 =	vld [tilespmem:s2+$0xC30];
	v18 =	vmul.f32 v9, v0;
	[tilespmem:s2+$0x840] =	vst v14  }
0x42: {  	v21 =	vld [tilespmem:s2+$0xC40];
	v20 =	vmul.f32 v11, v0;
	[tilespmem:s2+$0x850] =	vst v16  }
0x43: {  	v23 =	vld [tilespmem:s2+$0xC50];
	v22 =	vmul.f32 v13, v0;
	[tilespmem:s2+$0x860] =	vst v18  }
0x44: {  	v25 =	vld [tilespmem:s2+$0xC60];
	v24 =	vmul.f32 v15, v0;
	[tilespmem:s2+$0x870] =	vst v20  }
0x45: {  	v27 =	vld [tilespmem:s2+$0xC70];
	v26 =	vmul.f32 v17, v0;
	[tilespmem:s2+$0xC00] =	vst v22  }
0x46: {  	v29 =	vld [tilespmem:s2+$0x1000];
	v28 =	vmul.f32 v19, v0;
	[tilespmem:s2+$0xC10] =	vst v24  }
0x47: {  	v31 =	vld [tilespmem:s2+$0x1010];
	v30 =	vmul.f32 v21, v0;
	[tilespmem:s2+$0xC20] =	vst v26  }
0x48: {  	v33 =	vld [tilespmem:s2+$0x1020];
	v32 =	vmul.f32 v23, v0;
	[tilespmem:s2+$0xC30] =	vst v28  }
0x49: {  	v35 =	vld [tilespmem:s2+$0x1030];
	[tilespmem:s2+$0xC40] =	vst v30;
	v34 =	vmul.f32 v25, v0  }
0x4a: {  	v37 =	vld [tilespmem:s2+$0x1040];
	[tilespmem:s2+$0xC50] =	vst v32;
	v36 =	vmul.f32 v27, v0  }
0x4b: {  	v39 =	vld [tilespmem:s2+$0x1050];
	v38 =	vmul.f32 v29, v0;
	[tilespmem:s2+$0xC60] =	vst v34  }
0x4c: {  	v41 =	vld [tilespmem:s2+$0x1060];
	v40 =	vmul.f32 v31, v0;
	[tilespmem:s2+$0xC70] =	vst v36  }
0x4d: {  	v43 =	vld [tilespmem:s2+$0x1070];
	v42 =	vmul.f32 v33, v0;
	[tilespmem:s2+$0x1000] =	vst v38  }
0x4e: {  	v45 =	vld [tilespmem:s2+$0x1400];
	[tilespmem:s2+$0x1010] =	vst v40;
	v44 =	vmul.f32 v35, v0  }
0x4f: {  	v47 =	vld [tilespmem:s2+$0x1410];
	[tilespmem:s2+$0x1020] =	vst v42;
	v46 =	vmul.f32 v37, v0  }
0x50: {  	v49 =	vld [tilespmem:s2+$0x1420];
	v48 =	vmul.f32 v39, v0;
	[tilespmem:s2+$0x1030] =	vst v44  }
0x51: {  	v51 =	vld [tilespmem:s2+$0x1430];
	v50 =	vmul.f32 v41, v0;
	[tilespmem:s2+$0x1040] =	vst v46  }
0x52: {  	v53 =	vld [tilespmem:s2+$0x1440];
	v52 =	vmul.f32 v43, v0;
	[tilespmem:s2+$0x1050] =	vst v48  }
0x53: {  	v55 =	vld [tilespmem:s2+$0x1450];
	v54 =	vmul.f32 v45, v0;
	[tilespmem:s2+$0x1060] =	vst v50  }
0x54: {  	v57 =	vld [tilespmem:s2+$0x1460];
	v56 =	vmul.f32 v47, v0;
	[tilespmem:s2+$0x1070] =	vst v52  }
0x55: {  	v59 =	vld [tilespmem:s2+$0x1470];
	v58 =	vmul.f32 v49, v0;
	[tilespmem:s2+$0x1400] =	vst v54  }
0x56: {  	v60 =	vmul.f32 v51, v0;
	[tilespmem:s2+$0x1410] =	vst v56  }
0x57: {  	p0 =	sne.s32 s0, $0x3F;
	v61 =	vmul.f32 v53, v0;
	[tilespmem:s2+$0x1420] =	vst v58  }
.Ltmp0:
0x58: {  	v62 =	vmul.f32 v55, v0;
	[tilespmem:s2+$0x1430] =	vst v60;
	(pc) =	sbr.rel @p0 .LBB2_2-.Ltmp0, $4  }
0x59: {  	v63 =	vmul.f32 v57, v0;
	[tilespmem:s2+$0x1440] =	vst v61  }
0x5a: {  	v0 =	vmul.f32 v59, v0;
	[tilespmem:s2+$0x1450] =	vst v62  }
0x5b: {  	[tilespmem:s2+$0x1460] =	vst v63  }
0x5c: {  	s20 =	sadd.s32 $0x80, s20;
	s31 =	sadd.s32 $0x80, s31;
	s0 =	sadd.s32 $0x1, s0;
	[tilespmem:s2+$0x1470] =	vst v0  }
0x5d: {  	s31 =	simm.s32 $0x0  }
0x5e: {  	[hbm4b:s4+s31] =	stream.linear.scatter [tilespmem:s31], [sflag:$0x1], $0xC000, $0x38;
	[tilespmem:$0xE000] =	vst v63  }
0x5f: {  	_ =	swait.ge [sflag:s29], $0xC000  }
0x60: {  	[sflag:s29] =	ssyncset.done $0x0  }
0x61: {  	[sflag:s29] =	ssyncadd.s32 $0xFFFF4000  }
0x62: {  	[tilespmem:s31], [sflag:$0x1] =	stream.linear.gather [hbm4b:s5+s31], $0xC000, $0x38;
	[tilespmem:$0xE000] =	vst v63  }
0x63: {  	_ =	swait.ge [sflag:s29], $0xC000  }
0x64: {  	[sflag:s29] =	ssyncset.done $0x0  }
0x65: {  	s20 =	simm.s32 $0xC000;
	[sflag:s29] =	ssyncadd.s32 $0xFFFF4000  }
0x66: {  	[tilespmem:s20], [sflag:$0x1] =	stream.linear.gather [hbm4b:s6+s31], $0x2000, $0x38;
	[tilespmem:$0xE000] =	vst v63  }
0x67: {  	_ =	swait.ge [sflag:s29], $0x2000  }
0x68: {  	[sflag:s29] =	ssyncset.done $0x0  }
0x69: {  	s0 =	simm.s32 $0x0;
	[sflag:s29] =	ssyncadd.s32 $0xFFFFE000  }
.LBB2_4:
0x6a: {  	s2 =	sshrl.u32 s0, $0x3  }
0x6b: {  	s2 =	smul.u32 $0x6000, s2;
	_ =	sdelay $0x1  }
0x6c: {  	s3 =	sand.u32 $0x380, s31;
	s2 =	sshra.s32 s2, $0x2  }
0x6d: {  	v0 =	vld [tilespmem:s20+$0x0];
	s2 =	sor.u32 s3, s2  }
0x6e: {  	v1 =	vld [tilespmem:s2+$0x0]  }
0x6f: {  	v2 =	vld [tilespmem:s2+$0x10]  }
0x70: {  	v3 =	vld [tilespmem:s2+$0x20]  }
0x71: {  	v4 =	vld [tilespmem:s2+$0x30]  }
0x72: {  	v5 =	vld [tilespmem:s2+$0x40]  }
0x73: {  	v6 =	vld [tilespmem:s2+$0x50];
	v1 =	vmul.f32 v1, v0  }
0x74: {  	v7 =	vld [tilespmem:s2+$0x60];
	v2 =	vmul.f32 v2, v0  }
0x75: {  	v35 =	vld [tilespmem:s2+$0x70];
	v34 =	vmul.f32 v3, v0;
	[tilespmem:s2+$0x0] =	vst v1  }
0x76: {  	v37 =	vld [tilespmem:s2+$0x400];
	v36 =	vmul.f32 v4, v0;
	[tilespmem:s2+$0x10] =	vst v2  }
0x77: {  	v39 =	vld [tilespmem:s2+$0x410];
	v38 =	vmul.f32 v5, v0;
	[tilespmem:s2+$0x20] =	vst v34  }
0x78: {  	v41 =	vld [tilespmem:s2+$0x420];
	v40 =	vmul.f32 v6, v0;
	[tilespmem:s2+$0x30] =	vst v36  }
0x79: {  	v43 =	vld [tilespmem:s2+$0x430];
	v42 =	vmul.f32 v7, v0;
	[tilespmem:s2+$0x40] =	vst v38  }
0x7a: {  	v45 =	vld [tilespmem:s2+$0x440];
	v44 =	vmul.f32 v35, v0;
	[tilespmem:s2+$0x50] =	vst v40  }
0x7b: {  	v47 =	vld [tilespmem:s2+$0x450];
	v46 =	vmul.f32 v37, v0;
	[tilespmem:s2+$0x60] =	vst v42  }
0x7c: {  	v49 =	vld [tilespmem:s2+$0x460];
	v48 =	vmul.f32 v39, v0;
	[tilespmem:s2+$0x70] =	vst v44  }
0x7d: {  	v51 =	vld [tilespmem:s2+$0x470];
	v50 =	vmul.f32 v41, v0;
	[tilespmem:s2+$0x400] =	vst v46  }
0x7e: {  	v53 =	vld [tilespmem:s2+$0x800];
	v52 =	vmul.f32 v43, v0;
	[tilespmem:s2+$0x410] =	vst v48  }
0x7f: {  	v55 =	vld [tilespmem:s2+$0x810];
	v54 =	vmul.f32 v45, v0;
	[tilespmem:s2+$0x420] =	vst v50  }
0x80: {  	v57 =	vld [tilespmem:s2+$0x820];
	v56 =	vmul.f32 v47, v0;
	[tilespmem:s2+$0x430] =	vst v52  }
0x81: {  	v59 =	vld [tilespmem:s2+$0x830];
	v58 =	vmul.f32 v49, v0;
	[tilespmem:s2+$0x440] =	vst v54  }
0x82: {  	v61 =	vld [tilespmem:s2+$0x840];
	v60 =	vmul.f32 v51, v0;
	[tilespmem:s2+$0x450] =	vst v56  }
0x83: {  	v63 =	vld [tilespmem:s2+$0x850];
	v62 =	vmul.f32 v53, v0;
	[tilespmem:s2+$0x460] =	vst v58  }
0x84: {  	v9 =	vld [tilespmem:s2+$0x860];
	v8 =	vmul.f32 v55, v0;
	[tilespmem:s2+$0x470] =	vst v60  }
0x85: {  	v11 =	vld [tilespmem:s2+$0x870];
	v10 =	vmul.f32 v57, v0;
	[tilespmem:s2+$0x800] =	vst v62  }
0x86: {  	v13 =	vld [tilespmem:s2+$0xC00];
	v12 =	vmul.f32 v59, v0;
	[tilespmem:s2+$0x810] =	vst v8  }
0x87: {  	v15 =	vld [tilespmem:s2+$0xC10];
	v14 =	vmul.f32 v61, v0;
	[tilespmem:s2+$0x820] =	vst v10  }
0x88: {  	v17 =	vld [tilespmem:s2+$0xC20];
	v16 =	vmul.f32 v63, v0;
	[tilespmem:s2+$0x830] =	vst v12  }
0x89: {  	v19 =	vld [tilespmem:s2+$0xC30];
	v18 =	vmul.f32 v9, v0;
	[tilespmem:s2+$0x840] =	vst v14  }
0x8a: {  	v21 =	vld [tilespmem:s2+$0xC40];
	v20 =	vmul.f32 v11, v0;
	[tilespmem:s2+$0x850] =	vst v16  }
0x8b: {  	v23 =	vld [tilespmem:s2+$0xC50];
	v22 =	vmul.f32 v13, v0;
	[tilespmem:s2+$0x860] =	vst v18  }
0x8c: {  	v25 =	vld [tilespmem:s2+$0xC60];
	v24 =	vmul.f32 v15, v0;
	[tilespmem:s2+$0x870] =	vst v20  }
0x8d: {  	v27 =	vld [tilespmem:s2+$0xC70];
	v26 =	vmul.f32 v17, v0;
	[tilespmem:s2+$0xC00] =	vst v22  }
0x8e: {  	v29 =	vld [tilespmem:s2+$0x1000];
	v28 =	vmul.f32 v19, v0;
	[tilespmem:s2+$0xC10] =	vst v24  }
0x8f: {  	v31 =	vld [tilespmem:s2+$0x1010];
	v30 =	vmul.f32 v21, v0;
	[tilespmem:s2+$0xC20] =	vst v26  }
0x90: {  	v33 =	vld [tilespmem:s2+$0x1020];
	v32 =	vmul.f32 v23, v0;
	[tilespmem:s2+$0xC30] =	vst v28  }
0x91: {  	v35 =	vld [tilespmem:s2+$0x1030];
	[tilespmem:s2+$0xC40] =	vst v30;
	v34 =	vmul.f32 v25, v0  }
0x92: {  	v37 =	vld [tilespmem:s2+$0x1040];
	[tilespmem:s2+$0xC50] =	vst v32;
	v36 =	vmul.f32 v27, v0  }
0x93: {  	v39 =	vld [tilespmem:s2+$0x1050];
	v38 =	vmul.f32 v29, v0;
	[tilespmem:s2+$0xC60] =	vst v34  }
0x94: {  	v41 =	vld [tilespmem:s2+$0x1060];
	v40 =	vmul.f32 v31, v0;
	[tilespmem:s2+$0xC70] =	vst v36  }
0x95: {  	v43 =	vld [tilespmem:s2+$0x1070];
	v42 =	vmul.f32 v33, v0;
	[tilespmem:s2+$0x1000] =	vst v38  }
0x96: {  	v45 =	vld [tilespmem:s2+$0x1400];
	[tilespmem:s2+$0x1010] =	vst v40;
	v44 =	vmul.f32 v35, v0  }
0x97: {  	v47 =	vld [tilespmem:s2+$0x1410];
	[tilespmem:s2+$0x1020] =	vst v42;
	v46 =	vmul.f32 v37, v0  }
0x98: {  	v49 =	vld [tilespmem:s2+$0x1420];
	v48 =	vmul.f32 v39, v0;
	[tilespmem:s2+$0x1030] =	vst v44  }
0x99: {  	v51 =	vld [tilespmem:s2+$0x1430];
	v50 =	vmul.f32 v41, v0;
	[tilespmem:s2+$0x1040] =	vst v46  }
0x9a: {  	v53 =	vld [tilespmem:s2+$0x1440];
	v52 =	vmul.f32 v43, v0;
	[tilespmem:s2+$0x1050] =	vst v48  }
0x9b: {  	v55 =	vld [tilespmem:s2+$0x1450];
	v54 =	vmul.f32 v45, v0;
	[tilespmem:s2+$0x1060] =	vst v50  }
0x9c: {  	v57 =	vld [tilespmem:s2+$0x1460];
	v56 =	vmul.f32 v47, v0;
	[tilespmem:s2+$0x1070] =	vst v52  }
0x9d: {  	v59 =	vld [tilespmem:s2+$0x1470];
	v58 =	vmul.f32 v49, v0;
	[tilespmem:s2+$0x1400] =	vst v54  }
0x9e: {  	v60 =	vmul.f32 v51, v0;
	[tilespmem:s2+$0x1410] =	vst v56  }
0x9f: {  	p0 =	sne.s32 s0, $0x3F;
	v61 =	vmul.f32 v53, v0;
	[tilespmem:s2+$0x1420] =	vst v58  }
.Ltmp1:
0xa0: {  	v62 =	vmul.f32 v55, v0;
	[tilespmem:s2+$0x1430] =	vst v60;
	(pc) =	sbr.rel @p0 .LBB2_4-.Ltmp1, $4  }
0xa1: {  	v63 =	vmul.f32 v57, v0;
	[tilespmem:s2+$0x1440] =	vst v61  }
0xa2: {  	v0 =	vmul.f32 v59, v0;
	[tilespmem:s2+$0x1450] =	vst v62  }
0xa3: {  	[tilespmem:s2+$0x1460] =	vst v63  }
0xa4: {  	s31 =	sadd.s32 $0x80, s31;
	s20 =	sadd.s32 $0x80, s20;
	s0 =	sadd.s32 $0x1, s0;
	[tilespmem:s2+$0x1470] =	vst v0  }
0xa5: {  	s31 =	simm.s32 $0x0  }
0xa6: {  	[hbm4b:s7+s31] =	stream.linear.scatter [tilespmem:s31], [sflag:$0x1], $0xC000, $0x38;
	[tilespmem:$0xE000] =	vst v63  }
0xa7: {  	_ =	swait.ge [sflag:s29], $0xC000  }
0xa8: {  	[sflag:s29] =	ssyncset.done $0x0  }
0xa9: {  	[sflag:s29] =	ssyncadd.s32 $0xFFFF4000  }
0xaa: {  	[tilespmem:s31], [sflag:$0x1] =	stream.linear.gather [hbm4b:s8+s31], $0xC000, $0x38;
	[tilespmem:$0xE000] =	vst v63  }
0xab: {  	_ =	swait.ge [sflag:s29], $0xC000  }
0xac: {  	[sflag:s29] =	ssyncset.done $0x0  }
0xad: {  	s20 =	simm.s32 $0xC000;
	[sflag:s29] =	ssyncadd.s32 $0xFFFF4000  }
0xae: {  	[tilespmem:s20], [sflag:$0x1] =	stream.linear.gather [hbm4b:s9+s31], $0x2000, $0x38;
	[tilespmem:$0xE000] =	vst v63  }
0xaf: {  	_ =	swait.ge [sflag:s29], $0x2000  }
0xb0: {  	[sflag:s29] =	ssyncset.done $0x0  }
0xb1: {  	s0 =	simm.s32 $0x0;
	[sflag:s29] =	ssyncadd.s32 $0xFFFFE000  }
.LBB2_6:
0xb2: {  	s2 =	sshrl.u32 s0, $0x3  }
0xb3: {  	s2 =	smul.u32 $0x6000, s2;
	_ =	sdelay $0x1  }
0xb4: {  	s3 =	sand.u32 $0x380, s31;
	s2 =	sshra.s32 s2, $0x2  }
0xb5: {  	v0 =	vld [tilespmem:s20+$0x0];
	s2 =	sor.u32 s3, s2  }
0xb6: {  	v1 =	vld [tilespmem:s2+$0x0]  }
0xb7: {  	v2 =	vld [tilespmem:s2+$0x10]  }
0xb8: {  	v3 =	vld [tilespmem:s2+$0x20]  }
0xb9: {  	v4 =	vld [tilespmem:s2+$0x30]  }
0xba: {  	v5 =	vld [tilespmem:s2+$0x40]  }
0xbb: {  	v6 =	vld [tilespmem:s2+$0x50];
	v1 =	vmul.f32 v1, v0  }
0xbc: {  	v7 =	vld [tilespmem:s2+$0x60];
	v2 =	vmul.f32 v2, v0  }
0xbd: {  	v35 =	vld [tilespmem:s2+$0x70];
	v34 =	vmul.f32 v3, v0;
	[tilespmem:s2+$0x0] =	vst v1  }
0xbe: {  	v37 =	vld [tilespmem:s2+$0x400];
	v36 =	vmul.f32 v4, v0;
	[tilespmem:s2+$0x10] =	vst v2  }
0xbf: {  	v39 =	vld [tilespmem:s2+$0x410];
	v38 =	vmul.f32 v5, v0;
	[tilespmem:s2+$0x20] =	vst v34  }
0xc0: {  	v41 =	vld [tilespmem:s2+$0x420];
	v40 =	vmul.f32 v6, v0;
	[tilespmem:s2+$0x30] =	vst v36  }
0xc1: {  	v43 =	vld [tilespmem:s2+$0x430];
	v42 =	vmul.f32 v7, v0;
	[tilespmem:s2+$0x40] =	vst v38  }
0xc2: {  	v45 =	vld [tilespmem:s2+$0x440];
	v44 =	vmul.f32 v35, v0;
	[tilespmem:s2+$0x50] =	vst v40  }
0xc3: {  	v47 =	vld [tilespmem:s2+$0x450];
	v46 =	vmul.f32 v37, v0;
	[tilespmem:s2+$0x60] =	vst v42  }
0xc4: {  	v49 =	vld [tilespmem:s2+$0x460];
	v48 =	vmul.f32 v39, v0;
	[tilespmem:s2+$0x70] =	vst v44  }
0xc5: {  	v51 =	vld [tilespmem:s2+$0x470];
	v50 =	vmul.f32 v41, v0;
	[tilespmem:s2+$0x400] =	vst v46  }
0xc6: {  	v53 =	vld [tilespmem:s2+$0x800];
	v52 =	vmul.f32 v43, v0;
	[tilespmem:s2+$0x410] =	vst v48  }
0xc7: {  	v55 =	vld [tilespmem:s2+$0x810];
	v54 =	vmul.f32 v45, v0;
	[tilespmem:s2+$0x420] =	vst v50  }
0xc8: {  	v57 =	vld [tilespmem:s2+$0x820];
	v56 =	vmul.f32 v47, v0;
	[tilespmem:s2+$0x430] =	vst v52  }
0xc9: {  	v59 =	vld [tilespmem:s2+$0x830];
	v58 =	vmul.f32 v49, v0;
	[tilespmem:s2+$0x440] =	vst v54  }
0xca: {  	v61 =	vld [tilespmem:s2+$0x840];
	v60 =	vmul.f32 v51, v0;
	[tilespmem:s2+$0x450] =	vst v56  }
0xcb: {  	v63 =	vld [tilespmem:s2+$0x850];
	v62 =	vmul.f32 v53, v0;
	[tilespmem:s2+$0x460] =	vst v58  }
0xcc: {  	v9 =	vld [tilespmem:s2+$0x860];
	v8 =	vmul.f32 v55, v0;
	[tilespmem:s2+$0x470] =	vst v60  }
0xcd: {  	v11 =	vld [tilespmem:s2+$0x870];
	v10 =	vmul.f32 v57, v0;
	[tilespmem:s2+$0x800] =	vst v62  }
0xce: {  	v13 =	vld [tilespmem:s2+$0xC00];
	v12 =	vmul.f32 v59, v0;
	[tilespmem:s2+$0x810] =	vst v8  }
0xcf: {  	v15 =	vld [tilespmem:s2+$0xC10];
	v14 =	vmul.f32 v61, v0;
	[tilespmem:s2+$0x820] =	vst v10  }
0xd0: {  	v17 =	vld [tilespmem:s2+$0xC20];
	v16 =	vmul.f32 v63, v0;
	[tilespmem:s2+$0x830] =	vst v12  }
0xd1: {  	v19 =	vld [tilespmem:s2+$0xC30];
	v18 =	vmul.f32 v9, v0;
	[tilespmem:s2+$0x840] =	vst v14  }
0xd2: {  	v21 =	vld [tilespmem:s2+$0xC40];
	v20 =	vmul.f32 v11, v0;
	[tilespmem:s2+$0x850] =	vst v16  }
0xd3: {  	v23 =	vld [tilespmem:s2+$0xC50];
	v22 =	vmul.f32 v13, v0;
	[tilespmem:s2+$0x860] =	vst v18  }
0xd4: {  	v25 =	vld [tilespmem:s2+$0xC60];
	v24 =	vmul.f32 v15, v0;
	[tilespmem:s2+$0x870] =	vst v20  }
0xd5: {  	v27 =	vld [tilespmem:s2+$0xC70];
	v26 =	vmul.f32 v17, v0;
	[tilespmem:s2+$0xC00] =	vst v22  }
0xd6: {  	v29 =	vld [tilespmem:s2+$0x1000];
	v28 =	vmul.f32 v19, v0;
	[tilespmem:s2+$0xC10] =	vst v24  }
0xd7: {  	v31 =	vld [tilespmem:s2+$0x1010];
	v30 =	vmul.f32 v21, v0;
	[tilespmem:s2+$0xC20] =	vst v26  }
0xd8: {  	v33 =	vld [tilespmem:s2+$0x1020];
	v32 =	vmul.f32 v23, v0;
	[tilespmem:s2+$0xC30] =	vst v28  }
0xd9: {  	v35 =	vld [tilespmem:s2+$0x1030];
	[tilespmem:s2+$0xC40] =	vst v30;
	v34 =	vmul.f32 v25, v0  }
0xda: {  	v37 =	vld [tilespmem:s2+$0x1040];
	[tilespmem:s2+$0xC50] =	vst v32;
	v36 =	vmul.f32 v27, v0  }
0xdb: {  	v39 =	vld [tilespmem:s2+$0x1050];
	v38 =	vmul.f32 v29, v0;
	[tilespmem:s2+$0xC60] =	vst v34  }
0xdc: {  	v41 =	vld [tilespmem:s2+$0x1060];
	v40 =	vmul.f32 v31, v0;
	[tilespmem:s2+$0xC70] =	vst v36  }
0xdd: {  	v43 =	vld [tilespmem:s2+$0x1070];
	v42 =	vmul.f32 v33, v0;
	[tilespmem:s2+$0x1000] =	vst v38  }
0xde: {  	v45 =	vld [tilespmem:s2+$0x1400];
	[tilespmem:s2+$0x1010] =	vst v40;
	v44 =	vmul.f32 v35, v0  }
0xdf: {  	v47 =	vld [tilespmem:s2+$0x1410];
	[tilespmem:s2+$0x1020] =	vst v42;
	v46 =	vmul.f32 v37, v0  }
0xe0: {  	v49 =	vld [tilespmem:s2+$0x1420];
	v48 =	vmul.f32 v39, v0;
	[tilespmem:s2+$0x1030] =	vst v44  }
0xe1: {  	v51 =	vld [tilespmem:s2+$0x1430];
	v50 =	vmul.f32 v41, v0;
	[tilespmem:s2+$0x1040] =	vst v46  }
0xe2: {  	v53 =	vld [tilespmem:s2+$0x1440];
	v52 =	vmul.f32 v43, v0;
	[tilespmem:s2+$0x1050] =	vst v48  }
0xe3: {  	v55 =	vld [tilespmem:s2+$0x1450];
	v54 =	vmul.f32 v45, v0;
	[tilespmem:s2+$0x1060] =	vst v50  }
0xe4: {  	v57 =	vld [tilespmem:s2+$0x1460];
	v56 =	vmul.f32 v47, v0;
	[tilespmem:s2+$0x1070] =	vst v52  }
0xe5: {  	v59 =	vld [tilespmem:s2+$0x1470];
	v58 =	vmul.f32 v49, v0;
	[tilespmem:s2+$0x1400] =	vst v54  }
0xe6: {  	v60 =	vmul.f32 v51, v0;
	[tilespmem:s2+$0x1410] =	vst v56  }
0xe7: {  	p0 =	sne.s32 s0, $0x3F;
	v61 =	vmul.f32 v53, v0;
	[tilespmem:s2+$0x1420] =	vst v58  }
.Ltmp2:
0xe8: {  	v62 =	vmul.f32 v55, v0;
	[tilespmem:s2+$0x1430] =	vst v60;
	(pc) =	sbr.rel @p0 .LBB2_6-.Ltmp2, $4  }
0xe9: {  	v63 =	vmul.f32 v57, v0;
	[tilespmem:s2+$0x1440] =	vst v61  }
0xea: {  	v0 =	vmul.f32 v59, v0;
	[tilespmem:s2+$0x1450] =	vst v62  }
0xeb: {  	[tilespmem:s2+$0x1460] =	vst v63  }
0xec: {  	s31 =	sadd.s32 $0x80, s31;
	s20 =	sadd.s32 $0x80, s20;
	s0 =	sadd.s32 $0x1, s0;
	[tilespmem:s2+$0x1470] =	vst v0  }
0xed: {  	s31 =	simm.s32 $0x0  }
0xee: {  	[hbm4b:s10+s31] =	stream.linear.scatter [tilespmem:s31], [sflag:$0x1], $0xC000, $0x38;
	[tilespmem:$0xE000] =	vst v63  }
0xef: {  	_ =	swait.ge [sflag:s29], $0xC000  }
0xf0: {  	[sflag:s29] =	ssyncset.done $0x0  }
0xf1: {  	[sflag:s29] =	ssyncadd.s32 $0xFFFF4000  }
0xf2: {  	[tilespmem:s31], [sflag:$0x1] =	stream.linear.gather [hbm4b:s11+s31], $0xC000, $0x38;
	[tilespmem:$0xE000] =	vst v63  }
0xf3: {  	_ =	swait.ge [sflag:s29], $0xC000  }
0xf4: {  	[sflag:s29] =	ssyncset.done $0x0  }
0xf5: {  	s20 =	simm.s32 $0xC000;
	[sflag:s29] =	ssyncadd.s32 $0xFFFF4000  }
0xf6: {  	[tilespmem:s20], [sflag:$0x1] =	stream.linear.gather [hbm4b:s12+s31], $0x2000, $0x38;
	[tilespmem:$0xE000] =	vst v63  }
0xf7: {  	_ =	swait.ge [sflag:s29], $0x2000  }
0xf8: {  	[sflag:s29] =	ssyncset.done $0x0  }
0xf9: {  	s0 =	simm.s32 $0x0;
	[sflag:s29] =	ssyncadd.s32 $0xFFFFE000  }
.LBB2_8:
0xfa: {  	s2 =	sshrl.u32 s0, $0x3  }
0xfb: {  	s2 =	smul.u32 $0x6000, s2;
	_ =	sdelay $0x1  }
0xfc: {  	s3 =	sand.u32 $0x380, s31;
	s2 =	sshra.s32 s2, $0x2  }
0xfd: {  	v0 =	vld [tilespmem:s20+$0x0];
	s2 =	sor.u32 s3, s2  }
0xfe: {  	v1 =	vld [tilespmem:s2+$0x0]  }
0xff: {  	v2 =	vld [tilespmem:s2+$0x10]  }
0x100: {  	v3 =	vld [tilespmem:s2+$0x20]  }
0x101: {  	v4 =	vld [tilespmem:s2+$0x30]  }
0x102: {  	v5 =	vld [tilespmem:s2+$0x40]  }
0x103: {  	v6 =	vld [tilespmem:s2+$0x50];
	v1 =	vmul.f32 v1, v0  }
0x104: {  	v7 =	vld [tilespmem:s2+$0x60];
	v2 =	vmul.f32 v2, v0  }
0x105: {  	v35 =	vld [tilespmem:s2+$0x70];
	v34 =	vmul.f32 v3, v0;
	[tilespmem:s2+$0x0] =	vst v1  }
0x106: {  	v37 =	vld [tilespmem:s2+$0x400];
	v36 =	vmul.f32 v4, v0;
	[tilespmem:s2+$0x10] =	vst v2  }
0x107: {  	v39 =	vld [tilespmem:s2+$0x410];
	v38 =	vmul.f32 v5, v0;
	[tilespmem:s2+$0x20] =	vst v34  }
0x108: {  	v41 =	vld [tilespmem:s2+$0x420];
	v40 =	vmul.f32 v6, v0;
	[tilespmem:s2+$0x30] =	vst v36  }
0x109: {  	v43 =	vld [tilespmem:s2+$0x430];
	v42 =	vmul.f32 v7, v0;
	[tilespmem:s2+$0x40] =	vst v38  }
0x10a: {  	v45 =	vld [tilespmem:s2+$0x440];
	v44 =	vmul.f32 v35, v0;
	[tilespmem:s2+$0x50] =	vst v40  }
0x10b: {  	v47 =	vld [tilespmem:s2+$0x450];
	v46 =	vmul.f32 v37, v0;
	[tilespmem:s2+$0x60] =	vst v42  }
0x10c: {  	v49 =	vld [tilespmem:s2+$0x460];
	v48 =	vmul.f32 v39, v0;
	[tilespmem:s2+$0x70] =	vst v44  }
0x10d: {  	v51 =	vld [tilespmem:s2+$0x470];
	v50 =	vmul.f32 v41, v0;
	[tilespmem:s2+$0x400] =	vst v46  }
0x10e: {  	v53 =	vld [tilespmem:s2+$0x800];
	v52 =	vmul.f32 v43, v0;
	[tilespmem:s2+$0x410] =	vst v48  }
0x10f: {  	v55 =	vld [tilespmem:s2+$0x810];
	v54 =	vmul.f32 v45, v0;
	[tilespmem:s2+$0x420] =	vst v50  }
0x110: {  	v57 =	vld [tilespmem:s2+$0x820];
	v56 =	vmul.f32 v47, v0;
	[tilespmem:s2+$0x430] =	vst v52  }
0x111: {  	v59 =	vld [tilespmem:s2+$0x830];
	v58 =	vmul.f32 v49, v0;
	[tilespmem:s2+$0x440] =	vst v54  }
0x112: {  	v61 =	vld [tilespmem:s2+$0x840];
	v60 =	vmul.f32 v51, v0;
	[tilespmem:s2+$0x450] =	vst v56  }
0x113: {  	v63 =	vld [tilespmem:s2+$0x850];
	v62 =	vmul.f32 v53, v0;
	[tilespmem:s2+$0x460] =	vst v58  }
0x114: {  	v9 =	vld [tilespmem:s2+$0x860];
	v8 =	vmul.f32 v55, v0;
	[tilespmem:s2+$0x470] =	vst v60  }
0x115: {  	v11 =	vld [tilespmem:s2+$0x870];
	v10 =	vmul.f32 v57, v0;
	[tilespmem:s2+$0x800] =	vst v62  }
0x116: {  	v13 =	vld [tilespmem:s2+$0xC00];
	v12 =	vmul.f32 v59, v0;
	[tilespmem:s2+$0x810] =	vst v8  }
0x117: {  	v15 =	vld [tilespmem:s2+$0xC10];
	v14 =	vmul.f32 v61, v0;
	[tilespmem:s2+$0x820] =	vst v10  }
0x118: {  	v17 =	vld [tilespmem:s2+$0xC20];
	v16 =	vmul.f32 v63, v0;
	[tilespmem:s2+$0x830] =	vst v12  }
0x119: {  	v19 =	vld [tilespmem:s2+$0xC30];
	v18 =	vmul.f32 v9, v0;
	[tilespmem:s2+$0x840] =	vst v14  }
0x11a: {  	v21 =	vld [tilespmem:s2+$0xC40];
	v20 =	vmul.f32 v11, v0;
	[tilespmem:s2+$0x850] =	vst v16  }
0x11b: {  	v23 =	vld [tilespmem:s2+$0xC50];
	v22 =	vmul.f32 v13, v0;
	[tilespmem:s2+$0x860] =	vst v18  }
0x11c: {  	v25 =	vld [tilespmem:s2+$0xC60];
	v24 =	vmul.f32 v15, v0;
	[tilespmem:s2+$0x870] =	vst v20  }
0x11d: {  	v27 =	vld [tilespmem:s2+$0xC70];
	v26 =	vmul.f32 v17, v0;
	[tilespmem:s2+$0xC00] =	vst v22  }
0x11e: {  	v29 =	vld [tilespmem:s2+$0x1000];
	v28 =	vmul.f32 v19, v0;
	[tilespmem:s2+$0xC10] =	vst v24  }
0x11f: {  	v31 =	vld [tilespmem:s2+$0x1010];
	v30 =	vmul.f32 v21, v0;
	[tilespmem:s2+$0xC20] =	vst v26  }
0x120: {  	v33 =	vld [tilespmem:s2+$0x1020];
	v32 =	vmul.f32 v23, v0;
	[tilespmem:s2+$0xC30] =	vst v28  }
0x121: {  	v35 =	vld [tilespmem:s2+$0x1030];
	[tilespmem:s2+$0xC40] =	vst v30;
	v34 =	vmul.f32 v25, v0  }
0x122: {  	v37 =	vld [tilespmem:s2+$0x1040];
	[tilespmem:s2+$0xC50] =	vst v32;
	v36 =	vmul.f32 v27, v0  }
0x123: {  	v39 =	vld [tilespmem:s2+$0x1050];
	v38 =	vmul.f32 v29, v0;
	[tilespmem:s2+$0xC60] =	vst v34  }
0x124: {  	v41 =	vld [tilespmem:s2+$0x1060];
	v40 =	vmul.f32 v31, v0;
	[tilespmem:s2+$0xC70] =	vst v36  }
0x125: {  	v43 =	vld [tilespmem:s2+$0x1070];
	v42 =	vmul.f32 v33, v0;
	[tilespmem:s2+$0x1000] =	vst v38  }
0x126: {  	v45 =	vld [tilespmem:s2+$0x1400];
	[tilespmem:s2+$0x1010] =	vst v40;
	v44 =	vmul.f32 v35, v0  }
0x127: {  	v47 =	vld [tilespmem:s2+$0x1410];
	[tilespmem:s2+$0x1020] =	vst v42;
	v46 =	vmul.f32 v37, v0  }
0x128: {  	v49 =	vld [tilespmem:s2+$0x1420];
	v48 =	vmul.f32 v39, v0;
	[tilespmem:s2+$0x1030] =	vst v44  }
0x129: {  	v51 =	vld [tilespmem:s2+$0x1430];
	v50 =	vmul.f32 v41, v0;
	[tilespmem:s2+$0x1040] =	vst v46  }
0x12a: {  	v53 =	vld [tilespmem:s2+$0x1440];
	v52 =	vmul.f32 v43, v0;
	[tilespmem:s2+$0x1050] =	vst v48  }
0x12b: {  	v55 =	vld [tilespmem:s2+$0x1450];
	v54 =	vmul.f32 v45, v0;
	[tilespmem:s2+$0x1060] =	vst v50  }
0x12c: {  	v57 =	vld [tilespmem:s2+$0x1460];
	v56 =	vmul.f32 v47, v0;
	[tilespmem:s2+$0x1070] =	vst v52  }
0x12d: {  	v59 =	vld [tilespmem:s2+$0x1470];
	v58 =	vmul.f32 v49, v0;
	[tilespmem:s2+$0x1400] =	vst v54  }
0x12e: {  	v60 =	vmul.f32 v51, v0;
	[tilespmem:s2+$0x1410] =	vst v56  }
0x12f: {  	p0 =	sne.s32 s0, $0x3F;
	v61 =	vmul.f32 v53, v0;
	[tilespmem:s2+$0x1420] =	vst v58  }
.Ltmp3:
0x130: {  	v62 =	vmul.f32 v55, v0;
	[tilespmem:s2+$0x1430] =	vst v60;
	(pc) =	sbr.rel @p0 .LBB2_8-.Ltmp3, $4  }
0x131: {  	v63 =	vmul.f32 v57, v0;
	[tilespmem:s2+$0x1440] =	vst v61  }
0x132: {  	v0 =	vmul.f32 v59, v0;
	[tilespmem:s2+$0x1450] =	vst v62  }
0x133: {  	[tilespmem:s2+$0x1460] =	vst v63  }
0x134: {  	s31 =	sadd.s32 $0x80, s31;
	s20 =	sadd.s32 $0x80, s20;
	s0 =	sadd.s32 $0x1, s0;
	[tilespmem:s2+$0x1470] =	vst v0  }
0x135: {  	s31 =	simm.s32 $0x0  }
0x136: {  	[hbm4b:s13+s31] =	stream.linear.scatter [tilespmem:s31], [sflag:$0x1], $0xC000, $0x38;
	[tilespmem:$0xE000] =	vst v63  }
0x137: {  	_ =	swait.ge [sflag:s29], $0xC000  }
0x138: {  	[sflag:s29] =	ssyncset.done $0x0  }
0x139: {  	[sflag:s29] =	ssyncadd.s32 $0xFFFF4000  }
0x13a: {  	[tilespmem:s31], [sflag:$0x1] =	stream.linear.gather [hbm4b:s18+s31], $0xC000, $0x38;
	[tilespmem:$0xE000] =	vst v63  }
0x13b: {  	_ =	swait.ge [sflag:s29], $0xC000  }
0x13c: {  	[sflag:s29] =	ssyncset.done $0x0  }
0x13d: {  	s20 =	simm.s32 $0xC000;
	[sflag:s29] =	ssyncadd.s32 $0xFFFF4000  }
0x13e: {  	[tilespmem:s20], [sflag:$0x1] =	stream.linear.gather [hbm4b:s14+s31], $0x2000, $0x38;
	[tilespmem:$0xE000] =	vst v63  }
0x13f: {  	_ =	swait.ge [sflag:s29], $0x2000  }
0x140: {  	[sflag:s29] =	ssyncset.done $0x0  }
0x141: {  	s0 =	simm.s32 $0x0;
	[sflag:s29] =	ssyncadd.s32 $0xFFFFE000  }
.LBB2_10:
0x142: {  	s2 =	sshrl.u32 s0, $0x3  }
0x143: {  	s2 =	smul.u32 $0x6000, s2;
	_ =	sdelay $0x1  }
0x144: {  	s3 =	sand.u32 $0x380, s31;
	s2 =	sshra.s32 s2, $0x2  }
0x145: {  	v0 =	vld [tilespmem:s20+$0x0];
	s2 =	sor.u32 s3, s2  }
0x146: {  	v1 =	vld [tilespmem:s2+$0x0]  }
0x147: {  	v2 =	vld [tilespmem:s2+$0x10]  }
0x148: {  	v3 =	vld [tilespmem:s2+$0x20]  }
0x149: {  	v4 =	vld [tilespmem:s2+$0x30]  }
0x14a: {  	v5 =	vld [tilespmem:s2+$0x40]  }
0x14b: {  	v6 =	vld [tilespmem:s2+$0x50];
	v1 =	vmul.f32 v1, v0  }
0x14c: {  	v7 =	vld [tilespmem:s2+$0x60];
	v2 =	vmul.f32 v2, v0  }
0x14d: {  	v35 =	vld [tilespmem:s2+$0x70];
	v34 =	vmul.f32 v3, v0;
	[tilespmem:s2+$0x0] =	vst v1  }
0x14e: {  	v37 =	vld [tilespmem:s2+$0x400];
	v36 =	vmul.f32 v4, v0;
	[tilespmem:s2+$0x10] =	vst v2  }
0x14f: {  	v39 =	vld [tilespmem:s2+$0x410];
	v38 =	vmul.f32 v5, v0;
	[tilespmem:s2+$0x20] =	vst v34  }
0x150: {  	v41 =	vld [tilespmem:s2+$0x420];
	v40 =	vmul.f32 v6, v0;
	[tilespmem:s2+$0x30] =	vst v36  }
0x151: {  	v43 =	vld [tilespmem:s2+$0x430];
	v42 =	vmul.f32 v7, v0;
	[tilespmem:s2+$0x40] =	vst v38  }
0x152: {  	v45 =	vld [tilespmem:s2+$0x440];
	v44 =	vmul.f32 v35, v0;
	[tilespmem:s2+$0x50] =	vst v40  }
0x153: {  	v47 =	vld [tilespmem:s2+$0x450];
	v46 =	vmul.f32 v37, v0;
	[tilespmem:s2+$0x60] =	vst v42  }
0x154: {  	v49 =	vld [tilespmem:s2+$0x460];
	v48 =	vmul.f32 v39, v0;
	[tilespmem:s2+$0x70] =	vst v44  }
0x155: {  	v51 =	vld [tilespmem:s2+$0x470];
	v50 =	vmul.f32 v41, v0;
	[tilespmem:s2+$0x400] =	vst v46  }
0x156: {  	v53 =	vld [tilespmem:s2+$0x800];
	v52 =	vmul.f32 v43, v0;
	[tilespmem:s2+$0x410] =	vst v48  }
0x157: {  	v55 =	vld [tilespmem:s2+$0x810];
	v54 =	vmul.f32 v45, v0;
	[tilespmem:s2+$0x420] =	vst v50  }
0x158: {  	v57 =	vld [tilespmem:s2+$0x820];
	v56 =	vmul.f32 v47, v0;
	[tilespmem:s2+$0x430] =	vst v52  }
0x159: {  	v59 =	vld [tilespmem:s2+$0x830];
	v58 =	vmul.f32 v49, v0;
	[tilespmem:s2+$0x440] =	vst v54  }
0x15a: {  	v61 =	vld [tilespmem:s2+$0x840];
	v60 =	vmul.f32 v51, v0;
	[tilespmem:s2+$0x450] =	vst v56  }
0x15b: {  	v63 =	vld [tilespmem:s2+$0x850];
	v62 =	vmul.f32 v53, v0;
	[tilespmem:s2+$0x460] =	vst v58  }
0x15c: {  	v9 =	vld [tilespmem:s2+$0x860];
	v8 =	vmul.f32 v55, v0;
	[tilespmem:s2+$0x470] =	vst v60  }
0x15d: {  	v11 =	vld [tilespmem:s2+$0x870];
	v10 =	vmul.f32 v57, v0;
	[tilespmem:s2+$0x800] =	vst v62  }
0x15e: {  	v13 =	vld [tilespmem:s2+$0xC00];
	v12 =	vmul.f32 v59, v0;
	[tilespmem:s2+$0x810] =	vst v8  }
0x15f: {  	v15 =	vld [tilespmem:s2+$0xC10];
	v14 =	vmul.f32 v61, v0;
	[tilespmem:s2+$0x820] =	vst v10  }
0x160: {  	v17 =	vld [tilespmem:s2+$0xC20];
	v16 =	vmul.f32 v63, v0;
	[tilespmem:s2+$0x830] =	vst v12  }
0x161: {  	v19 =	vld [tilespmem:s2+$0xC30];
	v18 =	vmul.f32 v9, v0;
	[tilespmem:s2+$0x840] =	vst v14  }
0x162: {  	v21 =	vld [tilespmem:s2+$0xC40];
	v20 =	vmul.f32 v11, v0;
	[tilespmem:s2+$0x850] =	vst v16  }
0x163: {  	v23 =	vld [tilespmem:s2+$0xC50];
	v22 =	vmul.f32 v13, v0;
	[tilespmem:s2+$0x860] =	vst v18  }
0x164: {  	v25 =	vld [tilespmem:s2+$0xC60];
	v24 =	vmul.f32 v15, v0;
	[tilespmem:s2+$0x870] =	vst v20  }
0x165: {  	v27 =	vld [tilespmem:s2+$0xC70];
	v26 =	vmul.f32 v17, v0;
	[tilespmem:s2+$0xC00] =	vst v22  }
0x166: {  	v29 =	vld [tilespmem:s2+$0x1000];
	v28 =	vmul.f32 v19, v0;
	[tilespmem:s2+$0xC10] =	vst v24  }
0x167: {  	v31 =	vld [tilespmem:s2+$0x1010];
	v30 =	vmul.f32 v21, v0;
	[tilespmem:s2+$0xC20] =	vst v26  }
0x168: {  	v33 =	vld [tilespmem:s2+$0x1020];
	v32 =	vmul.f32 v23, v0;
	[tilespmem:s2+$0xC30] =	vst v28  }
0x169: {  	v35 =	vld [tilespmem:s2+$0x1030];
	[tilespmem:s2+$0xC40] =	vst v30;
	v34 =	vmul.f32 v25, v0  }
0x16a: {  	v37 =	vld [tilespmem:s2+$0x1040];
	[tilespmem:s2+$0xC50] =	vst v32;
	v36 =	vmul.f32 v27, v0  }
0x16b: {  	v39 =	vld [tilespmem:s2+$0x1050];
	v38 =	vmul.f32 v29, v0;
	[tilespmem:s2+$0xC60] =	vst v34  }
0x16c: {  	v41 =	vld [tilespmem:s2+$0x1060];
	v40 =	vmul.f32 v31, v0;
	[tilespmem:s2+$0xC70] =	vst v36  }
0x16d: {  	v43 =	vld [tilespmem:s2+$0x1070];
	v42 =	vmul.f32 v33, v0;
	[tilespmem:s2+$0x1000] =	vst v38  }
0x16e: {  	v45 =	vld [tilespmem:s2+$0x1400];
	[tilespmem:s2+$0x1010] =	vst v40;
	v44 =	vmul.f32 v35, v0  }
0x16f: {  	v47 =	vld [tilespmem:s2+$0x1410];
	[tilespmem:s2+$0x1020] =	vst v42;
	v46 =	vmul.f32 v37, v0  }
0x170: {  	v49 =	vld [tilespmem:s2+$0x1420];
	v48 =	vmul.f32 v39, v0;
	[tilespmem:s2+$0x1030] =	vst v44  }
0x171: {  	v51 =	vld [tilespmem:s2+$0x1430];
	v50 =	vmul.f32 v41, v0;
	[tilespmem:s2+$0x1040] =	vst v46  }
0x172: {  	v53 =	vld [tilespmem:s2+$0x1440];
	v52 =	vmul.f32 v43, v0;
	[tilespmem:s2+$0x1050] =	vst v48  }
0x173: {  	v55 =	vld [tilespmem:s2+$0x1450];
	v54 =	vmul.f32 v45, v0;
	[tilespmem:s2+$0x1060] =	vst v50  }
0x174: {  	v57 =	vld [tilespmem:s2+$0x1460];
	v56 =	vmul.f32 v47, v0;
	[tilespmem:s2+$0x1070] =	vst v52  }
0x175: {  	v59 =	vld [tilespmem:s2+$0x1470];
	v58 =	vmul.f32 v49, v0;
	[tilespmem:s2+$0x1400] =	vst v54  }
0x176: {  	v60 =	vmul.f32 v51, v0;
	[tilespmem:s2+$0x1410] =	vst v56  }
0x177: {  	p0 =	sne.s32 s0, $0x3F;
	v61 =	vmul.f32 v53, v0;
	[tilespmem:s2+$0x1420] =	vst v58  }
.Ltmp4:
0x178: {  	v62 =	vmul.f32 v55, v0;
	[tilespmem:s2+$0x1430] =	vst v60;
	(pc) =	sbr.rel @p0 .LBB2_10-.Ltmp4, $4  }
0x179: {  	v63 =	vmul.f32 v57, v0;
	[tilespmem:s2+$0x1440] =	vst v61  }
0x17a: {  	v0 =	vmul.f32 v59, v0;
	[tilespmem:s2+$0x1450] =	vst v62  }
0x17b: {  	[tilespmem:s2+$0x1460] =	vst v63  }
0x17c: {  	s31 =	sadd.s32 $0x80, s31;
	s20 =	sadd.s32 $0x80, s20;
	s0 =	sadd.s32 $0x1, s0;
	[tilespmem:s2+$0x1470] =	vst v0  }
0x17d: {  	s31 =	simm.s32 $0x0  }
0x17e: {  	[hbm4b:s19+s31] =	stream.linear.scatter [tilespmem:s31], [sflag:$0x1], $0xC000, $0x38;
	[tilespmem:$0xE000] =	vst v63  }
0x17f: {  	_ =	swait.ge [sflag:s29], $0xC000  }
0x180: {  	[sflag:s29] =	ssyncset.done $0x0  }
0x181: {  	[sflag:s29] =	ssyncadd.s32 $0xFFFF4000  }
0x182: {  	[tilespmem:s31], [sflag:$0x1] =	stream.linear.gather [hbm4b:s21+s31], $0xC000, $0x38;
	[tilespmem:$0xE000] =	vst v63  }
0x183: {  	_ =	swait.ge [sflag:s29], $0xC000  }
0x184: {  	[sflag:s29] =	ssyncset.done $0x0  }
0x185: {  	s20 =	simm.s32 $0xC000;
	[sflag:s29] =	ssyncadd.s32 $0xFFFF4000  }
0x186: {  	[tilespmem:s20], [sflag:$0x1] =	stream.linear.gather [hbm4b:s15+s31], $0x2000, $0x38;
	[tilespmem:$0xE000] =	vst v63  }
0x187: {  	_ =	swait.ge [sflag:s29], $0x2000  }
0x188: {  	[sflag:s29] =	ssyncset.done $0x0  }
0x189: {  	s0 =	simm.s32 $0x0;
	[sflag:s29] =	ssyncadd.s32 $0xFFFFE000  }
.LBB2_12:
0x18a: {  	s2 =	sshrl.u32 s0, $0x3  }
0x18b: {  	s2 =	smul.u32 $0x6000, s2;
	_ =	sdelay $0x1  }
0x18c: {  	s3 =	sand.u32 $0x380, s31;
	s2 =	sshra.s32 s2, $0x2  }
0x18d: {  	v0 =	vld [tilespmem:s20+$0x0];
	s2 =	sor.u32 s3, s2  }
0x18e: {  	v1 =	vld [tilespmem:s2+$0x0]  }
0x18f: {  	v2 =	vld [tilespmem:s2+$0x10]  }
0x190: {  	v3 =	vld [tilespmem:s2+$0x20]  }
0x191: {  	v4 =	vld [tilespmem:s2+$0x30]  }
0x192: {  	v5 =	vld [tilespmem:s2+$0x40]  }
0x193: {  	v6 =	vld [tilespmem:s2+$0x50];
	v1 =	vmul.f32 v1, v0  }
0x194: {  	v7 =	vld [tilespmem:s2+$0x60];
	v2 =	vmul.f32 v2, v0  }
0x195: {  	v35 =	vld [tilespmem:s2+$0x70];
	v34 =	vmul.f32 v3, v0;
	[tilespmem:s2+$0x0] =	vst v1  }
0x196: {  	v37 =	vld [tilespmem:s2+$0x400];
	v36 =	vmul.f32 v4, v0;
	[tilespmem:s2+$0x10] =	vst v2  }
0x197: {  	v39 =	vld [tilespmem:s2+$0x410];
	v38 =	vmul.f32 v5, v0;
	[tilespmem:s2+$0x20] =	vst v34  }
0x198: {  	v41 =	vld [tilespmem:s2+$0x420];
	v40 =	vmul.f32 v6, v0;
	[tilespmem:s2+$0x30] =	vst v36  }
0x199: {  	v43 =	vld [tilespmem:s2+$0x430];
	v42 =	vmul.f32 v7, v0;
	[tilespmem:s2+$0x40] =	vst v38  }
0x19a: {  	v45 =	vld [tilespmem:s2+$0x440];
	v44 =	vmul.f32 v35, v0;
	[tilespmem:s2+$0x50] =	vst v40  }
0x19b: {  	v47 =	vld [tilespmem:s2+$0x450];
	v46 =	vmul.f32 v37, v0;
	[tilespmem:s2+$0x60] =	vst v42  }
0x19c: {  	v49 =	vld [tilespmem:s2+$0x460];
	v48 =	vmul.f32 v39, v0;
	[tilespmem:s2+$0x70] =	vst v44  }
0x19d: {  	v51 =	vld [tilespmem:s2+$0x470];
	v50 =	vmul.f32 v41, v0;
	[tilespmem:s2+$0x400] =	vst v46  }
0x19e: {  	v53 =	vld [tilespmem:s2+$0x800];
	v52 =	vmul.f32 v43, v0;
	[tilespmem:s2+$0x410] =	vst v48  }
0x19f: {  	v55 =	vld [tilespmem:s2+$0x810];
	v54 =	vmul.f32 v45, v0;
	[tilespmem:s2+$0x420] =	vst v50  }
0x1a0: {  	v57 =	vld [tilespmem:s2+$0x820];
	v56 =	vmul.f32 v47, v0;
	[tilespmem:s2+$0x430] =	vst v52  }
0x1a1: {  	v59 =	vld [tilespmem:s2+$0x830];
	v58 =	vmul.f32 v49, v0;
	[tilespmem:s2+$0x440] =	vst v54  }
0x1a2: {  	v61 =	vld [tilespmem:s2+$0x840];
	v60 =	vmul.f32 v51, v0;
	[tilespmem:s2+$0x450] =	vst v56  }
0x1a3: {  	v63 =	vld [tilespmem:s2+$0x850];
	v62 =	vmul.f32 v53, v0;
	[tilespmem:s2+$0x460] =	vst v58  }
0x1a4: {  	v9 =	vld [tilespmem:s2+$0x860];
	v8 =	vmul.f32 v55, v0;
	[tilespmem:s2+$0x470] =	vst v60  }
0x1a5: {  	v11 =	vld [tilespmem:s2+$0x870];
	v10 =	vmul.f32 v57, v0;
	[tilespmem:s2+$0x800] =	vst v62  }
0x1a6: {  	v13 =	vld [tilespmem:s2+$0xC00];
	v12 =	vmul.f32 v59, v0;
	[tilespmem:s2+$0x810] =	vst v8  }
0x1a7: {  	v15 =	vld [tilespmem:s2+$0xC10];
	v14 =	vmul.f32 v61, v0;
	[tilespmem:s2+$0x820] =	vst v10  }
0x1a8: {  	v17 =	vld [tilespmem:s2+$0xC20];
	v16 =	vmul.f32 v63, v0;
	[tilespmem:s2+$0x830] =	vst v12  }
0x1a9: {  	v19 =	vld [tilespmem:s2+$0xC30];
	v18 =	vmul.f32 v9, v0;
	[tilespmem:s2+$0x840] =	vst v14  }
0x1aa: {  	v21 =	vld [tilespmem:s2+$0xC40];
	v20 =	vmul.f32 v11, v0;
	[tilespmem:s2+$0x850] =	vst v16  }
0x1ab: {  	v23 =	vld [tilespmem:s2+$0xC50];
	v22 =	vmul.f32 v13, v0;
	[tilespmem:s2+$0x860] =	vst v18  }
0x1ac: {  	v25 =	vld [tilespmem:s2+$0xC60];
	v24 =	vmul.f32 v15, v0;
	[tilespmem:s2+$0x870] =	vst v20  }
0x1ad: {  	v27 =	vld [tilespmem:s2+$0xC70];
	v26 =	vmul.f32 v17, v0;
	[tilespmem:s2+$0xC00] =	vst v22  }
0x1ae: {  	v29 =	vld [tilespmem:s2+$0x1000];
	v28 =	vmul.f32 v19, v0;
	[tilespmem:s2+$0xC10] =	vst v24  }
0x1af: {  	v31 =	vld [tilespmem:s2+$0x1010];
	v30 =	vmul.f32 v21, v0;
	[tilespmem:s2+$0xC20] =	vst v26  }
0x1b0: {  	v33 =	vld [tilespmem:s2+$0x1020];
	v32 =	vmul.f32 v23, v0;
	[tilespmem:s2+$0xC30] =	vst v28  }
0x1b1: {  	v35 =	vld [tilespmem:s2+$0x1030];
	[tilespmem:s2+$0xC40] =	vst v30;
	v34 =	vmul.f32 v25, v0  }
0x1b2: {  	v37 =	vld [tilespmem:s2+$0x1040];
	[tilespmem:s2+$0xC50] =	vst v32;
	v36 =	vmul.f32 v27, v0  }
0x1b3: {  	v39 =	vld [tilespmem:s2+$0x1050];
	v38 =	vmul.f32 v29, v0;
	[tilespmem:s2+$0xC60] =	vst v34  }
0x1b4: {  	v41 =	vld [tilespmem:s2+$0x1060];
	v40 =	vmul.f32 v31, v0;
	[tilespmem:s2+$0xC70] =	vst v36  }
0x1b5: {  	v43 =	vld [tilespmem:s2+$0x1070];
	v42 =	vmul.f32 v33, v0;
	[tilespmem:s2+$0x1000] =	vst v38  }
0x1b6: {  	v45 =	vld [tilespmem:s2+$0x1400];
	[tilespmem:s2+$0x1010] =	vst v40;
	v44 =	vmul.f32 v35, v0  }
0x1b7: {  	v47 =	vld [tilespmem:s2+$0x1410];
	[tilespmem:s2+$0x1020] =	vst v42;
	v46 =	vmul.f32 v37, v0  }
0x1b8: {  	v49 =	vld [tilespmem:s2+$0x1420];
	v48 =	vmul.f32 v39, v0;
	[tilespmem:s2+$0x1030] =	vst v44  }
0x1b9: {  	v51 =	vld [tilespmem:s2+$0x1430];
	v50 =	vmul.f32 v41, v0;
	[tilespmem:s2+$0x1040] =	vst v46  }
0x1ba: {  	v53 =	vld [tilespmem:s2+$0x1440];
	v52 =	vmul.f32 v43, v0;
	[tilespmem:s2+$0x1050] =	vst v48  }
0x1bb: {  	v55 =	vld [tilespmem:s2+$0x1450];
	v54 =	vmul.f32 v45, v0;
	[tilespmem:s2+$0x1060] =	vst v50  }
0x1bc: {  	v57 =	vld [tilespmem:s2+$0x1460];
	v56 =	vmul.f32 v47, v0;
	[tilespmem:s2+$0x1070] =	vst v52  }
0x1bd: {  	v59 =	vld [tilespmem:s2+$0x1470];
	v58 =	vmul.f32 v49, v0;
	[tilespmem:s2+$0x1400] =	vst v54  }
0x1be: {  	v60 =	vmul.f32 v51, v0;
	[tilespmem:s2+$0x1410] =	vst v56  }
0x1bf: {  	p0 =	sne.s32 s0, $0x3F;
	v61 =	vmul.f32 v53, v0;
	[tilespmem:s2+$0x1420] =	vst v58  }
.Ltmp5:
0x1c0: {  	v62 =	vmul.f32 v55, v0;
	[tilespmem:s2+$0x1430] =	vst v60;
	(pc) =	sbr.rel @p0 .LBB2_12-.Ltmp5, $4  }
0x1c1: {  	v63 =	vmul.f32 v57, v0;
	[tilespmem:s2+$0x1440] =	vst v61  }
0x1c2: {  	v0 =	vmul.f32 v59, v0;
	[tilespmem:s2+$0x1450] =	vst v62  }
0x1c3: {  	[tilespmem:s2+$0x1460] =	vst v63  }
0x1c4: {  	s31 =	sadd.s32 $0x80, s31;
	s20 =	sadd.s32 $0x80, s20;
	s0 =	sadd.s32 $0x1, s0;
	[tilespmem:s2+$0x1470] =	vst v0  }
0x1c5: {  	s31 =	simm.s32 $0x0  }
0x1c6: {  	[hbm4b:s22+s31] =	stream.linear.scatter [tilespmem:s31], [sflag:$0x1], $0xC000, $0x38;
	[tilespmem:$0xE000] =	vst v63  }
0x1c7: {  	_ =	swait.ge [sflag:s29], $0xC000  }
0x1c8: {  	[sflag:s29] =	ssyncset.done $0x0  }
0x1c9: {  	[sflag:s29] =	ssyncadd.s32 $0xFFFF4000  }
0x1ca: {  	[tilespmem:s31], [sflag:$0x1] =	stream.linear.gather [hbm4b:s23+s31], $0xC000, $0x38;
	[tilespmem:$0xE000] =	vst v63  }
0x1cb: {  	_ =	swait.ge [sflag:s29], $0xC000  }
0x1cc: {  	[sflag:s29] =	ssyncset.done $0x0  }
0x1cd: {  	s20 =	simm.s32 $0xC000;
	[sflag:s29] =	ssyncadd.s32 $0xFFFF4000  }
0x1ce: {  	[tilespmem:s20], [sflag:$0x1] =	stream.linear.gather [hbm4b:s16+s31], $0x2000, $0x38;
	[tilespmem:$0xE000] =	vst v63  }
0x1cf: {  	_ =	swait.ge [sflag:s29], $0x2000  }
0x1d0: {  	[sflag:s29] =	ssyncset.done $0x0  }
0x1d1: {  	s0 =	simm.s32 $0x0;
	[sflag:s29] =	ssyncadd.s32 $0xFFFFE000  }
.LBB2_14:
0x1d2: {  	s2 =	sshrl.u32 s0, $0x3  }
0x1d3: {  	s2 =	smul.u32 $0x6000, s2;
	_ =	sdelay $0x1  }
0x1d4: {  	s3 =	sand.u32 $0x380, s31;
	s2 =	sshra.s32 s2, $0x2  }
0x1d5: {  	v0 =	vld [tilespmem:s20+$0x0];
	s2 =	sor.u32 s3, s2  }
0x1d6: {  	v1 =	vld [tilespmem:s2+$0x0]  }
0x1d7: {  	v2 =	vld [tilespmem:s2+$0x10]  }
0x1d8: {  	v3 =	vld [tilespmem:s2+$0x20]  }
0x1d9: {  	v4 =	vld [tilespmem:s2+$0x30]  }
0x1da: {  	v5 =	vld [tilespmem:s2+$0x40]  }
0x1db: {  	v6 =	vld [tilespmem:s2+$0x50];
	v1 =	vmul.f32 v1, v0  }
0x1dc: {  	v7 =	vld [tilespmem:s2+$0x60];
	v2 =	vmul.f32 v2, v0  }
0x1dd: {  	v35 =	vld [tilespmem:s2+$0x70];
	v34 =	vmul.f32 v3, v0;
	[tilespmem:s2+$0x0] =	vst v1  }
0x1de: {  	v37 =	vld [tilespmem:s2+$0x400];
	v36 =	vmul.f32 v4, v0;
	[tilespmem:s2+$0x10] =	vst v2  }
0x1df: {  	v39 =	vld [tilespmem:s2+$0x410];
	v38 =	vmul.f32 v5, v0;
	[tilespmem:s2+$0x20] =	vst v34  }
0x1e0: {  	v41 =	vld [tilespmem:s2+$0x420];
	v40 =	vmul.f32 v6, v0;
	[tilespmem:s2+$0x30] =	vst v36  }
0x1e1: {  	v43 =	vld [tilespmem:s2+$0x430];
	v42 =	vmul.f32 v7, v0;
	[tilespmem:s2+$0x40] =	vst v38  }
0x1e2: {  	v45 =	vld [tilespmem:s2+$0x440];
	v44 =	vmul.f32 v35, v0;
	[tilespmem:s2+$0x50] =	vst v40  }
0x1e3: {  	v47 =	vld [tilespmem:s2+$0x450];
	v46 =	vmul.f32 v37, v0;
	[tilespmem:s2+$0x60] =	vst v42  }
0x1e4: {  	v49 =	vld [tilespmem:s2+$0x460];
	v48 =	vmul.f32 v39, v0;
	[tilespmem:s2+$0x70] =	vst v44  }
0x1e5: {  	v51 =	vld [tilespmem:s2+$0x470];
	v50 =	vmul.f32 v41, v0;
	[tilespmem:s2+$0x400] =	vst v46  }
0x1e6: {  	v53 =	vld [tilespmem:s2+$0x800];
	v52 =	vmul.f32 v43, v0;
	[tilespmem:s2+$0x410] =	vst v48  }
0x1e7: {  	v55 =	vld [tilespmem:s2+$0x810];
	v54 =	vmul.f32 v45, v0;
	[tilespmem:s2+$0x420] =	vst v50  }
0x1e8: {  	v57 =	vld [tilespmem:s2+$0x820];
	v56 =	vmul.f32 v47, v0;
	[tilespmem:s2+$0x430] =	vst v52  }
0x1e9: {  	v59 =	vld [tilespmem:s2+$0x830];
	v58 =	vmul.f32 v49, v0;
	[tilespmem:s2+$0x440] =	vst v54  }
0x1ea: {  	v61 =	vld [tilespmem:s2+$0x840];
	v60 =	vmul.f32 v51, v0;
	[tilespmem:s2+$0x450] =	vst v56  }
0x1eb: {  	v63 =	vld [tilespmem:s2+$0x850];
	v62 =	vmul.f32 v53, v0;
	[tilespmem:s2+$0x460] =	vst v58  }
0x1ec: {  	v9 =	vld [tilespmem:s2+$0x860];
	v8 =	vmul.f32 v55, v0;
	[tilespmem:s2+$0x470] =	vst v60  }
0x1ed: {  	v11 =	vld [tilespmem:s2+$0x870];
	v10 =	vmul.f32 v57, v0;
	[tilespmem:s2+$0x800] =	vst v62  }
0x1ee: {  	v13 =	vld [tilespmem:s2+$0xC00];
	v12 =	vmul.f32 v59, v0;
	[tilespmem:s2+$0x810] =	vst v8  }
0x1ef: {  	v15 =	vld [tilespmem:s2+$0xC10];
	v14 =	vmul.f32 v61, v0;
	[tilespmem:s2+$0x820] =	vst v10  }
0x1f0: {  	v17 =	vld [tilespmem:s2+$0xC20];
	v16 =	vmul.f32 v63, v0;
	[tilespmem:s2+$0x830] =	vst v12  }
0x1f1: {  	v19 =	vld [tilespmem:s2+$0xC30];
	v18 =	vmul.f32 v9, v0;
	[tilespmem:s2+$0x840] =	vst v14  }
0x1f2: {  	v21 =	vld [tilespmem:s2+$0xC40];
	v20 =	vmul.f32 v11, v0;
	[tilespmem:s2+$0x850] =	vst v16  }
0x1f3: {  	v23 =	vld [tilespmem:s2+$0xC50];
	v22 =	vmul.f32 v13, v0;
	[tilespmem:s2+$0x860] =	vst v18  }
0x1f4: {  	v25 =	vld [tilespmem:s2+$0xC60];
	v24 =	vmul.f32 v15, v0;
	[tilespmem:s2+$0x870] =	vst v20  }
0x1f5: {  	v27 =	vld [tilespmem:s2+$0xC70];
	v26 =	vmul.f32 v17, v0;
	[tilespmem:s2+$0xC00] =	vst v22  }
0x1f6: {  	v29 =	vld [tilespmem:s2+$0x1000];
	v28 =	vmul.f32 v19, v0;
	[tilespmem:s2+$0xC10] =	vst v24  }
0x1f7: {  	v31 =	vld [tilespmem:s2+$0x1010];
	v30 =	vmul.f32 v21, v0;
	[tilespmem:s2+$0xC20] =	vst v26  }
0x1f8: {  	v33 =	vld [tilespmem:s2+$0x1020];
	v32 =	vmul.f32 v23, v0;
	[tilespmem:s2+$0xC30] =	vst v28  }
0x1f9: {  	v35 =	vld [tilespmem:s2+$0x1030];
	[tilespmem:s2+$0xC40] =	vst v30;
	v34 =	vmul.f32 v25, v0  }
0x1fa: {  	v37 =	vld [tilespmem:s2+$0x1040];
	[tilespmem:s2+$0xC50] =	vst v32;
	v36 =	vmul.f32 v27, v0  }
0x1fb: {  	v39 =	vld [tilespmem:s2+$0x1050];
	v38 =	vmul.f32 v29, v0;
	[tilespmem:s2+$0xC60] =	vst v34  }
0x1fc: {  	v41 =	vld [tilespmem:s2+$0x1060];
	v40 =	vmul.f32 v31, v0;
	[tilespmem:s2+$0xC70] =	vst v36  }
0x1fd: {  	v43 =	vld [tilespmem:s2+$0x1070];
	v42 =	vmul.f32 v33, v0;
	[tilespmem:s2+$0x1000] =	vst v38  }
0x1fe: {  	v45 =	vld [tilespmem:s2+$0x1400];
	[tilespmem:s2+$0x1010] =	vst v40;
	v44 =	vmul.f32 v35, v0  }
0x1ff: {  	v47 =	vld [tilespmem:s2+$0x1410];
	[tilespmem:s2+$0x1020] =	vst v42;
	v46 =	vmul.f32 v37, v0  }
0x200: {  	v49 =	vld [tilespmem:s2+$0x1420];
	v48 =	vmul.f32 v39, v0;
	[tilespmem:s2+$0x1030] =	vst v44  }
0x201: {  	v51 =	vld [tilespmem:s2+$0x1430];
	v50 =	vmul.f32 v41, v0;
	[tilespmem:s2+$0x1040] =	vst v46  }
0x202: {  	v53 =	vld [tilespmem:s2+$0x1440];
	v52 =	vmul.f32 v43, v0;
	[tilespmem:s2+$0x1050] =	vst v48  }
0x203: {  	v55 =	vld [tilespmem:s2+$0x1450];
	v54 =	vmul.f32 v45, v0;
	[tilespmem:s2+$0x1060] =	vst v50  }
0x204: {  	v57 =	vld [tilespmem:s2+$0x1460];
	v56 =	vmul.f32 v47, v0;
	[tilespmem:s2+$0x1070] =	vst v52  }
0x205: {  	v59 =	vld [tilespmem:s2+$0x1470];
	v58 =	vmul.f32 v49, v0;
	[tilespmem:s2+$0x1400] =	vst v54  }
0x206: {  	v60 =	vmul.f32 v51, v0;
	[tilespmem:s2+$0x1410] =	vst v56  }
0x207: {  	p0 =	sne.s32 s0, $0x3F;
	v61 =	vmul.f32 v53, v0;
	[tilespmem:s2+$0x1420] =	vst v58  }
.Ltmp6:
0x208: {  	v62 =	vmul.f32 v55, v0;
	[tilespmem:s2+$0x1430] =	vst v60;
	(pc) =	sbr.rel @p0 .LBB2_14-.Ltmp6, $4  }
0x209: {  	v63 =	vmul.f32 v57, v0;
	[tilespmem:s2+$0x1440] =	vst v61  }
0x20a: {  	v0 =	vmul.f32 v59, v0;
	[tilespmem:s2+$0x1450] =	vst v62  }
0x20b: {  	[tilespmem:s2+$0x1460] =	vst v63  }
0x20c: {  	s31 =	sadd.s32 $0x80, s31;
	s20 =	sadd.s32 $0x80, s20;
	s0 =	sadd.s32 $0x1, s0;
	[tilespmem:s2+$0x1470] =	vst v0  }
0x20d: {  	s31 =	simm.s32 $0x0  }
0x20e: {  	[hbm4b:s24+s31] =	stream.linear.scatter [tilespmem:s31], [sflag:$0x1], $0xC000, $0x38;
	[tilespmem:$0xE000] =	vst v63  }
0x20f: {  	_ =	swait.ge [sflag:s29], $0xC000  }
0x210: {  	[sflag:s29] =	ssyncset.done $0x0  }
0x211: {  	[sflag:s29] =	ssyncadd.s32 $0xFFFF4000  }
0x212: {  	[tilespmem:s31], [sflag:$0x1] =	stream.linear.gather [hbm4b:s25+s31], $0xC000, $0x38;
	[tilespmem:$0xE000] =	vst v63  }
0x213: {  	_ =	swait.ge [sflag:s29], $0xC000  }
0x214: {  	[sflag:s29] =	ssyncset.done $0x0  }
0x215: {  	s20 =	simm.s32 $0xC000;
	[sflag:s29] =	ssyncadd.s32 $0xFFFF4000  }
0x216: {  	[tilespmem:s20], [sflag:$0x1] =	stream.linear.gather [hbm4b:s17+s31], $0x2000, $0x38;
	[tilespmem:$0xE000] =	vst v63  }
0x217: {  	_ =	swait.ge [sflag:s29], $0x2000  }
0x218: {  	[sflag:s29] =	ssyncset.done $0x0  }
0x219: {  	s0 =	simm.s32 $0x0;
	[sflag:s29] =	ssyncadd.s32 $0xFFFFE000  }
.LBB2_16:
0x21a: {  	s2 =	sshrl.u32 s0, $0x3  }
0x21b: {  	s2 =	smul.u32 $0x6000, s2;
	_ =	sdelay $0x1  }
0x21c: {  	s3 =	sand.u32 $0x380, s31;
	s2 =	sshra.s32 s2, $0x2  }
0x21d: {  	v0 =	vld [tilespmem:s20+$0x0];
	s2 =	sor.u32 s3, s2  }
0x21e: {  	v1 =	vld [tilespmem:s2+$0x0]  }
0x21f: {  	v2 =	vld [tilespmem:s2+$0x10]  }
0x220: {  	v3 =	vld [tilespmem:s2+$0x20]  }
0x221: {  	v4 =	vld [tilespmem:s2+$0x30]  }
0x222: {  	v5 =	vld [tilespmem:s2+$0x40]  }
0x223: {  	v6 =	vld [tilespmem:s2+$0x50];
	v1 =	vmul.f32 v1, v0  }
0x224: {  	v7 =	vld [tilespmem:s2+$0x60];
	v2 =	vmul.f32 v2, v0  }
0x225: {  	v35 =	vld [tilespmem:s2+$0x70];
	v34 =	vmul.f32 v3, v0;
	[tilespmem:s2+$0x0] =	vst v1  }
0x226: {  	v37 =	vld [tilespmem:s2+$0x400];
	v36 =	vmul.f32 v4, v0;
	[tilespmem:s2+$0x10] =	vst v2  }
0x227: {  	v39 =	vld [tilespmem:s2+$0x410];
	v38 =	vmul.f32 v5, v0;
	[tilespmem:s2+$0x20] =	vst v34  }
0x228: {  	v41 =	vld [tilespmem:s2+$0x420];
	v40 =	vmul.f32 v6, v0;
	[tilespmem:s2+$0x30] =	vst v36  }
0x229: {  	v43 =	vld [tilespmem:s2+$0x430];
	v42 =	vmul.f32 v7, v0;
	[tilespmem:s2+$0x40] =	vst v38  }
0x22a: {  	v45 =	vld [tilespmem:s2+$0x440];
	v44 =	vmul.f32 v35, v0;
	[tilespmem:s2+$0x50] =	vst v40  }
0x22b: {  	v47 =	vld [tilespmem:s2+$0x450];
	v46 =	vmul.f32 v37, v0;
	[tilespmem:s2+$0x60] =	vst v42  }
0x22c: {  	v49 =	vld [tilespmem:s2+$0x460];
	v48 =	vmul.f32 v39, v0;
	[tilespmem:s2+$0x70] =	vst v44  }
0x22d: {  	v51 =	vld [tilespmem:s2+$0x470];
	v50 =	vmul.f32 v41, v0;
	[tilespmem:s2+$0x400] =	vst v46  }
0x22e: {  	v53 =	vld [tilespmem:s2+$0x800];
	v52 =	vmul.f32 v43, v0;
	[tilespmem:s2+$0x410] =	vst v48  }
0x22f: {  	v55 =	vld [tilespmem:s2+$0x810];
	v54 =	vmul.f32 v45, v0;
	[tilespmem:s2+$0x420] =	vst v50  }
0x230: {  	v57 =	vld [tilespmem:s2+$0x820];
	v56 =	vmul.f32 v47, v0;
	[tilespmem:s2+$0x430] =	vst v52  }
0x231: {  	v59 =	vld [tilespmem:s2+$0x830];
	v58 =	vmul.f32 v49, v0;
	[tilespmem:s2+$0x440] =	vst v54  }
0x232: {  	v61 =	vld [tilespmem:s2+$0x840];
	v60 =	vmul.f32 v51, v0;
	[tilespmem:s2+$0x450] =	vst v56  }
0x233: {  	v63 =	vld [tilespmem:s2+$0x850];
	v62 =	vmul.f32 v53, v0;
	[tilespmem:s2+$0x460] =	vst v58  }
0x234: {  	v9 =	vld [tilespmem:s2+$0x860];
	v8 =	vmul.f32 v55, v0;
	[tilespmem:s2+$0x470] =	vst v60  }
0x235: {  	v11 =	vld [tilespmem:s2+$0x870];
	v10 =	vmul.f32 v57, v0;
	[tilespmem:s2+$0x800] =	vst v62  }
0x236: {  	v13 =	vld [tilespmem:s2+$0xC00];
	v12 =	vmul.f32 v59, v0;
	[tilespmem:s2+$0x810] =	vst v8  }
0x237: {  	v15 =	vld [tilespmem:s2+$0xC10];
	v14 =	vmul.f32 v61, v0;
	[tilespmem:s2+$0x820] =	vst v10  }
0x238: {  	v17 =	vld [tilespmem:s2+$0xC20];
	v16 =	vmul.f32 v63, v0;
	[tilespmem:s2+$0x830] =	vst v12  }
0x239: {  	v19 =	vld [tilespmem:s2+$0xC30];
	v18 =	vmul.f32 v9, v0;
	[tilespmem:s2+$0x840] =	vst v14  }
0x23a: {  	v21 =	vld [tilespmem:s2+$0xC40];
	v20 =	vmul.f32 v11, v0;
	[tilespmem:s2+$0x850] =	vst v16  }
0x23b: {  	v23 =	vld [tilespmem:s2+$0xC50];
	v22 =	vmul.f32 v13, v0;
	[tilespmem:s2+$0x860] =	vst v18  }
0x23c: {  	v25 =	vld [tilespmem:s2+$0xC60];
	v24 =	vmul.f32 v15, v0;
	[tilespmem:s2+$0x870] =	vst v20  }
0x23d: {  	v27 =	vld [tilespmem:s2+$0xC70];
	v26 =	vmul.f32 v17, v0;
	[tilespmem:s2+$0xC00] =	vst v22  }
0x23e: {  	v29 =	vld [tilespmem:s2+$0x1000];
	v28 =	vmul.f32 v19, v0;
	[tilespmem:s2+$0xC10] =	vst v24  }
0x23f: {  	v31 =	vld [tilespmem:s2+$0x1010];
	v30 =	vmul.f32 v21, v0;
	[tilespmem:s2+$0xC20] =	vst v26  }
0x240: {  	v33 =	vld [tilespmem:s2+$0x1020];
	v32 =	vmul.f32 v23, v0;
	[tilespmem:s2+$0xC30] =	vst v28  }
0x241: {  	v35 =	vld [tilespmem:s2+$0x1030];
	[tilespmem:s2+$0xC40] =	vst v30;
	v34 =	vmul.f32 v25, v0  }
0x242: {  	v37 =	vld [tilespmem:s2+$0x1040];
	[tilespmem:s2+$0xC50] =	vst v32;
	v36 =	vmul.f32 v27, v0  }
0x243: {  	v39 =	vld [tilespmem:s2+$0x1050];
	v38 =	vmul.f32 v29, v0;
	[tilespmem:s2+$0xC60] =	vst v34  }
0x244: {  	v41 =	vld [tilespmem:s2+$0x1060];
	v40 =	vmul.f32 v31, v0;
	[tilespmem:s2+$0xC70] =	vst v36  }
0x245: {  	v43 =	vld [tilespmem:s2+$0x1070];
	v42 =	vmul.f32 v33, v0;
	[tilespmem:s2+$0x1000] =	vst v38  }
0x246: {  	v45 =	vld [tilespmem:s2+$0x1400];
	[tilespmem:s2+$0x1010] =	vst v40;
	v44 =	vmul.f32 v35, v0  }
0x247: {  	v47 =	vld [tilespmem:s2+$0x1410];
	[tilespmem:s2+$0x1020] =	vst v42;
	v46 =	vmul.f32 v37, v0  }
0x248: {  	v49 =	vld [tilespmem:s2+$0x1420];
	v48 =	vmul.f32 v39, v0;
	[tilespmem:s2+$0x1030] =	vst v44  }
0x249: {  	v51 =	vld [tilespmem:s2+$0x1430];
	v50 =	vmul.f32 v41, v0;
	[tilespmem:s2+$0x1040] =	vst v46  }
0x24a: {  	v53 =	vld [tilespmem:s2+$0x1440];
	v52 =	vmul.f32 v43, v0;
	[tilespmem:s2+$0x1050] =	vst v48  }
0x24b: {  	v55 =	vld [tilespmem:s2+$0x1450];
	v54 =	vmul.f32 v45, v0;
	[tilespmem:s2+$0x1060] =	vst v50  }
0x24c: {  	v57 =	vld [tilespmem:s2+$0x1460];
	v56 =	vmul.f32 v47, v0;
	[tilespmem:s2+$0x1070] =	vst v52  }
0x24d: {  	v59 =	vld [tilespmem:s2+$0x1470];
	v58 =	vmul.f32 v49, v0;
	[tilespmem:s2+$0x1400] =	vst v54  }
0x24e: {  	v60 =	vmul.f32 v51, v0;
	[tilespmem:s2+$0x1410] =	vst v56  }
0x24f: {  	p0 =	sne.s32 s0, $0x3F;
	v61 =	vmul.f32 v53, v0;
	[tilespmem:s2+$0x1420] =	vst v58  }
.Ltmp7:
0x250: {  	v62 =	vmul.f32 v55, v0;
	[tilespmem:s2+$0x1430] =	vst v60;
	(pc) =	sbr.rel @p0 .LBB2_16-.Ltmp7, $4  }
0x251: {  	v63 =	vmul.f32 v57, v0;
	[tilespmem:s2+$0x1440] =	vst v61  }
0x252: {  	v0 =	vmul.f32 v59, v0;
	[tilespmem:s2+$0x1450] =	vst v62  }
0x253: {  	[tilespmem:s2+$0x1460] =	vst v63  }
0x254: {  	s31 =	sadd.s32 $0x80, s31;
	s20 =	sadd.s32 $0x80, s20;
	s0 =	sadd.s32 $0x1, s0;
	[tilespmem:s2+$0x1470] =	vst v0  }
0x255: {  	s30 =	sadd.s32 $0x1, s30  }
0x256: {  	p0 =	sne.s32 s30, s28  }
.Ltmp8:
0x257: {  	_ = 	snop;
	(pc) =	sbr.rel @p0 .LBB2_1-.Ltmp8, $4  }
0x258: {  	[hbm4b:s26+s1] =	stream.linear.scatter [tilespmem:s1], [sflag:$0x1], $0xC000, $0x38;
	[tilespmem:$0xE000] =	vst v63  }
0x259: {  	_ =	swait.ge [sflag:s29], $0xC000  }
0x25a: {  	[sflag:s29] =	ssyncset.done $0x0  }
0x25b: {  	[sflag:s29] =	ssyncadd.s32 $0xFFFF4000  }
0x25c: {  	_ =	sfence.sel $0x180000  }
0x25d: {  	[bflag:$0x0] =	sbarrier.arrive $0xFFFF  }
0x25e: {  	_ =	strace $0x90000047  }
0x25f: {  	s0 =	stileid.u32;
	[bflag:$0x2] =	sbarrier.arrive $0xFFFF  }
0x260: {  	p0 =	sne.s32 s0, $0x0;
	s0 =	rddreg [dreg:$0x2]  }
0x261: {  	s0 =	sadd.s32 @!p0 $0x100000, s0  }
0x262: {  	[sflag:s0] =	ssyncadd.tile.s32 @!p0 $0x1;
	_ =	shalt  }
.Lfunc_end2:
_tile_overlayer_lowered:
.L_overlay_start_2:
0x263: {  	(tag) =	ssettag $0x2  }
0x264: {  	s0 =	rddreg [dreg:$0x0];
	s2 =	stileid.u32  }
0x265: {  	s1 =	rddreg [dreg:$0x1];
	p0 =	sne.s32 s2, $0x0  }
0x266: {  	s3 =	rddreg [dreg:$0x2];
	[bflag:$0x3] =	sbarrier.arrive $0xFFFF;
	s2 =	simm.s32 @!p0 $0x1C01  }
0x267: {  	[timem:s3], [sflag:s2] =	dma.local @!p0 [hbm:s0], s1  }
0x268: {  	s0 =	simm.s32 @!p0 $0x1  }
0x269: {  	_ =	swait.ge @!p0 [sflag:s0], s1  }
0x26a: {  	s1 =	ssub.s32 @!p0 $0x0, s1;
	[sflag:s0] =	ssyncset.done @!p0 $0x0  }
0x26b: {  	[sflag:s0] =	ssyncadd.s32 @!p0 s1  }
0x26c: {  	[bflag:$0x3] =	sbarrier.arrive $0xFFFF  }
0x26d: {  	_ =	shalt  }

</sc_bundles>
